<compile_context>
chip_gen: v7x
topology: tpu7x:2x2x1
jax: 0.10.2.dev20260603
libtpu: 0.0.44.dev20260713+nightly
codegen_flags: <defaults>
</compile_context>

<pallas_src>
import functools

import jax
import jax.numpy as jnp
from jax import lax
from jax.experimental import pallas as pl
from jax.experimental.pallas import tpu as pltpu
from jax.experimental.pallas import tpu_sc as plsc

N = 50000
E = 800000
NPAD = 50176
CHUNK = 128
NW = 32
CPW = 200
EPAD = NW * CPW * CHUNK
RPT = NPAD // 32
TPR = NPAD // 16


def _sc_mesh():
    return plsc.VectorSubcoreMesh(core_axis_name="c", subcore_axis_name="s")


def _sc_degree(dst2d):
    @functools.partial(
        pl.kernel,
        out_type=jax.ShapeDtypeStruct((2 * N,), jnp.float32),
        mesh=_sc_mesh(),
        scratch_types=[
            pltpu.VMEM((CPW, CHUNK), jnp.int32),
            pltpu.VMEM((CHUNK,), jnp.float32),
            pltpu.VMEM((448,), jnp.float32),
            pltpu.VMEM_SHARED((NPAD,), jnp.float32),
            pltpu.SemaphoreType.DMA,
        ],
    )
    def k(dst_h, out_h, dst_v, ones_v, zb_v, acc, dsem):
        cid = lax.axis_index("c")
        sid = lax.axis_index("s")
        w = sid * 2 + cid

        @pl.loop(0, 8)
        def _fill(i):
            ones_v[pl.ds(i * 16, 16)] = jnp.full((16,), 1.0, jnp.float32)

        @pl.loop(0, 448 // 16)
        def _zb(i):
            zb_v[pl.ds(i * 16, 16)] = jnp.zeros((16,), jnp.float32)

        @pl.loop(0, TPR // 448)
        def _zero(i):
            pltpu.sync_copy(zb_v, acc.at[pl.ds(sid * TPR + i * 448, 448)])

        plsc.subcore_barrier()

        pltpu.sync_copy(dst_h.at[pl.ds(w * CPW, CPW)], dst_v)

        @pl.loop(0, CPW)
        def _edges(c):
            pltpu.async_copy(ones_v, acc.at[dst_v.at[c]], dsem, add=True)

            @pl.when(c >= 8)
            def _():
                pltpu.make_async_copy(ones_v, acc.at[dst_v.at[0]],
                                      dsem).wait()

        for _ in range(8):
            pltpu.make_async_copy(ones_v, acc.at[dst_v.at[0]], dsem).wait()

        plsc.subcore_barrier()

        for kk in range(7):
            off = sid * TPR + kk * 448
            if kk < 6:
                pltpu.sync_copy(acc.at[pl.ds(off, 448)], zb_v)
                pltpu.sync_copy(zb_v, out_h.at[pl.ds(cid * N + off, 448)])
            else:
                @pl.when(sid < 15)
                def _(off=off):
                    pltpu.sync_copy(acc.at[pl.ds(off, 448)], zb_v)
                    pltpu.sync_copy(zb_v, out_h.at[pl.ds(cid * N + off, 448)])

                @pl.when(sid == 15)
                def _():
                    pltpu.sync_copy(acc.at[pl.ds(49728, 272)],
                                    zb_v.at[pl.ds(0, 272)])
                    pltpu.sync_copy(zb_v.at[pl.ds(0, 272)],
                                    out_h.at[pl.ds(cid * N + 49728, 272)])

    return k(dst2d)


def _sc_aggregate(src2d, dst2d, g):
    @functools.partial(
        pl.kernel,
        out_type=jax.ShapeDtypeStruct((2, N, 16), jnp.float32),
        mesh=_sc_mesh(),
        scratch_types=[
            pltpu.VMEM((CPW, CHUNK), jnp.int32),
            pltpu.VMEM((CPW, CHUNK), jnp.int32),
            pltpu.VMEM((4, CHUNK, 16), jnp.float32),
            pltpu.VMEM((448, 16), jnp.float32),
            pltpu.VMEM_SHARED((NPAD, 16), jnp.float32),
            pltpu.SemaphoreType.DMA,
            pltpu.SemaphoreType.DMA,
            pltpu.SemaphoreType.DMA,
            pltpu.SemaphoreType.DMA,
            pltpu.SemaphoreType.DMA,
            pltpu.SemaphoreType.DMA,
            pltpu.SemaphoreType.DMA,
            pltpu.SemaphoreType.DMA,
        ],
        compiler_params=pltpu.CompilerParams(use_tc_tiling_on_sc=False),
    )
    def k(src_h, dst_h, g_h, out_h, src_v, dst_v, rows_v, zb_v, acc,
          sg0, sg1, sg2, sg3, ss0, ss1, ss2, ss3):
        cid = lax.axis_index("c")
        sid = lax.axis_index("s")
        w = sid * 2 + cid

        @pl.loop(0, 448)
        def _zb(i):
            zb_v[i, :] = jnp.zeros((16,), jnp.float32)

        @pl.loop(0, TPR // 448)
        def _zero(i):
            pltpu.sync_copy(zb_v, acc.at[pl.ds(sid * TPR + i * 448, 448)])

        plsc.subcore_barrier()

        pltpu.sync_copy(src_h.at[pl.ds(w * CPW, CPW)], src_v)
        pltpu.sync_copy(dst_h.at[pl.ds(w * CPW, CPW)], dst_v)

        sems_g = (sg0, sg1, sg2, sg3)
        sems_s = (ss0, ss1, ss2, ss3)
        for b in (0, 1):
            pltpu.async_copy(g_h.at[src_v.at[b]], rows_v.at[b], sems_g[b])

        @pl.loop(0, CPW, step=4)
        def _edges(c):
            for b in range(4):
                j = c + b
                b2 = (b + 2) % 4
                pltpu.make_async_copy(g_h.at[src_v.at[b]], rows_v.at[b],
                                      sems_g[b]).wait()
                pltpu.async_copy(rows_v.at[b], acc.at[dst_v.at[j]],
                                 sems_s[b], add=True)

                @pl.when(j + 2 < CPW)
                def _(b=b, b2=b2, j=j):
                    @pl.when(j >= 2)
                    def _():
                        pltpu.make_async_copy(rows_v.at[b2],
                                              acc.at[dst_v.at[0]],
                                              sems_s[b2]).wait()
                    pltpu.async_copy(g_h.at[src_v.at[j + 2]], rows_v.at[b2],
                                     sems_g[b2])

        for b in range(4):
            pltpu.make_async_copy(rows_v.at[b], acc.at[dst_v.at[0]],
                                  sems_s[b]).wait()

        plsc.subcore_barrier()

        for kk in range(7):
            off = sid * TPR + kk * 448
            if kk < 6:
                pltpu.sync_copy(acc.at[pl.ds(off, 448)], zb_v)
                pltpu.sync_copy(zb_v, out_h.at[cid, pl.ds(off, 448)])
            else:
                @pl.when(sid < 15)
                def _(off=off):
                    pltpu.sync_copy(acc.at[pl.ds(off, 448)], zb_v)
                    pltpu.sync_copy(zb_v, out_h.at[cid, pl.ds(off, 448)])

                @pl.when(sid == 15)
                def _():
                    pltpu.sync_copy(acc.at[pl.ds(49728, 272)],
                                    zb_v.at[pl.ds(0, 272)])
                    pltpu.sync_copy(zb_v.at[pl.ds(0, 272)],
                                    out_h.at[cid, pl.ds(49728, 272)])

    return k(src2d, dst2d, g)


def _sc_filter(src2d, dst2d):
    @functools.partial(
        pl.kernel,
        out_type=(jax.ShapeDtypeStruct((EPAD,), jnp.int32),
                  jax.ShapeDtypeStruct((EPAD,), jnp.int32),
                  jax.ShapeDtypeStruct((NW * 16,), jnp.int32)),
        mesh=_sc_mesh(),
        scratch_types=[
            pltpu.VMEM((CPW, CHUNK), jnp.int32),
            pltpu.VMEM((CPW, CHUNK), jnp.int32),
            pltpu.VMEM((CPW * CHUNK,), jnp.int32),
            pltpu.VMEM((CPW * CHUNK,), jnp.int32),
            pltpu.VMEM((16,), jnp.int32),
        ],
        compiler_params=pltpu.CompilerParams(use_tc_tiling_on_sc=False,
                                             needs_layout_passes=False),
    )
    def k(src_h, dst_h, fsrc_h, fdst_h, cnt_h, src_v, dst_v, fsrc_v, fdst_v,
          cnt_v):
        cid = lax.axis_index("c")
        sid = lax.axis_index("s")
        w = sid * 2 + cid
        pltpu.sync_copy(src_h.at[pl.ds(w * CPW, CPW)], src_v)
        pltpu.sync_copy(dst_h.at[pl.ds(w * CPW, CPW)], dst_v)

        lanes = lax.iota(jnp.int32, 16)

        @pl.loop(0, CPW * CHUNK // 16)
        def _init(i):
            fdst_v[pl.ds(i * 16, 16)] = 2500 + ((lanes + i) & 31)
            fsrc_v[pl.ds(i * 16, 16)] = ((lanes + i * 16) * 53) & 32767

        ONE = jnp.full((16,), 1, jnp.int32)
        ZERO = jnp.full((16,), 0, jnp.int32)

        def body(i, off):
            c = i // 8
            kk = i % 8
            d = dst_v[c, pl.ds(kk * 16, 16)]
            sv = src_v[c, pl.ds(kk * 16, 16)]
            d4 = lax.shift_right_logical(d, 2)
            q = lax.shift_right_logical(d4 * 52429, 18)
            m = ((d & 3) == 0) & ((q * 5) == d4)
            plsc.store_compressed(fdst_v.at[pl.ds(off, 16)], q, mask=m)
            plsc.store_compressed(fsrc_v.at[pl.ds(off, 16)], sv, mask=m)
            return off + jnp.sum(jnp.where(m, ONE, ZERO))

        off = lax.fori_loop(0, CPW * 8, body, jnp.int32(0))
        nch = (off + 127) // 128
        cnt_v[...] = jnp.full((16,), 1, jnp.int32) * nch
        pltpu.sync_copy(cnt_v, cnt_h.at[pl.ds(w * 16, 16)])
        pltpu.sync_copy(fsrc_v, fsrc_h.at[pl.ds(w * CPW * CHUNK, CPW * CHUNK)])
        pltpu.sync_copy(fdst_v, fdst_h.at[pl.ds(w * CPW * CHUNK, CPW * CHUNK)])

    return k(src2d, dst2d)


def _sc_aggregate_filtered(fsrc3, fdst3, cnt, g):
    S = N // 20
    SPAD = 2560

    @functools.partial(
        pl.kernel,
        out_type=jax.ShapeDtypeStruct((2, S, 16), jnp.float32),
        mesh=_sc_mesh(),
        scratch_types=[
            pltpu.VMEM((CPW, CHUNK), jnp.int32),
            pltpu.VMEM((CPW, CHUNK), jnp.int32),
            pltpu.VMEM((CHUNK, 16), jnp.float32),
            pltpu.VMEM((160, 16), jnp.float32),
            pltpu.VMEM((16,), jnp.int32),
            pltpu.VMEM_SHARED((SPAD, 16), jnp.float32),
            pltpu.SemaphoreType.DMA,
        ],
        compiler_params=pltpu.CompilerParams(use_tc_tiling_on_sc=False,
                                             needs_layout_passes=False),
    )
    def k(src_h, dst_h, cnt_h, g_h, out_h, src_v, dst_v, rows_v, zb_v, cnt_v,
          acc, sem0):
        cid = lax.axis_index("c")
        sid = lax.axis_index("s")
        w = sid * 2 + cid

        @pl.loop(0, 160)
        def _zb(i):
            zb_v[i, :] = jnp.zeros((16,), jnp.float32)

        pltpu.sync_copy(zb_v, acc.at[pl.ds(sid * 160, 160)])

        pltpu.sync_copy(cnt_h.at[pl.ds(w * 16, 16)], cnt_v)
        nch = cnt_v[...]

        pltpu.sync_copy(src_h.at[w], src_v)
        pltpu.sync_copy(dst_h.at[w], dst_v)

        plsc.subcore_barrier()

        @pl.loop(0, CPW)
        def _edges(c):
            @pl.when(jnp.all(c < nch))
            def _():
                pltpu.async_copy(g_h.at[src_v.at[c]], rows_v, sem0).wait()
                pltpu.sync_copy(rows_v, acc.at[dst_v.at[c]], add=True)

        plsc.subcore_barrier()

        @pl.when(sid < 15)
        def _():
            pltpu.sync_copy(acc.at[pl.ds(sid * 160, 160)], zb_v)
            pltpu.sync_copy(zb_v, out_h.at[cid, pl.ds(sid * 160, 160)])

        @pl.when(sid == 15)
        def _():
            pltpu.sync_copy(acc.at[pl.ds(2400, 100)], zb_v.at[pl.ds(0, 100)])
            pltpu.sync_copy(zb_v.at[pl.ds(0, 100)],
                            out_h.at[cid, pl.ds(2400, 100)])

    return k(fsrc3, fdst3, cnt, g)


def _tc_scale_matmul(x, d3, w1t):
    blk = 2000

    def body(x_ref, d_ref, w_ref, o_ref):
        d = d_ref[0]
        deg = d[0:1, :] + d[1:2, :] + 1.0
        dis = lax.rsqrt(deg).reshape(blk, 1)
        h = jnp.dot(x_ref[...], w_ref[...], preferred_element_type=jnp.float32)
        o_ref[...] = dis * h

    return pl.pallas_call(
        body,
        grid=(N // blk,),
        in_specs=[
            pl.BlockSpec((blk, 100), lambda i: (i, 0)),
            pl.BlockSpec((1, 2, blk), lambda i: (i, 0, 0)),
            pl.BlockSpec((100, 16), lambda i: (0, 0)),
        ],
        out_specs=pl.BlockSpec((blk, 16), lambda i: (i, 0)),
        out_shape=jax.ShapeDtypeStruct((N, 16), jnp.float32),
    )(x, d3, w1t)


def _tc_relu_rescale(p, g, d3, b1):
    blk = 2000

    def body(p_ref, g_ref, d_ref, b_ref, o_ref):
        d = d_ref[0]
        deg = d[0:1, :] + d[1:2, :] + 1.0
        dis = lax.rsqrt(deg).reshape(blk, 1)
        s = p_ref[0] + p_ref[1] + g_ref[...]
        h1 = jnp.maximum(dis * s + b_ref[...], 0.0)
        o_ref[...] = dis * h1

    return pl.pallas_call(
        body,
        grid=(N // blk,),
        in_specs=[
            pl.BlockSpec((2, blk, 16), lambda i: (0, i, 0)),
            pl.BlockSpec((blk, 16), lambda i: (i, 0)),
            pl.BlockSpec((1, 2, blk), lambda i: (i, 0, 0)),
            pl.BlockSpec((1, 16), lambda i: (0, 0)),
        ],
        out_specs=pl.BlockSpec((blk, 16), lambda i: (i, 0)),
        out_shape=jax.ShapeDtypeStruct((N, 16), jnp.float32),
    )(p, g, d3, b1)


def _tc_tail(p2, g1r, dE, te, ce, pe, w2t, b2, w1mt, b1m, w2mt, b2m,
             w3mt, b3m):
    S = N // 20

    def body(p_ref, g_ref, dE_ref, te_ref, ce_ref, pe_ref, w2_ref,
             b2_ref, m1_ref, c1_ref, m2_ref, c2_ref, m3_ref, c3_ref, o_ref):
        deg = dE_ref[0, :, 0:1] + dE_ref[1, :, 0:1] + 1.0
        dis = lax.rsqrt(deg)
        q = dis * (p_ref[0, :, 0:16] + p_ref[1, :, 0:16] + g_ref[:, 0:16])
        t = jnp.dot(q, w2_ref[...], preferred_element_type=jnp.float32)
        t = t + b2_ref[...]
        m = jnp.max(t, axis=1, keepdims=True)
        ls = t - (m + jnp.log(jnp.sum(jnp.exp(t - m), axis=1, keepdims=True)))
        tev = te_ref[...]
        cev = ce_ref[...]
        pev = pe_ref[...]
        mn = jnp.minimum(jnp.minimum(jnp.min(tev), jnp.min(cev)),
                         jnp.minimum(jnp.min(pev), jnp.min(ls)))
        mx = jnp.maximum(jnp.maximum(jnp.max(tev), jnp.max(cev)),
                         jnp.maximum(jnp.max(pev), jnp.max(ls)))
        scale = 1.0 / (mx - mn)
        m1 = m1_ref[...]
        bsum = (tev * m1[0:1, :] + cev * m1[1:2, :] + pev * m1[2:3, :]
                + jnp.dot(ls, m1[3:5, :], preferred_element_type=jnp.float32))
        rowsum = m1[0:1, :] + m1[1:2, :] + m1[2:3, :] + m1[3:4, :] + m1[4:5, :]
        h = jnp.maximum((bsum - mn * rowsum) * scale + c1_ref[...], 0.0)
        h = jnp.maximum(
            jnp.dot(h, m2_ref[...], preferred_element_type=jnp.float32)
            + c2_ref[...], 0.0)
        z = jnp.dot(h, m3_ref[...], preferred_element_type=jnp.float32) \
            + c3_ref[...]
        o_ref[...] = 1.0 / (1.0 + jnp.exp(-z))

    return pl.pallas_call(
        body,
        grid=(1,),
        in_specs=[
            pl.BlockSpec((2, S, 16), lambda i: (0, 0, 0)),
            pl.BlockSpec((S, 320), lambda i: (0, 0)),
            pl.BlockSpec((2, S, 20), lambda i: (0, 0, 0)),
            pl.BlockSpec((S, 1), lambda i: (0, 0)),
            pl.BlockSpec((S, 1), lambda i: (0, 0)),
            pl.BlockSpec((S, 1), lambda i: (0, 0)),
            pl.BlockSpec((16, 2), lambda i: (0, 0)),
            pl.BlockSpec((1, 2), lambda i: (0, 0)),
            pl.BlockSpec((5, 80), lambda i: (0, 0)),
            pl.BlockSpec((1, 80), lambda i: (0, 0)),
            pl.BlockSpec((80, 10), lambda i: (0, 0)),
            pl.BlockSpec((1, 10), lambda i: (0, 0)),
            pl.BlockSpec((10, 1), lambda i: (0, 0)),
            pl.BlockSpec((1, 1), lambda i: (0, 0)),
        ],
        out_specs=pl.BlockSpec((S, 1), lambda i: (0, 0)),
        out_shape=jax.ShapeDtypeStruct((S, 1), jnp.float32),
    )(p2, g1r, dE, te, ce, pe, w2t, b2, w1mt, b1m, w2mt, b2m, w3mt, b3m)


def kernel(batch1_edge_index, batch1_x, batch2_edge_index, batch2_x,
           transE_input, ComplEx_input, path_input, edit_input, Wh1, bh1,
           Wh2, bh2, Wt1, bt1, Wt2, bt2, Wm1, bm1, Wm2, bm2, Wm3, bm3):
    src = batch1_edge_index[0].astype(jnp.int32)
    dst = batch1_edge_index[1].astype(jnp.int32)
    npad = EPAD - E
    pad_src = (jnp.arange(npad, dtype=jnp.int32) * 37) % N
    pad_dst = N + (jnp.arange(npad, dtype=jnp.int32) % (NPAD - N))
    src2d = jnp.concatenate([src, pad_src]).reshape(EPAD // CHUNK, CHUNK)
    dst2d = jnp.concatenate([dst, pad_dst]).reshape(EPAD // CHUNK, CHUNK)

    deg_p = _sc_degree(dst2d)
    d3 = deg_p.reshape(2, 25, 2000).transpose(1, 0, 2)
    dE = deg_p.reshape(2, N // 20, 20)

    fsrc_f, fdst_f, fcnt = _sc_filter(src2d, dst2d)
    fsrc3 = fsrc_f.reshape(NW, CPW, CHUNK)
    fdst3 = fdst_f.reshape(NW, CPW, CHUNK)

    g = _tc_scale_matmul(batch1_x, d3, Wh1.T)
    p1 = _sc_aggregate(src2d, dst2d, g)
    g1 = _tc_relu_rescale(p1, g, d3, bh1.reshape(1, 16))
    p2 = _sc_aggregate_filtered(fsrc3, fdst3, fcnt, g1)

    S = N // 20
    out = _tc_tail(
        p2,
        g1.reshape(S, 20 * 16),
        dE,
        transE_input.reshape(S, 1),
        ComplEx_input.reshape(S, 1),
        path_input.reshape(S, 1),
        Wh2.T, bh2.reshape(1, 2),
        Wm1.T, bm1.reshape(1, 80),
        Wm2.T, bm2.reshape(1, 10),
        Wm3.T, bm3.reshape(1, 1),
    )
    return out

# --- scband reference (transcript-rebuilt; emitter-appended) ---
"""Pipeline reference for scband-mlp-50551765074153 (READ-ONLY COPY).

The authoritative reference and input builder live on the scoring server;
editing this copy changes nothing except your own understanding.
"""

import jax, jax.numpy as jnp
import numpy as np

N = 50000
E = 800000


def _glorot(key, shape):
    fan_in, fan_out = shape[1], shape[0]
    lim = np.sqrt(6.0 / (fan_in + fan_out))
    return jax.random.uniform(key, shape, jnp.float32, -lim, lim)


def setup_inputs(seed: int = 0) -> dict:
    key = jax.random.key(seed)
    ks = jax.random.split(key, 24)
    inp = {}
    inp['batch1_edge_index'] = jax.random.randint(ks[0], (2, E), 0, N, dtype=jnp.int64)
    inp['batch1_x'] = jax.random.normal(ks[1], (N, 100), jnp.float32)
    inp['batch2_edge_index'] = jax.random.randint(ks[2], (2, E), 0, N, dtype=jnp.int64)
    inp['batch2_x'] = jax.random.normal(ks[3], (N, 100), jnp.float32)
    inp['transE_input'] = jax.random.normal(ks[4], (2500,), jnp.float32)
    inp['ComplEx_input'] = jax.random.normal(ks[5], (2500,), jnp.float32)
    inp['path_input'] = jax.random.normal(ks[6], (2500,), jnp.float32)
    inp['edit_input'] = jax.random.normal(ks[7], (2500,), jnp.float32)
    # gcnh params (GCNConv(100,16), GCNConv(16,2)); W stored [out,in] torch-style
    inp['Wh1'] = _glorot(ks[8], (16, 100)); inp['bh1'] = jnp.zeros((16,), jnp.float32)
    inp['Wh2'] = _glorot(ks[9], (2, 16)); inp['bh2'] = jnp.zeros((2,), jnp.float32)
    # gcnt params
    inp['Wt1'] = _glorot(ks[10], (16, 100)); inp['bt1'] = jnp.zeros((16,), jnp.float32)
    inp['Wt2'] = _glorot(ks[11], (2, 16)); inp['bt2'] = jnp.zeros((2,), jnp.float32)
    # MLP head: Linear(5,80), Linear(80,10), Linear(10,1)
    inp['Wm1'] = _glorot(ks[12], (80, 5)); inp['bm1'] = jnp.zeros((80,), jnp.float32)
    inp['Wm2'] = _glorot(ks[13], (10, 80)); inp['bm2'] = jnp.zeros((10,), jnp.float32)
    inp['Wm3'] = _glorot(ks[14], (1, 10)); inp['bm3'] = jnp.zeros((1,), jnp.float32)
    return inp


def _gcn_conv(x, src, dst, W, b, num_nodes):
    # PyG GCNConv: add self-loops, sym-normalize, x @ W^T, scatter-add at col, + bias
    loop = jnp.arange(num_nodes, dtype=src.dtype)
    row = jnp.concatenate([src, loop])
    col = jnp.concatenate([dst, loop])
    deg = jnp.zeros((num_nodes,), x.dtype).at[col].add(1.0)
    dis = jnp.where(deg > 0, 1.0 / jnp.sqrt(deg), 0.0)
    norm = dis[row] * dis[col]
    h = x @ W.T
    msg = h[row] * norm[:, None]
    out = jnp.zeros((num_nodes, W.shape[0]), x.dtype).at[col].add(msg)
    return out + b


def _gcn(x, edge_index, W1, b1, W2, b2):
    num_nodes = x.shape[0]
    src, dst = edge_index[0], edge_index[1]
    h = _gcn_conv(x, src, dst, W1, b1, num_nodes)
    h = jax.nn.relu(h)
    # F.dropout(training=False) at eval -> no-op
    h = _gcn_conv(h, src, dst, W2, b2, num_nodes)
    return jax.nn.log_softmax(h, axis=1)[::20]


def _min_max_normalize(t):
    return (t - jnp.min(t)) / (jnp.max(t) - jnp.min(t))


def reference(batch1_edge_index, batch1_x, batch2_edge_index, batch2_x, transE_input, ComplEx_input, path_input, edit_input, Wh1, bh1, Wh2, bh2, Wt1, bt1, Wt2, bt2, Wm1, bm1, Wm2, bm2, Wm3, bm3):
    gcnh_out = _gcn(batch1_x, batch1_edge_index, Wh1, bh1, Wh2, bh2)
    gcnt_out = _gcn(batch2_x, batch2_edge_index, Wt1, bt1, Wt2, bt2)  # computed but unused, as in original
    BP_input = jnp.concatenate([transE_input[:, None], ComplEx_input[:, None], path_input[:, None], gcnh_out], axis=1)
    # mean/std computed then discarded in the original code
    mean = jnp.mean(BP_input, axis=0)
    std = jnp.std(BP_input, axis=0, ddof=1) + 0.0001
    _ = (BP_input - mean) / std
    BP_input_normalized = _min_max_normalize(BP_input)
    h = jax.nn.relu(BP_input_normalized @ Wm1.T + bm1)
    h = jax.nn.relu(h @ Wm2.T + bm2)
    return jax.nn.sigmoid(h @ Wm3.T + bm3)

if __name__ == "__main__":
    import jax
    _d = setup_inputs()
    print(jax.jit(kernel)(*tuple(_d.values())))

</pallas_src>

<mosaic_0001>
#map = affine_map<(d0, d1) -> (0, 0)>
#map1 = affine_map<(d0, d1) -> (0)>
module attributes {stable_mosaic.version = 14 : i64} {
  func.func @k(%arg0: i32, %arg1: i32, %arg2: memref<6400x128xi32, #tpu.memory_space<hbm>>, %arg3: memref<100000xf32, #tpu.memory_space<hbm>>, %arg4: memref<200x128xi32, #tpu.memory_space<vmem>>, %arg5: memref<128xf32, #tpu.memory_space<vmem>>, %arg6: memref<448xf32, #tpu.memory_space<vmem>>, %arg7: memref<50176xf32, #tpu.memory_space<vmem_shared>>, %arg8: memref<!tpu.dma_semaphore, #tpu.memory_space<semaphore_mem>>) attributes {dimension_semantics = [#tpu.dimension_semantics<core_parallel>, #tpu.dimension_semantics<subcore_parallel>], iteration_bounds = array<i64: 2, 16>, scalar_prefetch = 0 : i64, scratch_operands = 5 : i64, tpu.core_type = #tpu.core_type<sc_vector_subcore>, window_params = [{transform_indices = #map}, {transform_indices = #map1}]} {
    %mul3A = arith.constant 2 : i32
    %mul3A_0 = arith.muli %arg1, %mul3A : i32
    %add3A = arith.addi %mul3A_0, %arg0 : i32
    %scan3A = arith.constant 0 : i32
    %scan3A_1 = arith.constant 8 : i32
    %scan3A_2 = arith.addi %scan3A, %scan3A_1 : i32
    %scan3A_3 = arith.constant 1 : i32
    scf.for %scan3A_122 = %scan3A to %scan3A_2 step %scan3A_3  : i32 {
      %mul3A_123 = arith.constant 1 : i32
      %mul3A_124 = arith.muli %scan3A_122, %mul3A_123 : i32
      %add3A_125 = arith.constant 0 : i32
      %add3A_126 = arith.addi %add3A_125, %mul3A_124 : i32
      %broadcast_in_dim3A = arith.constant 1.000000e+00 : f32
      %broadcast_in_dim3A_127 = vector.broadcast %broadcast_in_dim3A : f32 to vector<16xf32>
      %mul3A_128 = arith.constant 16 : i32
      %mul3A_129 = arith.muli %add3A_126, %mul3A_128 : i32
      %swap3A = arith.index_cast %mul3A_129 : i32 to index
      %swap3A_130 = tpu.vector_load %arg5[%swap3A] {strides = array<i32>} : memref<128xf32, #tpu.memory_space<vmem>>, vector<16xf32>,
      %swap3A_131 = vector.shape_cast %swap3A_130 : vector<16xf32> to vector<16xf32>
      %swap3A_132 = vector.shape_cast %broadcast_in_dim3A_127 : vector<16xf32> to vector<16xf32>
      tpu.vector_store %arg5[%swap3A], %swap3A_132 {strides = array<i32>} : memref<128xf32, #tpu.memory_space<vmem>>, vector<16xf32>,
    }
    %scan3A_4 = arith.constant 8 : i32
    %scan3A_5 = arith.constant 0 : i32
    %scan3A_6 = arith.constant 28 : i32
    %scan3A_7 = arith.addi %scan3A_5, %scan3A_6 : i32
    %scan3A_8 = arith.constant 1 : i32
    scf.for %scan3A_122 = %scan3A_5 to %scan3A_7 step %scan3A_8  : i32 {
      %mul3A_123 = arith.constant 1 : i32
      %mul3A_124 = arith.muli %scan3A_122, %mul3A_123 : i32
      %add3A_125 = arith.constant 0 : i32
      %add3A_126 = arith.addi %add3A_125, %mul3A_124 : i32
      %broadcast_in_dim3A = arith.constant 0.000000e+00 : f32
      %broadcast_in_dim3A_127 = vector.broadcast %broadcast_in_dim3A : f32 to vector<16xf32>
      %mul3A_128 = arith.constant 16 : i32
      %mul3A_129 = arith.muli %add3A_126, %mul3A_128 : i32
      %swap3A = arith.index_cast %mul3A_129 : i32 to index
      %swap3A_130 = tpu.vector_load %arg6[%swap3A] {strides = array<i32>} : memref<448xf32, #tpu.memory_space<vmem>>, vector<16xf32>,
      %swap3A_131 = vector.shape_cast %swap3A_130 : vector<16xf32> to vector<16xf32>
      %swap3A_132 = vector.shape_cast %broadcast_in_dim3A_127 : vector<16xf32> to vector<16xf32>
      tpu.vector_store %arg6[%swap3A], %swap3A_132 {strides = array<i32>} : memref<448xf32, #tpu.memory_space<vmem>>, vector<16xf32>,
    }
    %scan3A_9 = arith.constant 28 : i32
    %scan3A_10 = arith.constant 0 : i32
    %scan3A_11 = arith.constant 7 : i32
    %scan3A_12 = arith.addi %scan3A_10, %scan3A_11 : i32
    %scan3A_13 = arith.constant 1 : i32
    scf.for %scan3A_122 = %scan3A_10 to %scan3A_12 step %scan3A_13  : i32 {
      %mul3A_123 = arith.constant 1 : i32
      %mul3A_124 = arith.muli %scan3A_122, %mul3A_123 : i32
      %add3A_125 = arith.constant 0 : i32
      %add3A_126 = arith.addi %add3A_125, %mul3A_124 : i32
      %mul3A_127 = arith.constant 3136 : i32
      %mul3A_128 = arith.muli %arg1, %mul3A_127 : i32
      %mul3A_129 = arith.constant 448 : i32
      %mul3A_130 = arith.muli %add3A_126, %mul3A_129 : i32
      %add3A_131 = arith.addi %mul3A_128, %mul3A_130 : i32
      "tpu.region"() ({
        %run_scoped3A = tpu.sem_alloc : memref<!tpu.dma_semaphore, #tpu.memory_space<semaphore_mem>>
        %dma_start3A = tpu.memref_slice %arg7[%add3A_131] : memref<50176xf32, #tpu.memory_space<vmem_shared>> -> memref<448xf32, #tpu.memory_space<vmem_shared>>
        %dma_start3A_132 = tpu.memref_slice %arg7[%add3A_131] : memref<50176xf32, #tpu.memory_space<vmem_shared>> -> memref<448xf32, #tpu.memory_space<vmem_shared>>
        tpu.enqueue_dma source(%arg6 : memref<448xf32, #tpu.memory_space<vmem>>) target(%dma_start3A_132 : memref<448xf32, #tpu.memory_space<vmem_shared>>) target_semaphore(%run_scoped3A : memref<!tpu.dma_semaphore, #tpu.memory_space<semaphore_mem>>)
        %dma_wait3A_133 = tpu.memref_slice %arg7[%add3A_131] : memref<50176xf32, #tpu.memory_space<vmem_shared>> -> memref<448xf32, #tpu.memory_space<vmem_shared>>
        %dma_wait3A_134 = tpu.memref_slice %arg7[%add3A_131] : memref<50176xf32, #tpu.memory_space<vmem_shared>> -> memref<448xf32, #tpu.memory_space<vmem_shared>>
        tpu.wait_dma2 semaphore(%run_scoped3A : memref<!tpu.dma_semaphore, #tpu.memory_space<semaphore_mem>>) src(%arg6 : memref<448xf32, #tpu.memory_space<vmem>>) dst(%dma_wait3A_134 : memref<448xf32, #tpu.memory_space<vmem_shared>>)
        tpu.yield
      }) : () -> ()
    }
    %scan3A_14 = arith.constant 7 : i32
    %barrier3A = arith.constant 0 : index
    tpu.barrier barrier_id(%barrier3A)
    %mul3A_15 = arith.constant 200 : i32
    %mul3A_16 = arith.muli %add3A, %mul3A_15 : i32
    "tpu.region"() ({
      %run_scoped3A = tpu.sem_alloc : memref<!tpu.dma_semaphore, #tpu.memory_space<semaphore_mem>>
      %dma_start3A = arith.constant 0 : i32
      %dma_start3A_122 = tpu.memref_slice %arg2[%mul3A_16, %dma_start3A] : memref<6400x128xi32, #tpu.memory_space<hbm>> -> memref<200x128xi32, #tpu.memory_space<hbm>>
      %dma_start3A_123 = arith.constant 0 : i32
      %dma_start3A_124 = tpu.memref_slice %arg2[%mul3A_16, %dma_start3A_123] : memref<6400x128xi32, #tpu.memory_space<hbm>> -> memref<200x128xi32, #tpu.memory_space<hbm>>
      tpu.enqueue_dma source(%dma_start3A_124 : memref<200x128xi32, #tpu.memory_space<hbm>>) target(%arg4 : memref<200x128xi32, #tpu.memory_space<vmem>>) target_semaphore(%run_scoped3A : memref<!tpu.dma_semaphore, #tpu.memory_space<semaphore_mem>>)
      %dma_wait3A_125 = arith.constant 0 : i32
      %dma_wait3A_126 = tpu.memref_slice %arg2[%mul3A_16, %dma_wait3A_125] : memref<6400x128xi32, #tpu.memory_space<hbm>> -> memref<200x128xi32, #tpu.memory_space<hbm>>
      %dma_wait3A_127 = arith.constant 0 : i32
      %dma_wait3A_128 = tpu.memref_slice %arg2[%mul3A_16, %dma_wait3A_127] : memref<6400x128xi32, #tpu.memory_space<hbm>> -> memref<200x128xi32, #tpu.memory_space<hbm>>
      tpu.wait_dma2 semaphore(%run_scoped3A : memref<!tpu.dma_semaphore, #tpu.memory_space<semaphore_mem>>) src(%dma_wait3A_128 : memref<200x128xi32, #tpu.memory_space<hbm>>) dst(%arg4 : memref<200x128xi32, #tpu.memory_space<vmem>>)
      tpu.yield
    }) : () -> ()
    %scan3A_17 = arith.constant 0 : i32
    %scan3A_18 = arith.constant 200 : i32
    %scan3A_19 = arith.addi %scan3A_17, %scan3A_18 : i32
    %scan3A_20 = arith.constant 1 : i32
    scf.for %scan3A_122 = %scan3A_17 to %scan3A_19 step %scan3A_20  : i32 {
      %mul3A_123 = arith.constant 1 : i32
      %mul3A_124 = arith.muli %scan3A_122, %mul3A_123 : i32
      %add3A_125 = arith.constant 0 : i32
      %add3A_126 = arith.addi %add3A_125, %mul3A_124 : i32
      %dma_start3A = arith.constant 0 : i32
      %dma_start3A_127 = tpu.memref_slice %arg4[%add3A_126, %dma_start3A] : memref<200x128xi32, #tpu.memory_space<vmem>> -> memref<1x128xi32, #tpu.memory_space<vmem>>
      %dma_start3A_128 = tpu.memref_squeeze %dma_start3A_127 : memref<1x128xi32, #tpu.memory_space<vmem>> -> memref<128xi32, #tpu.memory_space<vmem>>
      %dma_start3A_129 = arith.constant 0 : i32
      %dma_start3A_130 = tpu.memref_slice %arg7[%dma_start3A_129] : memref<50176xf32, #tpu.memory_space<vmem_shared>> -> memref<50176xf32, #tpu.memory_space<vmem_shared>>
      tpu.enqueue_indirect_dma source(%arg5 : memref<128xf32, #tpu.memory_space<vmem>>) target(%dma_start3A_130 : memref<50176xf32, #tpu.memory_space<vmem_shared>>) offsets(%dma_start3A_128 : memref<128xi32, #tpu.memory_space<vmem>>) semaphore(%arg8 : memref<!tpu.dma_semaphore, #tpu.memory_space<semaphore_mem>>) {add = true}
      %ge3A = arith.constant 8 : i32
      %ge3A_131 = arith.cmpi sge, %add3A_126, %ge3A : i32
      %convert_element_type3A_132 = arith.extui %ge3A_131 : i1 to i32
      %cond3A_133 = arith.constant 0 : i32
      %cond3A_134 = arith.cmpi ne, %convert_element_type3A_132, %cond3A_133 : i32
      scf.if %cond3A_134 {
        %dma_wait3A_135 = arith.constant 0 : i32
        %dma_wait3A_136 = arith.constant 0 : i32
        %dma_wait3A_137 = tpu.memref_slice %arg4[%dma_wait3A_135, %dma_wait3A_136] : memref<200x128xi32, #tpu.memory_space<vmem>> -> memref<1x128xi32, #tpu.memory_space<vmem>>
        %dma_wait3A_138 = tpu.memref_squeeze %dma_wait3A_137 : memref<1x128xi32, #tpu.memory_space<vmem>> -> memref<128xi32, #tpu.memory_space<vmem>>
        %dma_wait3A_139 = arith.constant 0 : i32
        %dma_wait3A_140 = tpu.memref_slice %arg7[%dma_wait3A_139] : memref<50176xf32, #tpu.memory_space<vmem_shared>> -> memref<50176xf32, #tpu.memory_space<vmem_shared>>
        tpu.wait_indirect_dma semaphore(%arg8 : memref<!tpu.dma_semaphore, #tpu.memory_space<semaphore_mem>>) src(%arg5 : memref<128xf32, #tpu.memory_space<vmem>>) dst(%dma_wait3A_140 : memref<50176xf32, #tpu.memory_space<vmem_shared>>)
      } else {
      }
    }
    %scan3A_21 = arith.constant 200 : i32
    %dma_wait3A = arith.constant 0 : i32
    %dma_wait3A_22 = arith.constant 0 : i32
    %dma_wait3A_23 = tpu.memref_slice %arg4[%dma_wait3A, %dma_wait3A_22] : memref<200x128xi32, #tpu.memory_space<vmem>> -> memref<1x128xi32, #tpu.memory_space<vmem>>
    %dma_wait3A_24 = tpu.memref_squeeze %dma_wait3A_23 : memref<1x128xi32, #tpu.memory_space<vmem>> -> memref<128xi32, #tpu.memory_space<vmem>>
    %dma_wait3A_25 = arith.constant 0 : i32
    %dma_wait3A_26 = tpu.memref_slice %arg7[%dma_wait3A_25] : memref<50176xf32, #tpu.memory_space<vmem_shared>> -> memref<50176xf32, #tpu.memory_space<vmem_shared>>
    tpu.wait_indirect_dma semaphore(%arg8 : memref<!tpu.dma_semaphore, #tpu.memory_space<semaphore_mem>>) src(%arg5 : memref<128xf32, #tpu.memory_space<vmem>>) dst(%dma_wait3A_26 : memref<50176xf32, #tpu.memory_space<vmem_shared>>)
    %dma_wait3A_27 = arith.constant 0 : i32
    %dma_wait3A_28 = arith.constant 0 : i32
    %dma_wait3A_29 = tpu.memref_slice %arg4[%dma_wait3A_27, %dma_wait3A_28] : memref<200x128xi32, #tpu.memory_space<vmem>> -> memref<1x128xi32, #tpu.memory_space<vmem>>
    %dma_wait3A_30 = tpu.memref_squeeze %dma_wait3A_29 : memref<1x128xi32, #tpu.memory_space<vmem>> -> memref<128xi32, #tpu.memory_space<vmem>>
    %dma_wait3A_31 = arith.constant 0 : i32
    %dma_wait3A_32 = tpu.memref_slice %arg7[%dma_wait3A_31] : memref<50176xf32, #tpu.memory_space<vmem_shared>> -> memref<50176xf32, #tpu.memory_space<vmem_shared>>
    tpu.wait_indirect_dma semaphore(%arg8 : memref<!tpu.dma_semaphore, #tpu.memory_space<semaphore_mem>>) src(%arg5 : memref<128xf32, #tpu.memory_space<vmem>>) dst(%dma_wait3A_32 : memref<50176xf32, #tpu.memory_space<vmem_shared>>)
    %dma_wait3A_33 = arith.constant 0 : i32
    %dma_wait3A_34 = arith.constant 0 : i32
    %dma_wait3A_35 = tpu.memref_slice %arg4[%dma_wait3A_33, %dma_wait3A_34] : memref<200x128xi32, #tpu.memory_space<vmem>> -> memref<1x128xi32, #tpu.memory_space<vmem>>
    %dma_wait3A_36 = tpu.memref_squeeze %dma_wait3A_35 : memref<1x128xi32, #tpu.memory_space<vmem>> -> memref<128xi32, #tpu.memory_space<vmem>>
    %dma_wait3A_37 = arith.constant 0 : i32
    %dma_wait3A_38 = tpu.memref_slice %arg7[%dma_wait3A_37] : memref<50176xf32, #tpu.memory_space<vmem_shared>> -> memref<50176xf32, #tpu.memory_space<vmem_shared>>
    tpu.wait_indirect_dma semaphore(%arg8 : memref<!tpu.dma_semaphore, #tpu.memory_space<semaphore_mem>>) src(%arg5 : memref<128xf32, #tpu.memory_space<vmem>>) dst(%dma_wait3A_38 : memref<50176xf32, #tpu.memory_space<vmem_shared>>)
    %dma_wait3A_39 = arith.constant 0 : i32
    %dma_wait3A_40 = arith.constant 0 : i32
    %dma_wait3A_41 = tpu.memref_slice %arg4[%dma_wait3A_39, %dma_wait3A_40] : memref<200x128xi32, #tpu.memory_space<vmem>> -> memref<1x128xi32, #tpu.memory_space<vmem>>
    %dma_wait3A_42 = tpu.memref_squeeze %dma_wait3A_41 : memref<1x128xi32, #tpu.memory_space<vmem>> -> memref<128xi32, #tpu.memory_space<vmem>>
    %dma_wait3A_43 = arith.constant 0 : i32
    %dma_wait3A_44 = tpu.memref_slice %arg7[%dma_wait3A_43] : memref<50176xf32, #tpu.memory_space<vmem_shared>> -> memref<50176xf32, #tpu.memory_space<vmem_shared>>
    tpu.wait_indirect_dma semaphore(%arg8 : memref<!tpu.dma_semaphore, #tpu.memory_space<semaphore_mem>>) src(%arg5 : memref<128xf32, #tpu.memory_space<vmem>>) dst(%dma_wait3A_44 : memref<50176xf32, #tpu.memory_space<vmem_shared>>)
    %dma_wait3A_45 = arith.constant 0 : i32
    %dma_wait3A_46 = arith.constant 0 : i32
    %dma_wait3A_47 = tpu.memref_slice %arg4[%dma_wait3A_45, %dma_wait3A_46] : memref<200x128xi32, #tpu.memory_space<vmem>> -> memref<1x128xi32, #tpu.memory_space<vmem>>
    %dma_wait3A_48 = tpu.memref_squeeze %dma_wait3A_47 : memref<1x128xi32, #tpu.memory_space<vmem>> -> memref<128xi32, #tpu.memory_space<vmem>>
    %dma_wait3A_49 = arith.constant 0 : i32
    %dma_wait3A_50 = tpu.memref_slice %arg7[%dma_wait3A_49] : memref<50176xf32, #tpu.memory_space<vmem_shared>> -> memref<50176xf32, #tpu.memory_space<vmem_shared>>
    tpu.wait_indirect_dma semaphore(%arg8 : memref<!tpu.dma_semaphore, #tpu.memory_space<semaphore_mem>>) src(%arg5 : memref<128xf32, #tpu.memory_space<vmem>>) dst(%dma_wait3A_50 : memref<50176xf32, #tpu.memory_space<vmem_shared>>)
    %dma_wait3A_51 = arith.constant 0 : i32
    %dma_wait3A_52 = arith.constant 0 : i32
    %dma_wait3A_53 = tpu.memref_slice %arg4[%dma_wait3A_51, %dma_wait3A_52] : memref<200x128xi32, #tpu.memory_space<vmem>> -> memref<1x128xi32, #tpu.memory_space<vmem>>
    %dma_wait3A_54 = tpu.memref_squeeze %dma_wait3A_53 : memref<1x128xi32, #tpu.memory_space<vmem>> -> memref<128xi32, #tpu.memory_space<vmem>>
    %dma_wait3A_55 = arith.constant 0 : i32
    %dma_wait3A_56 = tpu.memref_slice %arg7[%dma_wait3A_55] : memref<50176xf32, #tpu.memory_space<vmem_shared>> -> memref<50176xf32, #tpu.memory_space<vmem_shared>>
    tpu.wait_indirect_dma semaphore(%arg8 : memref<!tpu.dma_semaphore, #tpu.memory_space<semaphore_mem>>) src(%arg5 : memref<128xf32, #tpu.memory_space<vmem>>) dst(%dma_wait3A_56 : memref<50176xf32, #tpu.memory_space<vmem_shared>>)
    %dma_wait3A_57 = arith.constant 0 : i32
    %dma_wait3A_58 = arith.constant 0 : i32
    %dma_wait3A_59 = tpu.memref_slice %arg4[%dma_wait3A_57, %dma_wait3A_58] : memref<200x128xi32, #tpu.memory_space<vmem>> -> memref<1x128xi32, #tpu.memory_space<vmem>>
    %dma_wait3A_60 = tpu.memref_squeeze %dma_wait3A_59 : memref<1x128xi32, #tpu.memory_space<vmem>> -> memref<128xi32, #tpu.memory_space<vmem>>
    %dma_wait3A_61 = arith.constant 0 : i32
    %dma_wait3A_62 = tpu.memref_slice %arg7[%dma_wait3A_61] : memref<50176xf32, #tpu.memory_space<vmem_shared>> -> memref<50176xf32, #tpu.memory_space<vmem_shared>>
    tpu.wait_indirect_dma semaphore(%arg8 : memref<!tpu.dma_semaphore, #tpu.memory_space<semaphore_mem>>) src(%arg5 : memref<128xf32, #tpu.memory_space<vmem>>) dst(%dma_wait3A_62 : memref<50176xf32, #tpu.memory_space<vmem_shared>>)
    %dma_wait3A_63 = arith.constant 0 : i32
    %dma_wait3A_64 = arith.constant 0 : i32
    %dma_wait3A_65 = tpu.memref_slice %arg4[%dma_wait3A_63, %dma_wait3A_64] : memref<200x128xi32, #tpu.memory_space<vmem>> -> memref<1x128xi32, #tpu.memory_space<vmem>>
    %dma_wait3A_66 = tpu.memref_squeeze %dma_wait3A_65 : memref<1x128xi32, #tpu.memory_space<vmem>> -> memref<128xi32, #tpu.memory_space<vmem>>
    %dma_wait3A_67 = arith.constant 0 : i32
    %dma_wait3A_68 = tpu.memref_slice %arg7[%dma_wait3A_67] : memref<50176xf32, #tpu.memory_space<vmem_shared>> -> memref<50176xf32, #tpu.memory_space<vmem_shared>>
    tpu.wait_indirect_dma semaphore(%arg8 : memref<!tpu.dma_semaphore, #tpu.memory_space<semaphore_mem>>) src(%arg5 : memref<128xf32, #tpu.memory_space<vmem>>) dst(%dma_wait3A_68 : memref<50176xf32, #tpu.memory_space<vmem_shared>>)
    %barrier3A_69 = arith.constant 0 : index
    tpu.barrier barrier_id(%barrier3A_69)
    %mul3A_70 = arith.constant 3136 : i32
    %mul3A_71 = arith.muli %arg1, %mul3A_70 : i32
    %add3A_72 = arith.constant 0 : i32
    %add3A_73 = arith.addi %mul3A_71, %add3A_72 : i32
    "tpu.region"() ({
      %run_scoped3A = tpu.sem_alloc : memref<!tpu.dma_semaphore, #tpu.memory_space<semaphore_mem>>
      %dma_start3A = tpu.memref_slice %arg7[%add3A_73] : memref<50176xf32, #tpu.memory_space<vmem_shared>> -> memref<448xf32, #tpu.memory_space<vmem_shared>>
      %dma_start3A_122 = tpu.memref_slice %arg7[%add3A_73] : memref<50176xf32, #tpu.memory_space<vmem_shared>> -> memref<448xf32, #tpu.memory_space<vmem_shared>>
      tpu.enqueue_dma source(%dma_start3A_122 : memref<448xf32, #tpu.memory_space<vmem_shared>>) target(%arg6 : memref<448xf32, #tpu.memory_space<vmem>>) target_semaphore(%run_scoped3A : memref<!tpu.dma_semaphore, #tpu.memory_space<semaphore_mem>>)
      %dma_wait3A_123 = tpu.memref_slice %arg7[%add3A_73] : memref<50176xf32, #tpu.memory_space<vmem_shared>> -> memref<448xf32, #tpu.memory_space<vmem_shared>>
      %dma_wait3A_124 = tpu.memref_slice %arg7[%add3A_73] : memref<50176xf32, #tpu.memory_space<vmem_shared>> -> memref<448xf32, #tpu.memory_space<vmem_shared>>
      tpu.wait_dma2 semaphore(%run_scoped3A : memref<!tpu.dma_semaphore, #tpu.memory_space<semaphore_mem>>) src(%dma_wait3A_124 : memref<448xf32, #tpu.memory_space<vmem_shared>>) dst(%arg6 : memref<448xf32, #tpu.memory_space<vmem>>)
      tpu.yield
    }) : () -> ()
    %mul3A_74 = arith.constant 50000 : i32
    %mul3A_75 = arith.muli %arg0, %mul3A_74 : i32
    %add3A_76 = arith.addi %mul3A_75, %add3A_73 : i32
    "tpu.region"() ({
      %run_scoped3A = tpu.sem_alloc : memref<!tpu.dma_semaphore, #tpu.memory_space<semaphore_mem>>
      %dma_start3A = tpu.memref_slice %arg3[%add3A_76] : memref<100000xf32, #tpu.memory_space<hbm>> -> memref<448xf32, #tpu.memory_space<hbm>>
      %dma_start3A_122 = tpu.memref_slice %arg3[%add3A_76] : memref<100000xf32, #tpu.memory_space<hbm>> -> memref<448xf32, #tpu.memory_space<hbm>>
      tpu.enqueue_dma source(%arg6 : memref<448xf32, #tpu.memory_space<vmem>>) target(%dma_start3A_122 : memref<448xf32, #tpu.memory_space<hbm>>) target_semaphore(%run_scoped3A : memref<!tpu.dma_semaphore, #tpu.memory_space<semaphore_mem>>)
      %dma_wait3A_123 = tpu.memref_slice %arg3[%add3A_76] : memref<100000xf32, #tpu.memory_space<hbm>> -> memref<448xf32, #tpu.memory_space<hbm>>
      %dma_wait3A_124 = tpu.memref_slice %arg3[%add3A_76] : memref<100000xf32, #tpu.memory_space<hbm>> -> memref<448xf32, #tpu.memory_space<hbm>>
      tpu.wait_dma2 semaphore(%run_scoped3A : memref<!tpu.dma_semaphore, #tpu.memory_space<semaphore_mem>>) src(%arg6 : memref<448xf32, #tpu.memory_space<vmem>>) dst(%dma_wait3A_124 : memref<448xf32, #tpu.memory_space<hbm>>)
      tpu.yield
    }) : () -> ()
    %mul3A_77 = arith.constant 3136 : i32
    %mul3A_78 = arith.muli %arg1, %mul3A_77 : i32
    %add3A_79 = arith.constant 448 : i32
    %add3A_80 = arith.addi %mul3A_78, %add3A_79 : i32
    "tpu.region"() ({
      %run_scoped3A = tpu.sem_alloc : memref<!tpu.dma_semaphore, #tpu.memory_space<semaphore_mem>>
      %dma_start3A = tpu.memref_slice %arg7[%add3A_80] : memref<50176xf32, #tpu.memory_space<vmem_shared>> -> memref<448xf32, #tpu.memory_space<vmem_shared>>
      %dma_start3A_122 = tpu.memref_slice %arg7[%add3A_80] : memref<50176xf32, #tpu.memory_space<vmem_shared>> -> memref<448xf32, #tpu.memory_space<vmem_shared>>
      tpu.enqueue_dma source(%dma_start3A_122 : memref<448xf32, #tpu.memory_space<vmem_shared>>) target(%arg6 : memref<448xf32, #tpu.memory_space<vmem>>) target_semaphore(%run_scoped3A : memref<!tpu.dma_semaphore, #tpu.memory_space<semaphore_mem>>)
      %dma_wait3A_123 = tpu.memref_slice %arg7[%add3A_80] : memref<50176xf32, #tpu.memory_space<vmem_shared>> -> memref<448xf32, #tpu.memory_space<vmem_shared>>
      %dma_wait3A_124 = tpu.memref_slice %arg7[%add3A_80] : memref<50176xf32, #tpu.memory_space<vmem_shared>> -> memref<448xf32, #tpu.memory_space<vmem_shared>>
      tpu.wait_dma2 semaphore(%run_scoped3A : memref<!tpu.dma_semaphore, #tpu.memory_space<semaphore_mem>>) src(%dma_wait3A_124 : memref<448xf32, #tpu.memory_space<vmem_shared>>) dst(%arg6 : memref<448xf32, #tpu.memory_space<vmem>>)
      tpu.yield
    }) : () -> ()
    %mul3A_81 = arith.constant 50000 : i32
    %mul3A_82 = arith.muli %arg0, %mul3A_81 : i32
    %add3A_83 = arith.addi %mul3A_82, %add3A_80 : i32
    "tpu.region"() ({
      %run_scoped3A = tpu.sem_alloc : memref<!tpu.dma_semaphore, #tpu.memory_space<semaphore_mem>>
      %dma_start3A = tpu.memref_slice %arg3[%add3A_83] : memref<100000xf32, #tpu.memory_space<hbm>> -> memref<448xf32, #tpu.memory_space<hbm>>
      %dma_start3A_122 = tpu.memref_slice %arg3[%add3A_83] : memref<100000xf32, #tpu.memory_space<hbm>> -> memref<448xf32, #tpu.memory_space<hbm>>
      tpu.enqueue_dma source(%arg6 : memref<448xf32, #tpu.memory_space<vmem>>) target(%dma_start3A_122 : memref<448xf32, #tpu.memory_space<hbm>>) target_semaphore(%run_scoped3A : memref<!tpu.dma_semaphore, #tpu.memory_space<semaphore_mem>>)
      %dma_wait3A_123 = tpu.memref_slice %arg3[%add3A_83] : memref<100000xf32, #tpu.memory_space<hbm>> -> memref<448xf32, #tpu.memory_space<hbm>>
      %dma_wait3A_124 = tpu.memref_slice %arg3[%add3A_83] : memref<100000xf32, #tpu.memory_space<hbm>> -> memref<448xf32, #tpu.memory_space<hbm>>
      tpu.wait_dma2 semaphore(%run_scoped3A : memref<!tpu.dma_semaphore, #tpu.memory_space<semaphore_mem>>) src(%arg6 : memref<448xf32, #tpu.memory_space<vmem>>) dst(%dma_wait3A_124 : memref<448xf32, #tpu.memory_space<hbm>>)
      tpu.yield
    }) : () -> ()
    %mul3A_84 = arith.constant 3136 : i32
    %mul3A_85 = arith.muli %arg1, %mul3A_84 : i32
    %add3A_86 = arith.constant 896 : i32
    %add3A_87 = arith.addi %mul3A_85, %add3A_86 : i32
    "tpu.region"() ({
      %run_scoped3A = tpu.sem_alloc : memref<!tpu.dma_semaphore, #tpu.memory_space<semaphore_mem>>
      %dma_start3A = tpu.memref_slice %arg7[%add3A_87] : memref<50176xf32, #tpu.memory_space<vmem_shared>> -> memref<448xf32, #tpu.memory_space<vmem_shared>>
      %dma_start3A_122 = tpu.memref_slice %arg7[%add3A_87] : memref<50176xf32, #tpu.memory_space<vmem_shared>> -> memref<448xf32, #tpu.memory_space<vmem_shared>>
      tpu.enqueue_dma source(%dma_start3A_122 : memref<448xf32, #tpu.memory_space<vmem_shared>>) target(%arg6 : memref<448xf32, #tpu.memory_space<vmem>>) target_semaphore(%run_scoped3A : memref<!tpu.dma_semaphore, #tpu.memory_space<semaphore_mem>>)
      %dma_wait3A_123 = tpu.memref_slice %arg7[%add3A_87] : memref<50176xf32, #tpu.memory_space<vmem_shared>> -> memref<448xf32, #tpu.memory_space<vmem_shared>>
      %dma_wait3A_124 = tpu.memref_slice %arg7[%add3A_87] : memref<50176xf32, #tpu.memory_space<vmem_shared>> -> memref<448xf32, #tpu.memory_space<vmem_shared>>
      tpu.wait_dma2 semaphore(%run_scoped3A : memref<!tpu.dma_semaphore, #tpu.memory_space<semaphore_mem>>) src(%dma_wait3A_124 : memref<448xf32, #tpu.memory_space<vmem_shared>>) dst(%arg6 : memref<448xf32, #tpu.memory_space<vmem>>)
      tpu.yield
    }) : () -> ()
    %mul3A_88 = arith.constant 50000 : i32
    %mul3A_89 = arith.muli %arg0, %mul3A_88 : i32
    %add3A_90 = arith.addi %mul3A_89, %add3A_87 : i32
    "tpu.region"() ({
      %run_scoped3A = tpu.sem_alloc : memref<!tpu.dma_semaphore, #tpu.memory_space<semaphore_mem>>
      %dma_start3A = tpu.memref_slice %arg3[%add3A_90] : memref<100000xf32, #tpu.memory_space<hbm>> -> memref<448xf32, #tpu.memory_space<hbm>>
      %dma_start3A_122 = tpu.memref_slice %arg3[%add3A_90] : memref<100000xf32, #tpu.memory_space<hbm>> -> memref<448xf32, #tpu.memory_space<hbm>>
      tpu.enqueue_dma source(%arg6 : memref<448xf32, #tpu.memory_space<vmem>>) target(%dma_start3A_122 : memref<448xf32, #tpu.memory_space<hbm>>) target_semaphore(%run_scoped3A : memref<!tpu.dma_semaphore, #tpu.memory_space<semaphore_mem>>)
      %dma_wait3A_123 = tpu.memref_slice %arg3[%add3A_90] : memref<100000xf32, #tpu.memory_space<hbm>> -> memref<448xf32, #tpu.memory_space<hbm>>
      %dma_wait3A_124 = tpu.memref_slice %arg3[%add3A_90] : memref<100000xf32, #tpu.memory_space<hbm>> -> memref<448xf32, #tpu.memory_space<hbm>>
      tpu.wait_dma2 semaphore(%run_scoped3A : memref<!tpu.dma_semaphore, #tpu.memory_space<semaphore_mem>>) src(%arg6 : memref<448xf32, #tpu.memory_space<vmem>>) dst(%dma_wait3A_124 : memref<448xf32, #tpu.memory_space<hbm>>)
      tpu.yield
    }) : () -> ()
    %mul3A_91 = arith.constant 3136 : i32
    %mul3A_92 = arith.muli %arg1, %mul3A_91 : i32
    %add3A_93 = arith.constant 1344 : i32
    %add3A_94 = arith.addi %mul3A_92, %add3A_93 : i32
    "tpu.region"() ({
      %run_scoped3A = tpu.sem_alloc : memref<!tpu.dma_semaphore, #tpu.memory_space<semaphore_mem>>
      %dma_start3A = tpu.memref_slice %arg7[%add3A_94] : memref<50176xf32, #tpu.memory_space<vmem_shared>> -> memref<448xf32, #tpu.memory_space<vmem_shared>>
      %dma_start3A_122 = tpu.memref_slice %arg7[%add3A_94] : memref<50176xf32, #tpu.memory_space<vmem_shared>> -> memref<448xf32, #tpu.memory_space<vmem_shared>>
      tpu.enqueue_dma source(%dma_start3A_122 : memref<448xf32, #tpu.memory_space<vmem_shared>>) target(%arg6 : memref<448xf32, #tpu.memory_space<vmem>>) target_semaphore(%run_scoped3A : memref<!tpu.dma_semaphore, #tpu.memory_space<semaphore_mem>>)
      %dma_wait3A_123 = tpu.memref_slice %arg7[%add3A_94] : memref<50176xf32, #tpu.memory_space<vmem_shared>> -> memref<448xf32, #tpu.memory_space<vmem_shared>>
      %dma_wait3A_124 = tpu.memref_slice %arg7[%add3A_94] : memref<50176xf32, #tpu.memory_space<vmem_shared>> -> memref<448xf32, #tpu.memory_space<vmem_shared>>
      tpu.wait_dma2 semaphore(%run_scoped3A : memref<!tpu.dma_semaphore, #tpu.memory_space<semaphore_mem>>) src(%dma_wait3A_124 : memref<448xf32, #tpu.memory_space<vmem_shared>>) dst(%arg6 : memref<448xf32, #tpu.memory_space<vmem>>)
      tpu.yield
    }) : () -> ()
    %mul3A_95 = arith.constant 50000 : i32
    %mul3A_96 = arith.muli %arg0, %mul3A_95 : i32
    %add3A_97 = arith.addi %mul3A_96, %add3A_94 : i32
    "tpu.region"() ({
      %run_scoped3A = tpu.sem_alloc : memref<!tpu.dma_semaphore, #tpu.memory_space<semaphore_mem>>
      %dma_start3A = tpu.memref_slice %arg3[%add3A_97] : memref<100000xf32, #tpu.memory_space<hbm>> -> memref<448xf32, #tpu.memory_space<hbm>>
      %dma_start3A_122 = tpu.memref_slice %arg3[%add3A_97] : memref<100000xf32, #tpu.memory_space<hbm>> -> memref<448xf32, #tpu.memory_space<hbm>>
      tpu.enqueue_dma source(%arg6 : memref<448xf32, #tpu.memory_space<vmem>>) target(%dma_start3A_122 : memref<448xf32, #tpu.memory_space<hbm>>) target_semaphore(%run_scoped3A : memref<!tpu.dma_semaphore, #tpu.memory_space<semaphore_mem>>)
      %dma_wait3A_123 = tpu.memref_slice %arg3[%add3A_97] : memref<100000xf32, #tpu.memory_space<hbm>> -> memref<448xf32, #tpu.memory_space<hbm>>
      %dma_wait3A_124 = tpu.memref_slice %arg3[%add3A_97] : memref<100000xf32, #tpu.memory_space<hbm>> -> memref<448xf32, #tpu.memory_space<hbm>>
      tpu.wait_dma2 semaphore(%run_scoped3A : memref<!tpu.dma_semaphore, #tpu.memory_space<semaphore_mem>>) src(%arg6 : memref<448xf32, #tpu.memory_space<vmem>>) dst(%dma_wait3A_124 : memref<448xf32, #tpu.memory_space<hbm>>)
      tpu.yield
    }) : () -> ()
    %mul3A_98 = arith.constant 3136 : i32
    %mul3A_99 = arith.muli %arg1, %mul3A_98 : i32
    %add3A_100 = arith.constant 1792 : i32
    %add3A_101 = arith.addi %mul3A_99, %add3A_100 : i32
    "tpu.region"() ({
      %run_scoped3A = tpu.sem_alloc : memref<!tpu.dma_semaphore, #tpu.memory_space<semaphore_mem>>
      %dma_start3A = tpu.memref_slice %arg7[%add3A_101] : memref<50176xf32, #tpu.memory_space<vmem_shared>> -> memref<448xf32, #tpu.memory_space<vmem_shared>>
      %dma_start3A_122 = tpu.memref_slice %arg7[%add3A_101] : memref<50176xf32, #tpu.memory_space<vmem_shared>> -> memref<448xf32, #tpu.memory_space<vmem_shared>>
      tpu.enqueue_dma source(%dma_start3A_122 : memref<448xf32, #tpu.memory_space<vmem_shared>>) target(%arg6 : memref<448xf32, #tpu.memory_space<vmem>>) target_semaphore(%run_scoped3A : memref<!tpu.dma_semaphore, #tpu.memory_space<semaphore_mem>>)
      %dma_wait3A_123 = tpu.memref_slice %arg7[%add3A_101] : memref<50176xf32, #tpu.memory_space<vmem_shared>> -> memref<448xf32, #tpu.memory_space<vmem_shared>>
      %dma_wait3A_124 = tpu.memref_slice %arg7[%add3A_101] : memref<50176xf32, #tpu.memory_space<vmem_shared>> -> memref<448xf32, #tpu.memory_space<vmem_shared>>
      tpu.wait_dma2 semaphore(%run_scoped3A : memref<!tpu.dma_semaphore, #tpu.memory_space<semaphore_mem>>) src(%dma_wait3A_124 : memref<448xf32, #tpu.memory_space<vmem_shared>>) dst(%arg6 : memref<448xf32, #tpu.memory_space<vmem>>)
      tpu.yield
    }) : () -> ()
    %mul3A_102 = arith.constant 50000 : i32
    %mul3A_103 = arith.muli %arg0, %mul3A_102 : i32
    %add3A_104 = arith.addi %mul3A_103, %add3A_101 : i32
    "tpu.region"() ({
      %run_scoped3A = tpu.sem_alloc : memref<!tpu.dma_semaphore, #tpu.memory_space<semaphore_mem>>
      %dma_start3A = tpu.memref_slice %arg3[%add3A_104] : memref<100000xf32, #tpu.memory_space<hbm>> -> memref<448xf32, #tpu.memory_space<hbm>>
      %dma_start3A_122 = tpu.memref_slice %arg3[%add3A_104] : memref<100000xf32, #tpu.memory_space<hbm>> -> memref<448xf32, #tpu.memory_space<hbm>>
      tpu.enqueue_dma source(%arg6 : memref<448xf32, #tpu.memory_space<vmem>>) target(%dma_start3A_122 : memref<448xf32, #tpu.memory_space<hbm>>) target_semaphore(%run_scoped3A : memref<!tpu.dma_semaphore, #tpu.memory_space<semaphore_mem>>)
      %dma_wait3A_123 = tpu.memref_slice %arg3[%add3A_104] : memref<100000xf32, #tpu.memory_space<hbm>> -> memref<448xf32, #tpu.memory_space<hbm>>
      %dma_wait3A_124 = tpu.memref_slice %arg3[%add3A_104] : memref<100000xf32, #tpu.memory_space<hbm>> -> memref<448xf32, #tpu.memory_space<hbm>>
      tpu.wait_dma2 semaphore(%run_scoped3A : memref<!tpu.dma_semaphore, #tpu.memory_space<semaphore_mem>>) src(%arg6 : memref<448xf32, #tpu.memory_space<vmem>>) dst(%dma_wait3A_124 : memref<448xf32, #tpu.memory_space<hbm>>)
      tpu.yield
    }) : () -> ()
    %mul3A_105 = arith.constant 3136 : i32
    %mul3A_106 = arith.muli %arg1, %mul3A_105 : i32
    %add3A_107 = arith.constant 2240 : i32
    %add3A_108 = arith.addi %mul3A_106, %add3A_107 : i32
    "tpu.region"() ({
      %run_scoped3A = tpu.sem_alloc : memref<!tpu.dma_semaphore, #tpu.memory_space<semaphore_mem>>
      %dma_start3A = tpu.memref_slice %arg7[%add3A_108] : memref<50176xf32, #tpu.memory_space<vmem_shared>> -> memref<448xf32, #tpu.memory_space<vmem_shared>>
      %dma_start3A_122 = tpu.memref_slice %arg7[%add3A_108] : memref<50176xf32, #tpu.memory_space<vmem_shared>> -> memref<448xf32, #tpu.memory_space<vmem_shared>>
      tpu.enqueue_dma source(%dma_start3A_122 : memref<448xf32, #tpu.memory_space<vmem_shared>>) target(%arg6 : memref<448xf32, #tpu.memory_space<vmem>>) target_semaphore(%run_scoped3A : memref<!tpu.dma_semaphore, #tpu.memory_space<semaphore_mem>>)
      %dma_wait3A_123 = tpu.memref_slice %arg7[%add3A_108] : memref<50176xf32, #tpu.memory_space<vmem_shared>> -> memref<448xf32, #tpu.memory_space<vmem_shared>>
      %dma_wait3A_124 = tpu.memref_slice %arg7[%add3A_108] : memref<50176xf32, #tpu.memory_space<vmem_shared>> -> memref<448xf32, #tpu.memory_space<vmem_shared>>
      tpu.wait_dma2 semaphore(%run_scoped3A : memref<!tpu.dma_semaphore, #tpu.memory_space<semaphore_mem>>) src(%dma_wait3A_124 : memref<448xf32, #tpu.memory_space<vmem_shared>>) dst(%arg6 : memref<448xf32, #tpu.memory_space<vmem>>)
      tpu.yield
    }) : () -> ()
    %mul3A_109 = arith.constant 50000 : i32
    %mul3A_110 = arith.muli %arg0, %mul3A_109 : i32
    %add3A_111 = arith.addi %mul3A_110, %add3A_108 : i32
    "tpu.region"() ({
      %run_scoped3A = tpu.sem_alloc : memref<!tpu.dma_semaphore, #tpu.memory_space<semaphore_mem>>
      %dma_start3A = tpu.memref_slice %arg3[%add3A_111] : memref<100000xf32, #tpu.memory_space<hbm>> -> memref<448xf32, #tpu.memory_space<hbm>>
      %dma_start3A_122 = tpu.memref_slice %arg3[%add3A_111] : memref<100000xf32, #tpu.memory_space<hbm>> -> memref<448xf32, #tpu.memory_space<hbm>>
      tpu.enqueue_dma source(%arg6 : memref<448xf32, #tpu.memory_space<vmem>>) target(%dma_start3A_122 : memref<448xf32, #tpu.memory_space<hbm>>) target_semaphore(%run_scoped3A : memref<!tpu.dma_semaphore, #tpu.memory_space<semaphore_mem>>)
      %dma_wait3A_123 = tpu.memref_slice %arg3[%add3A_111] : memref<100000xf32, #tpu.memory_space<hbm>> -> memref<448xf32, #tpu.memory_space<hbm>>
      %dma_wait3A_124 = tpu.memref_slice %arg3[%add3A_111] : memref<100000xf32, #tpu.memory_space<hbm>> -> memref<448xf32, #tpu.memory_space<hbm>>
      tpu.wait_dma2 semaphore(%run_scoped3A : memref<!tpu.dma_semaphore, #tpu.memory_space<semaphore_mem>>) src(%arg6 : memref<448xf32, #tpu.memory_space<vmem>>) dst(%dma_wait3A_124 : memref<448xf32, #tpu.memory_space<hbm>>)
      tpu.yield
    }) : () -> ()
    %mul3A_112 = arith.constant 3136 : i32
    %mul3A_113 = arith.muli %arg1, %mul3A_112 : i32
    %add3A_114 = arith.constant 2688 : i32
    %add3A_115 = arith.addi %mul3A_113, %add3A_114 : i32
    %lt3A = arith.constant 15 : i32
    %lt3A_116 = arith.cmpi slt, %arg1, %lt3A : i32
    %convert_element_type3A = arith.extui %lt3A_116 : i1 to i32
    %cond3A = arith.constant 0 : i32
    %cond3A_117 = arith.cmpi ne, %convert_element_type3A, %cond3A : i32
    scf.if %cond3A_117 {
      "tpu.region"() ({
        %run_scoped3A = tpu.sem_alloc : memref<!tpu.dma_semaphore, #tpu.memory_space<semaphore_mem>>
        %dma_start3A = tpu.memref_slice %arg7[%add3A_115] : memref<50176xf32, #tpu.memory_space<vmem_shared>> -> memref<448xf32, #tpu.memory_space<vmem_shared>>
        %dma_start3A_125 = tpu.memref_slice %arg7[%add3A_115] : memref<50176xf32, #tpu.memory_space<vmem_shared>> -> memref<448xf32, #tpu.memory_space<vmem_shared>>
        tpu.enqueue_dma source(%dma_start3A_125 : memref<448xf32, #tpu.memory_space<vmem_shared>>) target(%arg6 : memref<448xf32, #tpu.memory_space<vmem>>) target_semaphore(%run_scoped3A : memref<!tpu.dma_semaphore, #tpu.memory_space<semaphore_mem>>)
        %dma_wait3A_126 = tpu.memref_slice %arg7[%add3A_115] : memref<50176xf32, #tpu.memory_space<vmem_shared>> -> memref<448xf32, #tpu.memory_space<vmem_shared>>
        %dma_wait3A_127 = tpu.memref_slice %arg7[%add3A_115] : memref<50176xf32, #tpu.memory_space<vmem_shared>> -> memref<448xf32, #tpu.memory_space<vmem_shared>>
        tpu.wait_dma2 semaphore(%run_scoped3A : memref<!tpu.dma_semaphore, #tpu.memory_space<semaphore_mem>>) src(%dma_wait3A_127 : memref<448xf32, #tpu.memory_space<vmem_shared>>) dst(%arg6 : memref<448xf32, #tpu.memory_space<vmem>>)
        tpu.yield
      }) : () -> ()
      %mul3A_122 = arith.constant 50000 : i32
      %mul3A_123 = arith.muli %arg0, %mul3A_122 : i32
      %add3A_124 = arith.addi %mul3A_123, %add3A_115 : i32
      "tpu.region"() ({
        %run_scoped3A = tpu.sem_alloc : memref<!tpu.dma_semaphore, #tpu.memory_space<semaphore_mem>>
        %dma_start3A = tpu.memref_slice %arg3[%add3A_124] : memref<100000xf32, #tpu.memory_space<hbm>> -> memref<448xf32, #tpu.memory_space<hbm>>
        %dma_start3A_125 = tpu.memref_slice %arg3[%add3A_124] : memref<100000xf32, #tpu.memory_space<hbm>> -> memref<448xf32, #tpu.memory_space<hbm>>
        tpu.enqueue_dma source(%arg6 : memref<448xf32, #tpu.memory_space<vmem>>) target(%dma_start3A_125 : memref<448xf32, #tpu.memory_space<hbm>>) target_semaphore(%run_scoped3A : memref<!tpu.dma_semaphore, #tpu.memory_space<semaphore_mem>>)
        %dma_wait3A_126 = tpu.memref_slice %arg3[%add3A_124] : memref<100000xf32, #tpu.memory_space<hbm>> -> memref<448xf32, #tpu.memory_space<hbm>>
        %dma_wait3A_127 = tpu.memref_slice %arg3[%add3A_124] : memref<100000xf32, #tpu.memory_space<hbm>> -> memref<448xf32, #tpu.memory_space<hbm>>
        tpu.wait_dma2 semaphore(%run_scoped3A : memref<!tpu.dma_semaphore, #tpu.memory_space<semaphore_mem>>) src(%arg6 : memref<448xf32, #tpu.memory_space<vmem>>) dst(%dma_wait3A_127 : memref<448xf32, #tpu.memory_space<hbm>>)
        tpu.yield
      }) : () -> ()
    } else {
    }
    %eq3A = arith.constant 15 : i32
    %eq3A_118 = arith.cmpi eq, %arg1, %eq3A : i32
    %convert_element_type3A_119 = arith.extui %eq3A_118 : i1 to i32
    %cond3A_120 = arith.constant 0 : i32
    %cond3A_121 = arith.cmpi ne, %convert_element_type3A_119, %cond3A_120 : i32
    scf.if %cond3A_121 {
      "tpu.region"() ({
        %run_scoped3A = tpu.sem_alloc : memref<!tpu.dma_semaphore, #tpu.memory_space<semaphore_mem>>
        %dma_start3A = arith.constant 0 : i32
        %dma_start3A_126 = tpu.memref_slice %arg6[%dma_start3A] : memref<448xf32, #tpu.memory_space<vmem>> -> memref<272xf32, #tpu.memory_space<vmem>>
        %dma_start3A_127 = arith.constant 49728 : i32
        %dma_start3A_128 = tpu.memref_slice %arg7[%dma_start3A_127] : memref<50176xf32, #tpu.memory_space<vmem_shared>> -> memref<272xf32, #tpu.memory_space<vmem_shared>>
        %dma_start3A_129 = arith.constant 0 : i32
        %dma_start3A_130 = tpu.memref_slice %arg6[%dma_start3A_129] : memref<448xf32, #tpu.memory_space<vmem>> -> memref<272xf32, #tpu.memory_space<vmem>>
        %dma_start3A_131 = arith.constant 49728 : i32
        %dma_start3A_132 = tpu.memref_slice %arg7[%dma_start3A_131] : memref<50176xf32, #tpu.memory_space<vmem_shared>> -> memref<272xf32, #tpu.memory_space<vmem_shared>>
        tpu.enqueue_dma source(%dma_start3A_132 : memref<272xf32, #tpu.memory_space<vmem_shared>>) target(%dma_start3A_130 : memref<272xf32, #tpu.memory_space<vmem>>) target_semaphore(%run_scoped3A : memref<!tpu.dma_semaphore, #tpu.memory_space<semaphore_mem>>)
        %dma_wait3A_133 = arith.constant 0 : i32
        %dma_wait3A_134 = tpu.memref_slice %arg6[%dma_wait3A_133] : memref<448xf32, #tpu.memory_space<vmem>> -> memref<272xf32, #tpu.memory_space<vmem>>
        %dma_wait3A_135 = arith.constant 49728 : i32
        %dma_wait3A_136 = tpu.memref_slice %arg7[%dma_wait3A_135] : memref<50176xf32, #tpu.memory_space<vmem_shared>> -> memref<272xf32, #tpu.memory_space<vmem_shared>>
        %dma_wait3A_137 = arith.constant 0 : i32
        %dma_wait3A_138 = tpu.memref_slice %arg6[%dma_wait3A_137] : memref<448xf32, #tpu.memory_space<vmem>> -> memref<272xf32, #tpu.memory_space<vmem>>
        %dma_wait3A_139 = arith.constant 49728 : i32
        %dma_wait3A_140 = tpu.memref_slice %arg7[%dma_wait3A_139] : memref<50176xf32, #tpu.memory_space<vmem_shared>> -> memref<272xf32, #tpu.memory_space<vmem_shared>>
        tpu.wait_dma2 semaphore(%run_scoped3A : memref<!tpu.dma_semaphore, #tpu.memory_space<semaphore_mem>>) src(%dma_wait3A_140 : memref<272xf32, #tpu.memory_space<vmem_shared>>) dst(%dma_wait3A_138 : memref<272xf32, #tpu.memory_space<vmem>>)
        tpu.yield
      }) : () -> ()
      %mul3A_122 = arith.constant 50000 : i32
      %mul3A_123 = arith.muli %arg0, %mul3A_122 : i32
      %add3A_124 = arith.constant 49728 : i32
      %add3A_125 = arith.addi %mul3A_123, %add3A_124 : i32
      "tpu.region"() ({
        %run_scoped3A = tpu.sem_alloc : memref<!tpu.dma_semaphore, #tpu.memory_space<semaphore_mem>>
        %dma_start3A = arith.constant 0 : i32
        %dma_start3A_126 = tpu.memref_slice %arg6[%dma_start3A] : memref<448xf32, #tpu.memory_space<vmem>> -> memref<272xf32, #tpu.memory_space<vmem>>
        %dma_start3A_127 = tpu.memref_slice %arg3[%add3A_125] : memref<100000xf32, #tpu.memory_space<hbm>> -> memref<272xf32, #tpu.memory_space<hbm>>
        %dma_start3A_128 = tpu.memref_slice %arg3[%add3A_125] : memref<100000xf32, #tpu.memory_space<hbm>> -> memref<272xf32, #tpu.memory_space<hbm>>
        %dma_start3A_129 = arith.constant 0 : i32
        %dma_start3A_130 = tpu.memref_slice %arg6[%dma_start3A_129] : memref<448xf32, #tpu.memory_space<vmem>> -> memref<272xf32, #tpu.memory_space<vmem>>
        tpu.enqueue_dma source(%dma_start3A_130 : memref<272xf32, #tpu.memory_space<vmem>>) target(%dma_start3A_128 : memref<272xf32, #tpu.memory_space<hbm>>) target_semaphore(%run_scoped3A : memref<!tpu.dma_semaphore, #tpu.memory_space<semaphore_mem>>)
        %dma_wait3A_131 = arith.constant 0 : i32
        %dma_wait3A_132 = tpu.memref_slice %arg6[%dma_wait3A_131] : memref<448xf32, #tpu.memory_space<vmem>> -> memref<272xf32, #tpu.memory_space<vmem>>
        %dma_wait3A_133 = tpu.memref_slice %arg3[%add3A_125] : memref<100000xf32, #tpu.memory_space<hbm>> -> memref<272xf32, #tpu.memory_space<hbm>>
        %dma_wait3A_134 = tpu.memref_slice %arg3[%add3A_125] : memref<100000xf32, #tpu.memory_space<hbm>> -> memref<272xf32, #tpu.memory_space<hbm>>
        %dma_wait3A_135 = arith.constant 0 : i32
        %dma_wait3A_136 = tpu.memref_slice %arg6[%dma_wait3A_135] : memref<448xf32, #tpu.memory_space<vmem>> -> memref<272xf32, #tpu.memory_space<vmem>>
        tpu.wait_dma2 semaphore(%run_scoped3A : memref<!tpu.dma_semaphore, #tpu.memory_space<semaphore_mem>>) src(%dma_wait3A_136 : memref<272xf32, #tpu.memory_space<vmem>>) dst(%dma_wait3A_134 : memref<272xf32, #tpu.memory_space<hbm>>)
        tpu.yield
      }) : () -> ()
    } else {
    }
    return
  }
}

#map = affine_map<(d0, d1) -> (0, 0)>
#map1 = affine_map<(d0, d1) -> (0, 0, 0)>
module attributes {stable_mosaic.version = 14 : i64} {
  func.func @k(%arg0: i32, %arg1: i32, %arg2: memref<6400x128xi32, #tpu.memory_space<hbm>>, %arg3: memref<6400x128xi32, #tpu.memory_space<hbm>>, %arg4: memref<50000x16xf32, #tpu.memory_space<hbm>>, %arg5: memref<2x50000x16xf32, #tpu.memory_space<hbm>>, %arg6: memref<200x128xi32, #tpu.memory_space<vmem>>, %arg7: memref<200x128xi32, #tpu.memory_space<vmem>>, %arg8: memref<4x128x16xf32, #tpu.memory_space<vmem>>, %arg9: memref<448x16xf32, #tpu.memory_space<vmem>>, %arg10: memref<50176x16xf32, #tpu.memory_space<vmem_shared>>, %arg11: memref<!tpu.dma_semaphore, #tpu.memory_space<semaphore_mem>>, %arg12: memref<!tpu.dma_semaphore, #tpu.memory_space<semaphore_mem>>, %arg13: memref<!tpu.dma_semaphore, #tpu.memory_space<semaphore_mem>>, %arg14: memref<!tpu.dma_semaphore, #tpu.memory_space<semaphore_mem>>, %arg15: memref<!tpu.dma_semaphore, #tpu.memory_space<semaphore_mem>>, %arg16: memref<!tpu.dma_semaphore, #tpu.memory_space<semaphore_mem>>, %arg17: memref<!tpu.dma_semaphore, #tpu.memory_space<semaphore_mem>>, %arg18: memref<!tpu.dma_semaphore, #tpu.memory_space<semaphore_mem>>) attributes {dimension_semantics = [#tpu.dimension_semantics<core_parallel>, #tpu.dimension_semantics<subcore_parallel>], iteration_bounds = array<i64: 2, 16>, scalar_prefetch = 0 : i64, scratch_operands = 13 : i64, tpu.core_type = #tpu.core_type<sc_vector_subcore>, window_params = [{transform_indices = #map}, {transform_indices = #map}, {transform_indices = #map}, {transform_indices = #map1}]} {
    %mul3A = arith.constant 2 : i32
    %mul3A_0 = arith.muli %arg1, %mul3A : i32
    %add3A = arith.addi %mul3A_0, %arg0 : i32
    %scan3A = arith.constant 0 : i32
    %scan3A_1 = arith.constant 448 : i32
    %scan3A_2 = arith.addi %scan3A, %scan3A_1 : i32
    %scan3A_3 = arith.constant 1 : i32
    scf.for %scan3A_124 = %scan3A to %scan3A_2 step %scan3A_3  : i32 {
      %mul3A_125 = arith.constant 1 : i32
      %mul3A_126 = arith.muli %scan3A_124, %mul3A_125 : i32
      %add3A_127 = arith.constant 0 : i32
      %add3A_128 = arith.addi %add3A_127, %mul3A_126 : i32
      %broadcast_in_dim3A = arith.constant 0.000000e+00 : f32
      %broadcast_in_dim3A_129 = vector.broadcast %broadcast_in_dim3A : f32 to vector<16xf32>
      %swap3A = arith.index_cast %add3A_128 : i32 to index
      %swap3A_130 = arith.constant 0 : index
      %swap3A_131 = tpu.vector_load %arg9[%swap3A, %swap3A_130] {strides = array<i32>} : memref<448x16xf32, #tpu.memory_space<vmem>>, vector<1x16xf32>,
      %swap3A_132 = vector.shape_cast %swap3A_131 : vector<1x16xf32> to vector<16xf32>
      %swap3A_133 = vector.shape_cast %broadcast_in_dim3A_129 : vector<16xf32> to vector<1x16xf32>
      tpu.vector_store %arg9[%swap3A, %swap3A_130], %swap3A_133 {strides = array<i32>} : memref<448x16xf32, #tpu.memory_space<vmem>>, vector<1x16xf32>,
    }
    %scan3A_4 = arith.constant 448 : i32
    %scan3A_5 = arith.constant 0 : i32
    %scan3A_6 = arith.constant 7 : i32
    %scan3A_7 = arith.addi %scan3A_5, %scan3A_6 : i32
    %scan3A_8 = arith.constant 1 : i32
    scf.for %scan3A_124 = %scan3A_5 to %scan3A_7 step %scan3A_8  : i32 {
      %mul3A_125 = arith.constant 1 : i32
      %mul3A_126 = arith.muli %scan3A_124, %mul3A_125 : i32
      %add3A_127 = arith.constant 0 : i32
      %add3A_128 = arith.addi %add3A_127, %mul3A_126 : i32
      %mul3A_129 = arith.constant 3136 : i32
      %mul3A_130 = arith.muli %arg1, %mul3A_129 : i32
      %mul3A_131 = arith.constant 448 : i32
      %mul3A_132 = arith.muli %add3A_128, %mul3A_131 : i32
      %add3A_133 = arith.addi %mul3A_130, %mul3A_132 : i32
      "tpu.region"() ({
        %run_scoped3A = tpu.sem_alloc : memref<!tpu.dma_semaphore, #tpu.memory_space<semaphore_mem>>
        %dma_start3A_134 = arith.constant 0 : i32
        %dma_start3A_135 = tpu.memref_slice %arg10[%add3A_133, %dma_start3A_134] : memref<50176x16xf32, #tpu.memory_space<vmem_shared>> -> memref<448x16xf32, #tpu.memory_space<vmem_shared>>
        %dma_start3A_136 = arith.constant 0 : i32
        %dma_start3A_137 = tpu.memref_slice %arg10[%add3A_133, %dma_start3A_136] : memref<50176x16xf32, #tpu.memory_space<vmem_shared>> -> memref<448x16xf32, #tpu.memory_space<vmem_shared>>
        tpu.enqueue_dma source(%arg9 : memref<448x16xf32, #tpu.memory_space<vmem>>) target(%dma_start3A_137 : memref<448x16xf32, #tpu.memory_space<vmem_shared>>) target_semaphore(%run_scoped3A : memref<!tpu.dma_semaphore, #tpu.memory_space<semaphore_mem>>)
        %dma_wait3A_138 = arith.constant 0 : i32
        %dma_wait3A_139 = tpu.memref_slice %arg10[%add3A_133, %dma_wait3A_138] : memref<50176x16xf32, #tpu.memory_space<vmem_shared>> -> memref<448x16xf32, #tpu.memory_space<vmem_shared>>
        %dma_wait3A_140 = arith.constant 0 : i32
        %dma_wait3A_141 = tpu.memref_slice %arg10[%add3A_133, %dma_wait3A_140] : memref<50176x16xf32, #tpu.memory_space<vmem_shared>> -> memref<448x16xf32, #tpu.memory_space<vmem_shared>>
        tpu.wait_dma2 semaphore(%run_scoped3A : memref<!tpu.dma_semaphore, #tpu.memory_space<semaphore_mem>>) src(%arg9 : memref<448x16xf32, #tpu.memory_space<vmem>>) dst(%dma_wait3A_141 : memref<448x16xf32, #tpu.memory_space<vmem_shared>>)
        tpu.yield
      }) : () -> ()
    }
    %scan3A_9 = arith.constant 7 : i32
    %barrier3A = arith.constant 0 : index
    tpu.barrier barrier_id(%barrier3A)
    %mul3A_10 = arith.constant 200 : i32
    %mul3A_11 = arith.muli %add3A, %mul3A_10 : i32
    "tpu.region"() ({
      %run_scoped3A = tpu.sem_alloc : memref<!tpu.dma_semaphore, #tpu.memory_space<semaphore_mem>>
      %dma_start3A_124 = arith.constant 0 : i32
      %dma_start3A_125 = tpu.memref_slice %arg2[%mul3A_11, %dma_start3A_124] : memref<6400x128xi32, #tpu.memory_space<hbm>> -> memref<200x128xi32, #tpu.memory_space<hbm>>
      %dma_start3A_126 = arith.constant 0 : i32
      %dma_start3A_127 = tpu.memref_slice %arg2[%mul3A_11, %dma_start3A_126] : memref<6400x128xi32, #tpu.memory_space<hbm>> -> memref<200x128xi32, #tpu.memory_space<hbm>>
      tpu.enqueue_dma source(%dma_start3A_127 : memref<200x128xi32, #tpu.memory_space<hbm>>) target(%arg6 : memref<200x128xi32, #tpu.memory_space<vmem>>) target_semaphore(%run_scoped3A : memref<!tpu.dma_semaphore, #tpu.memory_space<semaphore_mem>>)
      %dma_wait3A_128 = arith.constant 0 : i32
      %dma_wait3A_129 = tpu.memref_slice %arg2[%mul3A_11, %dma_wait3A_128] : memref<6400x128xi32, #tpu.memory_space<hbm>> -> memref<200x128xi32, #tpu.memory_space<hbm>>
      %dma_wait3A_130 = arith.constant 0 : i32
      %dma_wait3A_131 = tpu.memref_slice %arg2[%mul3A_11, %dma_wait3A_130] : memref<6400x128xi32, #tpu.memory_space<hbm>> -> memref<200x128xi32, #tpu.memory_space<hbm>>
      tpu.wait_dma2 semaphore(%run_scoped3A : memref<!tpu.dma_semaphore, #tpu.memory_space<semaphore_mem>>) src(%dma_wait3A_131 : memref<200x128xi32, #tpu.memory_space<hbm>>) dst(%arg6 : memref<200x128xi32, #tpu.memory_space<vmem>>)
      tpu.yield
    }) : () -> ()
    %mul3A_12 = arith.constant 200 : i32
    %mul3A_13 = arith.muli %add3A, %mul3A_12 : i32
    "tpu.region"() ({
      %run_scoped3A = tpu.sem_alloc : memref<!tpu.dma_semaphore, #tpu.memory_space<semaphore_mem>>
      %dma_start3A_124 = arith.constant 0 : i32
      %dma_start3A_125 = tpu.memref_slice %arg3[%mul3A_13, %dma_start3A_124] : memref<6400x128xi32, #tpu.memory_space<hbm>> -> memref<200x128xi32, #tpu.memory_space<hbm>>
      %dma_start3A_126 = arith.constant 0 : i32
      %dma_start3A_127 = tpu.memref_slice %arg3[%mul3A_13, %dma_start3A_126] : memref<6400x128xi32, #tpu.memory_space<hbm>> -> memref<200x128xi32, #tpu.memory_space<hbm>>
      tpu.enqueue_dma source(%dma_start3A_127 : memref<200x128xi32, #tpu.memory_space<hbm>>) target(%arg7 : memref<200x128xi32, #tpu.memory_space<vmem>>) target_semaphore(%run_scoped3A : memref<!tpu.dma_semaphore, #tpu.memory_space<semaphore_mem>>)
      %dma_wait3A_128 = arith.constant 0 : i32
      %dma_wait3A_129 = tpu.memref_slice %arg3[%mul3A_13, %dma_wait3A_128] : memref<6400x128xi32, #tpu.memory_space<hbm>> -> memref<200x128xi32, #tpu.memory_space<hbm>>
      %dma_wait3A_130 = arith.constant 0 : i32
      %dma_wait3A_131 = tpu.memref_slice %arg3[%mul3A_13, %dma_wait3A_130] : memref<6400x128xi32, #tpu.memory_space<hbm>> -> memref<200x128xi32, #tpu.memory_space<hbm>>
      tpu.wait_dma2 semaphore(%run_scoped3A : memref<!tpu.dma_semaphore, #tpu.memory_space<semaphore_mem>>) src(%dma_wait3A_131 : memref<200x128xi32, #tpu.memory_space<hbm>>) dst(%arg7 : memref<200x128xi32, #tpu.memory_space<vmem>>)
      tpu.yield
    }) : () -> ()
    %dma_start3A = arith.constant 0 : i32
    %dma_start3A_14 = arith.constant 0 : i32
    %dma_start3A_15 = arith.constant 0 : i32
    %dma_start3A_16 = arith.constant 0 : i32
    %dma_start3A_17 = tpu.memref_slice %arg8[%dma_start3A_14, %dma_start3A_15, %dma_start3A_16] : memref<4x128x16xf32, #tpu.memory_space<vmem>> -> memref<1x128x16xf32, #tpu.memory_space<vmem>>
    %dma_start3A_18 = tpu.memref_squeeze %dma_start3A_17 : memref<1x128x16xf32, #tpu.memory_space<vmem>> -> memref<128x16xf32, #tpu.memory_space<vmem>>
    %dma_start3A_19 = arith.constant 0 : i32
    %dma_start3A_20 = tpu.memref_slice %arg6[%dma_start3A, %dma_start3A_19] : memref<200x128xi32, #tpu.memory_space<vmem>> -> memref<1x128xi32, #tpu.memory_space<vmem>>
    %dma_start3A_21 = tpu.memref_squeeze %dma_start3A_20 : memref<1x128xi32, #tpu.memory_space<vmem>> -> memref<128xi32, #tpu.memory_space<vmem>>
    %dma_start3A_22 = arith.constant 0 : i32
    %dma_start3A_23 = arith.constant 0 : i32
    %dma_start3A_24 = tpu.memref_slice %arg4[%dma_start3A_22, %dma_start3A_23] : memref<50000x16xf32, #tpu.memory_space<hbm>> -> memref<50000x16xf32, #tpu.memory_space<hbm>>
    tpu.enqueue_indirect_dma source(%dma_start3A_24 : memref<50000x16xf32, #tpu.memory_space<hbm>>) target(%dma_start3A_18 : memref<128x16xf32, #tpu.memory_space<vmem>>) offsets(%dma_start3A_21 : memref<128xi32, #tpu.memory_space<vmem>>) semaphore(%arg11 : memref<!tpu.dma_semaphore, #tpu.memory_space<semaphore_mem>>)
    %dma_start3A_25 = arith.constant 1 : i32
    %dma_start3A_26 = arith.constant 1 : i32
    %dma_start3A_27 = arith.constant 0 : i32
    %dma_start3A_28 = arith.constant 0 : i32
    %dma_start3A_29 = tpu.memref_slice %arg8[%dma_start3A_26, %dma_start3A_27, %dma_start3A_28] : memref<4x128x16xf32, #tpu.memory_space<vmem>> -> memref<1x128x16xf32, #tpu.memory_space<vmem>>
    %dma_start3A_30 = tpu.memref_squeeze %dma_start3A_29 : memref<1x128x16xf32, #tpu.memory_space<vmem>> -> memref<128x16xf32, #tpu.memory_space<vmem>>
    %dma_start3A_31 = arith.constant 0 : i32
    %dma_start3A_32 = tpu.memref_slice %arg6[%dma_start3A_25, %dma_start3A_31] : memref<200x128xi32, #tpu.memory_space<vmem>> -> memref<1x128xi32, #tpu.memory_space<vmem>>
    %dma_start3A_33 = tpu.memref_squeeze %dma_start3A_32 : memref<1x128xi32, #tpu.memory_space<vmem>> -> memref<128xi32, #tpu.memory_space<vmem>>
    %dma_start3A_34 = arith.constant 0 : i32
    %dma_start3A_35 = arith.constant 0 : i32
    %dma_start3A_36 = tpu.memref_slice %arg4[%dma_start3A_34, %dma_start3A_35] : memref<50000x16xf32, #tpu.memory_space<hbm>> -> memref<50000x16xf32, #tpu.memory_space<hbm>>
    tpu.enqueue_indirect_dma source(%dma_start3A_36 : memref<50000x16xf32, #tpu.memory_space<hbm>>) target(%dma_start3A_30 : memref<128x16xf32, #tpu.memory_space<vmem>>) offsets(%dma_start3A_33 : memref<128xi32, #tpu.memory_space<vmem>>) semaphore(%arg12 : memref<!tpu.dma_semaphore, #tpu.memory_space<semaphore_mem>>)
    %scan3A_37 = arith.constant 0 : i32
    %scan3A_38 = arith.constant 50 : i32
    %scan3A_39 = arith.addi %scan3A_37, %scan3A_38 : i32
    %scan3A_40 = arith.constant 1 : i32
    scf.for %scan3A_124 = %scan3A_37 to %scan3A_39 step %scan3A_40  : i32 {
      %mul3A_125 = arith.constant 4 : i32
      %mul3A_126 = arith.muli %scan3A_124, %mul3A_125 : i32
      %add3A_127 = arith.constant 0 : i32
      %add3A_128 = arith.addi %add3A_127, %mul3A_126 : i32
      %add3A_129 = arith.constant 0 : i32
      %add3A_130 = arith.addi %add3A_128, %add3A_129 : i32
      %dma_wait3A_131 = arith.constant 0 : i32
      %dma_wait3A_132 = arith.constant 0 : i32
      %dma_wait3A_133 = arith.constant 0 : i32
      %dma_wait3A_134 = arith.constant 0 : i32
      %dma_wait3A_135 = tpu.memref_slice %arg8[%dma_wait3A_132, %dma_wait3A_133, %dma_wait3A_134] : memref<4x128x16xf32, #tpu.memory_space<vmem>> -> memref<1x128x16xf32, #tpu.memory_space<vmem>>
      %dma_wait3A_136 = tpu.memref_squeeze %dma_wait3A_135 : memref<1x128x16xf32, #tpu.memory_space<vmem>> -> memref<128x16xf32, #tpu.memory_space<vmem>>
      %dma_wait3A_137 = arith.constant 0 : i32
      %dma_wait3A_138 = tpu.memref_slice %arg6[%dma_wait3A_131, %dma_wait3A_137] : memref<200x128xi32, #tpu.memory_space<vmem>> -> memref<1x128xi32, #tpu.memory_space<vmem>>
      %dma_wait3A_139 = tpu.memref_squeeze %dma_wait3A_138 : memref<1x128xi32, #tpu.memory_space<vmem>> -> memref<128xi32, #tpu.memory_space<vmem>>
      %dma_wait3A_140 = arith.constant 0 : i32
      %dma_wait3A_141 = arith.constant 0 : i32
      %dma_wait3A_142 = tpu.memref_slice %arg4[%dma_wait3A_140, %dma_wait3A_141] : memref<50000x16xf32, #tpu.memory_space<hbm>> -> memref<50000x16xf32, #tpu.memory_space<hbm>>
      tpu.wait_indirect_dma semaphore(%arg11 : memref<!tpu.dma_semaphore, #tpu.memory_space<semaphore_mem>>) src(%dma_wait3A_142 : memref<50000x16xf32, #tpu.memory_space<hbm>>) dst(%dma_wait3A_136 : memref<128x16xf32, #tpu.memory_space<vmem>>)
      %dma_start3A_143 = arith.constant 0 : i32
      %dma_start3A_144 = arith.constant 0 : i32
      %dma_start3A_145 = arith.constant 0 : i32
      %dma_start3A_146 = tpu.memref_slice %arg8[%dma_start3A_143, %dma_start3A_144, %dma_start3A_145] : memref<4x128x16xf32, #tpu.memory_space<vmem>> -> memref<1x128x16xf32, #tpu.memory_space<vmem>>
      %dma_start3A_147 = tpu.memref_squeeze %dma_start3A_146 : memref<1x128x16xf32, #tpu.memory_space<vmem>> -> memref<128x16xf32, #tpu.memory_space<vmem>>
      %dma_start3A_148 = arith.constant 0 : i32
      %dma_start3A_149 = tpu.memref_slice %arg7[%add3A_130, %dma_start3A_148] : memref<200x128xi32, #tpu.memory_space<vmem>> -> memref<1x128xi32, #tpu.memory_space<vmem>>
      %dma_start3A_150 = tpu.memref_squeeze %dma_start3A_149 : memref<1x128xi32, #tpu.memory_space<vmem>> -> memref<128xi32, #tpu.memory_space<vmem>>
      %dma_start3A_151 = arith.constant 0 : i32
      %dma_start3A_152 = arith.constant 0 : i32
      %dma_start3A_153 = tpu.memref_slice %arg10[%dma_start3A_151, %dma_start3A_152] : memref<50176x16xf32, #tpu.memory_space<vmem_shared>> -> memref<50176x16xf32, #tpu.memory_space<vmem_shared>>
      tpu.enqueue_indirect_dma source(%dma_start3A_147 : memref<128x16xf32, #tpu.memory_space<vmem>>) target(%dma_start3A_153 : memref<50176x16xf32, #tpu.memory_space<vmem_shared>>) offsets(%dma_start3A_150 : memref<128xi32, #tpu.memory_space<vmem>>) semaphore(%arg15 : memref<!tpu.dma_semaphore, #tpu.memory_space<semaphore_mem>>) {add = true}
      %add3A_154 = arith.constant 2 : i32
      %add3A_155 = arith.addi %add3A_130, %add3A_154 : i32
      %lt3A_156 = arith.constant 200 : i32
      %lt3A_157 = arith.cmpi slt, %add3A_155, %lt3A_156 : i32
      %convert_element_type3A_158 = arith.extui %lt3A_157 : i1 to i32
      %cond3A_159 = arith.constant 0 : i32
      %cond3A_160 = arith.cmpi ne, %convert_element_type3A_158, %cond3A_159 : i32
      scf.if %cond3A_160 {
        %ge3A = arith.constant 2 : i32
        %ge3A_257 = arith.cmpi sge, %add3A_130, %ge3A : i32
        %convert_element_type3A_258 = arith.extui %ge3A_257 : i1 to i32
        %cond3A_259 = arith.constant 0 : i32
        %cond3A_260 = arith.cmpi ne, %convert_element_type3A_258, %cond3A_259 : i32
        scf.if %cond3A_260 {
          %dma_wait3A_274 = arith.constant 2 : i32
          %dma_wait3A_275 = arith.constant 0 : i32
          %dma_wait3A_276 = arith.constant 0 : i32
          %dma_wait3A_277 = arith.constant 0 : i32
          %dma_wait3A_278 = tpu.memref_slice %arg8[%dma_wait3A_274, %dma_wait3A_276, %dma_wait3A_277] : memref<4x128x16xf32, #tpu.memory_space<vmem>> -> memref<1x128x16xf32, #tpu.memory_space<vmem>>
          %dma_wait3A_279 = tpu.memref_squeeze %dma_wait3A_278 : memref<1x128x16xf32, #tpu.memory_space<vmem>> -> memref<128x16xf32, #tpu.memory_space<vmem>>
          %dma_wait3A_280 = arith.constant 0 : i32
          %dma_wait3A_281 = tpu.memref_slice %arg7[%dma_wait3A_275, %dma_wait3A_280] : memref<200x128xi32, #tpu.memory_space<vmem>> -> memref<1x128xi32, #tpu.memory_space<vmem>>
          %dma_wait3A_282 = tpu.memref_squeeze %dma_wait3A_281 : memref<1x128xi32, #tpu.memory_space<vmem>> -> memref<128xi32, #tpu.memory_space<vmem>>
          %dma_wait3A_283 = arith.constant 0 : i32
          %dma_wait3A_284 = arith.constant 0 : i32
          %dma_wait3A_285 = tpu.memref_slice %arg10[%dma_wait3A_283, %dma_wait3A_284] : memref<50176x16xf32, #tpu.memory_space<vmem_shared>> -> memref<50176x16xf32, #tpu.memory_space<vmem_shared>>
          tpu.wait_indirect_dma semaphore(%arg17 : memref<!tpu.dma_semaphore, #tpu.memory_space<semaphore_mem>>) src(%dma_wait3A_279 : memref<128x16xf32, #tpu.memory_space<vmem>>) dst(%dma_wait3A_285 : memref<50176x16xf32, #tpu.memory_space<vmem_shared>>)
        } else {
        }
        %add3A_261 = arith.constant 2 : i32
        %add3A_262 = arith.addi %add3A_130, %add3A_261 : i32
        %dma_start3A_263 = arith.constant 2 : i32
        %dma_start3A_264 = arith.constant 0 : i32
        %dma_start3A_265 = arith.constant 0 : i32
        %dma_start3A_266 = tpu.memref_slice %arg8[%dma_start3A_263, %dma_start3A_264, %dma_start3A_265] : memref<4x128x16xf32, #tpu.memory_space<vmem>> -> memref<1x128x16xf32, #tpu.memory_space<vmem>>
        %dma_start3A_267 = tpu.memref_squeeze %dma_start3A_266 : memref<1x128x16xf32, #tpu.memory_space<vmem>> -> memref<128x16xf32, #tpu.memory_space<vmem>>
        %dma_start3A_268 = arith.constant 0 : i32
        %dma_start3A_269 = tpu.memref_slice %arg6[%add3A_262, %dma_start3A_268] : memref<200x128xi32, #tpu.memory_space<vmem>> -> memref<1x128xi32, #tpu.memory_space<vmem>>
        %dma_start3A_270 = tpu.memref_squeeze %dma_start3A_269 : memref<1x128xi32, #tpu.memory_space<vmem>> -> memref<128xi32, #tpu.memory_space<vmem>>
        %dma_start3A_271 = arith.constant 0 : i32
        %dma_start3A_272 = arith.constant 0 : i32
        %dma_start3A_273 = tpu.memref_slice %arg4[%dma_start3A_271, %dma_start3A_272] : memref<50000x16xf32, #tpu.memory_space<hbm>> -> memref<50000x16xf32, #tpu.memory_space<hbm>>
        tpu.enqueue_indirect_dma source(%dma_start3A_273 : memref<50000x16xf32, #tpu.memory_space<hbm>>) target(%dma_start3A_267 : memref<128x16xf32, #tpu.memory_space<vmem>>) offsets(%dma_start3A_270 : memref<128xi32, #tpu.memory_space<vmem>>) semaphore(%arg13 : memref<!tpu.dma_semaphore, #tpu.memory_space<semaphore_mem>>)
      } else {
      }
      %add3A_161 = arith.constant 1 : i32
      %add3A_162 = arith.addi %add3A_128, %add3A_161 : i32
      %dma_wait3A_163 = arith.constant 1 : i32
      %dma_wait3A_164 = arith.constant 1 : i32
      %dma_wait3A_165 = arith.constant 0 : i32
      %dma_wait3A_166 = arith.constant 0 : i32
      %dma_wait3A_167 = tpu.memref_slice %arg8[%dma_wait3A_164, %dma_wait3A_165, %dma_wait3A_166] : memref<4x128x16xf32, #tpu.memory_space<vmem>> -> memref<1x128x16xf32, #tpu.memory_space<vmem>>
      %dma_wait3A_168 = tpu.memref_squeeze %dma_wait3A_167 : memref<1x128x16xf32, #tpu.memory_space<vmem>> -> memref<128x16xf32, #tpu.memory_space<vmem>>
      %dma_wait3A_169 = arith.constant 0 : i32
      %dma_wait3A_170 = tpu.memref_slice %arg6[%dma_wait3A_163, %dma_wait3A_169] : memref<200x128xi32, #tpu.memory_space<vmem>> -> memref<1x128xi32, #tpu.memory_space<vmem>>
      %dma_wait3A_171 = tpu.memref_squeeze %dma_wait3A_170 : memref<1x128xi32, #tpu.memory_space<vmem>> -> memref<128xi32, #tpu.memory_space<vmem>>
      %dma_wait3A_172 = arith.constant 0 : i32
      %dma_wait3A_173 = arith.constant 0 : i32
      %dma_wait3A_174 = tpu.memref_slice %arg4[%dma_wait3A_172, %dma_wait3A_173] : memref<50000x16xf32, #tpu.memory_space<hbm>> -> memref<50000x16xf32, #tpu.memory_space<hbm>>
      tpu.wait_indirect_dma semaphore(%arg12 : memref<!tpu.dma_semaphore, #tpu.memory_space<semaphore_mem>>) src(%dma_wait3A_174 : memref<50000x16xf32, #tpu.memory_space<hbm>>) dst(%dma_wait3A_168 : memref<128x16xf32, #tpu.memory_space<vmem>>)
      %dma_start3A_175 = arith.constant 1 : i32
      %dma_start3A_176 = arith.constant 0 : i32
      %dma_start3A_177 = arith.constant 0 : i32
      %dma_start3A_178 = tpu.memref_slice %arg8[%dma_start3A_175, %dma_start3A_176, %dma_start3A_177] : memref<4x128x16xf32, #tpu.memory_space<vmem>> -> memref<1x128x16xf32, #tpu.memory_space<vmem>>
      %dma_start3A_179 = tpu.memref_squeeze %dma_start3A_178 : memref<1x128x16xf32, #tpu.memory_space<vmem>> -> memref<128x16xf32, #tpu.memory_space<vmem>>
      %dma_start3A_180 = arith.constant 0 : i32
      %dma_start3A_181 = tpu.memref_slice %arg7[%add3A_162, %dma_start3A_180] : memref<200x128xi32, #tpu.memory_space<vmem>> -> memref<1x128xi32, #tpu.memory_space<vmem>>
      %dma_start3A_182 = tpu.memref_squeeze %dma_start3A_181 : memref<1x128xi32, #tpu.memory_space<vmem>> -> memref<128xi32, #tpu.memory_space<vmem>>
      %dma_start3A_183 = arith.constant 0 : i32
      %dma_start3A_184 = arith.constant 0 : i32
      %dma_start3A_185 = tpu.memref_slice %arg10[%dma_start3A_183, %dma_start3A_184] : memref<50176x16xf32, #tpu.memory_space<vmem_shared>> -> memref<50176x16xf32, #tpu.memory_space<vmem_shared>>
      tpu.enqueue_indirect_dma source(%dma_start3A_179 : memref<128x16xf32, #tpu.memory_space<vmem>>) target(%dma_start3A_185 : memref<50176x16xf32, #tpu.memory_space<vmem_shared>>) offsets(%dma_start3A_182 : memref<128xi32, #tpu.memory_space<vmem>>) semaphore(%arg16 : memref<!tpu.dma_semaphore, #tpu.memory_space<semaphore_mem>>) {add = true}
      %add3A_186 = arith.constant 2 : i32
      %add3A_187 = arith.addi %add3A_162, %add3A_186 : i32
      %lt3A_188 = arith.constant 200 : i32
      %lt3A_189 = arith.cmpi slt, %add3A_187, %lt3A_188 : i32
      %convert_element_type3A_190 = arith.extui %lt3A_189 : i1 to i32
      %cond3A_191 = arith.constant 0 : i32
      %cond3A_192 = arith.cmpi ne, %convert_element_type3A_190, %cond3A_191 : i32
      scf.if %cond3A_192 {
        %ge3A = arith.constant 2 : i32
        %ge3A_257 = arith.cmpi sge, %add3A_162, %ge3A : i32
        %convert_element_type3A_258 = arith.extui %ge3A_257 : i1 to i32
        %cond3A_259 = arith.constant 0 : i32
        %cond3A_260 = arith.cmpi ne, %convert_element_type3A_258, %cond3A_259 : i32
        scf.if %cond3A_260 {
          %dma_wait3A_274 = arith.constant 3 : i32
          %dma_wait3A_275 = arith.constant 0 : i32
          %dma_wait3A_276 = arith.constant 0 : i32
          %dma_wait3A_277 = arith.constant 0 : i32
          %dma_wait3A_278 = tpu.memref_slice %arg8[%dma_wait3A_274, %dma_wait3A_276, %dma_wait3A_277] : memref<4x128x16xf32, #tpu.memory_space<vmem>> -> memref<1x128x16xf32, #tpu.memory_space<vmem>>
          %dma_wait3A_279 = tpu.memref_squeeze %dma_wait3A_278 : memref<1x128x16xf32, #tpu.memory_space<vmem>> -> memref<128x16xf32, #tpu.memory_space<vmem>>
          %dma_wait3A_280 = arith.constant 0 : i32
          %dma_wait3A_281 = tpu.memref_slice %arg7[%dma_wait3A_275, %dma_wait3A_280] : memref<200x128xi32, #tpu.memory_space<vmem>> -> memref<1x128xi32, #tpu.memory_space<vmem>>
          %dma_wait3A_282 = tpu.memref_squeeze %dma_wait3A_281 : memref<1x128xi32, #tpu.memory_space<vmem>> -> memref<128xi32, #tpu.memory_space<vmem>>
          %dma_wait3A_283 = arith.constant 0 : i32
          %dma_wait3A_284 = arith.constant 0 : i32
          %dma_wait3A_285 = tpu.memref_slice %arg10[%dma_wait3A_283, %dma_wait3A_284] : memref<50176x16xf32, #tpu.memory_space<vmem_shared>> -> memref<50176x16xf32, #tpu.memory_space<vmem_shared>>
          tpu.wait_indirect_dma semaphore(%arg18 : memref<!tpu.dma_semaphore, #tpu.memory_space<semaphore_mem>>) src(%dma_wait3A_279 : memref<128x16xf32, #tpu.memory_space<vmem>>) dst(%dma_wait3A_285 : memref<50176x16xf32, #tpu.memory_space<vmem_shared>>)
        } else {
        }
        %add3A_261 = arith.constant 2 : i32
        %add3A_262 = arith.addi %add3A_162, %add3A_261 : i32
        %dma_start3A_263 = arith.constant 3 : i32
        %dma_start3A_264 = arith.constant 0 : i32
        %dma_start3A_265 = arith.constant 0 : i32
        %dma_start3A_266 = tpu.memref_slice %arg8[%dma_start3A_263, %dma_start3A_264, %dma_start3A_265] : memref<4x128x16xf32, #tpu.memory_space<vmem>> -> memref<1x128x16xf32, #tpu.memory_space<vmem>>
        %dma_start3A_267 = tpu.memref_squeeze %dma_start3A_266 : memref<1x128x16xf32, #tpu.memory_space<vmem>> -> memref<128x16xf32, #tpu.memory_space<vmem>>
        %dma_start3A_268 = arith.constant 0 : i32
        %dma_start3A_269 = tpu.memref_slice %arg6[%add3A_262, %dma_start3A_268] : memref<200x128xi32, #tpu.memory_space<vmem>> -> memref<1x128xi32, #tpu.memory_space<vmem>>
        %dma_start3A_270 = tpu.memref_squeeze %dma_start3A_269 : memref<1x128xi32, #tpu.memory_space<vmem>> -> memref<128xi32, #tpu.memory_space<vmem>>
        %dma_start3A_271 = arith.constant 0 : i32
        %dma_start3A_272 = arith.constant 0 : i32
        %dma_start3A_273 = tpu.memref_slice %arg4[%dma_start3A_271, %dma_start3A_272] : memref<50000x16xf32, #tpu.memory_space<hbm>> -> memref<50000x16xf32, #tpu.memory_space<hbm>>
        tpu.enqueue_indirect_dma source(%dma_start3A_273 : memref<50000x16xf32, #tpu.memory_space<hbm>>) target(%dma_start3A_267 : memref<128x16xf32, #tpu.memory_space<vmem>>) offsets(%dma_start3A_270 : memref<128xi32, #tpu.memory_space<vmem>>) semaphore(%arg14 : memref<!tpu.dma_semaphore, #tpu.memory_space<semaphore_mem>>)
      } else {
      }
      %add3A_193 = arith.constant 2 : i32
      %add3A_194 = arith.addi %add3A_128, %add3A_193 : i32
      %dma_wait3A_195 = arith.constant 2 : i32
      %dma_wait3A_196 = arith.constant 2 : i32
      %dma_wait3A_197 = arith.constant 0 : i32
      %dma_wait3A_198 = arith.constant 0 : i32
      %dma_wait3A_199 = tpu.memref_slice %arg8[%dma_wait3A_196, %dma_wait3A_197, %dma_wait3A_198] : memref<4x128x16xf32, #tpu.memory_space<vmem>> -> memref<1x128x16xf32, #tpu.memory_space<vmem>>
      %dma_wait3A_200 = tpu.memref_squeeze %dma_wait3A_199 : memref<1x128x16xf32, #tpu.memory_space<vmem>> -> memref<128x16xf32, #tpu.memory_space<vmem>>
      %dma_wait3A_201 = arith.constant 0 : i32
      %dma_wait3A_202 = tpu.memref_slice %arg6[%dma_wait3A_195, %dma_wait3A_201] : memref<200x128xi32, #tpu.memory_space<vmem>> -> memref<1x128xi32, #tpu.memory_space<vmem>>
      %dma_wait3A_203 = tpu.memref_squeeze %dma_wait3A_202 : memref<1x128xi32, #tpu.memory_space<vmem>> -> memref<128xi32, #tpu.memory_space<vmem>>
      %dma_wait3A_204 = arith.constant 0 : i32
      %dma_wait3A_205 = arith.constant 0 : i32
      %dma_wait3A_206 = tpu.memref_slice %arg4[%dma_wait3A_204, %dma_wait3A_205] : memref<50000x16xf32, #tpu.memory_space<hbm>> -> memref<50000x16xf32, #tpu.memory_space<hbm>>
      tpu.wait_indirect_dma semaphore(%arg13 : memref<!tpu.dma_semaphore, #tpu.memory_space<semaphore_mem>>) src(%dma_wait3A_206 : memref<50000x16xf32, #tpu.memory_space<hbm>>) dst(%dma_wait3A_200 : memref<128x16xf32, #tpu.memory_space<vmem>>)
      %dma_start3A_207 = arith.constant 2 : i32
      %dma_start3A_208 = arith.constant 0 : i32
      %dma_start3A_209 = arith.constant 0 : i32
      %dma_start3A_210 = tpu.memref_slice %arg8[%dma_start3A_207, %dma_start3A_208, %dma_start3A_209] : memref<4x128x16xf32, #tpu.memory_space<vmem>> -> memref<1x128x16xf32, #tpu.memory_space<vmem>>
      %dma_start3A_211 = tpu.memref_squeeze %dma_start3A_210 : memref<1x128x16xf32, #tpu.memory_space<vmem>> -> memref<128x16xf32, #tpu.memory_space<vmem>>
      %dma_start3A_212 = arith.constant 0 : i32
      %dma_start3A_213 = tpu.memref_slice %arg7[%add3A_194, %dma_start3A_212] : memref<200x128xi32, #tpu.memory_space<vmem>> -> memref<1x128xi32, #tpu.memory_space<vmem>>
      %dma_start3A_214 = tpu.memref_squeeze %dma_start3A_213 : memref<1x128xi32, #tpu.memory_space<vmem>> -> memref<128xi32, #tpu.memory_space<vmem>>
      %dma_start3A_215 = arith.constant 0 : i32
      %dma_start3A_216 = arith.constant 0 : i32
      %dma_start3A_217 = tpu.memref_slice %arg10[%dma_start3A_215, %dma_start3A_216] : memref<50176x16xf32, #tpu.memory_space<vmem_shared>> -> memref<50176x16xf32, #tpu.memory_space<vmem_shared>>
      tpu.enqueue_indirect_dma source(%dma_start3A_211 : memref<128x16xf32, #tpu.memory_space<vmem>>) target(%dma_start3A_217 : memref<50176x16xf32, #tpu.memory_space<vmem_shared>>) offsets(%dma_start3A_214 : memref<128xi32, #tpu.memory_space<vmem>>) semaphore(%arg17 : memref<!tpu.dma_semaphore, #tpu.memory_space<semaphore_mem>>) {add = true}
      %add3A_218 = arith.constant 2 : i32
      %add3A_219 = arith.addi %add3A_194, %add3A_218 : i32
      %lt3A_220 = arith.constant 200 : i32
      %lt3A_221 = arith.cmpi slt, %add3A_219, %lt3A_220 : i32
      %convert_element_type3A_222 = arith.extui %lt3A_221 : i1 to i32
      %cond3A_223 = arith.constant 0 : i32
      %cond3A_224 = arith.cmpi ne, %convert_element_type3A_222, %cond3A_223 : i32
      scf.if %cond3A_224 {
        %ge3A = arith.constant 2 : i32
        %ge3A_257 = arith.cmpi sge, %add3A_194, %ge3A : i32
        %convert_element_type3A_258 = arith.extui %ge3A_257 : i1 to i32
        %cond3A_259 = arith.constant 0 : i32
        %cond3A_260 = arith.cmpi ne, %convert_element_type3A_258, %cond3A_259 : i32
        scf.if %cond3A_260 {
          %dma_wait3A_274 = arith.constant 0 : i32
          %dma_wait3A_275 = arith.constant 0 : i32
          %dma_wait3A_276 = arith.constant 0 : i32
          %dma_wait3A_277 = arith.constant 0 : i32
          %dma_wait3A_278 = tpu.memref_slice %arg8[%dma_wait3A_274, %dma_wait3A_276, %dma_wait3A_277] : memref<4x128x16xf32, #tpu.memory_space<vmem>> -> memref<1x128x16xf32, #tpu.memory_space<vmem>>
          %dma_wait3A_279 = tpu.memref_squeeze %dma_wait3A_278 : memref<1x128x16xf32, #tpu.memory_space<vmem>> -> memref<128x16xf32, #tpu.memory_space<vmem>>
          %dma_wait3A_280 = arith.constant 0 : i32
          %dma_wait3A_281 = tpu.memref_slice %arg7[%dma_wait3A_275, %dma_wait3A_280] : memref<200x128xi32, #tpu.memory_space<vmem>> -> memref<1x128xi32, #tpu.memory_space<vmem>>
          %dma_wait3A_282 = tpu.memref_squeeze %dma_wait3A_281 : memref<1x128xi32, #tpu.memory_space<vmem>> -> memref<128xi32, #tpu.memory_space<vmem>>
          %dma_wait3A_283 = arith.constant 0 : i32
          %dma_wait3A_284 = arith.constant 0 : i32
          %dma_wait3A_285 = tpu.memref_slice %arg10[%dma_wait3A_283, %dma_wait3A_284] : memref<50176x16xf32, #tpu.memory_space<vmem_shared>> -> memref<50176x16xf32, #tpu.memory_space<vmem_shared>>
          tpu.wait_indirect_dma semaphore(%arg15 : memref<!tpu.dma_semaphore, #tpu.memory_space<semaphore_mem>>) src(%dma_wait3A_279 : memref<128x16xf32, #tpu.memory_space<vmem>>) dst(%dma_wait3A_285 : memref<50176x16xf32, #tpu.memory_space<vmem_shared>>)
        } else {
        }
        %add3A_261 = arith.constant 2 : i32
        %add3A_262 = arith.addi %add3A_194, %add3A_261 : i32
        %dma_start3A_263 = arith.constant 0 : i32
        %dma_start3A_264 = arith.constant 0 : i32
        %dma_start3A_265 = arith.constant 0 : i32
        %dma_start3A_266 = tpu.memref_slice %arg8[%dma_start3A_263, %dma_start3A_264, %dma_start3A_265] : memref<4x128x16xf32, #tpu.memory_space<vmem>> -> memref<1x128x16xf32, #tpu.memory_space<vmem>>
        %dma_start3A_267 = tpu.memref_squeeze %dma_start3A_266 : memref<1x128x16xf32, #tpu.memory_space<vmem>> -> memref<128x16xf32, #tpu.memory_space<vmem>>
        %dma_start3A_268 = arith.constant 0 : i32
        %dma_start3A_269 = tpu.memref_slice %arg6[%add3A_262, %dma_start3A_268] : memref<200x128xi32, #tpu.memory_space<vmem>> -> memref<1x128xi32, #tpu.memory_space<vmem>>
        %dma_start3A_270 = tpu.memref_squeeze %dma_start3A_269 : memref<1x128xi32, #tpu.memory_space<vmem>> -> memref<128xi32, #tpu.memory_space<vmem>>
        %dma_start3A_271 = arith.constant 0 : i32
        %dma_start3A_272 = arith.constant 0 : i32
        %dma_start3A_273 = tpu.memref_slice %arg4[%dma_start3A_271, %dma_start3A_272] : memref<50000x16xf32, #tpu.memory_space<hbm>> -> memref<50000x16xf32, #tpu.memory_space<hbm>>
        tpu.enqueue_indirect_dma source(%dma_start3A_273 : memref<50000x16xf32, #tpu.memory_space<hbm>>) target(%dma_start3A_267 : memref<128x16xf32, #tpu.memory_space<vmem>>) offsets(%dma_start3A_270 : memref<128xi32, #tpu.memory_space<vmem>>) semaphore(%arg11 : memref<!tpu.dma_semaphore, #tpu.memory_space<semaphore_mem>>)
      } else {
      }
      %add3A_225 = arith.constant 3 : i32
      %add3A_226 = arith.addi %add3A_128, %add3A_225 : i32
      %dma_wait3A_227 = arith.constant 3 : i32
      %dma_wait3A_228 = arith.constant 3 : i32
      %dma_wait3A_229 = arith.constant 0 : i32
      %dma_wait3A_230 = arith.constant 0 : i32
      %dma_wait3A_231 = tpu.memref_slice %arg8[%dma_wait3A_228, %dma_wait3A_229, %dma_wait3A_230] : memref<4x128x16xf32, #tpu.memory_space<vmem>> -> memref<1x128x16xf32, #tpu.memory_space<vmem>>
      %dma_wait3A_232 = tpu.memref_squeeze %dma_wait3A_231 : memref<1x128x16xf32, #tpu.memory_space<vmem>> -> memref<128x16xf32, #tpu.memory_space<vmem>>
      %dma_wait3A_233 = arith.constant 0 : i32
      %dma_wait3A_234 = tpu.memref_slice %arg6[%dma_wait3A_227, %dma_wait3A_233] : memref<200x128xi32, #tpu.memory_space<vmem>> -> memref<1x128xi32, #tpu.memory_space<vmem>>
      %dma_wait3A_235 = tpu.memref_squeeze %dma_wait3A_234 : memref<1x128xi32, #tpu.memory_space<vmem>> -> memref<128xi32, #tpu.memory_space<vmem>>
      %dma_wait3A_236 = arith.constant 0 : i32
      %dma_wait3A_237 = arith.constant 0 : i32
      %dma_wait3A_238 = tpu.memref_slice %arg4[%dma_wait3A_236, %dma_wait3A_237] : memref<50000x16xf32, #tpu.memory_space<hbm>> -> memref<50000x16xf32, #tpu.memory_space<hbm>>
      tpu.wait_indirect_dma semaphore(%arg14 : memref<!tpu.dma_semaphore, #tpu.memory_space<semaphore_mem>>) src(%dma_wait3A_238 : memref<50000x16xf32, #tpu.memory_space<hbm>>) dst(%dma_wait3A_232 : memref<128x16xf32, #tpu.memory_space<vmem>>)
      %dma_start3A_239 = arith.constant 3 : i32
      %dma_start3A_240 = arith.constant 0 : i32
      %dma_start3A_241 = arith.constant 0 : i32
      %dma_start3A_242 = tpu.memref_slice %arg8[%dma_start3A_239, %dma_start3A_240, %dma_start3A_241] : memref<4x128x16xf32, #tpu.memory_space<vmem>> -> memref<1x128x16xf32, #tpu.memory_space<vmem>>
      %dma_start3A_243 = tpu.memref_squeeze %dma_start3A_242 : memref<1x128x16xf32, #tpu.memory_space<vmem>> -> memref<128x16xf32, #tpu.memory_space<vmem>>
      %dma_start3A_244 = arith.constant 0 : i32
      %dma_start3A_245 = tpu.memref_slice %arg7[%add3A_226, %dma_start3A_244] : memref<200x128xi32, #tpu.memory_space<vmem>> -> memref<1x128xi32, #tpu.memory_space<vmem>>
      %dma_start3A_246 = tpu.memref_squeeze %dma_start3A_245 : memref<1x128xi32, #tpu.memory_space<vmem>> -> memref<128xi32, #tpu.memory_space<vmem>>
      %dma_start3A_247 = arith.constant 0 : i32
      %dma_start3A_248 = arith.constant 0 : i32
      %dma_start3A_249 = tpu.memref_slice %arg10[%dma_start3A_247, %dma_start3A_248] : memref<50176x16xf32, #tpu.memory_space<vmem_shared>> -> memref<50176x16xf32, #tpu.memory_space<vmem_shared>>
      tpu.enqueue_indirect_dma source(%dma_start3A_243 : memref<128x16xf32, #tpu.memory_space<vmem>>) target(%dma_start3A_249 : memref<50176x16xf32, #tpu.memory_space<vmem_shared>>) offsets(%dma_start3A_246 : memref<128xi32, #tpu.memory_space<vmem>>) semaphore(%arg18 : memref<!tpu.dma_semaphore, #tpu.memory_space<semaphore_mem>>) {add = true}
      %add3A_250 = arith.constant 2 : i32
      %add3A_251 = arith.addi %add3A_226, %add3A_250 : i32
      %lt3A_252 = arith.constant 200 : i32
      %lt3A_253 = arith.cmpi slt, %add3A_251, %lt3A_252 : i32
      %convert_element_type3A_254 = arith.extui %lt3A_253 : i1 to i32
      %cond3A_255 = arith.constant 0 : i32
      %cond3A_256 = arith.cmpi ne, %convert_element_type3A_254, %cond3A_255 : i32
      scf.if %cond3A_256 {
        %ge3A = arith.constant 2 : i32
        %ge3A_257 = arith.cmpi sge, %add3A_226, %ge3A : i32
        %convert_element_type3A_258 = arith.extui %ge3A_257 : i1 to i32
        %cond3A_259 = arith.constant 0 : i32
        %cond3A_260 = arith.cmpi ne, %convert_element_type3A_258, %cond3A_259 : i32
        scf.if %cond3A_260 {
          %dma_wait3A_274 = arith.constant 1 : i32
          %dma_wait3A_275 = arith.constant 0 : i32
          %dma_wait3A_276 = arith.constant 0 : i32
          %dma_wait3A_277 = arith.constant 0 : i32
          %dma_wait3A_278 = tpu.memref_slice %arg8[%dma_wait3A_274, %dma_wait3A_276, %dma_wait3A_277] : memref<4x128x16xf32, #tpu.memory_space<vmem>> -> memref<1x128x16xf32, #tpu.memory_space<vmem>>
          %dma_wait3A_279 = tpu.memref_squeeze %dma_wait3A_278 : memref<1x128x16xf32, #tpu.memory_space<vmem>> -> memref<128x16xf32, #tpu.memory_space<vmem>>
          %dma_wait3A_280 = arith.constant 0 : i32
          %dma_wait3A_281 = tpu.memref_slice %arg7[%dma_wait3A_275, %dma_wait3A_280] : memref<200x128xi32, #tpu.memory_space<vmem>> -> memref<1x128xi32, #tpu.memory_space<vmem>>
          %dma_wait3A_282 = tpu.memref_squeeze %dma_wait3A_281 : memref<1x128xi32, #tpu.memory_space<vmem>> -> memref<128xi32, #tpu.memory_space<vmem>>
          %dma_wait3A_283 = arith.constant 0 : i32
          %dma_wait3A_284 = arith.constant 0 : i32
          %dma_wait3A_285 = tpu.memref_slice %arg10[%dma_wait3A_283, %dma_wait3A_284] : memref<50176x16xf32, #tpu.memory_space<vmem_shared>> -> memref<50176x16xf32, #tpu.memory_space<vmem_shared>>
          tpu.wait_indirect_dma semaphore(%arg16 : memref<!tpu.dma_semaphore, #tpu.memory_space<semaphore_mem>>) src(%dma_wait3A_279 : memref<128x16xf32, #tpu.memory_space<vmem>>) dst(%dma_wait3A_285 : memref<50176x16xf32, #tpu.memory_space<vmem_shared>>)
        } else {
        }
        %add3A_261 = arith.constant 2 : i32
        %add3A_262 = arith.addi %add3A_226, %add3A_261 : i32
        %dma_start3A_263 = arith.constant 1 : i32
        %dma_start3A_264 = arith.constant 0 : i32
        %dma_start3A_265 = arith.constant 0 : i32
        %dma_start3A_266 = tpu.memref_slice %arg8[%dma_start3A_263, %dma_start3A_264, %dma_start3A_265] : memref<4x128x16xf32, #tpu.memory_space<vmem>> -> memref<1x128x16xf32, #tpu.memory_space<vmem>>
        %dma_start3A_267 = tpu.memref_squeeze %dma_start3A_266 : memref<1x128x16xf32, #tpu.memory_space<vmem>> -> memref<128x16xf32, #tpu.memory_space<vmem>>
        %dma_start3A_268 = arith.constant 0 : i32
        %dma_start3A_269 = tpu.memref_slice %arg6[%add3A_262, %dma_start3A_268] : memref<200x128xi32, #tpu.memory_space<vmem>> -> memref<1x128xi32, #tpu.memory_space<vmem>>
        %dma_start3A_270 = tpu.memref_squeeze %dma_start3A_269 : memref<1x128xi32, #tpu.memory_space<vmem>> -> memref<128xi32, #tpu.memory_space<vmem>>
        %dma_start3A_271 = arith.constant 0 : i32
        %dma_start3A_272 = arith.constant 0 : i32
        %dma_start3A_273 = tpu.memref_slice %arg4[%dma_start3A_271, %dma_start3A_272] : memref<50000x16xf32, #tpu.memory_space<hbm>> -> memref<50000x16xf32, #tpu.memory_space<hbm>>
        tpu.enqueue_indirect_dma source(%dma_start3A_273 : memref<50000x16xf32, #tpu.memory_space<hbm>>) target(%dma_start3A_267 : memref<128x16xf32, #tpu.memory_space<vmem>>) offsets(%dma_start3A_270 : memref<128xi32, #tpu.memory_space<vmem>>) semaphore(%arg12 : memref<!tpu.dma_semaphore, #tpu.memory_space<semaphore_mem>>)
      } else {
      }
    }
    %scan3A_41 = arith.constant 50 : i32
    %dma_wait3A = arith.constant 0 : i32
    %dma_wait3A_42 = arith.constant 0 : i32
    %dma_wait3A_43 = arith.constant 0 : i32
    %dma_wait3A_44 = arith.constant 0 : i32
    %dma_wait3A_45 = tpu.memref_slice %arg8[%dma_wait3A, %dma_wait3A_43, %dma_wait3A_44] : memref<4x128x16xf32, #tpu.memory_space<vmem>> -> memref<1x128x16xf32, #tpu.memory_space<vmem>>
    %dma_wait3A_46 = tpu.memref_squeeze %dma_wait3A_45 : memref<1x128x16xf32, #tpu.memory_space<vmem>> -> memref<128x16xf32, #tpu.memory_space<vmem>>
    %dma_wait3A_47 = arith.constant 0 : i32
    %dma_wait3A_48 = tpu.memref_slice %arg7[%dma_wait3A_42, %dma_wait3A_47] : memref<200x128xi32, #tpu.memory_space<vmem>> -> memref<1x128xi32, #tpu.memory_space<vmem>>
    %dma_wait3A_49 = tpu.memref_squeeze %dma_wait3A_48 : memref<1x128xi32, #tpu.memory_space<vmem>> -> memref<128xi32, #tpu.memory_space<vmem>>
    %dma_wait3A_50 = arith.constant 0 : i32
    %dma_wait3A_51 = arith.constant 0 : i32
    %dma_wait3A_52 = tpu.memref_slice %arg10[%dma_wait3A_50, %dma_wait3A_51] : memref<50176x16xf32, #tpu.memory_space<vmem_shared>> -> memref<50176x16xf32, #tpu.memory_space<vmem_shared>>
    tpu.wait_indirect_dma semaphore(%arg15 : memref<!tpu.dma_semaphore, #tpu.memory_space<semaphore_mem>>) src(%dma_wait3A_46 : memref<128x16xf32, #tpu.memory_space<vmem>>) dst(%dma_wait3A_52 : memref<50176x16xf32, #tpu.memory_space<vmem_shared>>)
    %dma_wait3A_53 = arith.constant 1 : i32
    %dma_wait3A_54 = arith.constant 0 : i32
    %dma_wait3A_55 = arith.constant 0 : i32
    %dma_wait3A_56 = arith.constant 0 : i32
    %dma_wait3A_57 = tpu.memref_slice %arg8[%dma_wait3A_53, %dma_wait3A_55, %dma_wait3A_56] : memref<4x128x16xf32, #tpu.memory_space<vmem>> -> memref<1x128x16xf32, #tpu.memory_space<vmem>>
    %dma_wait3A_58 = tpu.memref_squeeze %dma_wait3A_57 : memref<1x128x16xf32, #tpu.memory_space<vmem>> -> memref<128x16xf32, #tpu.memory_space<vmem>>
    %dma_wait3A_59 = arith.constant 0 : i32
    %dma_wait3A_60 = tpu.memref_slice %arg7[%dma_wait3A_54, %dma_wait3A_59] : memref<200x128xi32, #tpu.memory_space<vmem>> -> memref<1x128xi32, #tpu.memory_space<vmem>>
    %dma_wait3A_61 = tpu.memref_squeeze %dma_wait3A_60 : memref<1x128xi32, #tpu.memory_space<vmem>> -> memref<128xi32, #tpu.memory_space<vmem>>
    %dma_wait3A_62 = arith.constant 0 : i32
    %dma_wait3A_63 = arith.constant 0 : i32
    %dma_wait3A_64 = tpu.memref_slice %arg10[%dma_wait3A_62, %dma_wait3A_63] : memref<50176x16xf32, #tpu.memory_space<vmem_shared>> -> memref<50176x16xf32, #tpu.memory_space<vmem_shared>>
    tpu.wait_indirect_dma semaphore(%arg16 : memref<!tpu.dma_semaphore, #tpu.memory_space<semaphore_mem>>) src(%dma_wait3A_58 : memref<128x16xf32, #tpu.memory_space<vmem>>) dst(%dma_wait3A_64 : memref<50176x16xf32, #tpu.memory_space<vmem_shared>>)
    %dma_wait3A_65 = arith.constant 2 : i32
    %dma_wait3A_66 = arith.constant 0 : i32
    %dma_wait3A_67 = arith.constant 0 : i32
    %dma_wait3A_68 = arith.constant 0 : i32
    %dma_wait3A_69 = tpu.memref_slice %arg8[%dma_wait3A_65, %dma_wait3A_67, %dma_wait3A_68] : memref<4x128x16xf32, #tpu.memory_space<vmem>> -> memref<1x128x16xf32, #tpu.memory_space<vmem>>
    %dma_wait3A_70 = tpu.memref_squeeze %dma_wait3A_69 : memref<1x128x16xf32, #tpu.memory_space<vmem>> -> memref<128x16xf32, #tpu.memory_space<vmem>>
    %dma_wait3A_71 = arith.constant 0 : i32
    %dma_wait3A_72 = tpu.memref_slice %arg7[%dma_wait3A_66, %dma_wait3A_71] : memref<200x128xi32, #tpu.memory_space<vmem>> -> memref<1x128xi32, #tpu.memory_space<vmem>>
    %dma_wait3A_73 = tpu.memref_squeeze %dma_wait3A_72 : memref<1x128xi32, #tpu.memory_space<vmem>> -> memref<128xi32, #tpu.memory_space<vmem>>
    %dma_wait3A_74 = arith.constant 0 : i32
    %dma_wait3A_75 = arith.constant 0 : i32
    %dma_wait3A_76 = tpu.memref_slice %arg10[%dma_wait3A_74, %dma_wait3A_75] : memref<50176x16xf32, #tpu.memory_space<vmem_shared>> -> memref<50176x16xf32, #tpu.memory_space<vmem_shared>>
    tpu.wait_indirect_dma semaphore(%arg17 : memref<!tpu.dma_semaphore, #tpu.memory_space<semaphore_mem>>) src(%dma_wait3A_70 : memref<128x16xf32, #tpu.memory_space<vmem>>) dst(%dma_wait3A_76 : memref<50176x16xf32, #tpu.memory_space<vmem_shared>>)
    %dma_wait3A_77 = arith.constant 3 : i32
    %dma_wait3A_78 = arith.constant 0 : i32
    %dma_wait3A_79 = arith.constant 0 : i32
    %dma_wait3A_80 = arith.constant 0 : i32
    %dma_wait3A_81 = tpu.memref_slice %arg8[%dma_wait3A_77, %dma_wait3A_79, %dma_wait3A_80] : memref<4x128x16xf32, #tpu.memory_space<vmem>> -> memref<1x128x16xf32, #tpu.memory_space<vmem>>
    %dma_wait3A_82 = tpu.memref_squeeze %dma_wait3A_81 : memref<1x128x16xf32, #tpu.memory_space<vmem>> -> memref<128x16xf32, #tpu.memory_space<vmem>>
    %dma_wait3A_83 = arith.constant 0 : i32
    %dma_wait3A_84 = tpu.memref_slice %arg7[%dma_wait3A_78, %dma_wait3A_83] : memref<200x128xi32, #tpu.memory_space<vmem>> -> memref<1x128xi32, #tpu.memory_space<vmem>>
    %dma_wait3A_85 = tpu.memref_squeeze %dma_wait3A_84 : memref<1x128xi32, #tpu.memory_space<vmem>> -> memref<128xi32, #tpu.memory_space<vmem>>
    %dma_wait3A_86 = arith.constant 0 : i32
    %dma_wait3A_87 = arith.constant 0 : i32
    %dma_wait3A_88 = tpu.memref_slice %arg10[%dma_wait3A_86, %dma_wait3A_87] : memref<50176x16xf32, #tpu.memory_space<vmem_shared>> -> memref<50176x16xf32, #tpu.memory_space<vmem_shared>>
    tpu.wait_indirect_dma semaphore(%arg18 : memref<!tpu.dma_semaphore, #tpu.memory_space<semaphore_mem>>) src(%dma_wait3A_82 : memref<128x16xf32, #tpu.memory_space<vmem>>) dst(%dma_wait3A_88 : memref<50176x16xf32, #tpu.memory_space<vmem_shared>>)
    %barrier3A_89 = arith.constant 0 : index
    tpu.barrier barrier_id(%barrier3A_89)
    %mul3A_90 = arith.constant 3136 : i32
    %mul3A_91 = arith.muli %arg1, %mul3A_90 : i32
    %add3A_92 = arith.constant 0 : i32
    %add3A_93 = arith.addi %mul3A_91, %add3A_92 : i32
    "tpu.region"() ({
      %run_scoped3A = tpu.sem_alloc : memref<!tpu.dma_semaphore, #tpu.memory_space<semaphore_mem>>
      %dma_start3A_124 = arith.constant 0 : i32
      %dma_start3A_125 = tpu.memref_slice %arg10[%add3A_93, %dma_start3A_124] : memref<50176x16xf32, #tpu.memory_space<vmem_shared>> -> memref<448x16xf32, #tpu.memory_space<vmem_shared>>
      %dma_start3A_126 = arith.constant 0 : i32
      %dma_start3A_127 = tpu.memref_slice %arg10[%add3A_93, %dma_start3A_126] : memref<50176x16xf32, #tpu.memory_space<vmem_shared>> -> memref<448x16xf32, #tpu.memory_space<vmem_shared>>
      tpu.enqueue_dma source(%dma_start3A_127 : memref<448x16xf32, #tpu.memory_space<vmem_shared>>) target(%arg9 : memref<448x16xf32, #tpu.memory_space<vmem>>) target_semaphore(%run_scoped3A : memref<!tpu.dma_semaphore, #tpu.memory_space<semaphore_mem>>)
      %dma_wait3A_128 = arith.constant 0 : i32
      %dma_wait3A_129 = tpu.memref_slice %arg10[%add3A_93, %dma_wait3A_128] : memref<50176x16xf32, #tpu.memory_space<vmem_shared>> -> memref<448x16xf32, #tpu.memory_space<vmem_shared>>
      %dma_wait3A_130 = arith.constant 0 : i32
      %dma_wait3A_131 = tpu.memref_slice %arg10[%add3A_93, %dma_wait3A_130] : memref<50176x16xf32, #tpu.memory_space<vmem_shared>> -> memref<448x16xf32, #tpu.memory_space<vmem_shared>>
      tpu.wait_dma2 semaphore(%run_scoped3A : memref<!tpu.dma_semaphore, #tpu.memory_space<semaphore_mem>>) src(%dma_wait3A_131 : memref<448x16xf32, #tpu.memory_space<vmem_shared>>) dst(%arg9 : memref<448x16xf32, #tpu.memory_space<vmem>>)
      tpu.yield
    }) : () -> ()
    "tpu.region"() ({
      %run_scoped3A = tpu.sem_alloc : memref<!tpu.dma_semaphore, #tpu.memory_space<semaphore_mem>>
      %dma_start3A_124 = arith.constant 0 : i32
      %dma_start3A_125 = tpu.memref_slice %arg5[%arg0, %add3A_93, %dma_start3A_124] : memref<2x50000x16xf32, #tpu.memory_space<hbm>> -> memref<1x448x16xf32, #tpu.memory_space<hbm>>
      %dma_start3A_126 = tpu.memref_squeeze %dma_start3A_125 : memref<1x448x16xf32, #tpu.memory_space<hbm>> -> memref<448x16xf32, #tpu.memory_space<hbm>>
      %dma_start3A_127 = arith.constant 0 : i32
      %dma_start3A_128 = tpu.memref_slice %arg5[%arg0, %add3A_93, %dma_start3A_127] : memref<2x50000x16xf32, #tpu.memory_space<hbm>> -> memref<1x448x16xf32, #tpu.memory_space<hbm>>
      %dma_start3A_129 = tpu.memref_squeeze %dma_start3A_128 : memref<1x448x16xf32, #tpu.memory_space<hbm>> -> memref<448x16xf32, #tpu.memory_space<hbm>>
      tpu.enqueue_dma source(%arg9 : memref<448x16xf32, #tpu.memory_space<vmem>>) target(%dma_start3A_129 : memref<448x16xf32, #tpu.memory_space<hbm>>) target_semaphore(%run_scoped3A : memref<!tpu.dma_semaphore, #tpu.memory_space<semaphore_mem>>)
      %dma_wait3A_130 = arith.constant 0 : i32
      %dma_wait3A_131 = tpu.memref_slice %arg5[%arg0, %add3A_93, %dma_wait3A_130] : memref<2x50000x16xf32, #tpu.memory_space<hbm>> -> memref<1x448x16xf32, #tpu.memory_space<hbm>>
      %dma_wait3A_132 = tpu.memref_squeeze %dma_wait3A_131 : memref<1x448x16xf32, #tpu.memory_space<hbm>> -> memref<448x16xf32, #tpu.memory_space<hbm>>
      %dma_wait3A_133 = arith.constant 0 : i32
      %dma_wait3A_134 = tpu.memref_slice %arg5[%arg0, %add3A_93, %dma_wait3A_133] : memref<2x50000x16xf32, #tpu.memory_space<hbm>> -> memref<1x448x16xf32, #tpu.memory_space<hbm>>
      %dma_wait3A_135 = tpu.memref_squeeze %dma_wait3A_134 : memref<1x448x16xf32, #tpu.memory_space<hbm>> -> memref<448x16xf32, #tpu.memory_space<hbm>>
      tpu.wait_dma2 semaphore(%run_scoped3A : memref<!tpu.dma_semaphore, #tpu.memory_space<semaphore_mem>>) src(%arg9 : memref<448x16xf32, #tpu.memory_space<vmem>>) dst(%dma_wait3A_135 : memref<448x16xf32, #tpu.memory_space<hbm>>)
      tpu.yield
    }) : () -> ()
    %mul3A_94 = arith.constant 3136 : i32
    %mul3A_95 = arith.muli %arg1, %mul3A_94 : i32
    %add3A_96 = arith.constant 448 : i32
    %add3A_97 = arith.addi %mul3A_95, %add3A_96 : i32
    "tpu.region"() ({
      %run_scoped3A = tpu.sem_alloc : memref<!tpu.dma_semaphore, #tpu.memory_space<semaphore_mem>>
      %dma_start3A_124 = arith.constant 0 : i32
      %dma_start3A_125 = tpu.memref_slice %arg10[%add3A_97, %dma_start3A_124] : memref<50176x16xf32, #tpu.memory_space<vmem_shared>> -> memref<448x16xf32, #tpu.memory_space<vmem_shared>>
      %dma_start3A_126 = arith.constant 0 : i32
      %dma_start3A_127 = tpu.memref_slice %arg10[%add3A_97, %dma_start3A_126] : memref<50176x16xf32, #tpu.memory_space<vmem_shared>> -> memref<448x16xf32, #tpu.memory_space<vmem_shared>>
      tpu.enqueue_dma source(%dma_start3A_127 : memref<448x16xf32, #tpu.memory_space<vmem_shared>>) target(%arg9 : memref<448x16xf32, #tpu.memory_space<vmem>>) target_semaphore(%run_scoped3A : memref<!tpu.dma_semaphore, #tpu.memory_space<semaphore_mem>>)
      %dma_wait3A_128 = arith.constant 0 : i32
      %dma_wait3A_129 = tpu.memref_slice %arg10[%add3A_97, %dma_wait3A_128] : memref<50176x16xf32, #tpu.memory_space<vmem_shared>> -> memref<448x16xf32, #tpu.memory_space<vmem_shared>>
      %dma_wait3A_130 = arith.constant 0 : i32
      %dma_wait3A_131 = tpu.memref_slice %arg10[%add3A_97, %dma_wait3A_130] : memref<50176x16xf32, #tpu.memory_space<vmem_shared>> -> memref<448x16xf32, #tpu.memory_space<vmem_shared>>
      tpu.wait_dma2 semaphore(%run_scoped3A : memref<!tpu.dma_semaphore, #tpu.memory_space<semaphore_mem>>) src(%dma_wait3A_131 : memref<448x16xf32, #tpu.memory_space<vmem_shared>>) dst(%arg9 : memref<448x16xf32, #tpu.memory_space<vmem>>)
      tpu.yield
    }) : () -> ()
    "tpu.region"() ({
      %run_scoped3A = tpu.sem_alloc : memref<!tpu.dma_semaphore, #tpu.memory_space<semaphore_mem>>
      %dma_start3A_124 = arith.constant 0 : i32
      %dma_start3A_125 = tpu.memref_slice %arg5[%arg0, %add3A_97, %dma_start3A_124] : memref<2x50000x16xf32, #tpu.memory_space<hbm>> -> memref<1x448x16xf32, #tpu.memory_space<hbm>>
      %dma_start3A_126 = tpu.memref_squeeze %dma_start3A_125 : memref<1x448x16xf32, #tpu.memory_space<hbm>> -> memref<448x16xf32, #tpu.memory_space<hbm>>
      %dma_start3A_127 = arith.constant 0 : i32
      %dma_start3A_128 = tpu.memref_slice %arg5[%arg0, %add3A_97, %dma_start3A_127] : memref<2x50000x16xf32, #tpu.memory_space<hbm>> -> memref<1x448x16xf32, #tpu.memory_space<hbm>>
      %dma_start3A_129 = tpu.memref_squeeze %dma_start3A_128 : memref<1x448x16xf32, #tpu.memory_space<hbm>> -> memref<448x16xf32, #tpu.memory_space<hbm>>
      tpu.enqueue_dma source(%arg9 : memref<448x16xf32, #tpu.memory_space<vmem>>) target(%dma_start3A_129 : memref<448x16xf32, #tpu.memory_space<hbm>>) target_semaphore(%run_scoped3A : memref<!tpu.dma_semaphore, #tpu.memory_space<semaphore_mem>>)
      %dma_wait3A_130 = arith.constant 0 : i32
      %dma_wait3A_131 = tpu.memref_slice %arg5[%arg0, %add3A_97, %dma_wait3A_130] : memref<2x50000x16xf32, #tpu.memory_space<hbm>> -> memref<1x448x16xf32, #tpu.memory_space<hbm>>
      %dma_wait3A_132 = tpu.memref_squeeze %dma_wait3A_131 : memref<1x448x16xf32, #tpu.memory_space<hbm>> -> memref<448x16xf32, #tpu.memory_space<hbm>>
      %dma_wait3A_133 = arith.constant 0 : i32
      %dma_wait3A_134 = tpu.memref_slice %arg5[%arg0, %add3A_97, %dma_wait3A_133] : memref<2x50000x16xf32, #tpu.memory_space<hbm>> -> memref<1x448x16xf32, #tpu.memory_space<hbm>>
      %dma_wait3A_135 = tpu.memref_squeeze %dma_wait3A_134 : memref<1x448x16xf32, #tpu.memory_space<hbm>> -> memref<448x16xf32, #tpu.memory_space<hbm>>
      tpu.wait_dma2 semaphore(%run_scoped3A : memref<!tpu.dma_semaphore, #tpu.memory_space<semaphore_mem>>) src(%arg9 : memref<448x16xf32, #tpu.memory_space<vmem>>) dst(%dma_wait3A_135 : memref<448x16xf32, #tpu.memory_space<hbm>>)
      tpu.yield
    }) : () -> ()
    %mul3A_98 = arith.constant 3136 : i32
    %mul3A_99 = arith.muli %arg1, %mul3A_98 : i32
    %add3A_100 = arith.constant 896 : i32
    %add3A_101 = arith.addi %mul3A_99, %add3A_100 : i32
    "tpu.region"() ({
      %run_scoped3A = tpu.sem_alloc : memref<!tpu.dma_semaphore, #tpu.memory_space<semaphore_mem>>
      %dma_start3A_124 = arith.constant 0 : i32
      %dma_start3A_125 = tpu.memref_slice %arg10[%add3A_101, %dma_start3A_124] : memref<50176x16xf32, #tpu.memory_space<vmem_shared>> -> memref<448x16xf32, #tpu.memory_space<vmem_shared>>
      %dma_start3A_126 = arith.constant 0 : i32
      %dma_start3A_127 = tpu.memref_slice %arg10[%add3A_101, %dma_start3A_126] : memref<50176x16xf32, #tpu.memory_space<vmem_shared>> -> memref<448x16xf32, #tpu.memory_space<vmem_shared>>
      tpu.enqueue_dma source(%dma_start3A_127 : memref<448x16xf32, #tpu.memory_space<vmem_shared>>) target(%arg9 : memref<448x16xf32, #tpu.memory_space<vmem>>) target_semaphore(%run_scoped3A : memref<!tpu.dma_semaphore, #tpu.memory_space<semaphore_mem>>)
      %dma_wait3A_128 = arith.constant 0 : i32
      %dma_wait3A_129 = tpu.memref_slice %arg10[%add3A_101, %dma_wait3A_128] : memref<50176x16xf32, #tpu.memory_space<vmem_shared>> -> memref<448x16xf32, #tpu.memory_space<vmem_shared>>
      %dma_wait3A_130 = arith.constant 0 : i32
      %dma_wait3A_131 = tpu.memref_slice %arg10[%add3A_101, %dma_wait3A_130] : memref<50176x16xf32, #tpu.memory_space<vmem_shared>> -> memref<448x16xf32, #tpu.memory_space<vmem_shared>>
      tpu.wait_dma2 semaphore(%run_scoped3A : memref<!tpu.dma_semaphore, #tpu.memory_space<semaphore_mem>>) src(%dma_wait3A_131 : memref<448x16xf32, #tpu.memory_space<vmem_shared>>) dst(%arg9 : memref<448x16xf32, #tpu.memory_space<vmem>>)
      tpu.yield
    }) : () -> ()
    "tpu.region"() ({
      %run_scoped3A = tpu.sem_alloc : memref<!tpu.dma_semaphore, #tpu.memory_space<semaphore_mem>>
      %dma_start3A_124 = arith.constant 0 : i32
      %dma_start3A_125 = tpu.memref_slice %arg5[%arg0, %add3A_101, %dma_start3A_124] : memref<2x50000x16xf32, #tpu.memory_space<hbm>> -> memref<1x448x16xf32, #tpu.memory_space<hbm>>
      %dma_start3A_126 = tpu.memref_squeeze %dma_start3A_125 : memref<1x448x16xf32, #tpu.memory_space<hbm>> -> memref<448x16xf32, #tpu.memory_space<hbm>>
      %dma_start3A_127 = arith.constant 0 : i32
      %dma_start3A_128 = tpu.memref_slice %arg5[%arg0, %add3A_101, %dma_start3A_127] : memref<2x50000x16xf32, #tpu.memory_space<hbm>> -> memref<1x448x16xf32, #tpu.memory_space<hbm>>
      %dma_start3A_129 = tpu.memref_squeeze %dma_start3A_128 : memref<1x448x16xf32, #tpu.memory_space<hbm>> -> memref<448x16xf32, #tpu.memory_space<hbm>>
      tpu.enqueue_dma source(%arg9 : memref<448x16xf32, #tpu.memory_space<vmem>>) target(%dma_start3A_129 : memref<448x16xf32, #tpu.memory_space<hbm>>) target_semaphore(%run_scoped3A : memref<!tpu.dma_semaphore, #tpu.memory_space<semaphore_mem>>)
      %dma_wait3A_130 = arith.constant 0 : i32
      %dma_wait3A_131 = tpu.memref_slice %arg5[%arg0, %add3A_101, %dma_wait3A_130] : memref<2x50000x16xf32, #tpu.memory_space<hbm>> -> memref<1x448x16xf32, #tpu.memory_space<hbm>>
      %dma_wait3A_132 = tpu.memref_squeeze %dma_wait3A_131 : memref<1x448x16xf32, #tpu.memory_space<hbm>> -> memref<448x16xf32, #tpu.memory_space<hbm>>
      %dma_wait3A_133 = arith.constant 0 : i32
      %dma_wait3A_134 = tpu.memref_slice %arg5[%arg0, %add3A_101, %dma_wait3A_133] : memref<2x50000x16xf32, #tpu.memory_space<hbm>> -> memref<1x448x16xf32, #tpu.memory_space<hbm>>
      %dma_wait3A_135 = tpu.memref_squeeze %dma_wait3A_134 : memref<1x448x16xf32, #tpu.memory_space<hbm>> -> memref<448x16xf32, #tpu.memory_space<hbm>>
      tpu.wait_dma2 semaphore(%run_scoped3A : memref<!tpu.dma_semaphore, #tpu.memory_space<semaphore_mem>>) src(%arg9 : memref<448x16xf32, #tpu.memory_space<vmem>>) dst(%dma_wait3A_135 : memref<448x16xf32, #tpu.memory_space<hbm>>)
      tpu.yield
    }) : () -> ()
    %mul3A_102 = arith.constant 3136 : i32
    %mul3A_103 = arith.muli %arg1, %mul3A_102 : i32
    %add3A_104 = arith.constant 1344 : i32
    %add3A_105 = arith.addi %mul3A_103, %add3A_104 : i32
    "tpu.region"() ({
      %run_scoped3A = tpu.sem_alloc : memref<!tpu.dma_semaphore, #tpu.memory_space<semaphore_mem>>
      %dma_start3A_124 = arith.constant 0 : i32
      %dma_start3A_125 = tpu.memref_slice %arg10[%add3A_105, %dma_start3A_124] : memref<50176x16xf32, #tpu.memory_space<vmem_shared>> -> memref<448x16xf32, #tpu.memory_space<vmem_shared>>
      %dma_start3A_126 = arith.constant 0 : i32
      %dma_start3A_127 = tpu.memref_slice %arg10[%add3A_105, %dma_start3A_126] : memref<50176x16xf32, #tpu.memory_space<vmem_shared>> -> memref<448x16xf32, #tpu.memory_space<vmem_shared>>
      tpu.enqueue_dma source(%dma_start3A_127 : memref<448x16xf32, #tpu.memory_space<vmem_shared>>) target(%arg9 : memref<448x16xf32, #tpu.memory_space<vmem>>) target_semaphore(%run_scoped3A : memref<!tpu.dma_semaphore, #tpu.memory_space<semaphore_mem>>)
      %dma_wait3A_128 = arith.constant 0 : i32
      %dma_wait3A_129 = tpu.memref_slice %arg10[%add3A_105, %dma_wait3A_128] : memref<50176x16xf32, #tpu.memory_space<vmem_shared>> -> memref<448x16xf32, #tpu.memory_space<vmem_shared>>
      %dma_wait3A_130 = arith.constant 0 : i32
      %dma_wait3A_131 = tpu.memref_slice %arg10[%add3A_105, %dma_wait3A_130] : memref<50176x16xf32, #tpu.memory_space<vmem_shared>> -> memref<448x16xf32, #tpu.memory_space<vmem_shared>>
      tpu.wait_dma2 semaphore(%run_scoped3A : memref<!tpu.dma_semaphore, #tpu.memory_space<semaphore_mem>>) src(%dma_wait3A_131 : memref<448x16xf32, #tpu.memory_space<vmem_shared>>) dst(%arg9 : memref<448x16xf32, #tpu.memory_space<vmem>>)
      tpu.yield
    }) : () -> ()
    "tpu.region"() ({
      %run_scoped3A = tpu.sem_alloc : memref<!tpu.dma_semaphore, #tpu.memory_space<semaphore_mem>>
      %dma_start3A_124 = arith.constant 0 : i32
      %dma_start3A_125 = tpu.memref_slice %arg5[%arg0, %add3A_105, %dma_start3A_124] : memref<2x50000x16xf32, #tpu.memory_space<hbm>> -> memref<1x448x16xf32, #tpu.memory_space<hbm>>
      %dma_start3A_126 = tpu.memref_squeeze %dma_start3A_125 : memref<1x448x16xf32, #tpu.memory_space<hbm>> -> memref<448x16xf32, #tpu.memory_space<hbm>>
      %dma_start3A_127 = arith.constant 0 : i32
      %dma_start3A_128 = tpu.memref_slice %arg5[%arg0, %add3A_105, %dma_start3A_127] : memref<2x50000x16xf32, #tpu.memory_space<hbm>> -> memref<1x448x16xf32, #tpu.memory_space<hbm>>
      %dma_start3A_129 = tpu.memref_squeeze %dma_start3A_128 : memref<1x448x16xf32, #tpu.memory_space<hbm>> -> memref<448x16xf32, #tpu.memory_space<hbm>>
      tpu.enqueue_dma source(%arg9 : memref<448x16xf32, #tpu.memory_space<vmem>>) target(%dma_start3A_129 : memref<448x16xf32, #tpu.memory_space<hbm>>) target_semaphore(%run_scoped3A : memref<!tpu.dma_semaphore, #tpu.memory_space<semaphore_mem>>)
      %dma_wait3A_130 = arith.constant 0 : i32
      %dma_wait3A_131 = tpu.memref_slice %arg5[%arg0, %add3A_105, %dma_wait3A_130] : memref<2x50000x16xf32, #tpu.memory_space<hbm>> -> memref<1x448x16xf32, #tpu.memory_space<hbm>>
      %dma_wait3A_132 = tpu.memref_squeeze %dma_wait3A_131 : memref<1x448x16xf32, #tpu.memory_space<hbm>> -> memref<448x16xf32, #tpu.memory_space<hbm>>
      %dma_wait3A_133 = arith.constant 0 : i32
      %dma_wait3A_134 = tpu.memref_slice %arg5[%arg0, %add3A_105, %dma_wait3A_133] : memref<2x50000x16xf32, #tpu.memory_space<hbm>> -> memref<1x448x16xf32, #tpu.memory_space<hbm>>
      %dma_wait3A_135 = tpu.memref_squeeze %dma_wait3A_134 : memref<1x448x16xf32, #tpu.memory_space<hbm>> -> memref<448x16xf32, #tpu.memory_space<hbm>>
      tpu.wait_dma2 semaphore(%run_scoped3A : memref<!tpu.dma_semaphore, #tpu.memory_space<semaphore_mem>>) src(%arg9 : memref<448x16xf32, #tpu.memory_space<vmem>>) dst(%dma_wait3A_135 : memref<448x16xf32, #tpu.memory_space<hbm>>)
      tpu.yield
    }) : () -> ()
    %mul3A_106 = arith.constant 3136 : i32
    %mul3A_107 = arith.muli %arg1, %mul3A_106 : i32
    %add3A_108 = arith.constant 1792 : i32
    %add3A_109 = arith.addi %mul3A_107, %add3A_108 : i32
    "tpu.region"() ({
      %run_scoped3A = tpu.sem_alloc : memref<!tpu.dma_semaphore, #tpu.memory_space<semaphore_mem>>
      %dma_start3A_124 = arith.constant 0 : i32
      %dma_start3A_125 = tpu.memref_slice %arg10[%add3A_109, %dma_start3A_124] : memref<50176x16xf32, #tpu.memory_space<vmem_shared>> -> memref<448x16xf32, #tpu.memory_space<vmem_shared>>
      %dma_start3A_126 = arith.constant 0 : i32
      %dma_start3A_127 = tpu.memref_slice %arg10[%add3A_109, %dma_start3A_126] : memref<50176x16xf32, #tpu.memory_space<vmem_shared>> -> memref<448x16xf32, #tpu.memory_space<vmem_shared>>
      tpu.enqueue_dma source(%dma_start3A_127 : memref<448x16xf32, #tpu.memory_space<vmem_shared>>) target(%arg9 : memref<448x16xf32, #tpu.memory_space<vmem>>) target_semaphore(%run_scoped3A : memref<!tpu.dma_semaphore, #tpu.memory_space<semaphore_mem>>)
      %dma_wait3A_128 = arith.constant 0 : i32
      %dma_wait3A_129 = tpu.memref_slice %arg10[%add3A_109, %dma_wait3A_128] : memref<50176x16xf32, #tpu.memory_space<vmem_shared>> -> memref<448x16xf32, #tpu.memory_space<vmem_shared>>
      %dma_wait3A_130 = arith.constant 0 : i32
      %dma_wait3A_131 = tpu.memref_slice %arg10[%add3A_109, %dma_wait3A_130] : memref<50176x16xf32, #tpu.memory_space<vmem_shared>> -> memref<448x16xf32, #tpu.memory_space<vmem_shared>>
      tpu.wait_dma2 semaphore(%run_scoped3A : memref<!tpu.dma_semaphore, #tpu.memory_space<semaphore_mem>>) src(%dma_wait3A_131 : memref<448x16xf32, #tpu.memory_space<vmem_shared>>) dst(%arg9 : memref<448x16xf32, #tpu.memory_space<vmem>>)
      tpu.yield
    }) : () -> ()
    "tpu.region"() ({
      %run_scoped3A = tpu.sem_alloc : memref<!tpu.dma_semaphore, #tpu.memory_space<semaphore_mem>>
      %dma_start3A_124 = arith.constant 0 : i32
      %dma_start3A_125 = tpu.memref_slice %arg5[%arg0, %add3A_109, %dma_start3A_124] : memref<2x50000x16xf32, #tpu.memory_space<hbm>> -> memref<1x448x16xf32, #tpu.memory_space<hbm>>
      %dma_start3A_126 = tpu.memref_squeeze %dma_start3A_125 : memref<1x448x16xf32, #tpu.memory_space<hbm>> -> memref<448x16xf32, #tpu.memory_space<hbm>>
      %dma_start3A_127 = arith.constant 0 : i32
      %dma_start3A_128 = tpu.memref_slice %arg5[%arg0, %add3A_109, %dma_start3A_127] : memref<2x50000x16xf32, #tpu.memory_space<hbm>> -> memref<1x448x16xf32, #tpu.memory_space<hbm>>
      %dma_start3A_129 = tpu.memref_squeeze %dma_start3A_128 : memref<1x448x16xf32, #tpu.memory_space<hbm>> -> memref<448x16xf32, #tpu.memory_space<hbm>>
      tpu.enqueue_dma source(%arg9 : memref<448x16xf32, #tpu.memory_space<vmem>>) target(%dma_start3A_129 : memref<448x16xf32, #tpu.memory_space<hbm>>) target_semaphore(%run_scoped3A : memref<!tpu.dma_semaphore, #tpu.memory_space<semaphore_mem>>)
      %dma_wait3A_130 = arith.constant 0 : i32
      %dma_wait3A_131 = tpu.memref_slice %arg5[%arg0, %add3A_109, %dma_wait3A_130] : memref<2x50000x16xf32, #tpu.memory_space<hbm>> -> memref<1x448x16xf32, #tpu.memory_space<hbm>>
      %dma_wait3A_132 = tpu.memref_squeeze %dma_wait3A_131 : memref<1x448x16xf32, #tpu.memory_space<hbm>> -> memref<448x16xf32, #tpu.memory_space<hbm>>
      %dma_wait3A_133 = arith.constant 0 : i32
      %dma_wait3A_134 = tpu.memref_slice %arg5[%arg0, %add3A_109, %dma_wait3A_133] : memref<2x50000x16xf32, #tpu.memory_space<hbm>> -> memref<1x448x16xf32, #tpu.memory_space<hbm>>
      %dma_wait3A_135 = tpu.memref_squeeze %dma_wait3A_134 : memref<1x448x16xf32, #tpu.memory_space<hbm>> -> memref<448x16xf32, #tpu.memory_space<hbm>>
      tpu.wait_dma2 semaphore(%run_scoped3A : memref<!tpu.dma_semaphore, #tpu.memory_space<semaphore_mem>>) src(%arg9 : memref<448x16xf32, #tpu.memory_space<vmem>>) dst(%dma_wait3A_135 : memref<448x16xf32, #tpu.memory_space<hbm>>)
      tpu.yield
    }) : () -> ()
    %mul3A_110 = arith.constant 3136 : i32
    %mul3A_111 = arith.muli %arg1, %mul3A_110 : i32
    %add3A_112 = arith.constant 2240 : i32
    %add3A_113 = arith.addi %mul3A_111, %add3A_112 : i32
    "tpu.region"() ({
      %run_scoped3A = tpu.sem_alloc : memref<!tpu.dma_semaphore, #tpu.memory_space<semaphore_mem>>
      %dma_start3A_124 = arith.constant 0 : i32
      %dma_start3A_125 = tpu.memref_slice %arg10[%add3A_113, %dma_start3A_124] : memref<50176x16xf32, #tpu.memory_space<vmem_shared>> -> memref<448x16xf32, #tpu.memory_space<vmem_shared>>
      %dma_start3A_126 = arith.constant 0 : i32
      %dma_start3A_127 = tpu.memref_slice %arg10[%add3A_113, %dma_start3A_126] : memref<50176x16xf32, #tpu.memory_space<vmem_shared>> -> memref<448x16xf32, #tpu.memory_space<vmem_shared>>
      tpu.enqueue_dma source(%dma_start3A_127 : memref<448x16xf32, #tpu.memory_space<vmem_shared>>) target(%arg9 : memref<448x16xf32, #tpu.memory_space<vmem>>) target_semaphore(%run_scoped3A : memref<!tpu.dma_semaphore, #tpu.memory_space<semaphore_mem>>)
      %dma_wait3A_128 = arith.constant 0 : i32
      %dma_wait3A_129 = tpu.memref_slice %arg10[%add3A_113, %dma_wait3A_128] : memref<50176x16xf32, #tpu.memory_space<vmem_shared>> -> memref<448x16xf32, #tpu.memory_space<vmem_shared>>
      %dma_wait3A_130 = arith.constant 0 : i32
      %dma_wait3A_131 = tpu.memref_slice %arg10[%add3A_113, %dma_wait3A_130] : memref<50176x16xf32, #tpu.memory_space<vmem_shared>> -> memref<448x16xf32, #tpu.memory_space<vmem_shared>>
      tpu.wait_dma2 semaphore(%run_scoped3A : memref<!tpu.dma_semaphore, #tpu.memory_space<semaphore_mem>>) src(%dma_wait3A_131 : memref<448x16xf32, #tpu.memory_space<vmem_shared>>) dst(%arg9 : memref<448x16xf32, #tpu.memory_space<vmem>>)
      tpu.yield
    }) : () -> ()
    "tpu.region"() ({
      %run_scoped3A = tpu.sem_alloc : memref<!tpu.dma_semaphore, #tpu.memory_space<semaphore_mem>>
      %dma_start3A_124 = arith.constant 0 : i32
      %dma_start3A_125 = tpu.memref_slice %arg5[%arg0, %add3A_113, %dma_start3A_124] : memref<2x50000x16xf32, #tpu.memory_space<hbm>> -> memref<1x448x16xf32, #tpu.memory_space<hbm>>
      %dma_start3A_126 = tpu.memref_squeeze %dma_start3A_125 : memref<1x448x16xf32, #tpu.memory_space<hbm>> -> memref<448x16xf32, #tpu.memory_space<hbm>>
      %dma_start3A_127 = arith.constant 0 : i32
      %dma_start3A_128 = tpu.memref_slice %arg5[%arg0, %add3A_113, %dma_start3A_127] : memref<2x50000x16xf32, #tpu.memory_space<hbm>> -> memref<1x448x16xf32, #tpu.memory_space<hbm>>
      %dma_start3A_129 = tpu.memref_squeeze %dma_start3A_128 : memref<1x448x16xf32, #tpu.memory_space<hbm>> -> memref<448x16xf32, #tpu.memory_space<hbm>>
      tpu.enqueue_dma source(%arg9 : memref<448x16xf32, #tpu.memory_space<vmem>>) target(%dma_start3A_129 : memref<448x16xf32, #tpu.memory_space<hbm>>) target_semaphore(%run_scoped3A : memref<!tpu.dma_semaphore, #tpu.memory_space<semaphore_mem>>)
      %dma_wait3A_130 = arith.constant 0 : i32
      %dma_wait3A_131 = tpu.memref_slice %arg5[%arg0, %add3A_113, %dma_wait3A_130] : memref<2x50000x16xf32, #tpu.memory_space<hbm>> -> memref<1x448x16xf32, #tpu.memory_space<hbm>>
      %dma_wait3A_132 = tpu.memref_squeeze %dma_wait3A_131 : memref<1x448x16xf32, #tpu.memory_space<hbm>> -> memref<448x16xf32, #tpu.memory_space<hbm>>
      %dma_wait3A_133 = arith.constant 0 : i32
      %dma_wait3A_134 = tpu.memref_slice %arg5[%arg0, %add3A_113, %dma_wait3A_133] : memref<2x50000x16xf32, #tpu.memory_space<hbm>> -> memref<1x448x16xf32, #tpu.memory_space<hbm>>
      %dma_wait3A_135 = tpu.memref_squeeze %dma_wait3A_134 : memref<1x448x16xf32, #tpu.memory_space<hbm>> -> memref<448x16xf32, #tpu.memory_space<hbm>>
      tpu.wait_dma2 semaphore(%run_scoped3A : memref<!tpu.dma_semaphore, #tpu.memory_space<semaphore_mem>>) src(%arg9 : memref<448x16xf32, #tpu.memory_space<vmem>>) dst(%dma_wait3A_135 : memref<448x16xf32, #tpu.memory_space<hbm>>)
      tpu.yield
    }) : () -> ()
    %mul3A_114 = arith.constant 3136 : i32
    %mul3A_115 = arith.muli %arg1, %mul3A_114 : i32
    %add3A_116 = arith.constant 2688 : i32
    %add3A_117 = arith.addi %mul3A_115, %add3A_116 : i32
    %lt3A = arith.constant 15 : i32
    %lt3A_118 = arith.cmpi slt, %arg1, %lt3A : i32
    %convert_element_type3A = arith.extui %lt3A_118 : i1 to i32
    %cond3A = arith.constant 0 : i32
    %cond3A_119 = arith.cmpi ne, %convert_element_type3A, %cond3A : i32
    scf.if %cond3A_119 {
      "tpu.region"() ({
        %run_scoped3A = tpu.sem_alloc : memref<!tpu.dma_semaphore, #tpu.memory_space<semaphore_mem>>
        %dma_start3A_124 = arith.constant 0 : i32
        %dma_start3A_125 = tpu.memref_slice %arg10[%add3A_117, %dma_start3A_124] : memref<50176x16xf32, #tpu.memory_space<vmem_shared>> -> memref<448x16xf32, #tpu.memory_space<vmem_shared>>
        %dma_start3A_126 = arith.constant 0 : i32
        %dma_start3A_127 = tpu.memref_slice %arg10[%add3A_117, %dma_start3A_126] : memref<50176x16xf32, #tpu.memory_space<vmem_shared>> -> memref<448x16xf32, #tpu.memory_space<vmem_shared>>
        tpu.enqueue_dma source(%dma_start3A_127 : memref<448x16xf32, #tpu.memory_space<vmem_shared>>) target(%arg9 : memref<448x16xf32, #tpu.memory_space<vmem>>) target_semaphore(%run_scoped3A : memref<!tpu.dma_semaphore, #tpu.memory_space<semaphore_mem>>)
        %dma_wait3A_128 = arith.constant 0 : i32
        %dma_wait3A_129 = tpu.memref_slice %arg10[%add3A_117, %dma_wait3A_128] : memref<50176x16xf32, #tpu.memory_space<vmem_shared>> -> memref<448x16xf32, #tpu.memory_space<vmem_shared>>
        %dma_wait3A_130 = arith.constant 0 : i32
        %dma_wait3A_131 = tpu.memref_slice %arg10[%add3A_117, %dma_wait3A_130] : memref<50176x16xf32, #tpu.memory_space<vmem_shared>> -> memref<448x16xf32, #tpu.memory_space<vmem_shared>>
        tpu.wait_dma2 semaphore(%run_scoped3A : memref<!tpu.dma_semaphore, #tpu.memory_space<semaphore_mem>>) src(%dma_wait3A_131 : memref<448x16xf32, #tpu.memory_space<vmem_shared>>) dst(%arg9 : memref<448x16xf32, #tpu.memory_space<vmem>>)
        tpu.yield
      }) : () -> ()
      "tpu.region"() ({
        %run_scoped3A = tpu.sem_alloc : memref<!tpu.dma_semaphore, #tpu.memory_space<semaphore_mem>>
        %dma_start3A_124 = arith.constant 0 : i32
        %dma_start3A_125 = tpu.memref_slice %arg5[%arg0, %add3A_117, %dma_start3A_124] : memref<2x50000x16xf32, #tpu.memory_space<hbm>> -> memref<1x448x16xf32, #tpu.memory_space<hbm>>
        %dma_start3A_126 = tpu.memref_squeeze %dma_start3A_125 : memref<1x448x16xf32, #tpu.memory_space<hbm>> -> memref<448x16xf32, #tpu.memory_space<hbm>>
        %dma_start3A_127 = arith.constant 0 : i32
        %dma_start3A_128 = tpu.memref_slice %arg5[%arg0, %add3A_117, %dma_start3A_127] : memref<2x50000x16xf32, #tpu.memory_space<hbm>> -> memref<1x448x16xf32, #tpu.memory_space<hbm>>
        %dma_start3A_129 = tpu.memref_squeeze %dma_start3A_128 : memref<1x448x16xf32, #tpu.memory_space<hbm>> -> memref<448x16xf32, #tpu.memory_space<hbm>>
        tpu.enqueue_dma source(%arg9 : memref<448x16xf32, #tpu.memory_space<vmem>>) target(%dma_start3A_129 : memref<448x16xf32, #tpu.memory_space<hbm>>) target_semaphore(%run_scoped3A : memref<!tpu.dma_semaphore, #tpu.memory_space<semaphore_mem>>)
        %dma_wait3A_130 = arith.constant 0 : i32
        %dma_wait3A_131 = tpu.memref_slice %arg5[%arg0, %add3A_117, %dma_wait3A_130] : memref<2x50000x16xf32, #tpu.memory_space<hbm>> -> memref<1x448x16xf32, #tpu.memory_space<hbm>>
        %dma_wait3A_132 = tpu.memref_squeeze %dma_wait3A_131 : memref<1x448x16xf32, #tpu.memory_space<hbm>> -> memref<448x16xf32, #tpu.memory_space<hbm>>
        %dma_wait3A_133 = arith.constant 0 : i32
        %dma_wait3A_134 = tpu.memref_slice %arg5[%arg0, %add3A_117, %dma_wait3A_133] : memref<2x50000x16xf32, #tpu.memory_space<hbm>> -> memref<1x448x16xf32, #tpu.memory_space<hbm>>
        %dma_wait3A_135 = tpu.memref_squeeze %dma_wait3A_134 : memref<1x448x16xf32, #tpu.memory_space<hbm>> -> memref<448x16xf32, #tpu.memory_space<hbm>>
        tpu.wait_dma2 semaphore(%run_scoped3A : memref<!tpu.dma_semaphore, #tpu.memory_space<semaphore_mem>>) src(%arg9 : memref<448x16xf32, #tpu.memory_space<vmem>>) dst(%dma_wait3A_135 : memref<448x16xf32, #tpu.memory_space<hbm>>)
        tpu.yield
      }) : () -> ()
    } else {
    }
    %eq3A = arith.constant 15 : i32
    %eq3A_120 = arith.cmpi eq, %arg1, %eq3A : i32
    %convert_element_type3A_121 = arith.extui %eq3A_120 : i1 to i32
    %cond3A_122 = arith.constant 0 : i32
    %cond3A_123 = arith.cmpi ne, %convert_element_type3A_121, %cond3A_122 : i32
    scf.if %cond3A_123 {
      "tpu.region"() ({
        %run_scoped3A = tpu.sem_alloc : memref<!tpu.dma_semaphore, #tpu.memory_space<semaphore_mem>>
        %dma_start3A_124 = arith.constant 0 : i32
        %dma_start3A_125 = arith.constant 0 : i32
        %dma_start3A_126 = tpu.memref_slice %arg9[%dma_start3A_124, %dma_start3A_125] : memref<448x16xf32, #tpu.memory_space<vmem>> -> memref<272x16xf32, #tpu.memory_space<vmem>>
        %dma_start3A_127 = arith.constant 49728 : i32
        %dma_start3A_128 = arith.constant 0 : i32
        %dma_start3A_129 = tpu.memref_slice %arg10[%dma_start3A_127, %dma_start3A_128] : memref<50176x16xf32, #tpu.memory_space<vmem_shared>> -> memref<272x16xf32, #tpu.memory_space<vmem_shared>>
        %dma_start3A_130 = arith.constant 0 : i32
        %dma_start3A_131 = arith.constant 0 : i32
        %dma_start3A_132 = tpu.memref_slice %arg9[%dma_start3A_130, %dma_start3A_131] : memref<448x16xf32, #tpu.memory_space<vmem>> -> memref<272x16xf32, #tpu.memory_space<vmem>>
        %dma_start3A_133 = arith.constant 49728 : i32
        %dma_start3A_134 = arith.constant 0 : i32
        %dma_start3A_135 = tpu.memref_slice %arg10[%dma_start3A_133, %dma_start3A_134] : memref<50176x16xf32, #tpu.memory_space<vmem_shared>> -> memref<272x16xf32, #tpu.memory_space<vmem_shared>>
        tpu.enqueue_dma source(%dma_start3A_135 : memref<272x16xf32, #tpu.memory_space<vmem_shared>>) target(%dma_start3A_132 : memref<272x16xf32, #tpu.memory_space<vmem>>) target_semaphore(%run_scoped3A : memref<!tpu.dma_semaphore, #tpu.memory_space<semaphore_mem>>)
        %dma_wait3A_136 = arith.constant 0 : i32
        %dma_wait3A_137 = arith.constant 0 : i32
        %dma_wait3A_138 = tpu.memref_slice %arg9[%dma_wait3A_136, %dma_wait3A_137] : memref<448x16xf32, #tpu.memory_space<vmem>> -> memref<272x16xf32, #tpu.memory_space<vmem>>
        %dma_wait3A_139 = arith.constant 49728 : i32
        %dma_wait3A_140 = arith.constant 0 : i32
        %dma_wait3A_141 = tpu.memref_slice %arg10[%dma_wait3A_139, %dma_wait3A_140] : memref<50176x16xf32, #tpu.memory_space<vmem_shared>> -> memref<272x16xf32, #tpu.memory_space<vmem_shared>>
        %dma_wait3A_142 = arith.constant 0 : i32
        %dma_wait3A_143 = arith.constant 0 : i32
        %dma_wait3A_144 = tpu.memref_slice %arg9[%dma_wait3A_142, %dma_wait3A_143] : memref<448x16xf32, #tpu.memory_space<vmem>> -> memref<272x16xf32, #tpu.memory_space<vmem>>
        %dma_wait3A_145 = arith.constant 49728 : i32
        %dma_wait3A_146 = arith.constant 0 : i32
        %dma_wait3A_147 = tpu.memref_slice %arg10[%dma_wait3A_145, %dma_wait3A_146] : memref<50176x16xf32, #tpu.memory_space<vmem_shared>> -> memref<272x16xf32, #tpu.memory_space<vmem_shared>>
        tpu.wait_dma2 semaphore(%run_scoped3A : memref<!tpu.dma_semaphore, #tpu.memory_space<semaphore_mem>>) src(%dma_wait3A_147 : memref<272x16xf32, #tpu.memory_space<vmem_shared>>) dst(%dma_wait3A_144 : memref<272x16xf32, #tpu.memory_space<vmem>>)
        tpu.yield
      }) : () -> ()
      "tpu.region"() ({
        %run_scoped3A = tpu.sem_alloc : memref<!tpu.dma_semaphore, #tpu.memory_space<semaphore_mem>>
        %dma_start3A_124 = arith.constant 0 : i32
        %dma_start3A_125 = arith.constant 0 : i32
        %dma_start3A_126 = tpu.memref_slice %arg9[%dma_start3A_124, %dma_start3A_125] : memref<448x16xf32, #tpu.memory_space<vmem>> -> memref<272x16xf32, #tpu.memory_space<vmem>>
        %dma_start3A_127 = arith.constant 49728 : i32
        %dma_start3A_128 = arith.constant 0 : i32
        %dma_start3A_129 = tpu.memref_slice %arg5[%arg0, %dma_start3A_127, %dma_start3A_128] : memref<2x50000x16xf32, #tpu.memory_space<hbm>> -> memref<1x272x16xf32, #tpu.memory_space<hbm>>
        %dma_start3A_130 = tpu.memref_squeeze %dma_start3A_129 : memref<1x272x16xf32, #tpu.memory_space<hbm>> -> memref<272x16xf32, #tpu.memory_space<hbm>>
        %dma_start3A_131 = arith.constant 49728 : i32
        %dma_start3A_132 = arith.constant 0 : i32
        %dma_start3A_133 = tpu.memref_slice %arg5[%arg0, %dma_start3A_131, %dma_start3A_132] : memref<2x50000x16xf32, #tpu.memory_space<hbm>> -> memref<1x272x16xf32, #tpu.memory_space<hbm>>
        %dma_start3A_134 = tpu.memref_squeeze %dma_start3A_133 : memref<1x272x16xf32, #tpu.memory_space<hbm>> -> memref<272x16xf32, #tpu.memory_space<hbm>>
        %dma_start3A_135 = arith.constant 0 : i32
        %dma_start3A_136 = arith.constant 0 : i32
        %dma_start3A_137 = tpu.memref_slice %arg9[%dma_start3A_135, %dma_start3A_136] : memref<448x16xf32, #tpu.memory_space<vmem>> -> memref<272x16xf32, #tpu.memory_space<vmem>>
        tpu.enqueue_dma source(%dma_start3A_137 : memref<272x16xf32, #tpu.memory_space<vmem>>) target(%dma_start3A_134 : memref<272x16xf32, #tpu.memory_space<hbm>>) target_semaphore(%run_scoped3A : memref<!tpu.dma_semaphore, #tpu.memory_space<semaphore_mem>>)
        %dma_wait3A_138 = arith.constant 0 : i32
        %dma_wait3A_139 = arith.constant 0 : i32
        %dma_wait3A_140 = tpu.memref_slice %arg9[%dma_wait3A_138, %dma_wait3A_139] : memref<448x16xf32, #tpu.memory_space<vmem>> -> memref<272x16xf32, #tpu.memory_space<vmem>>
        %dma_wait3A_141 = arith.constant 49728 : i32
        %dma_wait3A_142 = arith.constant 0 : i32
        %dma_wait3A_143 = tpu.memref_slice %arg5[%arg0, %dma_wait3A_141, %dma_wait3A_142] : memref<2x50000x16xf32, #tpu.memory_space<hbm>> -> memref<1x272x16xf32, #tpu.memory_space<hbm>>
        %dma_wait3A_144 = tpu.memref_squeeze %dma_wait3A_143 : memref<1x272x16xf32, #tpu.memory_space<hbm>> -> memref<272x16xf32, #tpu.memory_space<hbm>>
        %dma_wait3A_145 = arith.constant 49728 : i32
        %dma_wait3A_146 = arith.constant 0 : i32
        %dma_wait3A_147 = tpu.memref_slice %arg5[%arg0, %dma_wait3A_145, %dma_wait3A_146] : memref<2x50000x16xf32, #tpu.memory_space<hbm>> -> memref<1x272x16xf32, #tpu.memory_space<hbm>>
        %dma_wait3A_148 = tpu.memref_squeeze %dma_wait3A_147 : memref<1x272x16xf32, #tpu.memory_space<hbm>> -> memref<272x16xf32, #tpu.memory_space<hbm>>
        %dma_wait3A_149 = arith.constant 0 : i32
        %dma_wait3A_150 = arith.constant 0 : i32
        %dma_wait3A_151 = tpu.memref_slice %arg9[%dma_wait3A_149, %dma_wait3A_150] : memref<448x16xf32, #tpu.memory_space<vmem>> -> memref<272x16xf32, #tpu.memory_space<vmem>>
        tpu.wait_dma2 semaphore(%run_scoped3A : memref<!tpu.dma_semaphore, #tpu.memory_space<semaphore_mem>>) src(%dma_wait3A_151 : memref<272x16xf32, #tpu.memory_space<vmem>>) dst(%dma_wait3A_148 : memref<272x16xf32, #tpu.memory_space<hbm>>)
        tpu.yield
      }) : () -> ()
    } else {
    }
    return
  }
}

#map = affine_map<(d0, d1) -> (0, 0, 0)>
#map1 = affine_map<(d0, d1) -> (0)>
#map2 = affine_map<(d0, d1) -> (0, 0)>
module attributes {stable_mosaic.version = 14 : i64} {
  func.func @k(%arg0: i32, %arg1: i32, %arg2: memref<32x200x128xi32, #tpu.memory_space<hbm>>, %arg3: memref<32x200x128xi32, #tpu.memory_space<hbm>>, %arg4: memref<512xi32, #tpu.memory_space<hbm>>, %arg5: memref<50000x16xf32, #tpu.memory_space<hbm>>, %arg6: memref<2x2500x16xf32, #tpu.memory_space<hbm>>, %arg7: memref<200x128xi32, #tpu.memory_space<vmem>>, %arg8: memref<200x128xi32, #tpu.memory_space<vmem>>, %arg9: memref<128x16xf32, #tpu.memory_space<vmem>>, %arg10: memref<160x16xf32, #tpu.memory_space<vmem>>, %arg11: memref<16xi32, #tpu.memory_space<vmem>>, %arg12: memref<2560x16xf32, #tpu.memory_space<vmem_shared>>, %arg13: memref<!tpu.dma_semaphore, #tpu.memory_space<semaphore_mem>>) attributes {dimension_semantics = [#tpu.dimension_semantics<core_parallel>, #tpu.dimension_semantics<subcore_parallel>], iteration_bounds = array<i64: 2, 16>, scalar_prefetch = 0 : i64, scratch_operands = 7 : i64, tpu.core_type = #tpu.core_type<sc_vector_subcore>, window_params = [{transform_indices = #map}, {transform_indices = #map}, {transform_indices = #map1}, {transform_indices = #map2}, {transform_indices = #map}]} {
    %mul3A = arith.constant 2 : i32
    %mul3A_0 = arith.muli %arg1, %mul3A : i32
    %add3A = arith.addi %mul3A_0, %arg0 : i32
    %scan3A = arith.constant 0 : i32
    %scan3A_1 = arith.constant 160 : i32
    %scan3A_2 = arith.addi %scan3A, %scan3A_1 : i32
    %scan3A_3 = arith.constant 1 : i32
    scf.for %scan3A_22 = %scan3A to %scan3A_2 step %scan3A_3  : i32 {
      %mul3A_23 = arith.constant 1 : i32
      %mul3A_24 = arith.muli %scan3A_22, %mul3A_23 : i32
      %add3A_25 = arith.constant 0 : i32
      %add3A_26 = arith.addi %add3A_25, %mul3A_24 : i32
      %broadcast_in_dim3A = arith.constant 0.000000e+00 : f32
      %broadcast_in_dim3A_27 = vector.broadcast %broadcast_in_dim3A : f32 to vector<16xf32>
      %swap3A = arith.index_cast %add3A_26 : i32 to index
      %swap3A_28 = arith.constant 0 : index
      %swap3A_29 = tpu.vector_load %arg10[%swap3A, %swap3A_28] {strides = array<i32>} : memref<160x16xf32, #tpu.memory_space<vmem>>, vector<16xf32>,
      tpu.vector_store %arg10[%swap3A, %swap3A_28], %broadcast_in_dim3A_27 {strides = array<i32>} : memref<160x16xf32, #tpu.memory_space<vmem>>, vector<16xf32>,
    }
    %scan3A_4 = arith.constant 160 : i32
    %mul3A_5 = arith.constant 160 : i32
    %mul3A_6 = arith.muli %arg1, %mul3A_5 : i32
    "tpu.region"() ({
      %run_scoped3A = tpu.sem_alloc : memref<!tpu.dma_semaphore, #tpu.memory_space<semaphore_mem>>
      %dma_start3A = arith.constant 0 : i32
      %dma_start3A_22 = tpu.memref_slice %arg12[%mul3A_6, %dma_start3A] : memref<2560x16xf32, #tpu.memory_space<vmem_shared>> -> memref<160x16xf32, #tpu.memory_space<vmem_shared>>
      %dma_start3A_23 = arith.constant 0 : i32
      %dma_start3A_24 = tpu.memref_slice %arg12[%mul3A_6, %dma_start3A_23] : memref<2560x16xf32, #tpu.memory_space<vmem_shared>> -> memref<160x16xf32, #tpu.memory_space<vmem_shared>>
      tpu.enqueue_dma source(%arg10 : memref<160x16xf32, #tpu.memory_space<vmem>>) target(%dma_start3A_24 : memref<160x16xf32, #tpu.memory_space<vmem_shared>>) target_semaphore(%run_scoped3A : memref<!tpu.dma_semaphore, #tpu.memory_space<semaphore_mem>>)
      %dma_wait3A = arith.constant 0 : i32
      %dma_wait3A_25 = tpu.memref_slice %arg12[%mul3A_6, %dma_wait3A] : memref<2560x16xf32, #tpu.memory_space<vmem_shared>> -> memref<160x16xf32, #tpu.memory_space<vmem_shared>>
      %dma_wait3A_26 = arith.constant 0 : i32
      %dma_wait3A_27 = tpu.memref_slice %arg12[%mul3A_6, %dma_wait3A_26] : memref<2560x16xf32, #tpu.memory_space<vmem_shared>> -> memref<160x16xf32, #tpu.memory_space<vmem_shared>>
      tpu.wait_dma2 semaphore(%run_scoped3A : memref<!tpu.dma_semaphore, #tpu.memory_space<semaphore_mem>>) src(%arg10 : memref<160x16xf32, #tpu.memory_space<vmem>>) dst(%dma_wait3A_27 : memref<160x16xf32, #tpu.memory_space<vmem_shared>>)
      tpu.yield
    }) : () -> ()
    %mul3A_7 = arith.constant 16 : i32
    %mul3A_8 = arith.muli %add3A, %mul3A_7 : i32
    "tpu.region"() ({
      %run_scoped3A = tpu.sem_alloc : memref<!tpu.dma_semaphore, #tpu.memory_space<semaphore_mem>>
      %dma_start3A = tpu.memref_slice %arg4[%mul3A_8] : memref<512xi32, #tpu.memory_space<hbm>> -> memref<16xi32, #tpu.memory_space<hbm>>
      %dma_start3A_22 = tpu.memref_slice %arg4[%mul3A_8] : memref<512xi32, #tpu.memory_space<hbm>> -> memref<16xi32, #tpu.memory_space<hbm>>
      tpu.enqueue_dma source(%dma_start3A_22 : memref<16xi32, #tpu.memory_space<hbm>>) target(%arg11 : memref<16xi32, #tpu.memory_space<vmem>>) target_semaphore(%run_scoped3A : memref<!tpu.dma_semaphore, #tpu.memory_space<semaphore_mem>>)
      %dma_wait3A = tpu.memref_slice %arg4[%mul3A_8] : memref<512xi32, #tpu.memory_space<hbm>> -> memref<16xi32, #tpu.memory_space<hbm>>
      %dma_wait3A_23 = tpu.memref_slice %arg4[%mul3A_8] : memref<512xi32, #tpu.memory_space<hbm>> -> memref<16xi32, #tpu.memory_space<hbm>>
      tpu.wait_dma2 semaphore(%run_scoped3A : memref<!tpu.dma_semaphore, #tpu.memory_space<semaphore_mem>>) src(%dma_wait3A_23 : memref<16xi32, #tpu.memory_space<hbm>>) dst(%arg11 : memref<16xi32, #tpu.memory_space<vmem>>)
      tpu.yield
    }) : () -> ()
    %get3A = arith.constant 0 : index
    %get3A_9 = tpu.vector_load %arg11[%get3A] {strides = array<i32>} : memref<16xi32, #tpu.memory_space<vmem>>, vector<16xi32>,
    "tpu.region"() ({
      %run_scoped3A = tpu.sem_alloc : memref<!tpu.dma_semaphore, #tpu.memory_space<semaphore_mem>>
      %dma_start3A = arith.constant 0 : i32
      %dma_start3A_22 = arith.constant 0 : i32
      %dma_start3A_23 = tpu.memref_slice %arg2[%add3A, %dma_start3A, %dma_start3A_22] : memref<32x200x128xi32, #tpu.memory_space<hbm>> -> memref<1x200x128xi32, #tpu.memory_space<hbm>>
      %dma_start3A_24 = tpu.memref_squeeze %dma_start3A_23 : memref<1x200x128xi32, #tpu.memory_space<hbm>> -> memref<200x128xi32, #tpu.memory_space<hbm>>
      %dma_start3A_25 = arith.constant 0 : i32
      %dma_start3A_26 = arith.constant 0 : i32
      %dma_start3A_27 = tpu.memref_slice %arg2[%add3A, %dma_start3A_25, %dma_start3A_26] : memref<32x200x128xi32, #tpu.memory_space<hbm>> -> memref<1x200x128xi32, #tpu.memory_space<hbm>>
      %dma_start3A_28 = tpu.memref_squeeze %dma_start3A_27 : memref<1x200x128xi32, #tpu.memory_space<hbm>> -> memref<200x128xi32, #tpu.memory_space<hbm>>
      tpu.enqueue_dma source(%dma_start3A_28 : memref<200x128xi32, #tpu.memory_space<hbm>>) target(%arg7 : memref<200x128xi32, #tpu.memory_space<vmem>>) target_semaphore(%run_scoped3A : memref<!tpu.dma_semaphore, #tpu.memory_space<semaphore_mem>>)
      %dma_wait3A = arith.constant 0 : i32
      %dma_wait3A_29 = arith.constant 0 : i32
      %dma_wait3A_30 = tpu.memref_slice %arg2[%add3A, %dma_wait3A, %dma_wait3A_29] : memref<32x200x128xi32, #tpu.memory_space<hbm>> -> memref<1x200x128xi32, #tpu.memory_space<hbm>>
      %dma_wait3A_31 = tpu.memref_squeeze %dma_wait3A_30 : memref<1x200x128xi32, #tpu.memory_space<hbm>> -> memref<200x128xi32, #tpu.memory_space<hbm>>
      %dma_wait3A_32 = arith.constant 0 : i32
      %dma_wait3A_33 = arith.constant 0 : i32
      %dma_wait3A_34 = tpu.memref_slice %arg2[%add3A, %dma_wait3A_32, %dma_wait3A_33] : memref<32x200x128xi32, #tpu.memory_space<hbm>> -> memref<1x200x128xi32, #tpu.memory_space<hbm>>
      %dma_wait3A_35 = tpu.memref_squeeze %dma_wait3A_34 : memref<1x200x128xi32, #tpu.memory_space<hbm>> -> memref<200x128xi32, #tpu.memory_space<hbm>>
      tpu.wait_dma2 semaphore(%run_scoped3A : memref<!tpu.dma_semaphore, #tpu.memory_space<semaphore_mem>>) src(%dma_wait3A_35 : memref<200x128xi32, #tpu.memory_space<hbm>>) dst(%arg7 : memref<200x128xi32, #tpu.memory_space<vmem>>)
      tpu.yield
    }) : () -> ()
    "tpu.region"() ({
      %run_scoped3A = tpu.sem_alloc : memref<!tpu.dma_semaphore, #tpu.memory_space<semaphore_mem>>
      %dma_start3A = arith.constant 0 : i32
      %dma_start3A_22 = arith.constant 0 : i32
      %dma_start3A_23 = tpu.memref_slice %arg3[%add3A, %dma_start3A, %dma_start3A_22] : memref<32x200x128xi32, #tpu.memory_space<hbm>> -> memref<1x200x128xi32, #tpu.memory_space<hbm>>
      %dma_start3A_24 = tpu.memref_squeeze %dma_start3A_23 : memref<1x200x128xi32, #tpu.memory_space<hbm>> -> memref<200x128xi32, #tpu.memory_space<hbm>>
      %dma_start3A_25 = arith.constant 0 : i32
      %dma_start3A_26 = arith.constant 0 : i32
      %dma_start3A_27 = tpu.memref_slice %arg3[%add3A, %dma_start3A_25, %dma_start3A_26] : memref<32x200x128xi32, #tpu.memory_space<hbm>> -> memref<1x200x128xi32, #tpu.memory_space<hbm>>
      %dma_start3A_28 = tpu.memref_squeeze %dma_start3A_27 : memref<1x200x128xi32, #tpu.memory_space<hbm>> -> memref<200x128xi32, #tpu.memory_space<hbm>>
      tpu.enqueue_dma source(%dma_start3A_28 : memref<200x128xi32, #tpu.memory_space<hbm>>) target(%arg8 : memref<200x128xi32, #tpu.memory_space<vmem>>) target_semaphore(%run_scoped3A : memref<!tpu.dma_semaphore, #tpu.memory_space<semaphore_mem>>)
      %dma_wait3A = arith.constant 0 : i32
      %dma_wait3A_29 = arith.constant 0 : i32
      %dma_wait3A_30 = tpu.memref_slice %arg3[%add3A, %dma_wait3A, %dma_wait3A_29] : memref<32x200x128xi32, #tpu.memory_space<hbm>> -> memref<1x200x128xi32, #tpu.memory_space<hbm>>
      %dma_wait3A_31 = tpu.memref_squeeze %dma_wait3A_30 : memref<1x200x128xi32, #tpu.memory_space<hbm>> -> memref<200x128xi32, #tpu.memory_space<hbm>>
      %dma_wait3A_32 = arith.constant 0 : i32
      %dma_wait3A_33 = arith.constant 0 : i32
      %dma_wait3A_34 = tpu.memref_slice %arg3[%add3A, %dma_wait3A_32, %dma_wait3A_33] : memref<32x200x128xi32, #tpu.memory_space<hbm>> -> memref<1x200x128xi32, #tpu.memory_space<hbm>>
      %dma_wait3A_35 = tpu.memref_squeeze %dma_wait3A_34 : memref<1x200x128xi32, #tpu.memory_space<hbm>> -> memref<200x128xi32, #tpu.memory_space<hbm>>
      tpu.wait_dma2 semaphore(%run_scoped3A : memref<!tpu.dma_semaphore, #tpu.memory_space<semaphore_mem>>) src(%dma_wait3A_35 : memref<200x128xi32, #tpu.memory_space<hbm>>) dst(%arg8 : memref<200x128xi32, #tpu.memory_space<vmem>>)
      tpu.yield
    }) : () -> ()
    %barrier3A = arith.constant 0 : index
    tpu.barrier barrier_id(%barrier3A)
    %scan3A_10 = arith.constant 0 : i32
    %scan3A_11 = arith.constant 200 : i32
    %scan3A_12 = arith.addi %scan3A_10, %scan3A_11 : i32
    %scan3A_13 = arith.constant 1 : i32
    scf.for %scan3A_22 = %scan3A_10 to %scan3A_12 step %scan3A_13  : i32 {
      %mul3A_23 = arith.constant 1 : i32
      %mul3A_24 = arith.muli %scan3A_22, %mul3A_23 : i32
      %add3A_25 = arith.constant 0 : i32
      %add3A_26 = arith.addi %add3A_25, %mul3A_24 : i32
      %lt3A_27 = vector.broadcast %add3A_26 : i32 to vector<16xi32>
      %lt3A_28 = arith.cmpi slt, %lt3A_27, %get3A_9 : vector<16xi32>
      %reduce_and3A = arith.constant 1.000000e+00 : f32
      %reduce_and3A_29 = arith.constant 0.000000e+00 : f32
      %reduce_and3A_30 = vector.broadcast %reduce_and3A : f32 to vector<16xf32>
      %reduce_and3A_31 = vector.broadcast %reduce_and3A_29 : f32 to vector<16xf32>
      %reduce_and3A_32 = arith.select %lt3A_28, %reduce_and3A_30, %reduce_and3A_31 : vector<16xi1>, vector<16xf32>
      %reduce_and3A_33 = arith.constant true
      %reduce_and3A_34 = vector.broadcast %reduce_and3A_33 : i1 to vector<16xi1>
      %reduce_and3A_35 = tpu.scan <min>, %reduce_and3A_32 masked %reduce_and3A_34 : vector<16xf32>, vector<16xi1> -> vector<16xf32>
      %reduce_and3A_36 = vector.extract %reduce_and3A_35[15] : f32 from vector<16xf32>
      %reduce_and3A_37 = arith.constant 0.000000e+00 : f32
      %reduce_and3A_38 = arith.cmpf ogt, %reduce_and3A_36, %reduce_and3A_37 : f32
      %convert_element_type3A_39 = arith.extui %reduce_and3A_38 : i1 to i32
      %cond3A_40 = arith.constant 0 : i32
      %cond3A_41 = arith.cmpi ne, %convert_element_type3A_39, %cond3A_40 : i32
      scf.if %cond3A_41 {
        %dma_start3A = arith.constant 0 : i32
        %dma_start3A_42 = tpu.memref_slice %arg7[%add3A_26, %dma_start3A] : memref<200x128xi32, #tpu.memory_space<vmem>> -> memref<1x128xi32, #tpu.memory_space<vmem>>
        %dma_start3A_43 = tpu.memref_squeeze %dma_start3A_42 : memref<1x128xi32, #tpu.memory_space<vmem>> -> memref<128xi32, #tpu.memory_space<vmem>>
        %dma_start3A_44 = arith.constant 0 : i32
        %dma_start3A_45 = arith.constant 0 : i32
        %dma_start3A_46 = tpu.memref_slice %arg5[%dma_start3A_44, %dma_start3A_45] : memref<50000x16xf32, #tpu.memory_space<hbm>> -> memref<50000x16xf32, #tpu.memory_space<hbm>>
        tpu.enqueue_indirect_dma source(%dma_start3A_46 : memref<50000x16xf32, #tpu.memory_space<hbm>>) target(%arg9 : memref<128x16xf32, #tpu.memory_space<vmem>>) offsets(%dma_start3A_43 : memref<128xi32, #tpu.memory_space<vmem>>) semaphore(%arg13 : memref<!tpu.dma_semaphore, #tpu.memory_space<semaphore_mem>>)
        %dma_wait3A = arith.constant 0 : i32
        %dma_wait3A_47 = tpu.memref_slice %arg7[%add3A_26, %dma_wait3A] : memref<200x128xi32, #tpu.memory_space<vmem>> -> memref<1x128xi32, #tpu.memory_space<vmem>>
        %dma_wait3A_48 = tpu.memref_squeeze %dma_wait3A_47 : memref<1x128xi32, #tpu.memory_space<vmem>> -> memref<128xi32, #tpu.memory_space<vmem>>
        %dma_wait3A_49 = arith.constant 0 : i32
        %dma_wait3A_50 = arith.constant 0 : i32
        %dma_wait3A_51 = tpu.memref_slice %arg5[%dma_wait3A_49, %dma_wait3A_50] : memref<50000x16xf32, #tpu.memory_space<hbm>> -> memref<50000x16xf32, #tpu.memory_space<hbm>>
        tpu.wait_indirect_dma semaphore(%arg13 : memref<!tpu.dma_semaphore, #tpu.memory_space<semaphore_mem>>) src(%dma_wait3A_51 : memref<50000x16xf32, #tpu.memory_space<hbm>>) dst(%arg9 : memref<128x16xf32, #tpu.memory_space<vmem>>)
        "tpu.region"() ({
          %run_scoped3A = tpu.sem_alloc : memref<!tpu.dma_semaphore, #tpu.memory_space<semaphore_mem>>
          %dma_start3A_52 = arith.constant 0 : i32
          %dma_start3A_53 = tpu.memref_slice %arg8[%add3A_26, %dma_start3A_52] : memref<200x128xi32, #tpu.memory_space<vmem>> -> memref<1x128xi32, #tpu.memory_space<vmem>>
          %dma_start3A_54 = tpu.memref_squeeze %dma_start3A_53 : memref<1x128xi32, #tpu.memory_space<vmem>> -> memref<128xi32, #tpu.memory_space<vmem>>
          %dma_start3A_55 = arith.constant 0 : i32
          %dma_start3A_56 = arith.constant 0 : i32
          %dma_start3A_57 = tpu.memref_slice %arg12[%dma_start3A_55, %dma_start3A_56] : memref<2560x16xf32, #tpu.memory_space<vmem_shared>> -> memref<2560x16xf32, #tpu.memory_space<vmem_shared>>
          tpu.enqueue_indirect_dma source(%arg9 : memref<128x16xf32, #tpu.memory_space<vmem>>) target(%dma_start3A_57 : memref<2560x16xf32, #tpu.memory_space<vmem_shared>>) offsets(%dma_start3A_54 : memref<128xi32, #tpu.memory_space<vmem>>) semaphore(%run_scoped3A : memref<!tpu.dma_semaphore, #tpu.memory_space<semaphore_mem>>) {add = true}
          %dma_wait3A_58 = arith.constant 0 : i32
          %dma_wait3A_59 = tpu.memref_slice %arg8[%add3A_26, %dma_wait3A_58] : memref<200x128xi32, #tpu.memory_space<vmem>> -> memref<1x128xi32, #tpu.memory_space<vmem>>
          %dma_wait3A_60 = tpu.memref_squeeze %dma_wait3A_59 : memref<1x128xi32, #tpu.memory_space<vmem>> -> memref<128xi32, #tpu.memory_space<vmem>>
          %dma_wait3A_61 = arith.constant 0 : i32
          %dma_wait3A_62 = arith.constant 0 : i32
          %dma_wait3A_63 = tpu.memref_slice %arg12[%dma_wait3A_61, %dma_wait3A_62] : memref<2560x16xf32, #tpu.memory_space<vmem_shared>> -> memref<2560x16xf32, #tpu.memory_space<vmem_shared>>
          tpu.wait_indirect_dma semaphore(%run_scoped3A : memref<!tpu.dma_semaphore, #tpu.memory_space<semaphore_mem>>) src(%arg9 : memref<128x16xf32, #tpu.memory_space<vmem>>) dst(%dma_wait3A_63 : memref<2560x16xf32, #tpu.memory_space<vmem_shared>>)
          tpu.yield
        }) : () -> ()
      } else {
      }
    }
    %scan3A_14 = arith.constant 200 : i32
    %barrier3A_15 = arith.constant 0 : index
    tpu.barrier barrier_id(%barrier3A_15)
    %lt3A = arith.constant 15 : i32
    %lt3A_16 = arith.cmpi slt, %arg1, %lt3A : i32
    %convert_element_type3A = arith.extui %lt3A_16 : i1 to i32
    %cond3A = arith.constant 0 : i32
    %cond3A_17 = arith.cmpi ne, %convert_element_type3A, %cond3A : i32
    scf.if %cond3A_17 {
      %mul3A_22 = arith.constant 160 : i32
      %mul3A_23 = arith.muli %arg1, %mul3A_22 : i32
      "tpu.region"() ({
        %run_scoped3A = tpu.sem_alloc : memref<!tpu.dma_semaphore, #tpu.memory_space<semaphore_mem>>
        %dma_start3A = arith.constant 0 : i32
        %dma_start3A_26 = tpu.memref_slice %arg12[%mul3A_23, %dma_start3A] : memref<2560x16xf32, #tpu.memory_space<vmem_shared>> -> memref<160x16xf32, #tpu.memory_space<vmem_shared>>
        %dma_start3A_27 = arith.constant 0 : i32
        %dma_start3A_28 = tpu.memref_slice %arg12[%mul3A_23, %dma_start3A_27] : memref<2560x16xf32, #tpu.memory_space<vmem_shared>> -> memref<160x16xf32, #tpu.memory_space<vmem_shared>>
        tpu.enqueue_dma source(%dma_start3A_28 : memref<160x16xf32, #tpu.memory_space<vmem_shared>>) target(%arg10 : memref<160x16xf32, #tpu.memory_space<vmem>>) target_semaphore(%run_scoped3A : memref<!tpu.dma_semaphore, #tpu.memory_space<semaphore_mem>>)
        %dma_wait3A = arith.constant 0 : i32
        %dma_wait3A_29 = tpu.memref_slice %arg12[%mul3A_23, %dma_wait3A] : memref<2560x16xf32, #tpu.memory_space<vmem_shared>> -> memref<160x16xf32, #tpu.memory_space<vmem_shared>>
        %dma_wait3A_30 = arith.constant 0 : i32
        %dma_wait3A_31 = tpu.memref_slice %arg12[%mul3A_23, %dma_wait3A_30] : memref<2560x16xf32, #tpu.memory_space<vmem_shared>> -> memref<160x16xf32, #tpu.memory_space<vmem_shared>>
        tpu.wait_dma2 semaphore(%run_scoped3A : memref<!tpu.dma_semaphore, #tpu.memory_space<semaphore_mem>>) src(%dma_wait3A_31 : memref<160x16xf32, #tpu.memory_space<vmem_shared>>) dst(%arg10 : memref<160x16xf32, #tpu.memory_space<vmem>>)
        tpu.yield
      }) : () -> ()
      %mul3A_24 = arith.constant 160 : i32
      %mul3A_25 = arith.muli %arg1, %mul3A_24 : i32
      "tpu.region"() ({
        %run_scoped3A = tpu.sem_alloc : memref<!tpu.dma_semaphore, #tpu.memory_space<semaphore_mem>>
        %dma_start3A = arith.constant 0 : i32
        %dma_start3A_26 = tpu.memref_slice %arg6[%arg0, %mul3A_25, %dma_start3A] : memref<2x2500x16xf32, #tpu.memory_space<hbm>> -> memref<1x160x16xf32, #tpu.memory_space<hbm>>
        %dma_start3A_27 = tpu.memref_squeeze %dma_start3A_26 : memref<1x160x16xf32, #tpu.memory_space<hbm>> -> memref<160x16xf32, #tpu.memory_space<hbm>>
        %dma_start3A_28 = arith.constant 0 : i32
        %dma_start3A_29 = tpu.memref_slice %arg6[%arg0, %mul3A_25, %dma_start3A_28] : memref<2x2500x16xf32, #tpu.memory_space<hbm>> -> memref<1x160x16xf32, #tpu.memory_space<hbm>>
        %dma_start3A_30 = tpu.memref_squeeze %dma_start3A_29 : memref<1x160x16xf32, #tpu.memory_space<hbm>> -> memref<160x16xf32, #tpu.memory_space<hbm>>
        tpu.enqueue_dma source(%arg10 : memref<160x16xf32, #tpu.memory_space<vmem>>) target(%dma_start3A_30 : memref<160x16xf32, #tpu.memory_space<hbm>>) target_semaphore(%run_scoped3A : memref<!tpu.dma_semaphore, #tpu.memory_space<semaphore_mem>>)
        %dma_wait3A = arith.constant 0 : i32
        %dma_wait3A_31 = tpu.memref_slice %arg6[%arg0, %mul3A_25, %dma_wait3A] : memref<2x2500x16xf32, #tpu.memory_space<hbm>> -> memref<1x160x16xf32, #tpu.memory_space<hbm>>
        %dma_wait3A_32 = tpu.memref_squeeze %dma_wait3A_31 : memref<1x160x16xf32, #tpu.memory_space<hbm>> -> memref<160x16xf32, #tpu.memory_space<hbm>>
        %dma_wait3A_33 = arith.constant 0 : i32
        %dma_wait3A_34 = tpu.memref_slice %arg6[%arg0, %mul3A_25, %dma_wait3A_33] : memref<2x2500x16xf32, #tpu.memory_space<hbm>> -> memref<1x160x16xf32, #tpu.memory_space<hbm>>
        %dma_wait3A_35 = tpu.memref_squeeze %dma_wait3A_34 : memref<1x160x16xf32, #tpu.memory_space<hbm>> -> memref<160x16xf32, #tpu.memory_space<hbm>>
        tpu.wait_dma2 semaphore(%run_scoped3A : memref<!tpu.dma_semaphore, #tpu.memory_space<semaphore_mem>>) src(%arg10 : memref<160x16xf32, #tpu.memory_space<vmem>>) dst(%dma_wait3A_35 : memref<160x16xf32, #tpu.memory_space<hbm>>)
        tpu.yield
      }) : () -> ()
    } else {
    }
    %eq3A = arith.constant 15 : i32
    %eq3A_18 = arith.cmpi eq, %arg1, %eq3A : i32
    %convert_element_type3A_19 = arith.extui %eq3A_18 : i1 to i32
    %cond3A_20 = arith.constant 0 : i32
    %cond3A_21 = arith.cmpi ne, %convert_element_type3A_19, %cond3A_20 : i32
    scf.if %cond3A_21 {
      "tpu.region"() ({
        %run_scoped3A = tpu.sem_alloc : memref<!tpu.dma_semaphore, #tpu.memory_space<semaphore_mem>>
        %dma_start3A = arith.constant 0 : i32
        %dma_start3A_22 = arith.constant 0 : i32
        %dma_start3A_23 = tpu.memref_slice %arg10[%dma_start3A, %dma_start3A_22] : memref<160x16xf32, #tpu.memory_space<vmem>> -> memref<100x16xf32, #tpu.memory_space<vmem>>
        %dma_start3A_24 = arith.constant 2400 : i32
        %dma_start3A_25 = arith.constant 0 : i32
        %dma_start3A_26 = tpu.memref_slice %arg12[%dma_start3A_24, %dma_start3A_25] : memref<2560x16xf32, #tpu.memory_space<vmem_shared>> -> memref<100x16xf32, #tpu.memory_space<vmem_shared>>
        %dma_start3A_27 = arith.constant 0 : i32
        %dma_start3A_28 = arith.constant 0 : i32
        %dma_start3A_29 = tpu.memref_slice %arg10[%dma_start3A_27, %dma_start3A_28] : memref<160x16xf32, #tpu.memory_space<vmem>> -> memref<100x16xf32, #tpu.memory_space<vmem>>
        %dma_start3A_30 = arith.constant 2400 : i32
        %dma_start3A_31 = arith.constant 0 : i32
        %dma_start3A_32 = tpu.memref_slice %arg12[%dma_start3A_30, %dma_start3A_31] : memref<2560x16xf32, #tpu.memory_space<vmem_shared>> -> memref<100x16xf32, #tpu.memory_space<vmem_shared>>
        tpu.enqueue_dma source(%dma_start3A_32 : memref<100x16xf32, #tpu.memory_space<vmem_shared>>) target(%dma_start3A_29 : memref<100x16xf32, #tpu.memory_space<vmem>>) target_semaphore(%run_scoped3A : memref<!tpu.dma_semaphore, #tpu.memory_space<semaphore_mem>>)
        %dma_wait3A = arith.constant 0 : i32
        %dma_wait3A_33 = arith.constant 0 : i32
        %dma_wait3A_34 = tpu.memref_slice %arg10[%dma_wait3A, %dma_wait3A_33] : memref<160x16xf32, #tpu.memory_space<vmem>> -> memref<100x16xf32, #tpu.memory_space<vmem>>
        %dma_wait3A_35 = arith.constant 2400 : i32
        %dma_wait3A_36 = arith.constant 0 : i32
        %dma_wait3A_37 = tpu.memref_slice %arg12[%dma_wait3A_35, %dma_wait3A_36] : memref<2560x16xf32, #tpu.memory_space<vmem_shared>> -> memref<100x16xf32, #tpu.memory_space<vmem_shared>>
        %dma_wait3A_38 = arith.constant 0 : i32
        %dma_wait3A_39 = arith.constant 0 : i32
        %dma_wait3A_40 = tpu.memref_slice %arg10[%dma_wait3A_38, %dma_wait3A_39] : memref<160x16xf32, #tpu.memory_space<vmem>> -> memref<100x16xf32, #tpu.memory_space<vmem>>
        %dma_wait3A_41 = arith.constant 2400 : i32
        %dma_wait3A_42 = arith.constant 0 : i32
        %dma_wait3A_43 = tpu.memref_slice %arg12[%dma_wait3A_41, %dma_wait3A_42] : memref<2560x16xf32, #tpu.memory_space<vmem_shared>> -> memref<100x16xf32, #tpu.memory_space<vmem_shared>>
        tpu.wait_dma2 semaphore(%run_scoped3A : memref<!tpu.dma_semaphore, #tpu.memory_space<semaphore_mem>>) src(%dma_wait3A_43 : memref<100x16xf32, #tpu.memory_space<vmem_shared>>) dst(%dma_wait3A_40 : memref<100x16xf32, #tpu.memory_space<vmem>>)
        tpu.yield
      }) : () -> ()
      "tpu.region"() ({
        %run_scoped3A = tpu.sem_alloc : memref<!tpu.dma_semaphore, #tpu.memory_space<semaphore_mem>>
        %dma_start3A = arith.constant 0 : i32
        %dma_start3A_22 = arith.constant 0 : i32
        %dma_start3A_23 = tpu.memref_slice %arg10[%dma_start3A, %dma_start3A_22] : memref<160x16xf32, #tpu.memory_space<vmem>> -> memref<100x16xf32, #tpu.memory_space<vmem>>
        %dma_start3A_24 = arith.constant 2400 : i32
        %dma_start3A_25 = arith.constant 0 : i32
        %dma_start3A_26 = tpu.memref_slice %arg6[%arg0, %dma_start3A_24, %dma_start3A_25] : memref<2x2500x16xf32, #tpu.memory_space<hbm>> -> memref<1x100x16xf32, #tpu.memory_space<hbm>>
        %dma_start3A_27 = tpu.memref_squeeze %dma_start3A_26 : memref<1x100x16xf32, #tpu.memory_space<hbm>> -> memref<100x16xf32, #tpu.memory_space<hbm>>
        %dma_start3A_28 = arith.constant 2400 : i32
        %dma_start3A_29 = arith.constant 0 : i32
        %dma_start3A_30 = tpu.memref_slice %arg6[%arg0, %dma_start3A_28, %dma_start3A_29] : memref<2x2500x16xf32, #tpu.memory_space<hbm>> -> memref<1x100x16xf32, #tpu.memory_space<hbm>>
        %dma_start3A_31 = tpu.memref_squeeze %dma_start3A_30 : memref<1x100x16xf32, #tpu.memory_space<hbm>> -> memref<100x16xf32, #tpu.memory_space<hbm>>
        %dma_start3A_32 = arith.constant 0 : i32
        %dma_start3A_33 = arith.constant 0 : i32
        %dma_start3A_34 = tpu.memref_slice %arg10[%dma_start3A_32, %dma_start3A_33] : memref<160x16xf32, #tpu.memory_space<vmem>> -> memref<100x16xf32, #tpu.memory_space<vmem>>
        tpu.enqueue_dma source(%dma_start3A_34 : memref<100x16xf32, #tpu.memory_space<vmem>>) target(%dma_start3A_31 : memref<100x16xf32, #tpu.memory_space<hbm>>) target_semaphore(%run_scoped3A : memref<!tpu.dma_semaphore, #tpu.memory_space<semaphore_mem>>)
        %dma_wait3A = arith.constant 0 : i32
        %dma_wait3A_35 = arith.constant 0 : i32
        %dma_wait3A_36 = tpu.memref_slice %arg10[%dma_wait3A, %dma_wait3A_35] : memref<160x16xf32, #tpu.memory_space<vmem>> -> memref<100x16xf32, #tpu.memory_space<vmem>>
        %dma_wait3A_37 = arith.constant 2400 : i32
        %dma_wait3A_38 = arith.constant 0 : i32
        %dma_wait3A_39 = tpu.memref_slice %arg6[%arg0, %dma_wait3A_37, %dma_wait3A_38] : memref<2x2500x16xf32, #tpu.memory_space<hbm>> -> memref<1x100x16xf32, #tpu.memory_space<hbm>>
        %dma_wait3A_40 = tpu.memref_squeeze %dma_wait3A_39 : memref<1x100x16xf32, #tpu.memory_space<hbm>> -> memref<100x16xf32, #tpu.memory_space<hbm>>
        %dma_wait3A_41 = arith.constant 2400 : i32
        %dma_wait3A_42 = arith.constant 0 : i32
        %dma_wait3A_43 = tpu.memref_slice %arg6[%arg0, %dma_wait3A_41, %dma_wait3A_42] : memref<2x2500x16xf32, #tpu.memory_space<hbm>> -> memref<1x100x16xf32, #tpu.memory_space<hbm>>
        %dma_wait3A_44 = tpu.memref_squeeze %dma_wait3A_43 : memref<1x100x16xf32, #tpu.memory_space<hbm>> -> memref<100x16xf32, #tpu.memory_space<hbm>>
        %dma_wait3A_45 = arith.constant 0 : i32
        %dma_wait3A_46 = arith.constant 0 : i32
        %dma_wait3A_47 = tpu.memref_slice %arg10[%dma_wait3A_45, %dma_wait3A_46] : memref<160x16xf32, #tpu.memory_space<vmem>> -> memref<100x16xf32, #tpu.memory_space<vmem>>
        tpu.wait_dma2 semaphore(%run_scoped3A : memref<!tpu.dma_semaphore, #tpu.memory_space<semaphore_mem>>) src(%dma_wait3A_47 : memref<100x16xf32, #tpu.memory_space<vmem>>) dst(%dma_wait3A_44 : memref<100x16xf32, #tpu.memory_space<hbm>>)
        tpu.yield
      }) : () -> ()
    } else {
    }
    return
  }
}

#map = affine_map<(d0, d1) -> (0, 0)>
#map1 = affine_map<(d0, d1) -> (0)>
module attributes {stable_mosaic.version = 14 : i64} {
  func.func @k(%arg0: i32, %arg1: i32, %arg2: memref<6400x128xi32, #tpu.memory_space<hbm>>, %arg3: memref<6400x128xi32, #tpu.memory_space<hbm>>, %arg4: memref<819200xi32, #tpu.memory_space<hbm>>, %arg5: memref<819200xi32, #tpu.memory_space<hbm>>, %arg6: memref<512xi32, #tpu.memory_space<hbm>>, %arg7: memref<200x128xi32, #tpu.memory_space<vmem>>, %arg8: memref<200x128xi32, #tpu.memory_space<vmem>>, %arg9: memref<25600xi32, #tpu.memory_space<vmem>>, %arg10: memref<25600xi32, #tpu.memory_space<vmem>>, %arg11: memref<16xi32, #tpu.memory_space<vmem>>) attributes {dimension_semantics = [#tpu.dimension_semantics<core_parallel>, #tpu.dimension_semantics<subcore_parallel>], iteration_bounds = array<i64: 2, 16>, scalar_prefetch = 0 : i64, scratch_operands = 5 : i64, tpu.core_type = #tpu.core_type<sc_vector_subcore>, window_params = [{transform_indices = #map}, {transform_indices = #map}, {transform_indices = #map1}, {transform_indices = #map1}, {transform_indices = #map1}]} {
    %mul3A = arith.constant 2 : i32
    %mul3A_0 = arith.muli %arg1, %mul3A : i32
    %add3A = arith.addi %mul3A_0, %arg0 : i32
    %mul3A_1 = arith.constant 200 : i32
    %mul3A_2 = arith.muli %add3A, %mul3A_1 : i32
    "tpu.region"() ({
      %run_scoped3A = tpu.sem_alloc : memref<!tpu.dma_semaphore, #tpu.memory_space<semaphore_mem>>
      %dma_start3A = arith.constant 0 : i32
      %dma_start3A_52 = tpu.memref_slice %arg2[%mul3A_2, %dma_start3A] : memref<6400x128xi32, #tpu.memory_space<hbm>> -> memref<200x128xi32, #tpu.memory_space<hbm>>
      %dma_start3A_53 = arith.constant 0 : i32
      %dma_start3A_54 = tpu.memref_slice %arg2[%mul3A_2, %dma_start3A_53] : memref<6400x128xi32, #tpu.memory_space<hbm>> -> memref<200x128xi32, #tpu.memory_space<hbm>>
      tpu.enqueue_dma source(%dma_start3A_54 : memref<200x128xi32, #tpu.memory_space<hbm>>) target(%arg7 : memref<200x128xi32, #tpu.memory_space<vmem>>) target_semaphore(%run_scoped3A : memref<!tpu.dma_semaphore, #tpu.memory_space<semaphore_mem>>)
      %dma_wait3A = arith.constant 0 : i32
      %dma_wait3A_55 = tpu.memref_slice %arg2[%mul3A_2, %dma_wait3A] : memref<6400x128xi32, #tpu.memory_space<hbm>> -> memref<200x128xi32, #tpu.memory_space<hbm>>
      %dma_wait3A_56 = arith.constant 0 : i32
      %dma_wait3A_57 = tpu.memref_slice %arg2[%mul3A_2, %dma_wait3A_56] : memref<6400x128xi32, #tpu.memory_space<hbm>> -> memref<200x128xi32, #tpu.memory_space<hbm>>
      tpu.wait_dma2 semaphore(%run_scoped3A : memref<!tpu.dma_semaphore, #tpu.memory_space<semaphore_mem>>) src(%dma_wait3A_57 : memref<200x128xi32, #tpu.memory_space<hbm>>) dst(%arg7 : memref<200x128xi32, #tpu.memory_space<vmem>>)
      tpu.yield
    }) : () -> ()
    %mul3A_3 = arith.constant 200 : i32
    %mul3A_4 = arith.muli %add3A, %mul3A_3 : i32
    "tpu.region"() ({
      %run_scoped3A = tpu.sem_alloc : memref<!tpu.dma_semaphore, #tpu.memory_space<semaphore_mem>>
      %dma_start3A = arith.constant 0 : i32
      %dma_start3A_52 = tpu.memref_slice %arg3[%mul3A_4, %dma_start3A] : memref<6400x128xi32, #tpu.memory_space<hbm>> -> memref<200x128xi32, #tpu.memory_space<hbm>>
      %dma_start3A_53 = arith.constant 0 : i32
      %dma_start3A_54 = tpu.memref_slice %arg3[%mul3A_4, %dma_start3A_53] : memref<6400x128xi32, #tpu.memory_space<hbm>> -> memref<200x128xi32, #tpu.memory_space<hbm>>
      tpu.enqueue_dma source(%dma_start3A_54 : memref<200x128xi32, #tpu.memory_space<hbm>>) target(%arg8 : memref<200x128xi32, #tpu.memory_space<vmem>>) target_semaphore(%run_scoped3A : memref<!tpu.dma_semaphore, #tpu.memory_space<semaphore_mem>>)
      %dma_wait3A = arith.constant 0 : i32
      %dma_wait3A_55 = tpu.memref_slice %arg3[%mul3A_4, %dma_wait3A] : memref<6400x128xi32, #tpu.memory_space<hbm>> -> memref<200x128xi32, #tpu.memory_space<hbm>>
      %dma_wait3A_56 = arith.constant 0 : i32
      %dma_wait3A_57 = tpu.memref_slice %arg3[%mul3A_4, %dma_wait3A_56] : memref<6400x128xi32, #tpu.memory_space<hbm>> -> memref<200x128xi32, #tpu.memory_space<hbm>>
      tpu.wait_dma2 semaphore(%run_scoped3A : memref<!tpu.dma_semaphore, #tpu.memory_space<semaphore_mem>>) src(%dma_wait3A_57 : memref<200x128xi32, #tpu.memory_space<hbm>>) dst(%arg8 : memref<200x128xi32, #tpu.memory_space<vmem>>)
      tpu.yield
    }) : () -> ()
    %iota3A = tpu.iota {dimensions = array<i32: 0>} : vector<16xi32>
    %scan3A = arith.constant 0 : i32
    %scan3A_5 = arith.constant 1600 : i32
    %scan3A_6 = arith.addi %scan3A, %scan3A_5 : i32
    %scan3A_7 = arith.constant 1 : i32
    scf.for %scan3A_52 = %scan3A to %scan3A_6 step %scan3A_7  : i32 {
      %mul3A_53 = arith.constant 1 : i32
      %mul3A_54 = arith.muli %scan3A_52, %mul3A_53 : i32
      %add3A_55 = arith.constant 0 : i32
      %add3A_56 = arith.addi %add3A_55, %mul3A_54 : i32
      %add3A_57 = vector.broadcast %add3A_56 : i32 to vector<16xi32>
      %add3A_58 = arith.addi %iota3A, %add3A_57 : vector<16xi32>
      %and3A_59 = arith.constant 31 : i32
      %and3A_60 = vector.broadcast %and3A_59 : i32 to vector<16xi32>
      %and3A_61 = arith.andi %add3A_58, %and3A_60 : vector<16xi32>
      %add3A_62 = arith.constant 2500 : i32
      %add3A_63 = vector.broadcast %add3A_62 : i32 to vector<16xi32>
      %add3A_64 = arith.addi %add3A_63, %and3A_61 : vector<16xi32>
      %mul3A_65 = arith.constant 16 : i32
      %mul3A_66 = arith.muli %add3A_56, %mul3A_65 : i32
      %swap3A_67 = arith.index_cast %mul3A_66 : i32 to index
      %swap3A_68 = tpu.vector_load %arg10[%swap3A_67] {strides = array<i32>} : memref<25600xi32, #tpu.memory_space<vmem>>, vector<16xi32>,
      tpu.vector_store %arg10[%swap3A_67], %add3A_64 {strides = array<i32>} : memref<25600xi32, #tpu.memory_space<vmem>>, vector<16xi32>,
      %mul3A_69 = arith.constant 16 : i32
      %mul3A_70 = arith.muli %add3A_56, %mul3A_69 : i32
      %add3A_71 = vector.broadcast %mul3A_70 : i32 to vector<16xi32>
      %add3A_72 = arith.addi %iota3A, %add3A_71 : vector<16xi32>
      %mul3A_73 = arith.constant 53 : i32
      %mul3A_74 = vector.broadcast %mul3A_73 : i32 to vector<16xi32>
      %mul3A_75 = arith.muli %add3A_72, %mul3A_74 : vector<16xi32>
      %and3A_76 = arith.constant 32767 : i32
      %and3A_77 = vector.broadcast %and3A_76 : i32 to vector<16xi32>
      %and3A_78 = arith.andi %mul3A_75, %and3A_77 : vector<16xi32>
      %mul3A_79 = arith.constant 16 : i32
      %mul3A_80 = arith.muli %add3A_56, %mul3A_79 : i32
      %swap3A_81 = arith.index_cast %mul3A_80 : i32 to index
      %swap3A_82 = tpu.vector_load %arg9[%swap3A_81] {strides = array<i32>} : memref<25600xi32, #tpu.memory_space<vmem>>, vector<16xi32>,
      tpu.vector_store %arg9[%swap3A_81], %and3A_78 {strides = array<i32>} : memref<25600xi32, #tpu.memory_space<vmem>>, vector<16xi32>,
    }
    %scan3A_8 = arith.constant 1600 : i32
    %broadcast_in_dim3A = arith.constant 1 : i32
    %broadcast_in_dim3A_9 = vector.broadcast %broadcast_in_dim3A : i32 to vector<16xi32>
    %broadcast_in_dim3A_10 = arith.constant 0 : i32
    %broadcast_in_dim3A_11 = vector.broadcast %broadcast_in_dim3A_10 : i32 to vector<16xi32>
    %scan3A_12 = arith.constant 0 : i32
    %scan3A_13 = arith.constant 0 : i32
    %scan3A_14 = arith.constant 1600 : i32
    %scan3A_15 = arith.addi %scan3A_13, %scan3A_14 : i32
    %scan3A_16 = arith.constant 1 : i32
    %scan3A_17 = scf.for %scan3A_52 = %scan3A_13 to %scan3A_15 step %scan3A_16 iter_args(%scan3A_53 = %scan3A_12) -> (i32)  : i32 {
      %jit3A_54 = arith.constant 8 : i32
      %div3A_55 = arith.divsi %scan3A_52, %jit3A_54 : i32
      %sign3A_56 = arith.constant 0 : i32
      %sign3A_57 = arith.cmpi sgt, %scan3A_52, %sign3A_56 : i32
      %sign3A_58 = arith.extui %sign3A_57 : i1 to i32
      %sign3A_59 = arith.constant 0 : i32
      %sign3A_60 = arith.cmpi slt, %scan3A_52, %sign3A_59 : i32
      %sign3A_61 = arith.extui %sign3A_60 : i1 to i32
      %sign3A_62 = arith.subi %sign3A_58, %sign3A_61 : i32
      %sign3A_63 = arith.constant 0 : i32
      %sign3A_64 = arith.cmpi sgt, %jit3A_54, %sign3A_63 : i32
      %sign3A_65 = arith.extui %sign3A_64 : i1 to i32
      %sign3A_66 = arith.constant 0 : i32
      %sign3A_67 = arith.cmpi slt, %jit3A_54, %sign3A_66 : i32
      %sign3A_68 = arith.extui %sign3A_67 : i1 to i32
      %sign3A_69 = arith.subi %sign3A_65, %sign3A_68 : i32
      %ne3A_70 = arith.cmpi ne, %sign3A_62, %sign3A_69 : i32
      %rem3A_71 = arith.remsi %scan3A_52, %jit3A_54 : i32
      %ne3A_72 = arith.constant 0 : i32
      %ne3A_73 = arith.cmpi ne, %rem3A_71, %ne3A_72 : i32
      %and3A_74 = arith.andi %ne3A_70, %ne3A_73 : i1
      %sub3A_75 = arith.constant 1 : i32
      %sub3A_76 = arith.subi %div3A_55, %sub3A_75 : i32
      %select_n3A_77 = arith.select %and3A_74, %sub3A_76, %div3A_55 : i32
      %jit3A_78 = arith.constant 8 : i32
      %eq3A = arith.constant 0 : i32
      %eq3A_79 = arith.cmpi eq, %jit3A_78, %eq3A : i32
      %jit3A_80 = arith.constant 1 : i32
      %select_n3A_81 = arith.select %eq3A_79, %jit3A_80, %jit3A_78 : i32
      %rem3A_82 = arith.remsi %scan3A_52, %select_n3A_81 : i32
      %ne3A_83 = arith.constant 0 : i32
      %ne3A_84 = arith.cmpi ne, %rem3A_82, %ne3A_83 : i32
      %lt3A = arith.constant 0 : i32
      %lt3A_85 = arith.cmpi slt, %rem3A_82, %lt3A : i32
      %lt3A_86 = arith.constant 0 : i32
      %lt3A_87 = arith.cmpi slt, %select_n3A_81, %lt3A_86 : i32
      %ne3A_88 = arith.xori %lt3A_85, %lt3A_87 : i1
      %and3A_89 = arith.andi %ne3A_88, %ne3A_84 : i1
      %add3A_90 = arith.addi %rem3A_82, %select_n3A_81 : i32
      %select_n3A_91 = arith.select %and3A_89, %add3A_90, %rem3A_82 : i32
      %mul3A_92 = arith.constant 16 : i32
      %mul3A_93 = arith.muli %select_n3A_91, %mul3A_92 : i32
      %get3A = arith.index_cast %select_n3A_77 : i32 to index
      %get3A_94 = arith.index_cast %mul3A_93 : i32 to index
      %get3A_95 = tpu.vector_load %arg8[%get3A, %get3A_94] {strides = array<i32>} : memref<200x128xi32, #tpu.memory_space<vmem>>, vector<16xi32>,
      %mul3A_96 = arith.constant 16 : i32
      %mul3A_97 = arith.muli %select_n3A_91, %mul3A_96 : i32
      %get3A_98 = arith.index_cast %select_n3A_77 : i32 to index
      %get3A_99 = arith.index_cast %mul3A_97 : i32 to index
      %get3A_100 = tpu.vector_load %arg7[%get3A_98, %get3A_99] {strides = array<i32>} : memref<200x128xi32, #tpu.memory_space<vmem>>, vector<16xi32>,
      %shift_right_logical3A = arith.constant 2 : i32
      %shift_right_logical3A_101 = vector.broadcast %shift_right_logical3A : i32 to vector<16xi32>
      %shift_right_logical3A_102 = arith.shrui %get3A_95, %shift_right_logical3A_101 : vector<16xi32>
      %mul3A_103 = arith.constant 52429 : i32
      %mul3A_104 = vector.broadcast %mul3A_103 : i32 to vector<16xi32>
      %mul3A_105 = arith.muli %shift_right_logical3A_102, %mul3A_104 : vector<16xi32>
      %shift_right_logical3A_106 = arith.constant 18 : i32
      %shift_right_logical3A_107 = vector.broadcast %shift_right_logical3A_106 : i32 to vector<16xi32>
      %shift_right_logical3A_108 = arith.shrui %mul3A_105, %shift_right_logical3A_107 : vector<16xi32>
      %and3A_109 = arith.constant 3 : i32
      %and3A_110 = vector.broadcast %and3A_109 : i32 to vector<16xi32>
      %and3A_111 = arith.andi %get3A_95, %and3A_110 : vector<16xi32>
      %eq3A_112 = arith.constant 0 : i32
      %eq3A_113 = vector.broadcast %eq3A_112 : i32 to vector<16xi32>
      %eq3A_114 = arith.cmpi eq, %and3A_111, %eq3A_113 : vector<16xi32>
      %mul3A_115 = arith.constant 5 : i32
      %mul3A_116 = vector.broadcast %mul3A_115 : i32 to vector<16xi32>
      %mul3A_117 = arith.muli %shift_right_logical3A_108, %mul3A_116 : vector<16xi32>
      %eq3A_118 = arith.cmpi eq, %mul3A_117, %shift_right_logical3A_102 : vector<16xi32>
      %and3A_119 = arith.andi %eq3A_114, %eq3A_118 : vector<16xi1>
      %swap3A_120 = arith.index_cast %scan3A_53 : i32 to index
      %swap3A_121 = tpu.vector_load %arg10[%swap3A_120] masked %and3A_119 {strides = array<i32>} : memref<25600xi32, #tpu.memory_space<vmem>>, vector<16xi32>, vector<16xi1>
      tpu.vector_store %arg10[%swap3A_120], %shift_right_logical3A_108 masked %and3A_119 {strides = array<i32>} : memref<25600xi32, #tpu.memory_space<vmem>>, vector<16xi32>, vector<16xi1>
      %swap3A_122 = arith.index_cast %scan3A_53 : i32 to index
      %swap3A_123 = tpu.vector_load %arg9[%swap3A_122] masked %and3A_119 {strides = array<i32>} : memref<25600xi32, #tpu.memory_space<vmem>>, vector<16xi32>, vector<16xi1>
      tpu.vector_store %arg9[%swap3A_122], %get3A_100 masked %and3A_119 {strides = array<i32>} : memref<25600xi32, #tpu.memory_space<vmem>>, vector<16xi32>, vector<16xi1>
      %select_n3A_124 = arith.select %and3A_119, %broadcast_in_dim3A_9, %broadcast_in_dim3A_11 : vector<16xi1>, vector<16xi32>
      %reduce_sum3A = arith.constant true
      %reduce_sum3A_125 = vector.broadcast %reduce_sum3A : i1 to vector<16xi1>
      %reduce_sum3A_126 = tpu.scan <sum>, %select_n3A_124 masked %reduce_sum3A_125 : vector<16xi32>, vector<16xi1> -> vector<16xi32>
      %reduce_sum3A_127 = vector.extract %reduce_sum3A_126[15] : i32 from vector<16xi32>
      %add3A_128 = arith.addi %scan3A_53, %reduce_sum3A_127 : i32
      scf.yield %add3A_128 : i32
    }
    %scan3A_18 = arith.constant 1600 : i32
    %add3A_19 = arith.constant 127 : i32
    %add3A_20 = arith.addi %scan3A_17, %add3A_19 : i32
    %jit3A = arith.constant 128 : i32
    %div3A = arith.divsi %add3A_20, %jit3A : i32
    %sign3A = arith.constant 0 : i32
    %sign3A_21 = arith.cmpi sgt, %add3A_20, %sign3A : i32
    %sign3A_22 = arith.extui %sign3A_21 : i1 to i32
    %sign3A_23 = arith.constant 0 : i32
    %sign3A_24 = arith.cmpi slt, %add3A_20, %sign3A_23 : i32
    %sign3A_25 = arith.extui %sign3A_24 : i1 to i32
    %sign3A_26 = arith.subi %sign3A_22, %sign3A_25 : i32
    %sign3A_27 = arith.constant 0 : i32
    %sign3A_28 = arith.cmpi sgt, %jit3A, %sign3A_27 : i32
    %sign3A_29 = arith.extui %sign3A_28 : i1 to i32
    %sign3A_30 = arith.constant 0 : i32
    %sign3A_31 = arith.cmpi slt, %jit3A, %sign3A_30 : i32
    %sign3A_32 = arith.extui %sign3A_31 : i1 to i32
    %sign3A_33 = arith.subi %sign3A_29, %sign3A_32 : i32
    %ne3A = arith.cmpi ne, %sign3A_26, %sign3A_33 : i32
    %rem3A = arith.remsi %add3A_20, %jit3A : i32
    %ne3A_34 = arith.constant 0 : i32
    %ne3A_35 = arith.cmpi ne, %rem3A, %ne3A_34 : i32
    %and3A = arith.andi %ne3A, %ne3A_35 : i1
    %sub3A = arith.constant 1 : i32
    %sub3A_36 = arith.subi %div3A, %sub3A : i32
    %select_n3A = arith.select %and3A, %sub3A_36, %div3A : i32
    %broadcast_in_dim3A_37 = arith.constant 1 : i32
    %broadcast_in_dim3A_38 = vector.broadcast %broadcast_in_dim3A_37 : i32 to vector<16xi32>
    %mul3A_39 = vector.broadcast %select_n3A : i32 to vector<16xi32>
    %mul3A_40 = arith.muli %broadcast_in_dim3A_38, %mul3A_39 : vector<16xi32>
    %swap3A = arith.constant 0 : index
    %swap3A_41 = tpu.vector_load %arg11[%swap3A] {strides = array<i32>} : memref<16xi32, #tpu.memory_space<vmem>>, vector<16xi32>,
    tpu.vector_store %arg11[%swap3A], %mul3A_40 {strides = array<i32>} : memref<16xi32, #tpu.memory_space<vmem>>, vector<16xi32>,
    %mul3A_42 = arith.constant 16 : i32
    %mul3A_43 = arith.muli %add3A, %mul3A_42 : i32
    "tpu.region"() ({
      %run_scoped3A = tpu.sem_alloc : memref<!tpu.dma_semaphore, #tpu.memory_space<semaphore_mem>>
      %dma_start3A = tpu.memref_slice %arg6[%mul3A_43] : memref<512xi32, #tpu.memory_space<hbm>> -> memref<16xi32, #tpu.memory_space<hbm>>
      %dma_start3A_52 = tpu.memref_slice %arg6[%mul3A_43] : memref<512xi32, #tpu.memory_space<hbm>> -> memref<16xi32, #tpu.memory_space<hbm>>
      tpu.enqueue_dma source(%arg11 : memref<16xi32, #tpu.memory_space<vmem>>) target(%dma_start3A_52 : memref<16xi32, #tpu.memory_space<hbm>>) target_semaphore(%run_scoped3A : memref<!tpu.dma_semaphore, #tpu.memory_space<semaphore_mem>>)
      %dma_wait3A = tpu.memref_slice %arg6[%mul3A_43] : memref<512xi32, #tpu.memory_space<hbm>> -> memref<16xi32, #tpu.memory_space<hbm>>
      %dma_wait3A_53 = tpu.memref_slice %arg6[%mul3A_43] : memref<512xi32, #tpu.memory_space<hbm>> -> memref<16xi32, #tpu.memory_space<hbm>>
      tpu.wait_dma2 semaphore(%run_scoped3A : memref<!tpu.dma_semaphore, #tpu.memory_space<semaphore_mem>>) src(%arg11 : memref<16xi32, #tpu.memory_space<vmem>>) dst(%dma_wait3A_53 : memref<16xi32, #tpu.memory_space<hbm>>)
      tpu.yield
    }) : () -> ()
    %mul3A_44 = arith.constant 200 : i32
    %mul3A_45 = arith.muli %add3A, %mul3A_44 : i32
    %mul3A_46 = arith.constant 128 : i32
    %mul3A_47 = arith.muli %mul3A_45, %mul3A_46 : i32
    "tpu.region"() ({
      %run_scoped3A = tpu.sem_alloc : memref<!tpu.dma_semaphore, #tpu.memory_space<semaphore_mem>>
      %dma_start3A = tpu.memref_slice %arg4[%mul3A_47] : memref<819200xi32, #tpu.memory_space<hbm>> -> memref<25600xi32, #tpu.memory_space<hbm>>
      %dma_start3A_52 = tpu.memref_slice %arg4[%mul3A_47] : memref<819200xi32, #tpu.memory_space<hbm>> -> memref<25600xi32, #tpu.memory_space<hbm>>
      tpu.enqueue_dma source(%arg9 : memref<25600xi32, #tpu.memory_space<vmem>>) target(%dma_start3A_52 : memref<25600xi32, #tpu.memory_space<hbm>>) target_semaphore(%run_scoped3A : memref<!tpu.dma_semaphore, #tpu.memory_space<semaphore_mem>>)
      %dma_wait3A = tpu.memref_slice %arg4[%mul3A_47] : memref<819200xi32, #tpu.memory_space<hbm>> -> memref<25600xi32, #tpu.memory_space<hbm>>
      %dma_wait3A_53 = tpu.memref_slice %arg4[%mul3A_47] : memref<819200xi32, #tpu.memory_space<hbm>> -> memref<25600xi32, #tpu.memory_space<hbm>>
      tpu.wait_dma2 semaphore(%run_scoped3A : memref<!tpu.dma_semaphore, #tpu.memory_space<semaphore_mem>>) src(%arg9 : memref<25600xi32, #tpu.memory_space<vmem>>) dst(%dma_wait3A_53 : memref<25600xi32, #tpu.memory_space<hbm>>)
      tpu.yield
    }) : () -> ()
    %mul3A_48 = arith.constant 200 : i32
    %mul3A_49 = arith.muli %add3A, %mul3A_48 : i32
    %mul3A_50 = arith.constant 128 : i32
    %mul3A_51 = arith.muli %mul3A_49, %mul3A_50 : i32
    "tpu.region"() ({
      %run_scoped3A = tpu.sem_alloc : memref<!tpu.dma_semaphore, #tpu.memory_space<semaphore_mem>>
      %dma_start3A = tpu.memref_slice %arg5[%mul3A_51] : memref<819200xi32, #tpu.memory_space<hbm>> -> memref<25600xi32, #tpu.memory_space<hbm>>
      %dma_start3A_52 = tpu.memref_slice %arg5[%mul3A_51] : memref<819200xi32, #tpu.memory_space<hbm>> -> memref<25600xi32, #tpu.memory_space<hbm>>
      tpu.enqueue_dma source(%arg10 : memref<25600xi32, #tpu.memory_space<vmem>>) target(%dma_start3A_52 : memref<25600xi32, #tpu.memory_space<hbm>>) target_semaphore(%run_scoped3A : memref<!tpu.dma_semaphore, #tpu.memory_space<semaphore_mem>>)
      %dma_wait3A = tpu.memref_slice %arg5[%mul3A_51] : memref<819200xi32, #tpu.memory_space<hbm>> -> memref<25600xi32, #tpu.memory_space<hbm>>
      %dma_wait3A_53 = tpu.memref_slice %arg5[%mul3A_51] : memref<819200xi32, #tpu.memory_space<hbm>> -> memref<25600xi32, #tpu.memory_space<hbm>>
      tpu.wait_dma2 semaphore(%run_scoped3A : memref<!tpu.dma_semaphore, #tpu.memory_space<semaphore_mem>>) src(%arg10 : memref<25600xi32, #tpu.memory_space<vmem>>) dst(%dma_wait3A_53 : memref<25600xi32, #tpu.memory_space<hbm>>)
      tpu.yield
    }) : () -> ()
    return
  }
}

module attributes {stable_mosaic.version = 14 : i64} {
  func.func @body(%arg0: i32, %arg1: memref<2000x100xf32, #tpu.memory_space<vmem>>, %arg2: memref<1x2x2000xf32, #tpu.memory_space<vmem>>, %arg3: memref<100x16xf32, #tpu.memory_space<vmem>>, %arg4: memref<2000x16xf32, #tpu.memory_space<vmem>>) attributes {dimension_semantics = [#tpu.dimension_semantics<arbitrary>], iteration_bounds = array<i64: 25>, scalar_prefetch = 0 : i64, scratch_operands = 0 : i64, tpu.core_type = #tpu.core_type<tc>, window_params = [{transform_indices = @transform_0, window_bounds = array<i64: 2000, 100>}, {transform_indices = @transform_1, window_bounds = array<i64: 1, 2, 2000>}, {pipeline_mode = #tpu.pipeline_mode<synchronous>, transform_indices = @transform_2, window_bounds = array<i64: 100, 16>}, {transform_indices = @transform_3, window_bounds = array<i64: 2000, 16>}]} {
    %get3A = arith.constant 0 : index
    %get3A_0 = arith.constant 0 : index
    %get3A_1 = arith.constant 0 : index
    %get3A_2 = vector.load %arg2[%get3A, %get3A_0, %get3A_1] : memref<1x2x2000xf32, #tpu.memory_space<vmem>>, vector<1x2x2000xf32>
    %get3A_3 = vector.shape_cast %get3A_2 : vector<1x2x2000xf32> to vector<2x2000xf32>
    %slice3A = vector.extract_strided_slice %get3A_3 {offsets = [0, 0], sizes = [1, 2000], strides = [1, 1]} : vector<2x2000xf32> to vector<1x2000xf32>
    %slice3A_4 = vector.extract_strided_slice %get3A_3 {offsets = [1, 0], sizes = [1, 2000], strides = [1, 1]} : vector<2x2000xf32> to vector<1x2000xf32>
    %add3A = arith.addf %slice3A, %slice3A_4 : vector<1x2000xf32>
    %add3A_5 = arith.constant 1.000000e+00 : f32
    %add3A_6 = vector.broadcast %add3A_5 : f32 to vector<1x2000xf32>
    %add3A_7 = arith.addf %add3A, %add3A_6 : vector<1x2000xf32>
    %rsqrt3A = math.rsqrt %add3A_7 : vector<1x2000xf32>
    %reshape3A = vector.shape_cast %rsqrt3A : vector<1x2000xf32> to vector<2000x1xf32>
    %get3A_8 = arith.constant 0 : index
    %get3A_9 = arith.constant 0 : index
    %get3A_10 = vector.load %arg1[%get3A_8, %get3A_9] : memref<2000x100xf32, #tpu.memory_space<vmem>>, vector<2000x100xf32>
    %get3A_11 = arith.constant 0 : index
    %get3A_12 = arith.constant 0 : index
    %get3A_13 = vector.load %arg3[%get3A_11, %get3A_12] : memref<100x16xf32, #tpu.memory_space<vmem>>, vector<100x16xf32>
    %dot_general3A = arith.constant dense<0.000000e+00> : vector<2000x16xf32>
    %dot_general3A_14 = tpu.matmul %get3A_10, %get3A_13, %dot_general3A {dimension_numbers = #tpu.dot_dimension_numbers<[1], [0], [0], [1], [0, 0, 1, 1], [], []>, transpose_lhs_hint = false} : vector<2000x100xf32>, vector<100x16xf32>, vector<2000x16xf32> -> vector<2000x16xf32>
    %mul3A = vector.broadcast %reshape3A : vector<2000x1xf32> to vector<2000x16xf32>
    %mul3A_15 = arith.mulf %mul3A, %dot_general3A_14 : vector<2000x16xf32>
    %swap3A = arith.constant 0 : index
    %swap3A_16 = arith.constant 0 : index
    %swap3A_17 = vector.load %arg4[%swap3A, %swap3A_16] : memref<2000x16xf32, #tpu.memory_space<vmem>>, vector<2000x16xf32>
    tpu.vector_store %arg4[%swap3A, %swap3A_16], %mul3A_15 {strides = array<i32>} : memref<2000x16xf32, #tpu.memory_space<vmem>>, vector<2000x16xf32>,
    return
  }
  func.func @transform_0(%arg0: i32) -> (i32, i32) {
    %c0_i32 = arith.constant 0 : i32
    %c0_i32_0 = arith.constant 0 : i32
    return %arg0, %c0_i32 : i32, i32
  }
  func.func @transform_1(%arg0: i32) -> (i32, i32, i32) {
    %c0_i32 = arith.constant 0 : i32
    %c0_i32_0 = arith.constant 0 : i32
    %c0_i32_1 = arith.constant 0 : i32
    return %arg0, %c0_i32, %c0_i32_0 : i32, i32, i32
  }
  func.func @transform_2(%arg0: i32) -> (i32, i32) {
    %c0_i32 = arith.constant 0 : i32
    %c0_i32_0 = arith.constant 0 : i32
    %c0_i32_1 = arith.constant 0 : i32
    return %c0_i32, %c0_i32_0 : i32, i32
  }
  func.func @transform_3(%arg0: i32) -> (i32, i32) {
    %c0_i32 = arith.constant 0 : i32
    %c0_i32_0 = arith.constant 0 : i32
    return %arg0, %c0_i32 : i32, i32
  }
}

module attributes {stable_mosaic.version = 14 : i64} {
  func.func @body(%arg0: i32, %arg1: memref<2x2000x16xf32, #tpu.memory_space<vmem>>, %arg2: memref<2000x16xf32, #tpu.memory_space<vmem>>, %arg3: memref<1x2x2000xf32, #tpu.memory_space<vmem>>, %arg4: memref<1x16xf32, #tpu.memory_space<vmem>>, %arg5: memref<2000x16xf32, #tpu.memory_space<vmem>>) attributes {dimension_semantics = [#tpu.dimension_semantics<arbitrary>], iteration_bounds = array<i64: 25>, scalar_prefetch = 0 : i64, scratch_operands = 0 : i64, tpu.core_type = #tpu.core_type<tc>, window_params = [{transform_indices = @transform_0, window_bounds = array<i64: 2, 2000, 16>}, {transform_indices = @transform_1, window_bounds = array<i64: 2000, 16>}, {transform_indices = @transform_2, window_bounds = array<i64: 1, 2, 2000>}, {pipeline_mode = #tpu.pipeline_mode<synchronous>, transform_indices = @transform_3, window_bounds = array<i64: 1, 16>}, {transform_indices = @transform_4, window_bounds = array<i64: 2000, 16>}]} {
    %get3A = arith.constant 0 : index
    %get3A_0 = arith.constant 0 : index
    %get3A_1 = arith.constant 0 : index
    %get3A_2 = vector.load %arg3[%get3A, %get3A_0, %get3A_1] : memref<1x2x2000xf32, #tpu.memory_space<vmem>>, vector<1x2x2000xf32>
    %get3A_3 = vector.shape_cast %get3A_2 : vector<1x2x2000xf32> to vector<2x2000xf32>
    %slice3A = vector.extract_strided_slice %get3A_3 {offsets = [0, 0], sizes = [1, 2000], strides = [1, 1]} : vector<2x2000xf32> to vector<1x2000xf32>
    %slice3A_4 = vector.extract_strided_slice %get3A_3 {offsets = [1, 0], sizes = [1, 2000], strides = [1, 1]} : vector<2x2000xf32> to vector<1x2000xf32>
    %add3A = arith.addf %slice3A, %slice3A_4 : vector<1x2000xf32>
    %add3A_5 = arith.constant 1.000000e+00 : f32
    %add3A_6 = vector.broadcast %add3A_5 : f32 to vector<1x2000xf32>
    %add3A_7 = arith.addf %add3A, %add3A_6 : vector<1x2000xf32>
    %rsqrt3A = math.rsqrt %add3A_7 : vector<1x2000xf32>
    %reshape3A = vector.shape_cast %rsqrt3A : vector<1x2000xf32> to vector<2000x1xf32>
    %get3A_8 = arith.constant 0 : index
    %get3A_9 = arith.constant 0 : index
    %get3A_10 = arith.constant 0 : index
    %get3A_11 = vector.load %arg1[%get3A_8, %get3A_9, %get3A_10] : memref<2x2000x16xf32, #tpu.memory_space<vmem>>, vector<1x2000x16xf32>
    %get3A_12 = vector.shape_cast %get3A_11 : vector<1x2000x16xf32> to vector<2000x16xf32>
    %get3A_13 = arith.constant 1 : index
    %get3A_14 = arith.constant 0 : index
    %get3A_15 = arith.constant 0 : index
    %get3A_16 = vector.load %arg1[%get3A_13, %get3A_14, %get3A_15] : memref<2x2000x16xf32, #tpu.memory_space<vmem>>, vector<1x2000x16xf32>
    %get3A_17 = vector.shape_cast %get3A_16 : vector<1x2000x16xf32> to vector<2000x16xf32>
    %add3A_18 = arith.addf %get3A_12, %get3A_17 : vector<2000x16xf32>
    %get3A_19 = arith.constant 0 : index
    %get3A_20 = arith.constant 0 : index
    %get3A_21 = vector.load %arg2[%get3A_19, %get3A_20] : memref<2000x16xf32, #tpu.memory_space<vmem>>, vector<2000x16xf32>
    %add3A_22 = arith.addf %add3A_18, %get3A_21 : vector<2000x16xf32>
    %mul3A = vector.broadcast %reshape3A : vector<2000x1xf32> to vector<2000x16xf32>
    %mul3A_23 = arith.mulf %mul3A, %add3A_22 : vector<2000x16xf32>
    %get3A_24 = arith.constant 0 : index
    %get3A_25 = arith.constant 0 : index
    %get3A_26 = vector.load %arg4[%get3A_24, %get3A_25] : memref<1x16xf32, #tpu.memory_space<vmem>>, vector<1x16xf32>
    %add3A_27 = vector.broadcast %get3A_26 : vector<1x16xf32> to vector<2000x16xf32>
    %add3A_28 = arith.addf %mul3A_23, %add3A_27 : vector<2000x16xf32>
    %max3A = arith.constant 0.000000e+00 : f32
    %max3A_29 = vector.broadcast %max3A : f32 to vector<2000x16xf32>
    %max3A_30 = arith.maximumf %add3A_28, %max3A_29 : vector<2000x16xf32>
    %mul3A_31 = vector.broadcast %reshape3A : vector<2000x1xf32> to vector<2000x16xf32>
    %mul3A_32 = arith.mulf %mul3A_31, %max3A_30 : vector<2000x16xf32>
    %swap3A = arith.constant 0 : index
    %swap3A_33 = arith.constant 0 : index
    %swap3A_34 = vector.load %arg5[%swap3A, %swap3A_33] : memref<2000x16xf32, #tpu.memory_space<vmem>>, vector<2000x16xf32>
    tpu.vector_store %arg5[%swap3A, %swap3A_33], %mul3A_32 {strides = array<i32>} : memref<2000x16xf32, #tpu.memory_space<vmem>>, vector<2000x16xf32>,
    return
  }
  func.func @transform_0(%arg0: i32) -> (i32, i32, i32) {
    %c0_i32 = arith.constant 0 : i32
    %c0_i32_0 = arith.constant 0 : i32
    %c0_i32_1 = arith.constant 0 : i32
    return %c0_i32, %arg0, %c0_i32_0 : i32, i32, i32
  }
  func.func @transform_1(%arg0: i32) -> (i32, i32) {
    %c0_i32 = arith.constant 0 : i32
    %c0_i32_0 = arith.constant 0 : i32
    return %arg0, %c0_i32 : i32, i32
  }
  func.func @transform_2(%arg0: i32) -> (i32, i32, i32) {
    %c0_i32 = arith.constant 0 : i32
    %c0_i32_0 = arith.constant 0 : i32
    %c0_i32_1 = arith.constant 0 : i32
    return %arg0, %c0_i32, %c0_i32_0 : i32, i32, i32
  }
  func.func @transform_3(%arg0: i32) -> (i32, i32) {
    %c0_i32 = arith.constant 0 : i32
    %c0_i32_0 = arith.constant 0 : i32
    %c0_i32_1 = arith.constant 0 : i32
    return %c0_i32, %c0_i32_0 : i32, i32
  }
  func.func @transform_4(%arg0: i32) -> (i32, i32) {
    %c0_i32 = arith.constant 0 : i32
    %c0_i32_0 = arith.constant 0 : i32
    return %arg0, %c0_i32 : i32, i32
  }
}

module attributes {stable_mosaic.version = 14 : i64} {
  func.func @body(%arg0: i32, %arg1: memref<2x2500x16xf32, #tpu.memory_space<vmem>>, %arg2: memref<2500x320xf32, #tpu.memory_space<vmem>>, %arg3: memref<2x2500x20xf32, #tpu.memory_space<vmem>>, %arg4: memref<2500x1xf32, #tpu.memory_space<vmem>>, %arg5: memref<2500x1xf32, #tpu.memory_space<vmem>>, %arg6: memref<2500x1xf32, #tpu.memory_space<vmem>>, %arg7: memref<16x2xf32, #tpu.memory_space<vmem>>, %arg8: memref<1x2xf32, #tpu.memory_space<vmem>>, %arg9: memref<5x80xf32, #tpu.memory_space<vmem>>, %arg10: memref<1x80xf32, #tpu.memory_space<vmem>>, %arg11: memref<80x10xf32, #tpu.memory_space<vmem>>, %arg12: memref<1x10xf32, #tpu.memory_space<vmem>>, %arg13: memref<10x1xf32, #tpu.memory_space<vmem>>, %arg14: memref<1x1xf32, #tpu.memory_space<vmem>>, %arg15: memref<2500x1xf32, #tpu.memory_space<vmem>>) attributes {dimension_semantics = [#tpu.dimension_semantics<arbitrary>], iteration_bounds = array<i64: 1>, scalar_prefetch = 0 : i64, scratch_operands = 0 : i64, tpu.core_type = #tpu.core_type<tc>, window_params = [{pipeline_mode = #tpu.pipeline_mode<synchronous>, transform_indices = @transform_0, window_bounds = array<i64: 2, 2500, 16>}, {pipeline_mode = #tpu.pipeline_mode<synchronous>, transform_indices = @transform_1, window_bounds = array<i64: 2500, 320>}, {pipeline_mode = #tpu.pipeline_mode<synchronous>, transform_indices = @transform_2, window_bounds = array<i64: 2, 2500, 20>}, {pipeline_mode = #tpu.pipeline_mode<synchronous>, transform_indices = @transform_3, window_bounds = array<i64: 2500, 1>}, {pipeline_mode = #tpu.pipeline_mode<synchronous>, transform_indices = @transform_4, window_bounds = array<i64: 2500, 1>}, {pipeline_mode = #tpu.pipeline_mode<synchronous>, transform_indices = @transform_5, window_bounds = array<i64: 2500, 1>}, {pipeline_mode = #tpu.pipeline_mode<synchronous>, transform_indices = @transform_6, window_bounds = array<i64: 16, 2>}, {pipeline_mode = #tpu.pipeline_mode<synchronous>, transform_indices = @transform_7, window_bounds = array<i64: 1, 2>}, {pipeline_mode = #tpu.pipeline_mode<synchronous>, transform_indices = @transform_8, window_bounds = array<i64: 5, 80>}, {pipeline_mode = #tpu.pipeline_mode<synchronous>, transform_indices = @transform_9, window_bounds = array<i64: 1, 80>}, {pipeline_mode = #tpu.pipeline_mode<synchronous>, transform_indices = @transform_10, window_bounds = array<i64: 80, 10>}, {pipeline_mode = #tpu.pipeline_mode<synchronous>, transform_indices = @transform_11, window_bounds = array<i64: 1, 10>}, {pipeline_mode = #tpu.pipeline_mode<synchronous>, transform_indices = @transform_12, window_bounds = array<i64: 10, 1>}, {pipeline_mode = #tpu.pipeline_mode<synchronous>, transform_indices = @transform_13, window_bounds = array<i64: 1, 1>}, {pipeline_mode = #tpu.pipeline_mode<synchronous>, transform_indices = @transform_14, window_bounds = array<i64: 2500, 1>}]} {
    %get3A = arith.constant 0 : index
    %get3A_0 = arith.constant 0 : index
    %get3A_1 = arith.constant 0 : index
    %get3A_2 = vector.load %arg3[%get3A, %get3A_0, %get3A_1] : memref<2x2500x20xf32, #tpu.memory_space<vmem>>, vector<1x2500x1xf32>
    %get3A_3 = vector.shape_cast %get3A_2 : vector<1x2500x1xf32> to vector<2500x1xf32>
    %get3A_4 = arith.constant 1 : index
    %get3A_5 = arith.constant 0 : index
    %get3A_6 = arith.constant 0 : index
    %get3A_7 = vector.load %arg3[%get3A_4, %get3A_5, %get3A_6] : memref<2x2500x20xf32, #tpu.memory_space<vmem>>, vector<1x2500x1xf32>
    %get3A_8 = vector.shape_cast %get3A_7 : vector<1x2500x1xf32> to vector<2500x1xf32>
    %add3A = arith.addf %get3A_3, %get3A_8 : vector<2500x1xf32>
    %add3A_9 = arith.constant 1.000000e+00 : f32
    %add3A_10 = vector.broadcast %add3A_9 : f32 to vector<2500x1xf32>
    %add3A_11 = arith.addf %add3A, %add3A_10 : vector<2500x1xf32>
    %rsqrt3A = math.rsqrt %add3A_11 : vector<2500x1xf32>
    %get3A_12 = arith.constant 0 : index
    %get3A_13 = arith.constant 0 : index
    %get3A_14 = arith.constant 0 : index
    %get3A_15 = vector.load %arg1[%get3A_12, %get3A_13, %get3A_14] : memref<2x2500x16xf32, #tpu.memory_space<vmem>>, vector<1x2500x16xf32>
    %get3A_16 = vector.shape_cast %get3A_15 : vector<1x2500x16xf32> to vector<2500x16xf32>
    %get3A_17 = arith.constant 1 : index
    %get3A_18 = arith.constant 0 : index
    %get3A_19 = arith.constant 0 : index
    %get3A_20 = vector.load %arg1[%get3A_17, %get3A_18, %get3A_19] : memref<2x2500x16xf32, #tpu.memory_space<vmem>>, vector<1x2500x16xf32>
    %get3A_21 = vector.shape_cast %get3A_20 : vector<1x2500x16xf32> to vector<2500x16xf32>
    %add3A_22 = arith.addf %get3A_16, %get3A_21 : vector<2500x16xf32>
    %get3A_23 = arith.constant 0 : index
    %get3A_24 = arith.constant 0 : index
    %get3A_25 = vector.load %arg2[%get3A_23, %get3A_24] : memref<2500x320xf32, #tpu.memory_space<vmem>>, vector<2500x16xf32>
    %add3A_26 = arith.addf %add3A_22, %get3A_25 : vector<2500x16xf32>
    %mul3A = vector.broadcast %rsqrt3A : vector<2500x1xf32> to vector<2500x16xf32>
    %mul3A_27 = arith.mulf %mul3A, %add3A_26 : vector<2500x16xf32>
    %get3A_28 = arith.constant 0 : index
    %get3A_29 = arith.constant 0 : index
    %get3A_30 = vector.load %arg7[%get3A_28, %get3A_29] : memref<16x2xf32, #tpu.memory_space<vmem>>, vector<16x2xf32>
    %dot_general3A = arith.constant dense<0.000000e+00> : vector<2500x2xf32>
    %dot_general3A_31 = tpu.matmul %mul3A_27, %get3A_30, %dot_general3A {dimension_numbers = #tpu.dot_dimension_numbers<[1], [0], [0], [1], [0, 0, 1, 1], [], []>, transpose_lhs_hint = false} : vector<2500x16xf32>, vector<16x2xf32>, vector<2500x2xf32> -> vector<2500x2xf32>
    %get3A_32 = arith.constant 0 : index
    %get3A_33 = arith.constant 0 : index
    %get3A_34 = vector.load %arg8[%get3A_32, %get3A_33] : memref<1x2xf32, #tpu.memory_space<vmem>>, vector<1x2xf32>
    %add3A_35 = vector.broadcast %get3A_34 : vector<1x2xf32> to vector<2500x2xf32>
    %add3A_36 = arith.addf %dot_general3A_31, %add3A_35 : vector<2500x2xf32>
    %reduce_max3A = arith.constant dense<0xFF800000> : vector<2500xf32>
    %reduce_max3A_37 = vector.multi_reduction <maximumf>, %add3A_36, %reduce_max3A [1] : vector<2500x2xf32> to vector<2500xf32>
    %broadcast_in_dim3A = vector.shape_cast %reduce_max3A_37 : vector<2500xf32> to vector<2500x1xf32>
    %sub3A = vector.broadcast %broadcast_in_dim3A : vector<2500x1xf32> to vector<2500x2xf32>
    %sub3A_38 = arith.subf %add3A_36, %sub3A : vector<2500x2xf32>
    %exp3A = math.exp %sub3A_38 : vector<2500x2xf32>
    %reduce_sum3A = arith.constant dense<0.000000e+00> : vector<2500xf32>
    %reduce_sum3A_39 = vector.multi_reduction <add>, %exp3A, %reduce_sum3A [1] : vector<2500x2xf32> to vector<2500xf32>
    %broadcast_in_dim3A_40 = vector.shape_cast %reduce_sum3A_39 : vector<2500xf32> to vector<2500x1xf32>
    %log3A = math.log %broadcast_in_dim3A_40 : vector<2500x1xf32>
    %add3A_41 = arith.addf %broadcast_in_dim3A, %log3A : vector<2500x1xf32>
    %sub3A_42 = vector.broadcast %add3A_41 : vector<2500x1xf32> to vector<2500x2xf32>
    %sub3A_43 = arith.subf %add3A_36, %sub3A_42 : vector<2500x2xf32>
    %get3A_44 = arith.constant 0 : index
    %get3A_45 = arith.constant 0 : index
    %get3A_46 = vector.load %arg4[%get3A_44, %get3A_45] : memref<2500x1xf32, #tpu.memory_space<vmem>>, vector<2500x1xf32>
    %get3A_47 = arith.constant 0 : index
    %get3A_48 = arith.constant 0 : index
    %get3A_49 = vector.load %arg5[%get3A_47, %get3A_48] : memref<2500x1xf32, #tpu.memory_space<vmem>>, vector<2500x1xf32>
    %get3A_50 = arith.constant 0 : index
    %get3A_51 = arith.constant 0 : index
    %get3A_52 = vector.load %arg6[%get3A_50, %get3A_51] : memref<2500x1xf32, #tpu.memory_space<vmem>>, vector<2500x1xf32>
    %reduce_min3A = vector.shape_cast %get3A_46 : vector<2500x1xf32> to vector<1x2500x1xf32>
    %reduce_min3A_53 = arith.constant dense<0x7F800000> : vector<1xf32>
    %reduce_min3A_54 = vector.multi_reduction <minimumf>, %reduce_min3A, %reduce_min3A_53 [1, 2] : vector<1x2500x1xf32> to vector<1xf32>
    %reduce_min3A_55 = vector.shape_cast %reduce_min3A_54 : vector<1xf32> to vector<1x1x1xf32>
    %reduce_min3A_56 = vector.extract %reduce_min3A_55[0, 0, 0] : f32 from vector<1x1x1xf32>
    %reduce_min3A_57 = vector.shape_cast %get3A_49 : vector<2500x1xf32> to vector<1x2500x1xf32>
    %reduce_min3A_58 = arith.constant dense<0x7F800000> : vector<1xf32>
    %reduce_min3A_59 = vector.multi_reduction <minimumf>, %reduce_min3A_57, %reduce_min3A_58 [1, 2] : vector<1x2500x1xf32> to vector<1xf32>
    %reduce_min3A_60 = vector.shape_cast %reduce_min3A_59 : vector<1xf32> to vector<1x1x1xf32>
    %reduce_min3A_61 = vector.extract %reduce_min3A_60[0, 0, 0] : f32 from vector<1x1x1xf32>
    %min3A = arith.minimumf %reduce_min3A_56, %reduce_min3A_61 : f32
    %reduce_min3A_62 = vector.shape_cast %get3A_52 : vector<2500x1xf32> to vector<1x2500x1xf32>
    %reduce_min3A_63 = arith.constant dense<0x7F800000> : vector<1xf32>
    %reduce_min3A_64 = vector.multi_reduction <minimumf>, %reduce_min3A_62, %reduce_min3A_63 [1, 2] : vector<1x2500x1xf32> to vector<1xf32>
    %reduce_min3A_65 = vector.shape_cast %reduce_min3A_64 : vector<1xf32> to vector<1x1x1xf32>
    %reduce_min3A_66 = vector.extract %reduce_min3A_65[0, 0, 0] : f32 from vector<1x1x1xf32>
    %reduce_min3A_67 = vector.shape_cast %sub3A_43 : vector<2500x2xf32> to vector<1x2500x2xf32>
    %reduce_min3A_68 = arith.constant dense<0x7F800000> : vector<1xf32>
    %reduce_min3A_69 = vector.multi_reduction <minimumf>, %reduce_min3A_67, %reduce_min3A_68 [1, 2] : vector<1x2500x2xf32> to vector<1xf32>
    %reduce_min3A_70 = vector.shape_cast %reduce_min3A_69 : vector<1xf32> to vector<1x1x1xf32>
    %reduce_min3A_71 = vector.extract %reduce_min3A_70[0, 0, 0] : f32 from vector<1x1x1xf32>
    %min3A_72 = arith.minimumf %reduce_min3A_66, %reduce_min3A_71 : f32
    %min3A_73 = arith.minimumf %min3A, %min3A_72 : f32
    %reduce_max3A_74 = vector.shape_cast %get3A_46 : vector<2500x1xf32> to vector<1x2500x1xf32>
    %reduce_max3A_75 = arith.constant dense<0xFF800000> : vector<1xf32>
    %reduce_max3A_76 = vector.multi_reduction <maximumf>, %reduce_max3A_74, %reduce_max3A_75 [1, 2] : vector<1x2500x1xf32> to vector<1xf32>
    %reduce_max3A_77 = vector.shape_cast %reduce_max3A_76 : vector<1xf32> to vector<1x1x1xf32>
    %reduce_max3A_78 = vector.extract %reduce_max3A_77[0, 0, 0] : f32 from vector<1x1x1xf32>
    %reduce_max3A_79 = vector.shape_cast %get3A_49 : vector<2500x1xf32> to vector<1x2500x1xf32>
    %reduce_max3A_80 = arith.constant dense<0xFF800000> : vector<1xf32>
    %reduce_max3A_81 = vector.multi_reduction <maximumf>, %reduce_max3A_79, %reduce_max3A_80 [1, 2] : vector<1x2500x1xf32> to vector<1xf32>
    %reduce_max3A_82 = vector.shape_cast %reduce_max3A_81 : vector<1xf32> to vector<1x1x1xf32>
    %reduce_max3A_83 = vector.extract %reduce_max3A_82[0, 0, 0] : f32 from vector<1x1x1xf32>
    %max3A = arith.maximumf %reduce_max3A_78, %reduce_max3A_83 : f32
    %reduce_max3A_84 = vector.shape_cast %get3A_52 : vector<2500x1xf32> to vector<1x2500x1xf32>
    %reduce_max3A_85 = arith.constant dense<0xFF800000> : vector<1xf32>
    %reduce_max3A_86 = vector.multi_reduction <maximumf>, %reduce_max3A_84, %reduce_max3A_85 [1, 2] : vector<1x2500x1xf32> to vector<1xf32>
    %reduce_max3A_87 = vector.shape_cast %reduce_max3A_86 : vector<1xf32> to vector<1x1x1xf32>
    %reduce_max3A_88 = vector.extract %reduce_max3A_87[0, 0, 0] : f32 from vector<1x1x1xf32>
    %reduce_max3A_89 = vector.shape_cast %sub3A_43 : vector<2500x2xf32> to vector<1x2500x2xf32>
    %reduce_max3A_90 = arith.constant dense<0xFF800000> : vector<1xf32>
    %reduce_max3A_91 = vector.multi_reduction <maximumf>, %reduce_max3A_89, %reduce_max3A_90 [1, 2] : vector<1x2500x2xf32> to vector<1xf32>
    %reduce_max3A_92 = vector.shape_cast %reduce_max3A_91 : vector<1xf32> to vector<1x1x1xf32>
    %reduce_max3A_93 = vector.extract %reduce_max3A_92[0, 0, 0] : f32 from vector<1x1x1xf32>
    %max3A_94 = arith.maximumf %reduce_max3A_88, %reduce_max3A_93 : f32
    %max3A_95 = arith.maximumf %max3A, %max3A_94 : f32
    %sub3A_96 = arith.subf %max3A_95, %min3A_73 : f32
    %div3A = arith.constant 1.000000e+00 : f32
    %div3A_97 = arith.divf %div3A, %sub3A_96 : f32
    %get3A_98 = arith.constant 0 : index
    %get3A_99 = arith.constant 0 : index
    %get3A_100 = vector.load %arg9[%get3A_98, %get3A_99] : memref<5x80xf32, #tpu.memory_space<vmem>>, vector<5x80xf32>
    %slice3A = vector.extract_strided_slice %get3A_100 {offsets = [0, 0], sizes = [1, 80], strides = [1, 1]} : vector<5x80xf32> to vector<1x80xf32>
    %mul3A_101 = vector.broadcast %get3A_46 : vector<2500x1xf32> to vector<2500x80xf32>
    %mul3A_102 = vector.broadcast %slice3A : vector<1x80xf32> to vector<2500x80xf32>
    %mul3A_103 = arith.mulf %mul3A_101, %mul3A_102 : vector<2500x80xf32>
    %slice3A_104 = vector.extract_strided_slice %get3A_100 {offsets = [1, 0], sizes = [1, 80], strides = [1, 1]} : vector<5x80xf32> to vector<1x80xf32>
    %mul3A_105 = vector.broadcast %get3A_49 : vector<2500x1xf32> to vector<2500x80xf32>
    %mul3A_106 = vector.broadcast %slice3A_104 : vector<1x80xf32> to vector<2500x80xf32>
    %mul3A_107 = arith.mulf %mul3A_105, %mul3A_106 : vector<2500x80xf32>
    %add3A_108 = arith.addf %mul3A_103, %mul3A_107 : vector<2500x80xf32>
    %slice3A_109 = vector.extract_strided_slice %get3A_100 {offsets = [2, 0], sizes = [1, 80], strides = [1, 1]} : vector<5x80xf32> to vector<1x80xf32>
    %mul3A_110 = vector.broadcast %get3A_52 : vector<2500x1xf32> to vector<2500x80xf32>
    %mul3A_111 = vector.broadcast %slice3A_109 : vector<1x80xf32> to vector<2500x80xf32>
    %mul3A_112 = arith.mulf %mul3A_110, %mul3A_111 : vector<2500x80xf32>
    %add3A_113 = arith.addf %add3A_108, %mul3A_112 : vector<2500x80xf32>
    %slice3A_114 = vector.extract_strided_slice %get3A_100 {offsets = [3, 0], sizes = [2, 80], strides = [1, 1]} : vector<5x80xf32> to vector<2x80xf32>
    %dot_general3A_115 = arith.constant dense<0.000000e+00> : vector<2500x80xf32>
    %dot_general3A_116 = tpu.matmul %sub3A_43, %slice3A_114, %dot_general3A_115 {dimension_numbers = #tpu.dot_dimension_numbers<[1], [0], [0], [1], [0, 0, 1, 1], [], []>, transpose_lhs_hint = false} : vector<2500x2xf32>, vector<2x80xf32>, vector<2500x80xf32> -> vector<2500x80xf32>
    %add3A_117 = arith.addf %add3A_113, %dot_general3A_116 : vector<2500x80xf32>
    %slice3A_118 = vector.extract_strided_slice %get3A_100 {offsets = [0, 0], sizes = [1, 80], strides = [1, 1]} : vector<5x80xf32> to vector<1x80xf32>
    %slice3A_119 = vector.extract_strided_slice %get3A_100 {offsets = [1, 0], sizes = [1, 80], strides = [1, 1]} : vector<5x80xf32> to vector<1x80xf32>
    %add3A_120 = arith.addf %slice3A_118, %slice3A_119 : vector<1x80xf32>
    %slice3A_121 = vector.extract_strided_slice %get3A_100 {offsets = [2, 0], sizes = [1, 80], strides = [1, 1]} : vector<5x80xf32> to vector<1x80xf32>
    %add3A_122 = arith.addf %add3A_120, %slice3A_121 : vector<1x80xf32>
    %slice3A_123 = vector.extract_strided_slice %get3A_100 {offsets = [3, 0], sizes = [1, 80], strides = [1, 1]} : vector<5x80xf32> to vector<1x80xf32>
    %add3A_124 = arith.addf %add3A_122, %slice3A_123 : vector<1x80xf32>
    %slice3A_125 = vector.extract_strided_slice %get3A_100 {offsets = [4, 0], sizes = [1, 80], strides = [1, 1]} : vector<5x80xf32> to vector<1x80xf32>
    %add3A_126 = arith.addf %add3A_124, %slice3A_125 : vector<1x80xf32>
    %mul3A_127 = vector.broadcast %min3A_73 : f32 to vector<1x80xf32>
    %mul3A_128 = arith.mulf %mul3A_127, %add3A_126 : vector<1x80xf32>
    %sub3A_129 = vector.broadcast %mul3A_128 : vector<1x80xf32> to vector<2500x80xf32>
    %sub3A_130 = arith.subf %add3A_117, %sub3A_129 : vector<2500x80xf32>
    %mul3A_131 = vector.broadcast %div3A_97 : f32 to vector<2500x80xf32>
    %mul3A_132 = arith.mulf %sub3A_130, %mul3A_131 : vector<2500x80xf32>
    %get3A_133 = arith.constant 0 : index
    %get3A_134 = arith.constant 0 : index
    %get3A_135 = vector.load %arg10[%get3A_133, %get3A_134] : memref<1x80xf32, #tpu.memory_space<vmem>>, vector<1x80xf32>
    %add3A_136 = vector.broadcast %get3A_135 : vector<1x80xf32> to vector<2500x80xf32>
    %add3A_137 = arith.addf %mul3A_132, %add3A_136 : vector<2500x80xf32>
    %max3A_138 = arith.constant 0.000000e+00 : f32
    %max3A_139 = vector.broadcast %max3A_138 : f32 to vector<2500x80xf32>
    %max3A_140 = arith.maximumf %add3A_137, %max3A_139 : vector<2500x80xf32>
    %get3A_141 = arith.constant 0 : index
    %get3A_142 = arith.constant 0 : index
    %get3A_143 = vector.load %arg11[%get3A_141, %get3A_142] : memref<80x10xf32, #tpu.memory_space<vmem>>, vector<80x10xf32>
    %dot_general3A_144 = arith.constant dense<0.000000e+00> : vector<2500x10xf32>
    %dot_general3A_145 = tpu.matmul %max3A_140, %get3A_143, %dot_general3A_144 {dimension_numbers = #tpu.dot_dimension_numbers<[1], [0], [0], [1], [0, 0, 1, 1], [], []>, transpose_lhs_hint = false} : vector<2500x80xf32>, vector<80x10xf32>, vector<2500x10xf32> -> vector<2500x10xf32>
    %get3A_146 = arith.constant 0 : index
    %get3A_147 = arith.constant 0 : index
    %get3A_148 = vector.load %arg12[%get3A_146, %get3A_147] : memref<1x10xf32, #tpu.memory_space<vmem>>, vector<1x10xf32>
    %add3A_149 = vector.broadcast %get3A_148 : vector<1x10xf32> to vector<2500x10xf32>
    %add3A_150 = arith.addf %dot_general3A_145, %add3A_149 : vector<2500x10xf32>
    %max3A_151 = arith.constant 0.000000e+00 : f32
    %max3A_152 = vector.broadcast %max3A_151 : f32 to vector<2500x10xf32>
    %max3A_153 = arith.maximumf %add3A_150, %max3A_152 : vector<2500x10xf32>
    %get3A_154 = arith.constant 0 : index
    %get3A_155 = arith.constant 0 : index
    %get3A_156 = vector.load %arg13[%get3A_154, %get3A_155] : memref<10x1xf32, #tpu.memory_space<vmem>>, vector<10x1xf32>
    %dot_general3A_157 = arith.constant dense<0.000000e+00> : vector<2500x1xf32>
    %dot_general3A_158 = tpu.matmul %max3A_153, %get3A_156, %dot_general3A_157 {dimension_numbers = #tpu.dot_dimension_numbers<[1], [0], [0], [1], [0, 0, 1, 1], [], []>, transpose_lhs_hint = false} : vector<2500x10xf32>, vector<10x1xf32>, vector<2500x1xf32> -> vector<2500x1xf32>
    %get3A_159 = arith.constant 0 : index
    %get3A_160 = arith.constant 0 : index
    %get3A_161 = vector.load %arg14[%get3A_159, %get3A_160] : memref<1x1xf32, #tpu.memory_space<vmem>>, vector<1x1xf32>
    %add3A_162 = vector.broadcast %get3A_161 : vector<1x1xf32> to vector<2500x1xf32>
    %add3A_163 = arith.addf %dot_general3A_158, %add3A_162 : vector<2500x1xf32>
    %neg3A = arith.constant 0.000000e+00 : f32
    %neg3A_164 = vector.broadcast %neg3A : f32 to vector<2500x1xf32>
    %neg3A_165 = arith.subf %neg3A_164, %add3A_163 : vector<2500x1xf32>
    %exp3A_166 = math.exp %neg3A_165 : vector<2500x1xf32>
    %add3A_167 = arith.constant 1.000000e+00 : f32
    %add3A_168 = vector.broadcast %add3A_167 : f32 to vector<2500x1xf32>
    %add3A_169 = arith.addf %add3A_168, %exp3A_166 : vector<2500x1xf32>
    %div3A_170 = arith.constant 1.000000e+00 : f32
    %div3A_171 = vector.broadcast %div3A_170 : f32 to vector<2500x1xf32>
    %div3A_172 = arith.divf %div3A_171, %add3A_169 : vector<2500x1xf32>
    %swap3A = arith.constant 0 : index
    %swap3A_173 = arith.constant 0 : index
    %swap3A_174 = vector.load %arg15[%swap3A, %swap3A_173] : memref<2500x1xf32, #tpu.memory_space<vmem>>, vector<2500x1xf32>
    tpu.vector_store %arg15[%swap3A, %swap3A_173], %div3A_172 {strides = array<i32>} : memref<2500x1xf32, #tpu.memory_space<vmem>>, vector<2500x1xf32>,
    return
  }
  func.func @transform_0(%arg0: i32) -> (i32, i32, i32) {
    %c0_i32 = arith.constant 0 : i32
    %c0_i32_0 = arith.constant 0 : i32
    %c0_i32_1 = arith.constant 0 : i32
    %c0_i32_2 = arith.constant 0 : i32
    return %c0_i32, %c0_i32_0, %c0_i32_1 : i32, i32, i32
  }
  func.func @transform_1(%arg0: i32) -> (i32, i32) {
    %c0_i32 = arith.constant 0 : i32
    %c0_i32_0 = arith.constant 0 : i32
    %c0_i32_1 = arith.constant 0 : i32
    return %c0_i32, %c0_i32_0 : i32, i32
  }
  func.func @transform_2(%arg0: i32) -> (i32, i32, i32) {
    %c0_i32 = arith.constant 0 : i32
    %c0_i32_0 = arith.constant 0 : i32
    %c0_i32_1 = arith.constant 0 : i32
    %c0_i32_2 = arith.constant 0 : i32
    return %c0_i32, %c0_i32_0, %c0_i32_1 : i32, i32, i32
  }
  func.func @transform_3(%arg0: i32) -> (i32, i32) {
    %c0_i32 = arith.constant 0 : i32
    %c0_i32_0 = arith.constant 0 : i32
    %c0_i32_1 = arith.constant 0 : i32
    return %c0_i32, %c0_i32_0 : i32, i32
  }
  func.func @transform_4(%arg0: i32) -> (i32, i32) {
    %c0_i32 = arith.constant 0 : i32
    %c0_i32_0 = arith.constant 0 : i32
    %c0_i32_1 = arith.constant 0 : i32
    return %c0_i32, %c0_i32_0 : i32, i32
  }
  func.func @transform_5(%arg0: i32) -> (i32, i32) {
    %c0_i32 = arith.constant 0 : i32
    %c0_i32_0 = arith.constant 0 : i32
    %c0_i32_1 = arith.constant 0 : i32
    return %c0_i32, %c0_i32_0 : i32, i32
  }
  func.func @transform_6(%arg0: i32) -> (i32, i32) {
    %c0_i32 = arith.constant 0 : i32
    %c0_i32_0 = arith.constant 0 : i32
    %c0_i32_1 = arith.constant 0 : i32
    return %c0_i32, %c0_i32_0 : i32, i32
  }
  func.func @transform_7(%arg0: i32) -> (i32, i32) {
    %c0_i32 = arith.constant 0 : i32
    %c0_i32_0 = arith.constant 0 : i32
    %c0_i32_1 = arith.constant 0 : i32
    return %c0_i32, %c0_i32_0 : i32, i32
  }
  func.func @transform_8(%arg0: i32) -> (i32, i32) {
    %c0_i32 = arith.constant 0 : i32
    %c0_i32_0 = arith.constant 0 : i32
    %c0_i32_1 = arith.constant 0 : i32
    return %c0_i32, %c0_i32_0 : i32, i32
  }
  func.func @transform_9(%arg0: i32) -> (i32, i32) {
    %c0_i32 = arith.constant 0 : i32
    %c0_i32_0 = arith.constant 0 : i32
    %c0_i32_1 = arith.constant 0 : i32
    return %c0_i32, %c0_i32_0 : i32, i32
  }
  func.func @transform_10(%arg0: i32) -> (i32, i32) {
    %c0_i32 = arith.constant 0 : i32
    %c0_i32_0 = arith.constant 0 : i32
    %c0_i32_1 = arith.constant 0 : i32
    return %c0_i32, %c0_i32_0 : i32, i32
  }
  func.func @transform_11(%arg0: i32) -> (i32, i32) {
    %c0_i32 = arith.constant 0 : i32
    %c0_i32_0 = arith.constant 0 : i32
    %c0_i32_1 = arith.constant 0 : i32
    return %c0_i32, %c0_i32_0 : i32, i32
  }
  func.func @transform_12(%arg0: i32) -> (i32, i32) {
    %c0_i32 = arith.constant 0 : i32
    %c0_i32_0 = arith.constant 0 : i32
    %c0_i32_1 = arith.constant 0 : i32
    return %c0_i32, %c0_i32_0 : i32, i32
  }
  func.func @transform_13(%arg0: i32) -> (i32, i32) {
    %c0_i32 = arith.constant 0 : i32
    %c0_i32_0 = arith.constant 0 : i32
    %c0_i32_1 = arith.constant 0 : i32
    return %c0_i32, %c0_i32_0 : i32, i32
  }
  func.func @transform_14(%arg0: i32) -> (i32, i32) {
    %c0_i32 = arith.constant 0 : i32
    %c0_i32_0 = arith.constant 0 : i32
    %c0_i32_1 = arith.constant 0 : i32
    return %c0_i32, %c0_i32_0 : i32, i32
  }
}

</mosaic_0001>

<sc_bundles>
// kernel: kernel.12.cloned.1.call-start
scs
__scs_entry_jumppad:
0x0: {  	(pc) =	sbr.rel $0x88, $3  }
0x1: {  	(tag) =	ssettag $0x0;
	lr =	simm.s32 $0x1  }
0x2: {  	[smem:$0x3F92] =	sst lr;
	_ =	strace $0xD0000000  }
0x3: {  	_ = 	snop  }
0x4: {  	_ = 	snop  }
0x5: {  	_ = 	snop  }
0x6: {  	_ = 	snop  }
0x7: {  	_ = 	snop  }
__scs_overlays_trampoline_lowered:
0x8: {  	[smem:$0x3FA1] =	sst s0  }
0x9: {  	[smem:$0x3FA2] =	sst s1  }
0xa: {  	[smem:$0x3FA3] =	sst s2  }
0xb: {  	[smem:$0x3FA4] =	sst s3  }
0xc: {  	[smem:$0x3FA5] =	sst s4  }
0xd: {  	[smem:$0x3FA6] =	sst s5  }
0xe: {  	[smem:$0x3FA7] =	sst s6  }
0xf: {  	[smem:$0x3FA8] =	sst s7  }
0x10: {  	[smem:$0x3FA9] =	sst s8  }
0x11: {  	[smem:$0x3FAA] =	sst s9;
	s0 =	simm.s32 @!p0 $0x0  }
0x12: {  	s1 =	sld [smem:$0x3F90];
	s0 =	simm.s32 @p0 $0x1  }
0x13: {  	[smem:$0x3FAB] =	sst s0;
	s0 =	simm.s32 @!p1 $0x0  }
0x14: {  	s2 =	sld [smem:$0x3F8F];
	s0 =	simm.s32 @p1 $0x1  }
0x15: {  	[smem:$0x3FAC] =	sst s0;
	s0 =	simm.s32 @!p2 $0x0  }
0x16: {  	s3 =	sld [smem:$0x3FDB];
	s0 =	simm.s32 @p2 $0x1  }
0x17: {  	s4 =	simm.s32 $0x1BF5;
	[smem:$0x3FAE] =	sst s0  }
0x18: {  	s0 =	sld [smem:$0x3F91];
	_ =	swait.ge [sflag:s4], $0x0  }
0x19: {  	s7 =	sld [smem:$0x3F92]  }
0x1a: {  	s8 =	sadd.s32 $0xFFFFE003, lr  }
0x1b: {  	s9 =	sadd.s32 $0xFFFFFEF7, lr;
	s5 =	simm.s32 $0xFFFFFFFF;
	p2 =	slt.u32 s8, $0xFFFFF086  }
0x1c: {  	p1 =	slt.u32 s9, $0xF7A;
	s5 =	simm.s32 @!p2 $0x0  }
0x1d: {  	s5 =	simm.s32 @p1 $0x1;
	p0 =	seq.s32 s7, s2  }
0x1e: {  	s7 =	smul.u32 @!p0 $0xF7A, s2;
	p2 =	seq.s32 @!p0 s5, $0x0  }
0x1f: {  	s9 =	smul.u32 $0xF7A, s1;
	s8 =	simm.s32 @!p0 $0x1BF5;
	p2 =	por !p2, p0  }
0x20: {  	[sflag:s8] =	ssyncset.s32 @!p0 $0xFFFFF086;
	s6 =	sadd.s32 @!p0 s3, s7;
	s7 =	simm.s32 @!p0 $0x108  }
0x21: {  	s3 =	sadd.s32 s3, s9;
	s6 =	sadd.s32 @!p0 $0x88, s6;
	s7 =	simm.s32 @p2 $0x1082  }
0x22: {  	[simem:s7], [sflag:s8] =	dma.local @!p0 [hbm:s6], $0xF7A  }
0x23: {  	s9 =	sor.u32 $0xD0000000, s2;
	s6 =	simm.s32 $0x108;
	_ =	swait.ge @!p0 [sflag:s8], $0x0  }
0x24: {  	s3 =	sadd.s32 $0x88, s3;
	s6 =	simm.s32 @!p1 $0x1082;
	[sflag:s4] =	ssyncset.s32 $0xFFFFF086  }
0x25: {  	[simem:s6], [sflag:s4] =	dma.local [hbm:s3], $0xF7A  }
0x26: {  	[smem:$0x3F92] =	sst s1;
	(tag) =	ssettag s2;
	_ =	strace s9  }
0x27: {  	s1 =	sld [smem:$0x3FA2]  }
0x28: {  	s2 =	sld [smem:$0x3FA3]  }
0x29: {  	s4 =	sld [smem:$0x3FA5]  }
0x2a: {  	p0 =	seq.s32 s5, $0x0;
	s5 =	sld [smem:$0x3FA6]  }
0x2b: {  	s6 =	sld [smem:$0x3FA7]  }
0x2c: {  	s7 =	sld [smem:$0x3FA8]  }
0x2d: {  	s3 =	simm.s32 $0x108;
	s8 =	sld [smem:$0x3FA9]  }
0x2e: {  	s3 =	simm.s32 @!p0 $0x1082;
	s9 =	sld [smem:$0x3FAA]  }
0x2f: {  	lr =	sadd.s32 s0, s3;
	s0 =	sld [smem:$0x3FA1]  }
0x30: {  	s3 =	sld [smem:$0x3FA4]  }
0x31: {  	[smem:$0x3FAD] =	sst s10  }
0x32: {  	s10 =	sld [smem:$0x3FAB];
	_ =	sdelay $0x3  }
0x33: {  	p0 =	seq.s32 s10, $0x1;
	s10 =	sld [smem:$0x3FAD];
	_ =	sdelay $0x3  }
0x34: {  	[smem:$0x3FAD] =	sst s10  }
0x35: {  	s10 =	sld [smem:$0x3FAC];
	_ =	sdelay $0x3  }
0x36: {  	p1 =	seq.s32 s10, $0x1;
	s10 =	sld [smem:$0x3FAD];
	_ =	sdelay $0x3  }
0x37: {  	[smem:$0x3FAD] =	sst s10  }
0x38: {  	s10 =	sld [smem:$0x3FAE]  }
0x39: {  	_ = 	snop;
	(pc) =	sbr.ind lr, $3  }
0x3a: {  	_ = 	snop  }
0x3b: {  	_ = 	snop  }
0x3c: {  	p2 =	seq.s32 s10, $0x1;
	s10 =	sld [smem:$0x3FAD]  }
0x3d: {  	_ =	shalt  }
0x3e: {  	_ =	shalt  }
0x3f: {  	_ =	shalt  }
0x40: {  	_ =	shalt  }
0x41: {  	_ =	shalt  }
0x42: {  	_ =	shalt  }
0x43: {  	_ =	shalt  }
0x44: {  	_ =	shalt  }
0x45: {  	_ =	shalt  }
0x46: {  	_ =	shalt  }
0x47: {  	_ =	shalt  }
0x48: {  	_ =	shalt  }
0x49: {  	_ =	shalt  }
0x4a: {  	_ =	shalt  }
0x4b: {  	_ =	shalt  }
0x4c: {  	_ =	shalt  }
0x4d: {  	_ =	shalt  }
0x4e: {  	_ =	shalt  }
0x4f: {  	_ =	shalt  }
0x50: {  	_ =	shalt  }
0x51: {  	_ =	shalt  }
0x52: {  	_ =	shalt  }
0x53: {  	_ =	shalt  }
0x54: {  	_ =	shalt  }
0x55: {  	_ =	shalt  }
0x56: {  	_ =	shalt  }
0x57: {  	_ =	shalt  }
0x58: {  	_ =	shalt  }
0x59: {  	_ =	shalt  }
0x5a: {  	_ =	shalt  }
0x5b: {  	_ =	shalt  }
0x5c: {  	_ =	shalt  }
0x5d: {  	_ =	shalt  }
0x5e: {  	_ =	shalt  }
0x5f: {  	_ =	shalt  }
0x60: {  	_ =	shalt  }
0x61: {  	_ =	shalt  }
0x62: {  	_ =	shalt  }
0x63: {  	_ =	shalt  }
0x64: {  	_ =	shalt  }
0x65: {  	_ =	shalt  }
0x66: {  	_ =	shalt  }
0x67: {  	_ =	shalt  }
0x68: {  	_ =	shalt  }
0x69: {  	_ =	shalt  }
0x6a: {  	_ =	shalt  }
0x6b: {  	_ =	shalt  }
0x6c: {  	_ =	shalt  }
0x6d: {  	_ =	shalt  }
0x6e: {  	_ =	shalt  }
0x6f: {  	_ =	shalt  }
0x70: {  	_ =	shalt  }
0x71: {  	_ =	shalt  }
0x72: {  	_ =	shalt  }
0x73: {  	_ =	shalt  }
0x74: {  	_ =	shalt  }
0x75: {  	_ =	shalt  }
0x76: {  	_ =	shalt  }
0x77: {  	_ =	shalt  }
0x78: {  	_ =	shalt  }
0x79: {  	_ =	shalt  }
0x7a: {  	_ =	shalt  }
0x7b: {  	_ =	shalt  }
0x7c: {  	_ =	shalt  }
0x7d: {  	_ =	shalt  }
0x7e: {  	_ =	shalt  }
0x7f: {  	_ =	shalt  }
0x80: {  	_ =	shalt  }
0x81: {  	_ =	shalt  }
0x82: {  	_ =	shalt  }
0x83: {  	_ =	shalt  }
0x84: {  	_ =	shalt  }
0x85: {  	_ =	shalt  }
0x86: {  	_ =	shalt  }
0x87: {  	_ =	shalt  }
.Lfunc_end0:
.L_simem_size_0:
called_computation.1_lowered:
.L_overlay_start_0:
0x88: {  	s2 =	sld [smem:$0x3FD9]  }
0x89: {  	s3 =	sld [smem:$0x3FFE];
	_ =	sdelay $0x1  }
0x8a: {  	s1 =	srdreg.scid  }
0x8b: {  	s0 =	sand.u32 $0x1, s1  }
0x8c: {  	s17 =	sshll.u32 s0, $0xA;
	s2 =	sadd.s32 s3, s2  }
0x8d: {  	s2 =	sadd.s32 s2, s17  }
0x8e: {  	[smem:$0x3FB9] =	sst s2  }
0x8f: {  	_ = 	snop  }
0x90: {  	s18 =	sld [smem:$0x3FD0];
	(tm) =	ssettm $0x1  }
0x91: {  	s19 =	sld [smem:$0x3FFB];
	_ =	sdelay $0x3  }
0x92: {  	_ =	strace s19  }
0x93: {  	s2 =	sld [smem:$0x3FFC];
	_ =	sdelay $0x3  }
0x94: {  	_ =	strace s2  }
0x95: {  	s2 =	sld [smem:$0x3FFD];
	_ =	sdelay $0x3  }
0x96: {  	_ =	strace s2  }
0x97: {  	_ =	strace $0x8FFFFFFF  }
0x98: {  	s20 =	sld [smem:$0x3FDB];
	_ =	sdelay $0x1  }
0x99: {  	s4 =	simm.s32 $_scs_section_size  }
0x9a: {  	s5 =	simm.s32 $_size__tile_overlayer_lowered;
	s6 =	simm.s32 $_tile_overlayer_lowered  }
0x9b: {  	s7 =	simm.s32 $0x1BFF;
	s21 =	sshll.u32 s6, $0x1;
	s4 =	sadd.s32 s4, s20  }
0x9c: {  	s22 =	simm.s32 $0x0;
	s5 =	sshll.u32 s5, $0x1;
	s6 =	sadd.s32 s21, s4  }
0x9d: {  	[timem:s22], [sflag:s7] =	dma.local [hbm:s6], s5  }
0x9e: {  	_ =	swait.ge [sflag:s7], s5  }
0x9f: {  	s5 =	ssub.s32 $0x0, s5;
	[sflag:s7] =	ssyncset.done $0x0  }
0xa0: {  	[sflag:s7] =	ssyncadd.s32 s5;
	_ =	sdelay $0x1  }
0xa1: {  	s23 =	simm.s32 $0x1B8B  }
0xa2: {  	_ =	swait.ge [sflag:s23], $0x1  }
0xa3: {  	[sflag:s23] =	ssyncset.done $0x0  }
0xa4: {  	[sflag:s23] =	ssyncadd.s32 $0xFFFFFFFF  }
0xa5: {  	s5 =	sld [smem:$0x0]  }
0xa6: {  	s6 =	sand.u32 $0xFFFFFFFE, s1  }
0xa7: {  	p0 =	sne.s32 s1, s6  }
0xa8: {  	s6 =	sshll.u32 @p0 s6, $0xE  }
0xa9: {  	s6 =	sadd.s32 @p0 $0x11B8D, s6;
	s7 =	sshll.u32 @p0 s5, $0x11  }
0xaa: {  	s6 =	sor.u32 @p0 s7, s6  }
0xab: {  	[sflag:s6] =	ssyncadd.remote.s32 @p0 $0x1;
	_ =	sdelay $0x1  }
0xac: {  	s6 =	simm.s32 @p0 $0x1B8D  }
0xad: {  	_ =	swait.eq @p0 [sflag:s6], $0x1  }
0xae: {  	[sflag:s6] =	ssyncadd.s32 @p0 $0xFFFFFFFF  }
0xaf: {  	s7 =	sshll.u32 @!p0 s1, $0xE  }
0xb0: {  	s7 =	sor.u32 @!p0 $0x4000, s7;
	s6 =	simm.s32 @!p0 $0x1B8D  }
0xb1: {  	s5 =	sshll.u32 @!p0 s5, $0x11;
	s7 =	sadd.s32 @!p0 $0x11B8D, s7;
	_ =	swait.eq @!p0 [sflag:s6], $0x1  }
0xb2: {  	s5 =	sor.u32 @!p0 s5, s7;
	[sflag:s6] =	ssyncadd.s32 @!p0 $0xFFFFFFFF  }
0xb3: {  	s25 =	simm.s32 $0x1B8E;
	s24 =	sld [smem:$0x3FFE];
	[sflag:s5] =	ssyncadd.remote.s32 @!p0 $0x1  }
0xb4: {  	s26 =	simm.s32 $execute0_lowered;
	[smem:$0x3FD2] =	sst s25  }
0xb5: {  	s6 =	sshll.u32 s26, $0x1;
	_ =	strace $0x8000004C;
	[dreg:$0x1] =	wrdreg $0xFFFFFFFF  }
0xb6: {  	s28 =	simm.s32 $_size_execute0_lowered;
	s4 =	sadd.s32 s4, s6;
	[dreg:$0x0] =	wrdreg $0x0  }
0xb7: {  	s6 =	sshll.u32 s28, $0x1;
	[dreg:$0x2] =	wrdreg s4  }
0xb8: {  	[dreg:$0x3] =	wrdreg s6  }
0xb9: {  	[dreg:$0x4] =	wrdreg $0xC0  }
0xba: {  	_ =	task [dreg:s22], $0x5FFFF  }
0xbb: {  	[dreg:$0x1] =	wrdreg $0xFFFFFFFF  }
0xbc: {  	[dreg:$0x0] =	wrdreg $0x60  }
0xbd: {  	[dreg:$0x2] =	wrdreg s24  }
0xbe: {  	[dreg:$0x3] =	wrdreg s18  }
0xbf: {  	[dreg:$0x4] =	wrdreg $0x9  }
0xc0: {  	_ =	task.clear_ibuf [dreg:s22], $0x5FFFF;
	_ =	strace $0x9000004C  }
0xc1: {  	s29 =	simm.s32 $0x9;
	_ =	strace $0x8000004E  }
0xc2: {  	_ =	swait.ge [sflag:s29], $0x1  }
0xc3: {  	[sflag:s29] =	ssyncadd.s32 $0xFFFFFFFF  }
0xc4: {  	_ =	strace $0x9000004E  }
0xc5: {  	_ =	sfence  }
0xc6: {  	s30 =	sld [smem:$0x0];
	_ =	sdelay $0x2  }
0xc7: {  	s31 =	sshll.u32 s1, $0xD;
	s1 =	sshrl.u32 s1, $0x2  }
0xc8: {  	s4 =	sand.u32 $0x4000, s31;
	s1 =	sadd.s32 s1, s30  }
0xc9: {  	s0 =	sor.u32 s4, s0;
	s1 =	sshll.u32 s1, $0x11  }
0xca: {  	s0 =	sor.u32 s1, s0  }
0xcb: {  	s0 =	sadd.s32 $0x8F2B, s0  }
0xcc: {  	[sflag:s0] =	ssyncadd.remote.s32 $0x1  }
0xcd: {  	_ =	sfence.sel $0xFFFF  }
0xce: {  	[dreg:$0x0] =	wrdreg $0xFFFFFFFF;
	(pc) =	sbr.abs _section_cstart, $3  }
0xcf: {  	[dreg:$0x1] =	wrdreg $0xFFFFFFFF  }
0xd0: {  	_ =	task.clear_ibuf [dreg:s22], $0x2FFFF;
	_ =	strace $0x9FFFFFFF  }
0xd1: {  	(tm) =	ssettm $0x7FFFFFFF  }
tec
execute0_lowered:
.L_overlay_start_1:
0x0: {  	(tag) =	ssettag $0x1  }
0x1: {  	s3 =	rddreg [dreg:$0x0];
	s1 =	srdreg.scid  }
0x2: {  	s0 =	stileid.u32;
	s5 =	rddreg [dreg:$0x1];
	s2 =	simm.s32 $0x0  }
0x3: {  	s9 =	simm.s32 $0x1;
	s10 =	simm.s32 $0x6400;
	s11 =	simm.s32 $0x19000  }
0x4: {  	s12 =	simm.s32 $0xC800;
	s4 =	sand.u32 $0x1, s1;
	s6 =	sshll.u32 s0, $0x1  }
0x5: {  	s13 =	simm.s32 $0x12C00;
	s14 =	simm.s32 $0x0;
	s6 =	sor.u32 s4, s6  }
0x6: {  	[smem:$0x7FF] =	sst s2;
	s4 =	ssub.s32 $0x2, s4;
	s7 =	smul.u32 $0xC80, s6  }
0x7: {  	s1 =	rddreg [dreg:$0x2];
	_ =	strace $0x8000004D;
	s8 =	sshrl.u32 s4, $0x1  }
0x8: {  	s6 =	sshll.u32 s6, $0x1;
	s8 =	ssub.s32 s4, s8;
	s7 =	sadd.s32 s7, s3  }
0x9: {  	v0 =	vlaneseq.u32;
	s5 =	sadd.s32 s5, s6;
	s8 =	smax.u32 s8, $0x1;
	s3 =	sadd.s32 $0x2A00, s7  }
0xa: {  	v2 =	vimm.s32 $0x0;
	v1 =	vmul.u32 $0x35, v0;
	s4 =	sadd.s32 $0x1BA00, s7;
	s6 =	sadd.s32 $0x81200, s7;
	s7 =	sadd.s32 $0x9A200, s7  }
.LBB2_1:
0xb: {  	[tilespmem:s2], [sflag:$0x1] =	stream.linear.gather [hbm4b:s3+s2], $0x6400, $0x38;
	[tilespmem:$0x19010] =	vst v63  }
0xc: {  	_ =	swait.ge [sflag:s9], $0x6400  }
0xd: {  	v3 =	vmov s2;
	[sflag:s9] =	ssyncset.done $0x0  }
0xe: {  	s15 =	simm.s32 $0x10;
	v3 =	vmul.u32 $0x35, v3;
	[sflag:s9] =	ssyncadd.s32 $0xFFFF9C00  }
0xf: {  	v5 =	vmov s15;
	[tilespmem:s10], [sflag:$0x1] =	stream.linear.gather [hbm4b:s4+s2], $0x6400, $0x38;
	[tilespmem:$0x19010] =	vst v63  }
0x10: {  	v4 =	vadd.s32 s2, v0;
	s31 =	simm.s32 $0x1;
	v5 =	vmul.u32 $0x35, v5;
	v3 =	vbroadcast v3, $0x0;
	_ =	swait.ge [sflag:s9], $0x6400  }
0x11: {  	v4 =	vand.u32 $0x1F, v4;
	v6 =	vadd.s32 s31, v0;
	[sflag:s9] =	ssyncset.done $0x0  }
0x12: {  	v4 =	vadd.s32 $0x9C4, v4;
	v5 =	vbroadcast v5, $0x0;
	v3 =	vadd.s32 v1, v3;
	[sflag:s9] =	ssyncadd.s32 $0xFFFF9C00  }
0x13: {  	s18 =	simm.s32 $0x20;
	v3 =	vand.u32 $0x7FFF, v3;
	[tilespmem:s13+$0x0] =	vst v4;
	v4 =	vand.u32 $0x1F, v6  }
0x14: {  	s17 =	simm.s32 $0x12C10;
	s16 =	simm.s32 $0xC800;
	s15 =	simm.s32 $0x2;
	[tilespmem:s12+$0x0] =	vst v3;
	v3 =	vadd.s32 $0x9C4, v4;
	v4 =	vadd.s32 v1, v5  }
.LBB2_2:
0x15: {  	p0 =	sne.s32 s15, $0x63F  }
0x16: {  	v5 =	vmov s18;
	[tilespmem:s17+$0x0] =	vst v3;
	v3 =	vand.u32 $0x7FFF, v4;
	s16 =	sadd.s32 $0x10, s16;
	s19 =	smov.u32 s15;
	s15 =	sadd.s32 $0x1, s15  }
.Ltmp0:
0x17: {  	v4 =	vmul.u32 $0x35, v5;
	[tilespmem:s16+$0x0] =	vst v3;
	(pc) =	sbr.rel @p0 .LBB2_2-.Ltmp0, $4  }
0x18: {  	_ = 	snop  }
0x19: {  	v3 =	vadd.s32 s19, v0;
	v4 =	vbroadcast v4, $0x0  }
0x1a: {  	v3 =	vand.u32 $0x1F, v3  }
0x1b: {  	s18 =	sadd.s32 $0x10, s18;
	s17 =	sadd.s32 $0x10, s17;
	v3 =	vadd.s32 $0x9C4, v3;
	v4 =	vadd.s32 v1, v4  }
0x1c: {  	[tilespmem:s17+$0x0] =	vst v3;
	v3 =	vand.u32 $0x7FFF, v4;
	s15 =	sadd.s32 $0x10, s16  }
0x1d: {  	s31 =	simm.s32 $0x0;
	[tilespmem:s15+$0x0] =	vst v3  }
0x1e: {  	v3 =	vld [tilespmem:s31+$0x6400];
	_ =	sdelay $0x4  }
0x1f: {  	v63 =	vshrl.u32 v3, $0x2  }
0x20: {  	v5 =	vmul.u32 $0xCCCD, v63;
	_ =	sdelay $0x1  }
0x21: {  	v5 =	vshrl.u32 v5, $0x12  }
0x22: {  	v6 =	vmul.u32 $0x5, v5  }
0x23: {  	v3 =	vand.u32 $0x3, v3  }
0x24: {  	vm1 =	veq.s32 v3, $0x0;
	vm0 =	veq.s32 v6, v63  }
0x25: {  	vm0 =	vmand vm1, vm0  }
0x26: {  	v3 =	vsel vm0, $0x1, v2  }
0x27: {  	v7 =	vld [tilespmem:s31+$0x0];
	(xrf0) =	vadd.scan.msk.s32 $0xffff, v3;
	_ =	sdelay $0x2  }
0x28: {  	s15 =	simm.s32 $0x0  }
0x29: {  	[tilespmem:s15+$0x12C00] =	vst.msk vm0, v5  }
0x2a: {  	s16 =	simm.s32 $0x10;
	s17 =	simm.s32 $0x80;
	[tilespmem:s15+$0xC800] =	vst.msk vm0, v7  }
.LBB2_4:
0x2b: {  	p0 =	sne.s32 s17, $0x18FC0;
	v3 =	vld [tilespmem:s16+$0x6400];
	v4, _, _ =	vpop (xrf0)  }
0x2c: {  	(v2sf) =	vpush v4, $0xF;
	_ =	sdelay $0x3  }
0x2d: {  	v4 =	vshrl.u32 v3, $0x2  }
0x2e: {  	v5 =	vmul.u32 $0xCCCD, v4;
	_ =	sdelay $0x1  }
0x2f: {  	v5 =	vshrl.u32 v5, $0x12  }
0x30: {  	v6 =	vmul.u32 $0x5, v5  }
0x31: {  	v3 =	vand.u32 $0x3, v3  }
0x32: {  	vm0 =	veq.s32 v3, $0x0;
	vm1 =	veq.s32 v6, v4  }
0x33: {  	vm0 =	vmand vm0, vm1  }
0x34: {  	v3 =	vsel vm0, $0x1, v2  }
0x35: {  	v4 =	vld [tilespmem:s16+$0x0];
	(xrf0) =	vadd.scan.msk.s32 $0xffff, v3  }
.Ltmp1:
0x36: {  	(pc) =	sbr.rel @p0 .LBB2_4-.Ltmp1, $4  }
0x37: {  	s16 =	spop (v2sf)  }
0x38: {  	s15 =	sadd.s32 s15, s16  }
0x39: {  	[tilespmem:s15+$0x12C00] =	vst.msk vm0, v5  }
0x3a: {  	s16 =	sshra.s32 s17, $0x2;
	s17 =	sadd.s32 $0x40, s17;
	[tilespmem:s15+$0xC800] =	vst.msk vm0, v4  }
0x3b: {  	v3 =	vld [tilespmem:s16+$0x6400];
	_ =	sdelay $0x4  }
0x3c: {  	v4 =	vshrl.u32 v3, $0x2  }
0x3d: {  	v5 =	vmul.u32 $0xCCCD, v4;
	_ =	sdelay $0x1  }
0x3e: {  	v5 =	vshrl.u32 v5, $0x12  }
0x3f: {  	v6 =	vmul.u32 $0x5, v5  }
0x40: {  	v3 =	vand.u32 $0x3, v3  }
0x41: {  	vm0 =	veq.s32 v3, $0x0;
	vm1 =	veq.s32 v6, v4  }
0x42: {  	vm0 =	vmand vm0, vm1  }
0x43: {  	v3 =	vsel vm0, $0x1, v2  }
0x44: {  	(xrf0) =	vadd.scan.msk.s32 $0xffff, v3;
	_ =	sdelay $0x4  }
0x45: {  	v3, _, _ =	vpop (xrf0)  }
0x46: {  	(v2sf) =	vpush v3, $0xF;
	v3, _, _ =	vpop (xrf0)  }
0x47: {  	(v2sf) =	vpush v3, $0xF;
	_ =	sdelay $0xd  }
0x48: {  	s17 =	spop (v2sf)  }
0x49: {  	s15 =	sadd.s32 s15, s17;
	s30 =	spop (v2sf)  }
0x4a: {  	s17 =	sadd.s32 s15, s30  }
0x4b: {  	s17 =	sadd.s32 $0x7F, s17  }
0x4c: {  	s18 =	sand.u32 $0x7F, s17  }
0x4d: {  	v3 =	vld [tilespmem:s16+$0x0];
	s31 =	sshra.s32 s17, $0x1F;
	p1 =	slt.s32 s17, $0x1;
	p0 =	sne.s32 s18, $0x0  }
0x4e: {  	s16 =	sshrl.u32 s31, $0x19;
	p0 =	por !p1, !p0  }
0x4f: {  	s16 =	sadd.s32 s16, s17;
	s17 =	simm.s32 $0x1;
	p0 =	por !p0, !p0  }
0x50: {  	s16 =	sshra.s32 s16, $0x7;
	s17 =	simm.s32 @!p0 $0x0  }
0x51: {  	[tilespmem:s15+$0x12C00] =	vst.msk vm0, v5;
	s16 =	ssub.s32 s16, s17  }
0x52: {  	[tilespmem:s15+$0xC800] =	vst.msk vm0, v3;
	v3 =	vmov s16  }
0x53: {  	[tilespmem:$0x19000] =	vst v3  }
0x54: {  	[hbm4b:s5+s2] =	stream.linear.scatter [tilespmem:s11], [sflag:$0x1], $0x10, $0x38;
	[tilespmem:$0x19010] =	vst v63  }
0x55: {  	_ =	swait.ge [sflag:s9], $0x10  }
0x56: {  	[sflag:s9] =	ssyncset.done $0x0  }
0x57: {  	[sflag:s9] =	ssyncadd.s32 $0xFFFFFFF0  }
0x58: {  	[hbm4b:s6+s2] =	stream.linear.scatter [tilespmem:s12], [sflag:$0x1], $0x6400, $0x38;
	[tilespmem:$0x19010] =	vst v63  }
0x59: {  	s14 =	sadd.s32 $0x1, s14;
	_ =	swait.ge [sflag:s9], $0x6400  }
0x5a: {  	p0 =	sne.s32 s14, s8;
	[sflag:s9] =	ssyncset.done $0x0  }
.Ltmp2:
0x5b: {  	[sflag:s9] =	ssyncadd.s32 $0xFFFF9C00;
	(pc) =	sbr.rel @p0 .LBB2_1-.Ltmp2, $4  }
0x5c: {  	[hbm4b:s7+s2] =	stream.linear.scatter [tilespmem:s13], [sflag:$0x1], $0x6400, $0x38;
	[tilespmem:$0x19010] =	vst v63  }
0x5d: {  	_ =	swait.ge [sflag:s9], $0x6400  }
0x5e: {  	[sflag:s9] =	ssyncset.done $0x0  }
0x5f: {  	[sflag:s9] =	ssyncadd.s32 $0xFFFF9C00  }
0x60: {  	_ =	sfence.sel $0x180000  }
0x61: {  	[bflag:$0x0] =	sbarrier.arrive $0xFFFF  }
0x62: {  	p0 =	sne.s32 s0, $0x0;
	_ =	strace $0x9000004D  }
0x63: {  	s0 =	sadd.s32 @!p0 $0x100000, s1;
	[bflag:$0x2] =	sbarrier.arrive $0xFFFF  }
0x64: {  	[sflag:s0] =	ssyncadd.tile.s32 @!p0 $0x1;
	_ =	shalt  }
.Lfunc_end2:
_tile_overlayer_lowered:
.L_overlay_start_2:
0x65: {  	(tag) =	ssettag $0x2  }
0x66: {  	s0 =	rddreg [dreg:$0x0];
	s2 =	stileid.u32  }
0x67: {  	s1 =	rddreg [dreg:$0x1];
	p0 =	sne.s32 s2, $0x0  }
0x68: {  	s3 =	rddreg [dreg:$0x2];
	[bflag:$0x3] =	sbarrier.arrive $0xFFFF;
	s2 =	simm.s32 @!p0 $0x1C01  }
0x69: {  	[timem:s3], [sflag:s2] =	dma.local @!p0 [hbm:s0], s1  }
0x6a: {  	s0 =	simm.s32 @!p0 $0x1  }
0x6b: {  	_ =	swait.ge @!p0 [sflag:s0], s1  }
0x6c: {  	s1 =	ssub.s32 @!p0 $0x0, s1;
	[sflag:s0] =	ssyncset.done @!p0 $0x0  }
0x6d: {  	[sflag:s0] =	ssyncadd.s32 @!p0 s1  }
0x6e: {  	[bflag:$0x3] =	sbarrier.arrive $0xFFFF  }
0x6f: {  	_ =	shalt  }

// kernel: kernel.15.cloned.1.call-start
scs
__scs_entry_jumppad:
0x0: {  	(pc) =	sbr.rel $0x88, $3  }
0x1: {  	(tag) =	ssettag $0x0;
	lr =	simm.s32 $0x1  }
0x2: {  	[smem:$0x3F92] =	sst lr;
	_ =	strace $0xD0000000  }
0x3: {  	_ = 	snop  }
0x4: {  	_ = 	snop  }
0x5: {  	_ = 	snop  }
0x6: {  	_ = 	snop  }
0x7: {  	_ = 	snop  }
__scs_overlays_trampoline_lowered:
0x8: {  	[smem:$0x3FA1] =	sst s0  }
0x9: {  	[smem:$0x3FA2] =	sst s1  }
0xa: {  	[smem:$0x3FA3] =	sst s2  }
0xb: {  	[smem:$0x3FA4] =	sst s3  }
0xc: {  	[smem:$0x3FA5] =	sst s4  }
0xd: {  	[smem:$0x3FA6] =	sst s5  }
0xe: {  	[smem:$0x3FA7] =	sst s6  }
0xf: {  	[smem:$0x3FA8] =	sst s7  }
0x10: {  	[smem:$0x3FA9] =	sst s8  }
0x11: {  	[smem:$0x3FAA] =	sst s9;
	s0 =	simm.s32 @!p0 $0x0  }
0x12: {  	s1 =	sld [smem:$0x3F90];
	s0 =	simm.s32 @p0 $0x1  }
0x13: {  	[smem:$0x3FAB] =	sst s0;
	s0 =	simm.s32 @!p1 $0x0  }
0x14: {  	s2 =	sld [smem:$0x3F8F];
	s0 =	simm.s32 @p1 $0x1  }
0x15: {  	[smem:$0x3FAC] =	sst s0;
	s0 =	simm.s32 @!p2 $0x0  }
0x16: {  	s3 =	sld [smem:$0x3FDB];
	s0 =	simm.s32 @p2 $0x1  }
0x17: {  	s4 =	simm.s32 $0x1BF5;
	[smem:$0x3FAE] =	sst s0  }
0x18: {  	s0 =	sld [smem:$0x3F91];
	_ =	swait.ge [sflag:s4], $0x0  }
0x19: {  	s7 =	sld [smem:$0x3F92]  }
0x1a: {  	s8 =	sadd.s32 $0xFFFFE003, lr  }
0x1b: {  	s9 =	sadd.s32 $0xFFFFFEF7, lr;
	s5 =	simm.s32 $0xFFFFFFFF;
	p2 =	slt.u32 s8, $0xFFFFF086  }
0x1c: {  	p1 =	slt.u32 s9, $0xF7A;
	s5 =	simm.s32 @!p2 $0x0  }
0x1d: {  	s5 =	simm.s32 @p1 $0x1;
	p0 =	seq.s32 s7, s2  }
0x1e: {  	s7 =	smul.u32 @!p0 $0xF7A, s2;
	p2 =	seq.s32 @!p0 s5, $0x0  }
0x1f: {  	s9 =	smul.u32 $0xF7A, s1;
	s8 =	simm.s32 @!p0 $0x1BF5;
	p2 =	por !p2, p0  }
0x20: {  	[sflag:s8] =	ssyncset.s32 @!p0 $0xFFFFF086;
	s6 =	sadd.s32 @!p0 s3, s7;
	s7 =	simm.s32 @!p0 $0x108  }
0x21: {  	s3 =	sadd.s32 s3, s9;
	s6 =	sadd.s32 @!p0 $0x88, s6;
	s7 =	simm.s32 @p2 $0x1082  }
0x22: {  	[simem:s7], [sflag:s8] =	dma.local @!p0 [hbm:s6], $0xF7A  }
0x23: {  	s9 =	sor.u32 $0xD0000000, s2;
	s6 =	simm.s32 $0x108;
	_ =	swait.ge @!p0 [sflag:s8], $0x0  }
0x24: {  	s3 =	sadd.s32 $0x88, s3;
	s6 =	simm.s32 @!p1 $0x1082;
	[sflag:s4] =	ssyncset.s32 $0xFFFFF086  }
0x25: {  	[simem:s6], [sflag:s4] =	dma.local [hbm:s3], $0xF7A  }
0x26: {  	[smem:$0x3F92] =	sst s1;
	(tag) =	ssettag s2;
	_ =	strace s9  }
0x27: {  	s1 =	sld [smem:$0x3FA2]  }
0x28: {  	s2 =	sld [smem:$0x3FA3]  }
0x29: {  	s4 =	sld [smem:$0x3FA5]  }
0x2a: {  	p0 =	seq.s32 s5, $0x0;
	s5 =	sld [smem:$0x3FA6]  }
0x2b: {  	s6 =	sld [smem:$0x3FA7]  }
0x2c: {  	s7 =	sld [smem:$0x3FA8]  }
0x2d: {  	s3 =	simm.s32 $0x108;
	s8 =	sld [smem:$0x3FA9]  }
0x2e: {  	s3 =	simm.s32 @!p0 $0x1082;
	s9 =	sld [smem:$0x3FAA]  }
0x2f: {  	lr =	sadd.s32 s0, s3;
	s0 =	sld [smem:$0x3FA1]  }
0x30: {  	s3 =	sld [smem:$0x3FA4]  }
0x31: {  	[smem:$0x3FAD] =	sst s10  }
0x32: {  	s10 =	sld [smem:$0x3FAB];
	_ =	sdelay $0x3  }
0x33: {  	p0 =	seq.s32 s10, $0x1;
	s10 =	sld [smem:$0x3FAD];
	_ =	sdelay $0x3  }
0x34: {  	[smem:$0x3FAD] =	sst s10  }
0x35: {  	s10 =	sld [smem:$0x3FAC];
	_ =	sdelay $0x3  }
0x36: {  	p1 =	seq.s32 s10, $0x1;
	s10 =	sld [smem:$0x3FAD];
	_ =	sdelay $0x3  }
0x37: {  	[smem:$0x3FAD] =	sst s10  }
0x38: {  	s10 =	sld [smem:$0x3FAE]  }
0x39: {  	_ = 	snop;
	(pc) =	sbr.ind lr, $3  }
0x3a: {  	_ = 	snop  }
0x3b: {  	_ = 	snop  }
0x3c: {  	p2 =	seq.s32 s10, $0x1;
	s10 =	sld [smem:$0x3FAD]  }
0x3d: {  	_ =	shalt  }
0x3e: {  	_ =	shalt  }
0x3f: {  	_ =	shalt  }
0x40: {  	_ =	shalt  }
0x41: {  	_ =	shalt  }
0x42: {  	_ =	shalt  }
0x43: {  	_ =	shalt  }
0x44: {  	_ =	shalt  }
0x45: {  	_ =	shalt  }
0x46: {  	_ =	shalt  }
0x47: {  	_ =	shalt  }
0x48: {  	_ =	shalt  }
0x49: {  	_ =	shalt  }
0x4a: {  	_ =	shalt  }
0x4b: {  	_ =	shalt  }
0x4c: {  	_ =	shalt  }
0x4d: {  	_ =	shalt  }
0x4e: {  	_ =	shalt  }
0x4f: {  	_ =	shalt  }
0x50: {  	_ =	shalt  }
0x51: {  	_ =	shalt  }
0x52: {  	_ =	shalt  }
0x53: {  	_ =	shalt  }
0x54: {  	_ =	shalt  }
0x55: {  	_ =	shalt  }
0x56: {  	_ =	shalt  }
0x57: {  	_ =	shalt  }
0x58: {  	_ =	shalt  }
0x59: {  	_ =	shalt  }
0x5a: {  	_ =	shalt  }
0x5b: {  	_ =	shalt  }
0x5c: {  	_ =	shalt  }
0x5d: {  	_ =	shalt  }
0x5e: {  	_ =	shalt  }
0x5f: {  	_ =	shalt  }
0x60: {  	_ =	shalt  }
0x61: {  	_ =	shalt  }
0x62: {  	_ =	shalt  }
0x63: {  	_ =	shalt  }
0x64: {  	_ =	shalt  }
0x65: {  	_ =	shalt  }
0x66: {  	_ =	shalt  }
0x67: {  	_ =	shalt  }
0x68: {  	_ =	shalt  }
0x69: {  	_ =	shalt  }
0x6a: {  	_ =	shalt  }
0x6b: {  	_ =	shalt  }
0x6c: {  	_ =	shalt  }
0x6d: {  	_ =	shalt  }
0x6e: {  	_ =	shalt  }
0x6f: {  	_ =	shalt  }
0x70: {  	_ =	shalt  }
0x71: {  	_ =	shalt  }
0x72: {  	_ =	shalt  }
0x73: {  	_ =	shalt  }
0x74: {  	_ =	shalt  }
0x75: {  	_ =	shalt  }
0x76: {  	_ =	shalt  }
0x77: {  	_ =	shalt  }
0x78: {  	_ =	shalt  }
0x79: {  	_ =	shalt  }
0x7a: {  	_ =	shalt  }
0x7b: {  	_ =	shalt  }
0x7c: {  	_ =	shalt  }
0x7d: {  	_ =	shalt  }
0x7e: {  	_ =	shalt  }
0x7f: {  	_ =	shalt  }
0x80: {  	_ =	shalt  }
0x81: {  	_ =	shalt  }
0x82: {  	_ =	shalt  }
0x83: {  	_ =	shalt  }
0x84: {  	_ =	shalt  }
0x85: {  	_ =	shalt  }
0x86: {  	_ =	shalt  }
0x87: {  	_ =	shalt  }
.Lfunc_end0:
.L_simem_size_0:
called_computation.2_lowered:
.L_overlay_start_0:
0x88: {  	s2 =	sld [smem:$0x3FD9]  }
0x89: {  	s3 =	sld [smem:$0x3FFE];
	_ =	sdelay $0x1  }
0x8a: {  	s1 =	srdreg.scid  }
0x8b: {  	s0 =	sand.u32 $0x1, s1  }
0x8c: {  	s16 =	sshll.u32 s0, $0xA;
	s2 =	sadd.s32 s3, s2  }
0x8d: {  	s2 =	sadd.s32 s2, s16  }
0x8e: {  	[smem:$0x3FB9] =	sst s2  }
0x8f: {  	_ = 	snop  }
0x90: {  	(tm) =	ssettm $0x1  }
0x91: {  	s17 =	sld [smem:$0x3FFB];
	_ =	sdelay $0x3  }
0x92: {  	_ =	strace s17  }
0x93: {  	s2 =	sld [smem:$0x3FFC];
	_ =	sdelay $0x3  }
0x94: {  	_ =	strace s2  }
0x95: {  	s2 =	sld [smem:$0x3FFD];
	_ =	sdelay $0x3  }
0x96: {  	_ =	strace s2  }
0x97: {  	_ =	strace $0x8FFFFFFF  }
0x98: {  	s18 =	sld [smem:$0x3FDB];
	_ =	sdelay $0x1  }
0x99: {  	s19 =	simm.s32 $_scs_section_size  }
0x9a: {  	s4 =	simm.s32 $_size__tile_overlayer_lowered;
	s5 =	simm.s32 $_tile_overlayer_lowered  }
0x9b: {  	s22 =	simm.s32 $0x1BFF;
	s21 =	sshll.u32 s5, $0x1;
	s2 =	sadd.s32 s19, s18  }
0x9c: {  	s6 =	simm.s32 $0x0;
	s20 =	sshll.u32 s4, $0x1;
	s4 =	sadd.s32 s21, s2  }
0x9d: {  	[timem:s6], [sflag:s22] =	dma.local [hbm:s4], s20  }
0x9e: {  	_ =	swait.ge [sflag:s22], s20  }
0x9f: {  	s3 =	ssub.s32 $0x0, s20;
	[sflag:s22] =	ssyncset.done $0x0  }
0xa0: {  	[sflag:s22] =	ssyncadd.s32 s3;
	_ =	sdelay $0x1  }
0xa1: {  	s23 =	simm.s32 $0x1B8B  }
0xa2: {  	_ =	swait.ge [sflag:s23], $0x1  }
0xa3: {  	[sflag:s23] =	ssyncset.done $0x0  }
0xa4: {  	s25 =	simm.s32 $0x1B8E;
	s24 =	sld [smem:$0x3FFE];
	[sflag:s23] =	ssyncadd.s32 $0xFFFFFFFF  }
0xa5: {  	s26 =	simm.s32 $execute0_lowered;
	[smem:$0x3FD2] =	sst s25  }
0xa6: {  	s4 =	sshll.u32 s26, $0x1;
	_ =	strace $0x80000049;
	[dreg:$0x1] =	wrdreg $0xFFFFFFFF  }
0xa7: {  	s28 =	simm.s32 $_size_execute0_lowered;
	s2 =	sadd.s32 s2, s4;
	[dreg:$0x0] =	wrdreg $0x0  }
0xa8: {  	s4 =	sshll.u32 s28, $0x1;
	[dreg:$0x2] =	wrdreg s2  }
0xa9: {  	[dreg:$0x3] =	wrdreg s4  }
0xaa: {  	[dreg:$0x4] =	wrdreg $0xC0  }
0xab: {  	_ =	task [dreg:s6], $0x5FFFF  }
0xac: {  	[dreg:$0x1] =	wrdreg $0xFFFFFFFF  }
0xad: {  	[dreg:$0x0] =	wrdreg $0x60  }
0xae: {  	[dreg:$0x2] =	wrdreg s24  }
0xaf: {  	[dreg:$0x3] =	wrdreg $0x104000  }
0xb0: {  	[dreg:$0x4] =	wrdreg $0xA  }
0xb1: {  	_ =	task.clear_ibuf [dreg:s6], $0x5FFFF;
	_ =	strace $0x90000049  }
0xb2: {  	s29 =	simm.s32 $0xA;
	_ =	strace $0x8000004B  }
0xb3: {  	_ =	swait.ge [sflag:s29], $0x1  }
0xb4: {  	[sflag:s29] =	ssyncadd.s32 $0xFFFFFFFF  }
0xb5: {  	_ =	strace $0x9000004B  }
0xb6: {  	_ =	sfence  }
0xb7: {  	s30 =	sld [smem:$0x0];
	_ =	sdelay $0x2  }
0xb8: {  	s31 =	sshll.u32 s1, $0xD;
	s1 =	sshrl.u32 s1, $0x2  }
0xb9: {  	s3 =	sand.u32 $0x4000, s31;
	s1 =	sadd.s32 s1, s30  }
0xba: {  	s0 =	sor.u32 s3, s0;
	s1 =	sshll.u32 s1, $0x11  }
0xbb: {  	s0 =	sor.u32 s1, s0  }
0xbc: {  	s0 =	sadd.s32 $0x8F2B, s0  }
0xbd: {  	[sflag:s0] =	ssyncadd.remote.s32 $0x1  }
0xbe: {  	_ =	sfence.sel $0xFFFF  }
0xbf: {  	[dreg:$0x0] =	wrdreg $0xFFFFFFFF;
	(pc) =	sbr.abs _section_cstart, $3  }
0xc0: {  	[dreg:$0x1] =	wrdreg $0xFFFFFFFF  }
0xc1: {  	_ =	task.clear_ibuf [dreg:s6], $0x2FFFF;
	_ =	strace $0x9FFFFFFF  }
0xc2: {  	(tm) =	ssettm $0x7FFFFFFF  }
0xc3: {  	_ =	shalt  }
tec
execute0_lowered:
.L_overlay_start_1:
0x0: {  	(tag) =	ssettag $0x1  }
0x1: {  	s0 =	rddreg [dreg:$0x0];
	s1 =	srdreg.scid  }
0x2: {  	s11 =	stileid.u32;
	s2 =	rddreg [dreg:$0x1];
	s3 =	simm.s32 $0x0  }
0x3: {  	s1 =	sand.u32 $0x1, s1;
	s4 =	sshll.u32 s11, $0x1;
	[smem:$0x7FF] =	sst s3  }
0x4: {  	s6 =	smul.u32 $0xC400, s11;
	p0 =	seq.s32 s11, $0xF;
	s4 =	sor.u32 s1, s4  }
0x5: {  	_ =	strace $0x8000004A;
	s5 =	ssub.s32 $0x2, s1;
	s1 =	smul.u32 $0xC3500, s1  }
0x6: {  	s4 =	smul.u32 $0xC80, s4;
	s8 =	sshrl.u32 s5, $0x1;
	s9 =	sadd.s32 $0x1C00, s6  }
0x7: {  	s10 =	sadd.s32 s6, s2;
	s12 =	sadd.s32 $0x5400, s6;
	s14 =	sadd.s32 $0x7000, s6  }
0x8: {  	s19 =	sadd.s32 $0x8C00, s6;
	s5 =	ssub.s32 s5, s8;
	s22 =	sadd.s32 s6, s1  }
0x9: {  	s24 =	sadd.s32 s1, s9;
	[dreg:$0x5] =	wrdreg s10;
	s26 =	sadd.s32 s9, s2  }
0xa: {  	s9 =	sadd.s32 $0x3800, s6;
	s13 =	sadd.s32 s1, s12;
	s16 =	sadd.s32 s1, s14  }
0xb: {  	s8 =	sadd.s32 s12, s2;
	s18 =	sadd.s32 s14, s2;
	s20 =	sadd.s32 s19, s2  }
0xc: {  	s6 =	sadd.s32 $0xA800, s6;
	s12 =	simm.s32 $0xE000;
	s14 =	simm.s32 $0x5  }
0xd: {  	s7 =	sadd.s32 s4, s0;
	s4 =	sadd.s32 $0x37C00, s0;
	[dreg:$0x7] =	wrdreg s26  }
0xe: {  	s0 =	sadd.s32 $0x50400, s0;
	s23 =	sshrl.u32 s22, $0x3;
	[dreg:$0xb] =	wrdreg s8  }
0xf: {  	s25 =	sshrl.u32 s24, $0x3;
	s10 =	sadd.s32 s9, s2;
	[dreg:$0xd] =	wrdreg s18  }
0x10: {  	s15 =	sshrl.u32 s13, $0x3;
	s17 =	sshrl.u32 s16, $0x3;
	[dreg:$0xf] =	wrdreg s20  }
0x11: {  	s22 =	smul.u32 $0x31000, s11;
	s26 =	smax.u32 s5, $0x1;
	s5 =	simm.s32 $0x6400  }
0x12: {  	s8 =	simm.s32 $0xD000;
	s11 =	simm.s32 $0x2;
	[dreg:$0x9] =	wrdreg s10  }
0x13: {  	s13 =	simm.s32 $0x3;
	s21 =	sadd.s32 $0x2A00, s7;
	[dreg:$0x15] =	wrdreg s26  }
0x14: {  	s16 =	simm.s32 $0x6;
	s7 =	sadd.s32 $0x1BA00, s7;
	[dreg:$0x3] =	wrdreg s21  }
0x15: {  	s18 =	simm.s32 $0x8;
	s10 =	simm.s32 $0xD800;
	[dreg:$0x4] =	wrdreg s7  }
0x16: {  	s7 =	sadd.s32 s0, s23;
	s21 =	sadd.s32 s1, s6;
	s6 =	sadd.s32 s6, s2  }
0x17: {  	s24 =	sshrl.u32 s22, $0x2;
	[dreg:$0x6] =	wrdreg s7;
	s7 =	sadd.s32 s0, s25  }
0x18: {  	[dreg:$0x11] =	wrdreg s6;
	s23 =	sshrl.u32 s21, $0x3;
	s25 =	sadd.s32 $0xC2400, s2  }
0x19: {  	s22 =	sadd.s32 s24, s2;
	[dreg:$0x8] =	wrdreg s7;
	s7 =	sadd.s32 s1, s9  }
0x1a: {  	s6 =	sadd.s32 s0, s23;
	[dreg:$0x13] =	wrdreg s25;
	s25 =	sadd.s32 $0x1C00, s22  }
0x1b: {  	s26 =	sadd.s32 $0x3800, s22;
	s28 =	sadd.s32 $0x5400, s22;
	s29 =	sadd.s32 $0x7000, s22  }
0x1c: {  	s30 =	sadd.s32 $0x8C00, s22;
	s31 =	sadd.s32 $0xA800, s22;
	s7 =	sshrl.u32 s7, $0x3  }
0x1d: {  	s9 =	simm.s32 $0x1;
	[dreg:$0x12] =	wrdreg s6;
	s7 =	sadd.s32 s0, s7  }
0x1e: {  	s6 =	simm.s32 $0x80;
	[dreg:$0xa] =	wrdreg s7;
	s7 =	sadd.s32 s0, s15  }
0x1f: {  	s15 =	simm.s32 $0x4;
	[dreg:$0xc] =	wrdreg s7;
	s7 =	sadd.s32 s0, s17  }
.Ltmp0:
0x20: {  	[dreg:$0xe] =	wrdreg s7;
	s7 =	sadd.s32 s1, s19;
	(pc) =	sbr.rel .LBB2_1-.Ltmp0, $4  }
0x21: {  	s17 =	simm.s32 $0x7;
	s1 =	sshrl.u32 s1, $0x3;
	s7 =	sshrl.u32 s7, $0x3  }
0x22: {  	s19 =	simm.s32 $0x0;
	s7 =	sadd.s32 s0, s7;
	s0 =	sadd.s32 s0, s1  }
0x23: {  	s1 =	simm.s32 $0xE800;
	[dreg:$0x10] =	wrdreg s7;
	s0 =	sadd.s32 $0x18480, s0  }
0x24: {  	v0 =	vimm.f32 $0.0e+00;
	s7 =	simm.s32 $0xC800;
	[dreg:$0x14] =	wrdreg s0;
	s0 =	simm.s32 $0x9  }
.LBB2_6:
0x25: {  	_ =	swait.ge [sflag:s15], $0x800  }
0x26: {  	[sflag:s15] =	ssyncset.done $0x0  }
0x27: {  	[sflag:s15] =	ssyncadd.s32 $0xFFFFF800  }
0x28: {  	[spmem:s2] =	stream.indirect.scatter.add.f32 [tilespmem:s12], [sflag:$0x8], $0x10, s23, s6, $0xb8;
	[tilespmem:$0x1C800] =	vst v63  }
0x29: {  	_ =	swait.ge [sflag:s14], $0x800  }
0x2a: {  	[sflag:s14] =	ssyncset.done $0x0  }
0x2b: {  	[sflag:s14] =	ssyncadd.s32 $0xFFFFF800  }
0x2c: {  	_ =	swait.ge [sflag:s16], $0x800  }
0x2d: {  	[sflag:s16] =	ssyncset.done $0x0  }
0x2e: {  	[sflag:s16] =	ssyncadd.s32 $0xFFFFF800  }
0x2f: {  	_ =	swait.ge [sflag:s17], $0x800  }
0x30: {  	[sflag:s17] =	ssyncset.done $0x0  }
0x31: {  	[sflag:s17] =	ssyncadd.s32 $0xFFFFF800  }
0x32: {  	_ =	swait.ge [sflag:s18], $0x800  }
0x33: {  	[sflag:s18] =	ssyncset.done $0x0  }
0x34: {  	[sflag:s18] =	ssyncadd.s32 $0xFFFFF800  }
0x35: {  	[bflag:$0x0] =	sbarrier.arrive $0xFFFF  }
0x36: {  	s20 =	rddreg [dreg:$0x5]  }
0x37: {  	[tilespmem:s1], [sflag:$0x9] =	stream.linear.gather [spmem:s20], $0x1C00, $0x38;
	[tilespmem:$0x1C800] =	vst v63  }
0x38: {  	_ =	swait.ge [sflag:s0], $0x1C00  }
0x39: {  	[sflag:s0] =	ssyncset.done $0x0  }
0x3a: {  	s21 =	rddreg [dreg:$0x6];
	[sflag:s0] =	ssyncadd.s32 $0xFFFFE400  }
0x3b: {  	[hbm4b:s21+s3] =	stream.linear.scatter [tilespmem:s1], [sflag:$0x9], $0x1C00, $0x38;
	[tilespmem:$0x1C800] =	vst v63  }
0x3c: {  	_ =	swait.ge [sflag:s0], $0x1C00  }
0x3d: {  	[sflag:s0] =	ssyncset.done $0x0  }
0x3e: {  	s23 =	rddreg [dreg:$0x7];
	[sflag:s0] =	ssyncadd.s32 $0xFFFFE400  }
0x3f: {  	[tilespmem:s1], [sflag:$0x9] =	stream.linear.gather [spmem:s23], $0x1C00, $0x38;
	[tilespmem:$0x1C800] =	vst v63  }
0x40: {  	_ =	swait.ge [sflag:s0], $0x1C00  }
0x41: {  	[sflag:s0] =	ssyncset.done $0x0  }
0x42: {  	s24 =	rddreg [dreg:$0x8];
	[sflag:s0] =	ssyncadd.s32 $0xFFFFE400  }
0x43: {  	[hbm4b:s24+s3] =	stream.linear.scatter [tilespmem:s1], [sflag:$0x9], $0x1C00, $0x38;
	[tilespmem:$0x1C800] =	vst v63  }
0x44: {  	_ =	swait.ge [sflag:s0], $0x1C00  }
0x45: {  	[sflag:s0] =	ssyncset.done $0x0  }
0x46: {  	s21 =	rddreg [dreg:$0x9];
	[sflag:s0] =	ssyncadd.s32 $0xFFFFE400  }
0x47: {  	[tilespmem:s1], [sflag:$0x9] =	stream.linear.gather [spmem:s21], $0x1C00, $0x38;
	[tilespmem:$0x1C800] =	vst v63  }
0x48: {  	_ =	swait.ge [sflag:s0], $0x1C00  }
0x49: {  	[sflag:s0] =	ssyncset.done $0x0  }
0x4a: {  	s23 =	rddreg [dreg:$0xa];
	[sflag:s0] =	ssyncadd.s32 $0xFFFFE400  }
0x4b: {  	[hbm4b:s23+s3] =	stream.linear.scatter [tilespmem:s1], [sflag:$0x9], $0x1C00, $0x38;
	[tilespmem:$0x1C800] =	vst v63  }
0x4c: {  	_ =	swait.ge [sflag:s0], $0x1C00  }
0x4d: {  	[sflag:s0] =	ssyncset.done $0x0  }
0x4e: {  	s24 =	rddreg [dreg:$0xb];
	[sflag:s0] =	ssyncadd.s32 $0xFFFFE400  }
0x4f: {  	[tilespmem:s1], [sflag:$0x9] =	stream.linear.gather [spmem:s24], $0x1C00, $0x38;
	[tilespmem:$0x1C800] =	vst v63  }
0x50: {  	_ =	swait.ge [sflag:s0], $0x1C00  }
0x51: {  	[sflag:s0] =	ssyncset.done $0x0  }
0x52: {  	s21 =	rddreg [dreg:$0xc];
	[sflag:s0] =	ssyncadd.s32 $0xFFFFE400  }
0x53: {  	[hbm4b:s21+s3] =	stream.linear.scatter [tilespmem:s1], [sflag:$0x9], $0x1C00, $0x38;
	[tilespmem:$0x1C800] =	vst v63  }
0x54: {  	_ =	swait.ge [sflag:s0], $0x1C00  }
0x55: {  	[sflag:s0] =	ssyncset.done $0x0  }
0x56: {  	s23 =	rddreg [dreg:$0xd];
	[sflag:s0] =	ssyncadd.s32 $0xFFFFE400  }
0x57: {  	[tilespmem:s1], [sflag:$0x9] =	stream.linear.gather [spmem:s23], $0x1C00, $0x38;
	[tilespmem:$0x1C800] =	vst v63  }
0x58: {  	_ =	swait.ge [sflag:s0], $0x1C00  }
0x59: {  	[sflag:s0] =	ssyncset.done $0x0  }
0x5a: {  	s24 =	rddreg [dreg:$0xe];
	[sflag:s0] =	ssyncadd.s32 $0xFFFFE400  }
0x5b: {  	[hbm4b:s24+s3] =	stream.linear.scatter [tilespmem:s1], [sflag:$0x9], $0x1C00, $0x38;
	[tilespmem:$0x1C800] =	vst v63  }
0x5c: {  	_ =	swait.ge [sflag:s0], $0x1C00  }
0x5d: {  	[sflag:s0] =	ssyncset.done $0x0  }
0x5e: {  	s21 =	rddreg [dreg:$0xf];
	[sflag:s0] =	ssyncadd.s32 $0xFFFFE400  }
0x5f: {  	[tilespmem:s1], [sflag:$0x9] =	stream.linear.gather [spmem:s21], $0x1C00, $0x38;
	[tilespmem:$0x1C800] =	vst v63  }
0x60: {  	_ =	swait.ge [sflag:s0], $0x1C00  }
0x61: {  	[sflag:s0] =	ssyncset.done $0x0  }
0x62: {  	s23 =	rddreg [dreg:$0x10];
	[sflag:s0] =	ssyncadd.s32 $0xFFFFE400  }
0x63: {  	[hbm4b:s23+s3] =	stream.linear.scatter [tilespmem:s1], [sflag:$0x9], $0x1C00, $0x38;
	[tilespmem:$0x1C800] =	vst v63  }
0x64: {  	_ =	swait.ge [sflag:s0], $0x1C00  }
0x65: {  	[sflag:s0] =	ssyncset.done $0x0  }
0x66: {  	s20 =	simm.s32 @p0 $0xE800;
	s21 =	rddreg [dreg:$0x13];
	[sflag:s0] =	ssyncadd.s32 $0xFFFFE400  }
0x67: {  	[tilespmem:s20], [sflag:$0x9] =	stream.linear.gather @p0 [spmem:s21], $0x1100, $0x38;
	[tilespmem:$0x1C800] =	vst v63  }
0x68: {  	s21 =	simm.s32 @p0 $0x9  }
0x69: {  	_ =	swait.ge @p0 [sflag:s21], $0x1100  }
0x6a: {  	[sflag:s21] =	ssyncset.done @p0 $0x0  }
0x6b: {  	s23 =	simm.s32 @p0 $0x0;
	s24 =	rddreg [dreg:$0x14];
	[sflag:s21] =	ssyncadd.s32 @p0 $0xFFFFEF00  }
0x6c: {  	[hbm4b:s24+s23] =	stream.linear.scatter @p0 [tilespmem:s20], [sflag:$0x9], $0x1100, $0x38;
	[tilespmem:$0x1C800] =	vst v63  }
0x6d: {  	_ =	swait.ge @p0 [sflag:s21], $0x1100  }
0x6e: {  	[sflag:s21] =	ssyncset.done @p0 $0x0  }
0x6f: {  	s20 =	simm.s32 @!p0 $0xE800;
	[sflag:s21] =	ssyncadd.s32 @p0 $0xFFFFEF00;
	s21 =	rddreg [dreg:$0x11]  }
0x70: {  	[tilespmem:s20], [sflag:$0x9] =	stream.linear.gather @!p0 [spmem:s21], $0x1C00, $0x38;
	[tilespmem:$0x1C800] =	vst v63  }
0x71: {  	s21 =	simm.s32 @!p0 $0x9  }
0x72: {  	_ =	swait.ge @!p0 [sflag:s21], $0x1C00  }
0x73: {  	[sflag:s21] =	ssyncset.done @!p0 $0x0  }
0x74: {  	s23 =	simm.s32 @!p0 $0x0;
	s24 =	rddreg [dreg:$0x12];
	[sflag:s21] =	ssyncadd.s32 @!p0 $0xFFFFE400  }
0x75: {  	[hbm4b:s24+s23] =	stream.linear.scatter @!p0 [tilespmem:s20], [sflag:$0x9], $0x1C00, $0x38;
	[tilespmem:$0x1C800] =	vst v63  }
0x76: {  	_ =	swait.ge @!p0 [sflag:s21], $0x1C00  }
0x77: {  	s19 =	sadd.s32 $0x1, s19;
	s24 =	rddreg [dreg:$0x15]  }
0x78: {  	p1 =	sne.s32 s19, s24  }
.Ltmp1:
0x79: {  	_ = 	snop;
	(pc) =	sbr.rel @!p1 .LBB2_7-.Ltmp1, $3  }
0x7a: {  	_ =	sdelay $0x1  }
0x7b: {  	[sflag:s21] =	ssyncset.done @!p0 $0x0  }
0x7c: {  	[sflag:s21] =	ssyncadd.s32 @!p0 $0xFFFFE400  }
.LBB2_1:
0x7d: {  	s20 =	simm.s32 $0x40;
	s21 =	simm.s32 $0x0  }
.LBB2_2:
0x7e: {  	p1 =	sne.s32 s20, $0x6FC0;
	[tilespmem:s21+$0xE800] =	vst v0;
	s21 =	smov.u32 s20;
	s20 =	sadd.s32 $0x40, s20  }
.Ltmp2:
0x7f: {  	(pc) =	sbr.rel @p1 .LBB2_2-.Ltmp2, $2  }
0x80: {  	_ =	sdelay $0x2  }
0x81: {  	s21 =	sshra.s32 s21, $0x2  }
0x82: {  	[tilespmem:s21+$0xE800] =	vst v0  }
0x83: {  	[spmem:s22] =	stream.linear.scatter [tilespmem:s1], [sflag:$0x9], $0x1C00, $0x38;
	[tilespmem:$0x1C800] =	vst v63  }
0x84: {  	_ =	swait.ge [sflag:s0], $0x1C00  }
0x85: {  	[sflag:s0] =	ssyncset.done $0x0  }
0x86: {  	[sflag:s0] =	ssyncadd.s32 $0xFFFFE400  }
0x87: {  	[spmem:s25] =	stream.linear.scatter [tilespmem:s1], [sflag:$0x9], $0x1C00, $0x38;
	[tilespmem:$0x1C800] =	vst v63  }
0x88: {  	_ =	swait.ge [sflag:s0], $0x1C00  }
0x89: {  	[sflag:s0] =	ssyncset.done $0x0  }
0x8a: {  	[sflag:s0] =	ssyncadd.s32 $0xFFFFE400  }
0x8b: {  	[spmem:s26] =	stream.linear.scatter [tilespmem:s1], [sflag:$0x9], $0x1C00, $0x38;
	[tilespmem:$0x1C800] =	vst v63  }
0x8c: {  	_ =	swait.ge [sflag:s0], $0x1C00  }
0x8d: {  	[sflag:s0] =	ssyncset.done $0x0  }
0x8e: {  	[sflag:s0] =	ssyncadd.s32 $0xFFFFE400  }
0x8f: {  	[spmem:s28] =	stream.linear.scatter [tilespmem:s1], [sflag:$0x9], $0x1C00, $0x38;
	[tilespmem:$0x1C800] =	vst v63  }
0x90: {  	_ =	swait.ge [sflag:s0], $0x1C00  }
0x91: {  	[sflag:s0] =	ssyncset.done $0x0  }
0x92: {  	[sflag:s0] =	ssyncadd.s32 $0xFFFFE400  }
0x93: {  	[spmem:s29] =	stream.linear.scatter [tilespmem:s1], [sflag:$0x9], $0x1C00, $0x38;
	[tilespmem:$0x1C800] =	vst v63  }
0x94: {  	_ =	swait.ge [sflag:s0], $0x1C00  }
0x95: {  	[sflag:s0] =	ssyncset.done $0x0  }
0x96: {  	[sflag:s0] =	ssyncadd.s32 $0xFFFFE400  }
0x97: {  	[spmem:s30] =	stream.linear.scatter [tilespmem:s1], [sflag:$0x9], $0x1C00, $0x38;
	[tilespmem:$0x1C800] =	vst v63  }
0x98: {  	_ =	swait.ge [sflag:s0], $0x1C00  }
0x99: {  	[sflag:s0] =	ssyncset.done $0x0  }
0x9a: {  	[sflag:s0] =	ssyncadd.s32 $0xFFFFE400  }
0x9b: {  	[spmem:s31] =	stream.linear.scatter [tilespmem:s1], [sflag:$0x9], $0x1C00, $0x38;
	[tilespmem:$0x1C800] =	vst v63  }
0x9c: {  	_ =	swait.ge [sflag:s0], $0x1C00  }
0x9d: {  	[sflag:s0] =	ssyncset.done $0x0  }
0x9e: {  	[sflag:s0] =	ssyncadd.s32 $0xFFFFE400  }
0x9f: {  	[bflag:$0x0] =	sbarrier.arrive $0xFFFF  }
0xa0: {  	s20 =	simm.s32 $0x0;
	s24 =	rddreg [dreg:$0x3]  }
0xa1: {  	[tilespmem:s20], [sflag:$0x9] =	stream.linear.gather [hbm4b:s24+s20], $0x6400, $0x38;
	[tilespmem:$0x1C800] =	vst v63  }
0xa2: {  	_ =	swait.ge [sflag:s0], $0x6400  }
0xa3: {  	[sflag:s0] =	ssyncset.done $0x0  }
0xa4: {  	s23 =	rddreg [dreg:$0x4];
	[sflag:s0] =	ssyncadd.s32 $0xFFFF9C00  }
0xa5: {  	[tilespmem:s5], [sflag:$0x9] =	stream.linear.gather [hbm4b:s23+s20], $0x6400, $0x38;
	[tilespmem:$0x1C800] =	vst v63  }
0xa6: {  	_ =	swait.ge [sflag:s0], $0x6400  }
0xa7: {  	[sflag:s0] =	ssyncset.done $0x0  }
0xa8: {  	[sflag:s0] =	ssyncadd.s32 $0xFFFF9C00  }
0xa9: {  	[tilespmem:s7], [sflag:$0x1] =	stream.indirect.gather [hbm4b:s4+s6], $0x10, s20, s6, $0xb8;
	[tilespmem:$0x1C800] =	vst v63  }
0xaa: {  	_ = 	snop  }
0xab: {  	[tilespmem:s8], [sflag:$0x2] =	stream.indirect.gather [hbm4b:s4+s6], $0x10, s6, s6, $0xb8;
	[tilespmem:$0x1C800] =	vst v63  }
0xac: {  	_ =	swait.ge [sflag:s9], $0x800  }
0xad: {  	[sflag:s9] =	ssyncset.done $0x0  }
0xae: {  	[sflag:s9] =	ssyncadd.s32 $0xFFFFF800  }
0xaf: {  	[spmem:s2] =	stream.indirect.scatter.add.f32 [tilespmem:s7], [sflag:$0x5], $0x10, s5, s6, $0xb8;
	[tilespmem:$0x1C800] =	vst v63  }
0xb0: {  	s24 =	simm.s32 $0x100  }
0xb1: {  	[tilespmem:s10], [sflag:$0x3] =	stream.indirect.gather [hbm4b:s4+s6], $0x10, s24, s6, $0xb8;
	[tilespmem:$0x1C800] =	vst v63  }
0xb2: {  	_ =	swait.ge [sflag:s11], $0x800  }
0xb3: {  	[sflag:s11] =	ssyncset.done $0x0  }
0xb4: {  	s23 =	simm.s32 $0x6480;
	[sflag:s11] =	ssyncadd.s32 $0xFFFFF800  }
0xb5: {  	[spmem:s2] =	stream.indirect.scatter.add.f32 [tilespmem:s8], [sflag:$0x6], $0x10, s23, s6, $0xb8;
	[tilespmem:$0x1C800] =	vst v63  }
0xb6: {  	s24 =	simm.s32 $0x180  }
0xb7: {  	[tilespmem:s12], [sflag:$0x4] =	stream.indirect.gather [hbm4b:s4+s6], $0x10, s24, s6, $0xb8;
	[tilespmem:$0x1C800] =	vst v63  }
0xb8: {  	_ =	swait.ge [sflag:s13], $0x800  }
0xb9: {  	[sflag:s13] =	ssyncset.done $0x0  }
0xba: {  	s23 =	simm.s32 $0x6500;
	[sflag:s13] =	ssyncadd.s32 $0xFFFFF800  }
0xbb: {  	[spmem:s2] =	stream.indirect.scatter.add.f32 [tilespmem:s10], [sflag:$0x7], $0x10, s23, s6, $0xb8;
	[tilespmem:$0x1C800] =	vst v63  }
0xbc: {  	_ =	swait.ge [sflag:s14], $0x800  }
0xbd: {  	[sflag:s14] =	ssyncset.done $0x0  }
0xbe: {  	s24 =	simm.s32 $0x200;
	[sflag:s14] =	ssyncadd.s32 $0xFFFFF800  }
0xbf: {  	[tilespmem:s7], [sflag:$0x1] =	stream.indirect.gather [hbm4b:s4+s6], $0x10, s24, s6, $0xb8;
	[tilespmem:$0x1C800] =	vst v63  }
0xc0: {  	_ =	swait.ge [sflag:s15], $0x800  }
0xc1: {  	[sflag:s15] =	ssyncset.done $0x0  }
0xc2: {  	s23 =	simm.s32 $0x6580;
	[sflag:s15] =	ssyncadd.s32 $0xFFFFF800  }
0xc3: {  	[spmem:s2] =	stream.indirect.scatter.add.f32 [tilespmem:s12], [sflag:$0x8], $0x10, s23, s6, $0xb8;
	[tilespmem:$0x1C800] =	vst v63  }
0xc4: {  	_ =	swait.ge [sflag:s16], $0x800  }
0xc5: {  	[sflag:s16] =	ssyncset.done $0x0  }
0xc6: {  	s24 =	simm.s32 $0x280;
	[sflag:s16] =	ssyncadd.s32 $0xFFFFF800  }
0xc7: {  	[tilespmem:s8], [sflag:$0x2] =	stream.indirect.gather [hbm4b:s4+s6], $0x10, s24, s6, $0xb8;
	[tilespmem:$0x1C800] =	vst v63  }
.LBB2_4:
0xc8: {  	_ =	swait.ge [sflag:s9], $0x800  }
0xc9: {  	s21 =	sshra.s32 s20, $0x2;
	[sflag:s9] =	ssyncset.done $0x0  }
0xca: {  	s23 =	sadd.s32 $0x6600, s21;
	[sflag:s9] =	ssyncadd.s32 $0xFFFFF800  }
0xcb: {  	[spmem:s2] =	stream.indirect.scatter.add.f32 [tilespmem:s7], [sflag:$0x5], $0x10, s23, s6, $0xb8;
	[tilespmem:$0x1C800] =	vst v63  }
0xcc: {  	_ =	swait.ge [sflag:s17], $0x800  }
0xcd: {  	[sflag:s17] =	ssyncset.done $0x0  }
0xce: {  	s24 =	sadd.s32 $0x300, s21;
	[sflag:s17] =	ssyncadd.s32 $0xFFFFF800  }
0xcf: {  	[tilespmem:s10], [sflag:$0x3] =	stream.indirect.gather [hbm4b:s4+s6], $0x10, s24, s6, $0xb8;
	[tilespmem:$0x1C800] =	vst v63  }
0xd0: {  	_ =	swait.ge [sflag:s11], $0x800  }
0xd1: {  	[sflag:s11] =	ssyncset.done $0x0  }
0xd2: {  	s24 =	sadd.s32 $0x6680, s21;
	[sflag:s11] =	ssyncadd.s32 $0xFFFFF800  }
0xd3: {  	[spmem:s2] =	stream.indirect.scatter.add.f32 [tilespmem:s8], [sflag:$0x6], $0x10, s24, s6, $0xb8;
	[tilespmem:$0x1C800] =	vst v63  }
0xd4: {  	_ =	swait.ge [sflag:s18], $0x800  }
0xd5: {  	[sflag:s18] =	ssyncset.done $0x0  }
0xd6: {  	p1 =	seq.s32 s20, $0x18000;
	s24 =	sadd.s32 $0x380, s21;
	[sflag:s18] =	ssyncadd.s32 $0xFFFFF800  }
0xd7: {  	[tilespmem:s12], [sflag:$0x4] =	stream.indirect.gather [hbm4b:s4+s6], $0x10, s24, s6, $0xb8;
	[tilespmem:$0x1C800] =	vst v63  }
.Ltmp3:
0xd8: {  	_ = 	snop;
	(pc) =	sbr.rel @p1 .LBB2_6-.Ltmp3, $4  }
0xd9: {  	_ =	swait.ge [sflag:s13], $0x800  }
0xda: {  	[sflag:s13] =	ssyncset.done $0x0  }
0xdb: {  	s23 =	sadd.s32 $0x6780, s21;
	s24 =	sadd.s32 $0x6700, s21;
	[sflag:s13] =	ssyncadd.s32 $0xFFFFF800  }
0xdc: {  	[spmem:s2] =	stream.indirect.scatter.add.f32 [tilespmem:s10], [sflag:$0x7], $0x10, s24, s6, $0xb8;
	[tilespmem:$0x1C800] =	vst v63  }
0xdd: {  	_ =	swait.ge [sflag:s14], $0x800  }
0xde: {  	[sflag:s14] =	ssyncset.done $0x0  }
0xdf: {  	s24 =	sadd.s32 $0x400, s21;
	[sflag:s14] =	ssyncadd.s32 $0xFFFFF800  }
0xe0: {  	[tilespmem:s7], [sflag:$0x1] =	stream.indirect.gather [hbm4b:s4+s6], $0x10, s24, s6, $0xb8;
	[tilespmem:$0x1C800] =	vst v63  }
0xe1: {  	_ =	swait.ge [sflag:s15], $0x800  }
0xe2: {  	[sflag:s15] =	ssyncset.done $0x0  }
0xe3: {  	[sflag:s15] =	ssyncadd.s32 $0xFFFFF800  }
0xe4: {  	[spmem:s2] =	stream.indirect.scatter.add.f32 [tilespmem:s12], [sflag:$0x8], $0x10, s23, s6, $0xb8;
	[tilespmem:$0x1C800] =	vst v63  }
.Ltmp4:
0xe5: {  	_ = 	snop;
	(pc) =	sbr.rel .LBB2_4-.Ltmp4, $4  }
0xe6: {  	_ =	swait.ge [sflag:s16], $0x800  }
0xe7: {  	[sflag:s16] =	ssyncset.done $0x0  }
0xe8: {  	s20 =	sadd.s32 $0x800, s20;
	s24 =	sadd.s32 $0x480, s21;
	[sflag:s16] =	ssyncadd.s32 $0xFFFFF800  }
0xe9: {  	[tilespmem:s8], [sflag:$0x2] =	stream.indirect.gather [hbm4b:s4+s6], $0x10, s24, s6, $0xb8;
	[tilespmem:$0x1C800] =	vst v63  }
.LBB2_7:
0xea: {  	_ =	sfence.sel $0x180000  }
0xeb: {  	[bflag:$0x0] =	sbarrier.arrive $0xFFFF  }
0xec: {  	_ =	strace $0x9000004A  }
0xed: {  	s0 =	stileid.u32;
	[bflag:$0x2] =	sbarrier.arrive $0xFFFF  }
0xee: {  	p0 =	sne.s32 s0, $0x0;
	s0 =	rddreg [dreg:$0x2]  }
0xef: {  	s0 =	sadd.s32 @!p0 $0x100000, s0  }
0xf0: {  	[sflag:s0] =	ssyncadd.tile.s32 @!p0 $0x1;
	_ =	shalt  }
.Lfunc_end2:
_tile_overlayer_lowered:
.L_overlay_start_2:
0xf1: {  	(tag) =	ssettag $0x2  }
0xf2: {  	s0 =	rddreg [dreg:$0x0];
	s2 =	stileid.u32  }
0xf3: {  	s1 =	rddreg [dreg:$0x1];
	p0 =	sne.s32 s2, $0x0  }
0xf4: {  	s3 =	rddreg [dreg:$0x2];
	[bflag:$0x3] =	sbarrier.arrive $0xFFFF;
	s2 =	simm.s32 @!p0 $0x1C09  }
0xf5: {  	[timem:s3], [sflag:s2] =	dma.local @!p0 [hbm:s0], s1  }
0xf6: {  	s0 =	simm.s32 @!p0 $0x9  }
0xf7: {  	_ =	swait.ge @!p0 [sflag:s0], s1  }
0xf8: {  	s1 =	ssub.s32 @!p0 $0x0, s1;
	[sflag:s0] =	ssyncset.done @!p0 $0x0  }
0xf9: {  	[sflag:s0] =	ssyncadd.s32 @!p0 s1  }
0xfa: {  	[bflag:$0x3] =	sbarrier.arrive $0xFFFF  }
0xfb: {  	_ =	shalt  }

// kernel: kernel.18.cloned.1.call-start
scs
__scs_entry_jumppad:
0x0: {  	(pc) =	sbr.rel $0x88, $3  }
0x1: {  	(tag) =	ssettag $0x0;
	lr =	simm.s32 $0x1  }
0x2: {  	[smem:$0x3F92] =	sst lr;
	_ =	strace $0xD0000000  }
0x3: {  	_ = 	snop  }
0x4: {  	_ = 	snop  }
0x5: {  	_ = 	snop  }
0x6: {  	_ = 	snop  }
0x7: {  	_ = 	snop  }
__scs_overlays_trampoline_lowered:
0x8: {  	[smem:$0x3FA1] =	sst s0  }
0x9: {  	[smem:$0x3FA2] =	sst s1  }
0xa: {  	[smem:$0x3FA3] =	sst s2  }
0xb: {  	[smem:$0x3FA4] =	sst s3  }
0xc: {  	[smem:$0x3FA5] =	sst s4  }
0xd: {  	[smem:$0x3FA6] =	sst s5  }
0xe: {  	[smem:$0x3FA7] =	sst s6  }
0xf: {  	[smem:$0x3FA8] =	sst s7  }
0x10: {  	[smem:$0x3FA9] =	sst s8  }
0x11: {  	[smem:$0x3FAA] =	sst s9;
	s0 =	simm.s32 @!p0 $0x0  }
0x12: {  	s1 =	sld [smem:$0x3F90];
	s0 =	simm.s32 @p0 $0x1  }
0x13: {  	[smem:$0x3FAB] =	sst s0;
	s0 =	simm.s32 @!p1 $0x0  }
0x14: {  	s2 =	sld [smem:$0x3F8F];
	s0 =	simm.s32 @p1 $0x1  }
0x15: {  	[smem:$0x3FAC] =	sst s0;
	s0 =	simm.s32 @!p2 $0x0  }
0x16: {  	s3 =	sld [smem:$0x3FDB];
	s0 =	simm.s32 @p2 $0x1  }
0x17: {  	s4 =	simm.s32 $0x1BF5;
	[smem:$0x3FAE] =	sst s0  }
0x18: {  	s0 =	sld [smem:$0x3F91];
	_ =	swait.ge [sflag:s4], $0x0  }
0x19: {  	s7 =	sld [smem:$0x3F92]  }
0x1a: {  	s8 =	sadd.s32 $0xFFFFE003, lr  }
0x1b: {  	s9 =	sadd.s32 $0xFFFFFEF7, lr;
	s5 =	simm.s32 $0xFFFFFFFF;
	p2 =	slt.u32 s8, $0xFFFFF086  }
0x1c: {  	p1 =	slt.u32 s9, $0xF7A;
	s5 =	simm.s32 @!p2 $0x0  }
0x1d: {  	s5 =	simm.s32 @p1 $0x1;
	p0 =	seq.s32 s7, s2  }
0x1e: {  	s7 =	smul.u32 @!p0 $0xF7A, s2;
	p2 =	seq.s32 @!p0 s5, $0x0  }
0x1f: {  	s9 =	smul.u32 $0xF7A, s1;
	s8 =	simm.s32 @!p0 $0x1BF5;
	p2 =	por !p2, p0  }
0x20: {  	[sflag:s8] =	ssyncset.s32 @!p0 $0xFFFFF086;
	s6 =	sadd.s32 @!p0 s3, s7;
	s7 =	simm.s32 @!p0 $0x108  }
0x21: {  	s3 =	sadd.s32 s3, s9;
	s6 =	sadd.s32 @!p0 $0x88, s6;
	s7 =	simm.s32 @p2 $0x1082  }
0x22: {  	[simem:s7], [sflag:s8] =	dma.local @!p0 [hbm:s6], $0xF7A  }
0x23: {  	s9 =	sor.u32 $0xD0000000, s2;
	s6 =	simm.s32 $0x108;
	_ =	swait.ge @!p0 [sflag:s8], $0x0  }
0x24: {  	s3 =	sadd.s32 $0x88, s3;
	s6 =	simm.s32 @!p1 $0x1082;
	[sflag:s4] =	ssyncset.s32 $0xFFFFF086  }
0x25: {  	[simem:s6], [sflag:s4] =	dma.local [hbm:s3], $0xF7A  }
0x26: {  	[smem:$0x3F92] =	sst s1;
	(tag) =	ssettag s2;
	_ =	strace s9  }
0x27: {  	s1 =	sld [smem:$0x3FA2]  }
0x28: {  	s2 =	sld [smem:$0x3FA3]  }
0x29: {  	s4 =	sld [smem:$0x3FA5]  }
0x2a: {  	p0 =	seq.s32 s5, $0x0;
	s5 =	sld [smem:$0x3FA6]  }
0x2b: {  	s6 =	sld [smem:$0x3FA7]  }
0x2c: {  	s7 =	sld [smem:$0x3FA8]  }
0x2d: {  	s3 =	simm.s32 $0x108;
	s8 =	sld [smem:$0x3FA9]  }
0x2e: {  	s3 =	simm.s32 @!p0 $0x1082;
	s9 =	sld [smem:$0x3FAA]  }
0x2f: {  	lr =	sadd.s32 s0, s3;
	s0 =	sld [smem:$0x3FA1]  }
0x30: {  	s3 =	sld [smem:$0x3FA4]  }
0x31: {  	[smem:$0x3FAD] =	sst s10  }
0x32: {  	s10 =	sld [smem:$0x3FAB];
	_ =	sdelay $0x3  }
0x33: {  	p0 =	seq.s32 s10, $0x1;
	s10 =	sld [smem:$0x3FAD];
	_ =	sdelay $0x3  }
0x34: {  	[smem:$0x3FAD] =	sst s10  }
0x35: {  	s10 =	sld [smem:$0x3FAC];
	_ =	sdelay $0x3  }
0x36: {  	p1 =	seq.s32 s10, $0x1;
	s10 =	sld [smem:$0x3FAD];
	_ =	sdelay $0x3  }
0x37: {  	[smem:$0x3FAD] =	sst s10  }
0x38: {  	s10 =	sld [smem:$0x3FAE]  }
0x39: {  	_ = 	snop;
	(pc) =	sbr.ind lr, $3  }
0x3a: {  	_ = 	snop  }
0x3b: {  	_ = 	snop  }
0x3c: {  	p2 =	seq.s32 s10, $0x1;
	s10 =	sld [smem:$0x3FAD]  }
0x3d: {  	_ =	shalt  }
0x3e: {  	_ =	shalt  }
0x3f: {  	_ =	shalt  }
0x40: {  	_ =	shalt  }
0x41: {  	_ =	shalt  }
0x42: {  	_ =	shalt  }
0x43: {  	_ =	shalt  }
0x44: {  	_ =	shalt  }
0x45: {  	_ =	shalt  }
0x46: {  	_ =	shalt  }
0x47: {  	_ =	shalt  }
0x48: {  	_ =	shalt  }
0x49: {  	_ =	shalt  }
0x4a: {  	_ =	shalt  }
0x4b: {  	_ =	shalt  }
0x4c: {  	_ =	shalt  }
0x4d: {  	_ =	shalt  }
0x4e: {  	_ =	shalt  }
0x4f: {  	_ =	shalt  }
0x50: {  	_ =	shalt  }
0x51: {  	_ =	shalt  }
0x52: {  	_ =	shalt  }
0x53: {  	_ =	shalt  }
0x54: {  	_ =	shalt  }
0x55: {  	_ =	shalt  }
0x56: {  	_ =	shalt  }
0x57: {  	_ =	shalt  }
0x58: {  	_ =	shalt  }
0x59: {  	_ =	shalt  }
0x5a: {  	_ =	shalt  }
0x5b: {  	_ =	shalt  }
0x5c: {  	_ =	shalt  }
0x5d: {  	_ =	shalt  }
0x5e: {  	_ =	shalt  }
0x5f: {  	_ =	shalt  }
0x60: {  	_ =	shalt  }
0x61: {  	_ =	shalt  }
0x62: {  	_ =	shalt  }
0x63: {  	_ =	shalt  }
0x64: {  	_ =	shalt  }
0x65: {  	_ =	shalt  }
0x66: {  	_ =	shalt  }
0x67: {  	_ =	shalt  }
0x68: {  	_ =	shalt  }
0x69: {  	_ =	shalt  }
0x6a: {  	_ =	shalt  }
0x6b: {  	_ =	shalt  }
0x6c: {  	_ =	shalt  }
0x6d: {  	_ =	shalt  }
0x6e: {  	_ =	shalt  }
0x6f: {  	_ =	shalt  }
0x70: {  	_ =	shalt  }
0x71: {  	_ =	shalt  }
0x72: {  	_ =	shalt  }
0x73: {  	_ =	shalt  }
0x74: {  	_ =	shalt  }
0x75: {  	_ =	shalt  }
0x76: {  	_ =	shalt  }
0x77: {  	_ =	shalt  }
0x78: {  	_ =	shalt  }
0x79: {  	_ =	shalt  }
0x7a: {  	_ =	shalt  }
0x7b: {  	_ =	shalt  }
0x7c: {  	_ =	shalt  }
0x7d: {  	_ =	shalt  }
0x7e: {  	_ =	shalt  }
0x7f: {  	_ =	shalt  }
0x80: {  	_ =	shalt  }
0x81: {  	_ =	shalt  }
0x82: {  	_ =	shalt  }
0x83: {  	_ =	shalt  }
0x84: {  	_ =	shalt  }
0x85: {  	_ =	shalt  }
0x86: {  	_ =	shalt  }
0x87: {  	_ =	shalt  }
.Lfunc_end0:
.L_simem_size_0:
called_computation.3_lowered:
.L_overlay_start_0:
0x88: {  	s2 =	sld [smem:$0x3FD9]  }
0x89: {  	s3 =	sld [smem:$0x3FFE];
	_ =	sdelay $0x1  }
0x8a: {  	s1 =	srdreg.scid  }
0x8b: {  	s0 =	sand.u32 $0x1, s1  }
0x8c: {  	s17 =	sshll.u32 s0, $0xA;
	s2 =	sadd.s32 s3, s2  }
0x8d: {  	s2 =	sadd.s32 s2, s17  }
0x8e: {  	[smem:$0x3FB9] =	sst s2  }
0x8f: {  	_ = 	snop  }
0x90: {  	s2 =	sld [smem:$0x3FD0];
	(tm) =	ssettm $0x1  }
0x91: {  	s18 =	sld [smem:$0x3FFB];
	_ =	sdelay $0x3  }
0x92: {  	_ =	strace s18  }
0x93: {  	s3 =	sld [smem:$0x3FFC];
	_ =	sdelay $0x3  }
0x94: {  	_ =	strace s3  }
0x95: {  	s3 =	sld [smem:$0x3FFD];
	_ =	sdelay $0x3  }
0x96: {  	_ =	strace s3  }
0x97: {  	_ =	strace $0x8FFFFFFF  }
0x98: {  	s19 =	sld [smem:$0x3FDB];
	_ =	sdelay $0x1  }
0x99: {  	s4 =	simm.s32 $_scs_section_size  }
0x9a: {  	s5 =	simm.s32 $_size__tile_overlayer_lowered;
	s6 =	simm.s32 $_tile_overlayer_lowered  }
0x9b: {  	s22 =	simm.s32 $0x1BFF;
	s21 =	sshll.u32 s6, $0x1;
	s3 =	sadd.s32 s4, s19  }
0x9c: {  	s7 =	simm.s32 $0x0;
	s20 =	sshll.u32 s5, $0x1;
	s5 =	sadd.s32 s21, s3  }
0x9d: {  	[timem:s7], [sflag:s22] =	dma.local [hbm:s5], s20  }
0x9e: {  	_ =	swait.ge [sflag:s22], s20  }
0x9f: {  	s4 =	ssub.s32 $0x0, s20;
	[sflag:s22] =	ssyncset.done $0x0  }
0xa0: {  	[sflag:s22] =	ssyncadd.s32 s4;
	_ =	sdelay $0x1  }
0xa1: {  	s23 =	simm.s32 $0x1B8B  }
0xa2: {  	_ =	swait.ge [sflag:s23], $0x1  }
0xa3: {  	[sflag:s23] =	ssyncset.done $0x0  }
0xa4: {  	s25 =	simm.s32 $0x1B8E;
	s24 =	sld [smem:$0x3FFE];
	[sflag:s23] =	ssyncadd.s32 $0xFFFFFFFF  }
0xa5: {  	s26 =	simm.s32 $execute0_lowered;
	[smem:$0x3FD2] =	sst s25  }
0xa6: {  	s5 =	sshll.u32 s26, $0x1;
	_ =	strace $0x8000004F;
	[dreg:$0x1] =	wrdreg $0xFFFFFFFF  }
0xa7: {  	s28 =	simm.s32 $_size_execute0_lowered;
	s3 =	sadd.s32 s3, s5;
	[dreg:$0x0] =	wrdreg $0x0  }
0xa8: {  	s5 =	sshll.u32 s28, $0x1;
	[dreg:$0x2] =	wrdreg s3  }
0xa9: {  	[dreg:$0x3] =	wrdreg s5  }
0xaa: {  	[dreg:$0x4] =	wrdreg $0xC0  }
0xab: {  	_ =	task [dreg:s7], $0x5FFFF  }
0xac: {  	[dreg:$0x1] =	wrdreg $0xFFFFFFFF  }
0xad: {  	[dreg:$0x0] =	wrdreg $0x60  }
0xae: {  	[dreg:$0x2] =	wrdreg s24  }
0xaf: {  	[dreg:$0x3] =	wrdreg s2  }
0xb0: {  	[dreg:$0x4] =	wrdreg $0xDA100  }
0xb1: {  	[dreg:$0x5] =	wrdreg $0x9  }
0xb2: {  	_ =	task.clear_ibuf [dreg:s7], $0x6FFFF;
	_ =	strace $0x9000004F  }
0xb3: {  	s29 =	simm.s32 $0x9;
	_ =	strace $0x80000051  }
0xb4: {  	_ =	swait.ge [sflag:s29], $0x1  }
0xb5: {  	[sflag:s29] =	ssyncadd.s32 $0xFFFFFFFF  }
0xb6: {  	_ =	strace $0x90000051  }
0xb7: {  	_ =	sfence  }
0xb8: {  	s30 =	sld [smem:$0x0];
	_ =	sdelay $0x2  }
0xb9: {  	s31 =	sshll.u32 s1, $0xD;
	s1 =	sshrl.u32 s1, $0x2  }
0xba: {  	s3 =	sand.u32 $0x4000, s31;
	s1 =	sadd.s32 s1, s30  }
0xbb: {  	s0 =	sor.u32 s3, s0;
	s1 =	sshll.u32 s1, $0x11  }
0xbc: {  	s0 =	sor.u32 s1, s0  }
0xbd: {  	s0 =	sadd.s32 $0x8F2B, s0  }
0xbe: {  	[sflag:s0] =	ssyncadd.remote.s32 $0x1  }
0xbf: {  	_ =	sfence.sel $0xFFFF  }
0xc0: {  	[dreg:$0x0] =	wrdreg $0xFFFFFFFF;
	(pc) =	sbr.abs _section_cstart, $3  }
0xc1: {  	[dreg:$0x1] =	wrdreg $0xFFFFFFFF  }
0xc2: {  	_ =	task.clear_ibuf [dreg:s7], $0x2FFFF;
	_ =	strace $0x9FFFFFFF  }
0xc3: {  	(tm) =	ssettm $0x7FFFFFFF  }
tec
execute0_lowered:
.L_overlay_start_1:
0x0: {  	(tag) =	ssettag $0x1  }
0x1: {  	s5 =	rddreg [dreg:$0x0]  }
0x2: {  	s1 =	srdreg.scid;
	s6 =	rddreg [dreg:$0x1]  }
0x3: {  	s0 =	stileid.u32;
	s2 =	rddreg [dreg:$0x2]  }
0x4: {  	s3 =	simm.s32 $0x0;
	s7 =	sand.u32 $0x1, s1;
	s1 =	rddreg [dreg:$0x3]  }
0x5: {  	s15 =	simm.s32 $0xDA00;
	s25 =	sshll.u32 s0, $0x1;
	[smem:$0x7FF] =	sst s3  }
0x6: {  	s11 =	smul.u32 $0xA00, s0;
	s12 =	sadd.s32 $0x50400, s5;
	p0 =	seq.s32 s0, $0xF  }
0x7: {  	s8 =	sor.u32 s7, s25;
	_ =	strace $0x80000050;
	s10 =	ssub.s32 $0x2, s7  }
0x8: {  	s13 =	smul.u32 $0x9C40, s7;
	s26 =	sshrl.u32 s10, $0x1;
	s28 =	sshll.u32 s8, $0x1  }
0x9: {  	s4 =	smul.u32 $0xC80, s8;
	s14 =	ssub.s32 s10, s26;
	s6 =	sadd.s32 s6, s28  }
0xa: {  	s29 =	sadd.s32 s11, s13;
	s31 =	sshrl.u32 s13, $0x3;
	s10 =	sadd.s32 $0x9600, s2  }
0xb: {  	s13 =	simm.s32 $0xD000;
	s9 =	sadd.s32 s4, s5;
	s4 =	sadd.s32 $0x37C00, s5  }
0xc: {  	s5 =	sadd.s32 s11, s2;
	s30 =	sshrl.u32 s29, $0x3;
	s11 =	sadd.s32 s12, s31  }
0xd: {  	s7 =	sadd.s32 $0x81200, s9;
	s8 =	sadd.s32 $0x9A200, s9;
	s9 =	sadd.s32 s12, s30  }
0xe: {  	v0 =	vimm.f32 $0.0e+00;
	s11 =	sadd.s32 $0x12C0, s11;
	s12 =	smax.u32 s14, $0x1;
	s14 =	simm.s32 $0x2  }
.LBB2_1:
0xf: {  	s16 =	simm.s32 $0x40;
	s17 =	simm.s32 $0x0  }
.LBB2_2:
0x10: {  	p1 =	sne.s32 s16, $0x27C0;
	[tilespmem:s17+$0xD000] =	vst v0;
	s17 =	smov.u32 s16;
	s16 =	sadd.s32 $0x40, s16  }
.Ltmp0:
0x11: {  	(pc) =	sbr.rel @p1 .LBB2_2-.Ltmp0, $2  }
0x12: {  	_ =	sdelay $0x2  }
0x13: {  	s17 =	sshra.s32 s17, $0x2  }
0x14: {  	[tilespmem:s17+$0xD000] =	vst v0  }
0x15: {  	[spmem:s5] =	stream.linear.scatter [tilespmem:s13], [sflag:$0x2], $0xA00, $0x38;
	[tilespmem:$0xE410] =	vst v63  }
0x16: {  	_ =	swait.ge [sflag:s14], $0xA00  }
0x17: {  	[sflag:s14] =	ssyncset.done $0x0  }
0x18: {  	s16 =	simm.s32 $0x0;
	[sflag:s14] =	ssyncadd.s32 $0xFFFFF600  }
0x19: {  	[tilespmem:s15], [sflag:$0x2] =	stream.linear.gather [hbm4b:s6+s16], $0x10, $0x38;
	[tilespmem:$0xE410] =	vst v63  }
0x1a: {  	_ =	swait.ge [sflag:s14], $0x10  }
0x1b: {  	[sflag:s14] =	ssyncset.done $0x0  }
0x1c: {  	[sflag:s14] =	ssyncadd.s32 $0xFFFFFFF0  }
0x1d: {  	v1 =	vld [tilespmem:$0xDA00];
	[tilespmem:s16], [sflag:$0x2] =	stream.linear.gather [hbm4b:s7+s16], $0x6400, $0x38  }
0x1e: {  	_ =	swait.ge [sflag:s14], $0x6400  }
0x1f: {  	[sflag:s14] =	ssyncset.done $0x0  }
0x20: {  	s17 =	simm.s32 $0x6400;
	[sflag:s14] =	ssyncadd.s32 $0xFFFF9C00  }
0x21: {  	[tilespmem:s17], [sflag:$0x2] =	stream.linear.gather [hbm4b:s8+s16], $0x6400, $0x38;
	[tilespmem:$0xE410] =	vst v63  }
0x22: {  	_ =	swait.ge [sflag:s14], $0x6400  }
0x23: {  	v2 =	vmov s16;
	[sflag:s14] =	ssyncset.done $0x0  }
0x24: {  	vm0 =	vlt.s32 v2, v1;
	[sflag:s14] =	ssyncadd.s32 $0xFFFF9C00  }
0x25: {  	v2 =	vsel vm0, $0x3F800000, v0;
	[bflag:$0x0] =	sbarrier.arrive $0xFFFF  }
0x26: {  	(xrf0) =	vmin.scan.msk.f32 $0xffff, v2;
	_ =	sdelay $0x4  }
0x27: {  	s18 =	simm.s32 $0x1  }
0x28: {  	v3 =	vmov s18;
	v2, _, _ =	vpop (xrf0)  }
0x29: {  	vm13 =	vlt.s32 v3, v1;
	(v2sf) =	vpush v2, $0xF  }
0x2a: {  	v2 =	vsel vm13, $0x3F800000, v0  }
0x2b: {  	(xrf0) =	vmin.scan.msk.f32 $0xffff, v2;
	_ =	sdelay $0x5  }
0x2c: {  	s29 =	simm.s32 $0x2;
	v2, _, _ =	vpop (xrf0)  }
0x2d: {  	v3 =	vmov s29;
	(v2sf) =	vpush v2, $0xF  }
0x2e: {  	vm14 =	vlt.s32 v3, v1  }
0x2f: {  	v2 =	vsel vm14, $0x3F800000, v0  }
0x30: {  	(xrf0) =	vmin.scan.msk.f32 $0xffff, v2;
	_ =	sdelay $0x1  }
0x31: {  	s19 =	simm.s32 $0x3  }
0x32: {  	v2 =	vmov s19;
	s30 =	spop (v2sf)  }
0x33: {  	vm15 =	vlt.s32 v2, v1;
	p1 =	sgt.f32 s30, $0.0e+00  }
0x34: {  	v3 =	vsel vm15, $0x3F800000, v0  }
0x35: {  	v2, _, _ =	vpop (xrf0);
	(xrf0) =	vmin.scan.msk.f32 $0xffff, v3;
	s18 =	simm.s32 @p1 $0x80;
	s19 =	simm.s32 @p1 $0xC800;
	s20 =	simm.s32 @p1 $0x1  }
0x36: {  	(v2sf) =	vpush v2, $0xF;
	[tilespmem:s19], [sflag:$0x1] =	stream.indirect.gather @p1 [hbm4b:s4+s18], $0x10, s16, s18, $0xb8;
	[tilespmem:$0xE410] =	vst v63  }
0x37: {  	p2 =	por p1, p1;
	_ =	swait.ge @p1 [sflag:s20], $0x800  }
0x38: {  	[sflag:s20] =	ssyncset.done @p2 $0x0  }
0x39: {  	[sflag:s20] =	ssyncadd.s32 @p2 $0xFFFFF800  }
0x3a: {  	[spmem:s2] =	stream.indirect.scatter.add.f32 @p2 [tilespmem:s19], [sflag:$0x2], $0x10, s17, s18, $0xb8;
	[tilespmem:$0xE410] =	vst v63  }
0x3b: {  	s20 =	simm.s32 @p2 $0x2;
	s31 =	spop (v2sf)  }
0x3c: {  	s19 =	simm.s32 $0x4;
	s18 =	simm.s32 $0x5;
	_ =	swait.ge @p2 [sflag:s20], $0x800  }
0x3d: {  	s17 =	simm.s32 $0x6480;
	p1 =	sgt.f32 s31, $0.0e+00;
	[sflag:s20] =	ssyncset.done @p2 $0x0  }
.LBB2_4:
0x3e: {  	[sflag:s20] =	ssyncadd.s32 @p2 $0xFFFFF800  }
0x3f: {  	v2 =	vmov s19;
	v3, _, _ =	vpop (xrf0);
	s16 =	sadd.s32 $0x80, s16;
	s19 =	smov.u32 s18;
	s18 =	sadd.s32 $0x1, s18  }
0x40: {  	vm0 =	vlt.s32 v2, v1;
	(v2sf) =	vpush v3, $0xF;
	s21 =	simm.s32 @p1 $0x80;
	s22 =	simm.s32 @p1 $0xC800;
	s20 =	simm.s32 @p1 $0x1  }
0x41: {  	v2 =	vsel vm0, $0x3F800000, v0;
	[tilespmem:s22], [sflag:$0x1] =	stream.indirect.gather @p1 [hbm4b:s4+s21], $0x10, s16, s21, $0xb8;
	[tilespmem:$0xE410] =	vst v63  }
0x42: {  	(xrf0) =	vmin.scan.msk.f32 $0xffff, v2  }
0x43: {  	p3 =	sne.s32 s18, $0xC8;
	p2 =	por p1, p1;
	_ =	swait.ge @p1 [sflag:s20], $0x800  }
0x44: {  	[sflag:s20] =	ssyncset.done @p2 $0x0  }
.Ltmp1:
0x45: {  	[sflag:s20] =	ssyncadd.s32 @p2 $0xFFFFF800;
	s20 =	simm.s32 @p2 $0x2;
	(pc) =	sbr.rel @p3 .LBB2_4-.Ltmp1, $4  }
0x46: {  	[spmem:s2] =	stream.indirect.scatter.add.f32 @p2 [tilespmem:s22], [sflag:$0x2], $0x10, s17, s21, $0xb8;
	[tilespmem:$0xE410] =	vst v63  }
0x47: {  	s21 =	spop (v2sf)  }
0x48: {  	_ =	swait.ge @p2 [sflag:s20], $0x800  }
0x49: {  	s17 =	sadd.s32 $0x80, s17;
	p1 =	sgt.f32 s21, $0.0e+00;
	[sflag:s20] =	ssyncset.done @p2 $0x0  }
0x4a: {  	v2 =	vmov s19;
	[sflag:s20] =	ssyncadd.s32 @p2 $0xFFFFF800  }
0x4b: {  	s16 =	sadd.s32 $0x80, s16;
	vm0 =	vlt.s32 v2, v1;
	s18 =	simm.s32 @p1 $0x80;
	s19 =	simm.s32 @p1 $0xC800;
	v1, _, _ =	vpop (xrf0)  }
0x4c: {  	v2 =	vsel vm0, $0x3F800000, v0;
	[tilespmem:s19], [sflag:$0x1] =	stream.indirect.gather @p1 [hbm4b:s4+s18], $0x10, s16, s18, $0xb8;
	(v2sf) =	vpush v1, $0xF;
	[tilespmem:$0xE410] =	vst v63  }
0x4d: {  	s20 =	simm.s32 @p1 $0x1;
	(xrf0) =	vmin.scan.msk.f32 $0xffff, v2  }
0x4e: {  	_ =	swait.ge @p1 [sflag:s20], $0x800;
	p1 =	por p1, p1  }
0x4f: {  	[sflag:s20] =	ssyncset.done @p1 $0x0  }
0x50: {  	s29 =	spop (v2sf);
	[sflag:s20] =	ssyncadd.s32 @p1 $0xFFFFF800  }
0x51: {  	[spmem:s2] =	stream.indirect.scatter.add.f32 @p1 [tilespmem:s19], [sflag:$0x2], $0x10, s17, s18, $0xb8;
	[tilespmem:$0xE410] =	vst v63  }
0x52: {  	p2 =	sgt.f32 s29, $0.0e+00;
	s18 =	simm.s32 @p1 $0x2  }
0x53: {  	_ =	swait.ge @p1 [sflag:s18], $0x800  }
0x54: {  	s16 =	sadd.s32 $0x80, s16;
	s19 =	simm.s32 @p2 $0xC800;
	[sflag:s18] =	ssyncset.done @p1 $0x0  }
0x55: {  	s20 =	simm.s32 @p2 $0x1;
	v1, _, _ =	vpop (xrf0);
	[sflag:s18] =	ssyncadd.s32 @p1 $0xFFFFF800;
	s18 =	simm.s32 @p2 $0x80  }
0x56: {  	(v2sf) =	vpush v1, $0xF;
	[tilespmem:s19], [sflag:$0x1] =	stream.indirect.gather @p2 [hbm4b:s4+s18], $0x10, s16, s18, $0xb8;
	[tilespmem:$0xE410] =	vst v63  }
0x57: {  	p1 =	por p2, p2;
	_ =	swait.ge @p2 [sflag:s20], $0x800  }
0x58: {  	[sflag:s20] =	ssyncset.done @p1 $0x0  }
0x59: {  	s17 =	sadd.s32 $0x80, s17;
	[sflag:s20] =	ssyncadd.s32 @p1 $0xFFFFF800  }
0x5a: {  	[spmem:s2] =	stream.indirect.scatter.add.f32 @p1 [tilespmem:s19], [sflag:$0x2], $0x10, s17, s18, $0xb8;
	[tilespmem:$0xE410] =	vst v63  }
0x5b: {  	s18 =	simm.s32 @p1 $0x2;
	s30 =	spop (v2sf)  }
0x5c: {  	_ =	swait.ge @p1 [sflag:s18], $0x800  }
0x5d: {  	p2 =	sgt.f32 s30, $0.0e+00;
	[sflag:s18] =	ssyncset.done @p1 $0x0  }
0x5e: {  	s16 =	sadd.s32 $0x80, s16;
	[sflag:s18] =	ssyncadd.s32 @p1 $0xFFFFF800  }
0x5f: {  	s18 =	simm.s32 @p2 $0x80;
	s19 =	simm.s32 @p2 $0xC800;
	s20 =	simm.s32 @p2 $0x1  }
0x60: {  	[tilespmem:s19], [sflag:$0x1] =	stream.indirect.gather @p2 [hbm4b:s4+s18], $0x10, s16, s18, $0xb8;
	[tilespmem:$0xE410] =	vst v63  }
0x61: {  	p1 =	por p2, p2;
	_ =	swait.ge @p2 [sflag:s20], $0x800  }
0x62: {  	[sflag:s20] =	ssyncset.done @p1 $0x0  }
0x63: {  	s17 =	sadd.s32 $0x80, s17;
	[sflag:s20] =	ssyncadd.s32 @p1 $0xFFFFF800  }
0x64: {  	[spmem:s2] =	stream.indirect.scatter.add.f32 @p1 [tilespmem:s19], [sflag:$0x2], $0x10, s17, s18, $0xb8;
	[tilespmem:$0xE410] =	vst v63  }
0x65: {  	s18 =	simm.s32 @p1 $0x2;
	s31 =	spop (v2sf)  }
0x66: {  	_ =	swait.ge @p1 [sflag:s18], $0x800  }
0x67: {  	p2 =	sgt.f32 s31, $0.0e+00;
	[sflag:s18] =	ssyncset.done @p1 $0x0  }
0x68: {  	s16 =	sadd.s32 $0x80, s16;
	[sflag:s18] =	ssyncadd.s32 @p1 $0xFFFFF800  }
0x69: {  	s18 =	simm.s32 @p2 $0x80;
	s19 =	simm.s32 @p2 $0xC800;
	s20 =	simm.s32 @p2 $0x1  }
0x6a: {  	[tilespmem:s19], [sflag:$0x1] =	stream.indirect.gather @p2 [hbm4b:s4+s18], $0x10, s16, s18, $0xb8;
	[tilespmem:$0xE410] =	vst v63  }
0x6b: {  	p1 =	por p2, p2;
	_ =	swait.ge @p2 [sflag:s20], $0x800  }
0x6c: {  	[sflag:s20] =	ssyncset.done @p1 $0x0  }
0x6d: {  	s16 =	sadd.s32 $0x80, s17;
	s17 =	simm.s32 @p1 $0x2;
	[sflag:s20] =	ssyncadd.s32 @p1 $0xFFFFF800  }
0x6e: {  	[spmem:s2] =	stream.indirect.scatter.add.f32 @p1 [tilespmem:s19], [sflag:$0x2], $0x10, s16, s18, $0xb8;
	[tilespmem:$0xE410] =	vst v63  }
0x6f: {  	_ =	swait.ge @p1 [sflag:s17], $0x800  }
0x70: {  	[sflag:s17] =	ssyncset.done @p1 $0x0  }
0x71: {  	[sflag:s17] =	ssyncadd.s32 @p1 $0xFFFFF800  }
0x72: {  	s16 =	simm.s32 @p0 $0xD000;
	s17 =	simm.s32 @p0 $0x2;
	[bflag:$0x0] =	sbarrier.arrive $0xFFFF  }
0x73: {  	[tilespmem:s16], [sflag:$0x2] =	stream.linear.gather @p0 [spmem:s10], $0x640, $0x38;
	[tilespmem:$0xE410] =	vst v63  }
0x74: {  	_ =	swait.ge @p0 [sflag:s17], $0x640  }
0x75: {  	[sflag:s17] =	ssyncset.done @p0 $0x0  }
0x76: {  	s18 =	simm.s32 @p0 $0x0;
	[sflag:s17] =	ssyncadd.s32 @p0 $0xFFFFF9C0  }
0x77: {  	[hbm4b:s11+s18] =	stream.linear.scatter @p0 [tilespmem:s16], [sflag:$0x2], $0x640, $0x38;
	[tilespmem:$0xE410] =	vst v63  }
0x78: {  	_ =	swait.ge @p0 [sflag:s17], $0x640  }
0x79: {  	[sflag:s17] =	ssyncset.done @p0 $0x0  }
0x7a: {  	s16 =	simm.s32 @!p0 $0xD000;
	[sflag:s17] =	ssyncadd.s32 @p0 $0xFFFFF9C0;
	s17 =	simm.s32 @!p0 $0x2  }
0x7b: {  	[tilespmem:s16], [sflag:$0x2] =	stream.linear.gather @!p0 [spmem:s5], $0xA00, $0x38;
	[tilespmem:$0xE410] =	vst v63  }
0x7c: {  	s3 =	sadd.s32 $0x1, s3;
	_ =	swait.ge @!p0 [sflag:s17], $0xA00  }
0x7d: {  	p1 =	sne.s32 s3, s12;
	[sflag:s17] =	ssyncset.done @!p0 $0x0  }
.Ltmp2:
0x7e: {  	s18 =	simm.s32 @!p0 $0x0;
	[sflag:s17] =	ssyncadd.s32 @!p0 $0xFFFFF600;
	(pc) =	sbr.rel @p1 .LBB2_1-.Ltmp2, $4  }
0x7f: {  	[hbm4b:s9+s18] =	stream.linear.scatter @!p0 [tilespmem:s16], [sflag:$0x2], $0xA00, $0x38;
	[tilespmem:$0xE410] =	vst v63  }
0x80: {  	_ =	swait.ge @!p0 [sflag:s17], $0xA00  }
0x81: {  	[sflag:s17] =	ssyncset.done @!p0 $0x0  }
0x82: {  	[sflag:s17] =	ssyncadd.s32 @!p0 $0xFFFFF600  }
0x83: {  	_ =	sfence.sel $0x180000  }
0x84: {  	[bflag:$0x0] =	sbarrier.arrive $0xFFFF  }
0x85: {  	p0 =	sne.s32 s0, $0x0;
	_ =	strace $0x90000050  }
0x86: {  	s0 =	sadd.s32 @!p0 $0x100000, s1;
	[bflag:$0x2] =	sbarrier.arrive $0xFFFF  }
0x87: {  	[sflag:s0] =	ssyncadd.tile.s32 @!p0 $0x1;
	_ =	shalt  }
.Lfunc_end2:
_tile_overlayer_lowered:
.L_overlay_start_2:
0x88: {  	(tag) =	ssettag $0x2  }
0x89: {  	s0 =	rddreg [dreg:$0x0];
	s2 =	stileid.u32  }
0x8a: {  	s1 =	rddreg [dreg:$0x1];
	p0 =	sne.s32 s2, $0x0  }
0x8b: {  	s3 =	rddreg [dreg:$0x2];
	[bflag:$0x3] =	sbarrier.arrive $0xFFFF;
	s2 =	simm.s32 @!p0 $0x1C02  }
0x8c: {  	[timem:s3], [sflag:s2] =	dma.local @!p0 [hbm:s0], s1  }
0x8d: {  	s0 =	simm.s32 @!p0 $0x2  }
0x8e: {  	_ =	swait.ge @!p0 [sflag:s0], s1  }
0x8f: {  	s1 =	ssub.s32 @!p0 $0x0, s1;
	[sflag:s0] =	ssyncset.done @!p0 $0x0  }
0x90: {  	[sflag:s0] =	ssyncadd.s32 @!p0 s1  }
0x91: {  	[bflag:$0x3] =	sbarrier.arrive $0xFFFF  }
0x92: {  	_ =	shalt  }

// kernel: kernel.9.cloned.1.call-start
scs
__scs_entry_jumppad:
0x0: {  	(pc) =	sbr.rel $0x88, $3  }
0x1: {  	(tag) =	ssettag $0x0;
	lr =	simm.s32 $0x1  }
0x2: {  	[smem:$0x3F92] =	sst lr;
	_ =	strace $0xD0000000  }
0x3: {  	_ = 	snop  }
0x4: {  	_ = 	snop  }
0x5: {  	_ = 	snop  }
0x6: {  	_ = 	snop  }
0x7: {  	_ = 	snop  }
__scs_overlays_trampoline_lowered:
0x8: {  	[smem:$0x3FA1] =	sst s0  }
0x9: {  	[smem:$0x3FA2] =	sst s1  }
0xa: {  	[smem:$0x3FA3] =	sst s2  }
0xb: {  	[smem:$0x3FA4] =	sst s3  }
0xc: {  	[smem:$0x3FA5] =	sst s4  }
0xd: {  	[smem:$0x3FA6] =	sst s5  }
0xe: {  	[smem:$0x3FA7] =	sst s6  }
0xf: {  	[smem:$0x3FA8] =	sst s7  }
0x10: {  	[smem:$0x3FA9] =	sst s8  }
0x11: {  	[smem:$0x3FAA] =	sst s9;
	s0 =	simm.s32 @!p0 $0x0  }
0x12: {  	s1 =	sld [smem:$0x3F90];
	s0 =	simm.s32 @p0 $0x1  }
0x13: {  	[smem:$0x3FAB] =	sst s0;
	s0 =	simm.s32 @!p1 $0x0  }
0x14: {  	s2 =	sld [smem:$0x3F8F];
	s0 =	simm.s32 @p1 $0x1  }
0x15: {  	[smem:$0x3FAC] =	sst s0;
	s0 =	simm.s32 @!p2 $0x0  }
0x16: {  	s3 =	sld [smem:$0x3FDB];
	s0 =	simm.s32 @p2 $0x1  }
0x17: {  	s4 =	simm.s32 $0x1BF5;
	[smem:$0x3FAE] =	sst s0  }
0x18: {  	s0 =	sld [smem:$0x3F91];
	_ =	swait.ge [sflag:s4], $0x0  }
0x19: {  	s7 =	sld [smem:$0x3F92]  }
0x1a: {  	s8 =	sadd.s32 $0xFFFFE003, lr  }
0x1b: {  	s9 =	sadd.s32 $0xFFFFFEF7, lr;
	s5 =	simm.s32 $0xFFFFFFFF;
	p2 =	slt.u32 s8, $0xFFFFF086  }
0x1c: {  	p1 =	slt.u32 s9, $0xF7A;
	s5 =	simm.s32 @!p2 $0x0  }
0x1d: {  	s5 =	simm.s32 @p1 $0x1;
	p0 =	seq.s32 s7, s2  }
0x1e: {  	s7 =	smul.u32 @!p0 $0xF7A, s2;
	p2 =	seq.s32 @!p0 s5, $0x0  }
0x1f: {  	s9 =	smul.u32 $0xF7A, s1;
	s8 =	simm.s32 @!p0 $0x1BF5;
	p2 =	por !p2, p0  }
0x20: {  	[sflag:s8] =	ssyncset.s32 @!p0 $0xFFFFF086;
	s6 =	sadd.s32 @!p0 s3, s7;
	s7 =	simm.s32 @!p0 $0x108  }
0x21: {  	s3 =	sadd.s32 s3, s9;
	s6 =	sadd.s32 @!p0 $0x88, s6;
	s7 =	simm.s32 @p2 $0x1082  }
0x22: {  	[simem:s7], [sflag:s8] =	dma.local @!p0 [hbm:s6], $0xF7A  }
0x23: {  	s9 =	sor.u32 $0xD0000000, s2;
	s6 =	simm.s32 $0x108;
	_ =	swait.ge @!p0 [sflag:s8], $0x0  }
0x24: {  	s3 =	sadd.s32 $0x88, s3;
	s6 =	simm.s32 @!p1 $0x1082;
	[sflag:s4] =	ssyncset.s32 $0xFFFFF086  }
0x25: {  	[simem:s6], [sflag:s4] =	dma.local [hbm:s3], $0xF7A  }
0x26: {  	[smem:$0x3F92] =	sst s1;
	(tag) =	ssettag s2;
	_ =	strace s9  }
0x27: {  	s1 =	sld [smem:$0x3FA2]  }
0x28: {  	s2 =	sld [smem:$0x3FA3]  }
0x29: {  	s4 =	sld [smem:$0x3FA5]  }
0x2a: {  	p0 =	seq.s32 s5, $0x0;
	s5 =	sld [smem:$0x3FA6]  }
0x2b: {  	s6 =	sld [smem:$0x3FA7]  }
0x2c: {  	s7 =	sld [smem:$0x3FA8]  }
0x2d: {  	s3 =	simm.s32 $0x108;
	s8 =	sld [smem:$0x3FA9]  }
0x2e: {  	s3 =	simm.s32 @!p0 $0x1082;
	s9 =	sld [smem:$0x3FAA]  }
0x2f: {  	lr =	sadd.s32 s0, s3;
	s0 =	sld [smem:$0x3FA1]  }
0x30: {  	s3 =	sld [smem:$0x3FA4]  }
0x31: {  	[smem:$0x3FAD] =	sst s10  }
0x32: {  	s10 =	sld [smem:$0x3FAB];
	_ =	sdelay $0x3  }
0x33: {  	p0 =	seq.s32 s10, $0x1;
	s10 =	sld [smem:$0x3FAD];
	_ =	sdelay $0x3  }
0x34: {  	[smem:$0x3FAD] =	sst s10  }
0x35: {  	s10 =	sld [smem:$0x3FAC];
	_ =	sdelay $0x3  }
0x36: {  	p1 =	seq.s32 s10, $0x1;
	s10 =	sld [smem:$0x3FAD];
	_ =	sdelay $0x3  }
0x37: {  	[smem:$0x3FAD] =	sst s10  }
0x38: {  	s10 =	sld [smem:$0x3FAE]  }
0x39: {  	_ = 	snop;
	(pc) =	sbr.ind lr, $3  }
0x3a: {  	_ = 	snop  }
0x3b: {  	_ = 	snop  }
0x3c: {  	p2 =	seq.s32 s10, $0x1;
	s10 =	sld [smem:$0x3FAD]  }
0x3d: {  	_ =	shalt  }
0x3e: {  	_ =	shalt  }
0x3f: {  	_ =	shalt  }
0x40: {  	_ =	shalt  }
0x41: {  	_ =	shalt  }
0x42: {  	_ =	shalt  }
0x43: {  	_ =	shalt  }
0x44: {  	_ =	shalt  }
0x45: {  	_ =	shalt  }
0x46: {  	_ =	shalt  }
0x47: {  	_ =	shalt  }
0x48: {  	_ =	shalt  }
0x49: {  	_ =	shalt  }
0x4a: {  	_ =	shalt  }
0x4b: {  	_ =	shalt  }
0x4c: {  	_ =	shalt  }
0x4d: {  	_ =	shalt  }
0x4e: {  	_ =	shalt  }
0x4f: {  	_ =	shalt  }
0x50: {  	_ =	shalt  }
0x51: {  	_ =	shalt  }
0x52: {  	_ =	shalt  }
0x53: {  	_ =	shalt  }
0x54: {  	_ =	shalt  }
0x55: {  	_ =	shalt  }
0x56: {  	_ =	shalt  }
0x57: {  	_ =	shalt  }
0x58: {  	_ =	shalt  }
0x59: {  	_ =	shalt  }
0x5a: {  	_ =	shalt  }
0x5b: {  	_ =	shalt  }
0x5c: {  	_ =	shalt  }
0x5d: {  	_ =	shalt  }
0x5e: {  	_ =	shalt  }
0x5f: {  	_ =	shalt  }
0x60: {  	_ =	shalt  }
0x61: {  	_ =	shalt  }
0x62: {  	_ =	shalt  }
0x63: {  	_ =	shalt  }
0x64: {  	_ =	shalt  }
0x65: {  	_ =	shalt  }
0x66: {  	_ =	shalt  }
0x67: {  	_ =	shalt  }
0x68: {  	_ =	shalt  }
0x69: {  	_ =	shalt  }
0x6a: {  	_ =	shalt  }
0x6b: {  	_ =	shalt  }
0x6c: {  	_ =	shalt  }
0x6d: {  	_ =	shalt  }
0x6e: {  	_ =	shalt  }
0x6f: {  	_ =	shalt  }
0x70: {  	_ =	shalt  }
0x71: {  	_ =	shalt  }
0x72: {  	_ =	shalt  }
0x73: {  	_ =	shalt  }
0x74: {  	_ =	shalt  }
0x75: {  	_ =	shalt  }
0x76: {  	_ =	shalt  }
0x77: {  	_ =	shalt  }
0x78: {  	_ =	shalt  }
0x79: {  	_ =	shalt  }
0x7a: {  	_ =	shalt  }
0x7b: {  	_ =	shalt  }
0x7c: {  	_ =	shalt  }
0x7d: {  	_ =	shalt  }
0x7e: {  	_ =	shalt  }
0x7f: {  	_ =	shalt  }
0x80: {  	_ =	shalt  }
0x81: {  	_ =	shalt  }
0x82: {  	_ =	shalt  }
0x83: {  	_ =	shalt  }
0x84: {  	_ =	shalt  }
0x85: {  	_ =	shalt  }
0x86: {  	_ =	shalt  }
0x87: {  	_ =	shalt  }
.Lfunc_end0:
.L_simem_size_0:
called_computation_lowered:
.L_overlay_start_0:
0x88: {  	s2 =	sld [smem:$0x3FD9]  }
0x89: {  	s3 =	sld [smem:$0x3FFE];
	_ =	sdelay $0x1  }
0x8a: {  	s1 =	srdreg.scid  }
0x8b: {  	s0 =	sand.u32 $0x1, s1  }
0x8c: {  	s16 =	sshll.u32 s0, $0xA;
	s2 =	sadd.s32 s3, s2  }
0x8d: {  	s2 =	sadd.s32 s2, s16  }
0x8e: {  	[smem:$0x3FB9] =	sst s2  }
0x8f: {  	_ = 	snop  }
0x90: {  	(tm) =	ssettm $0x1  }
0x91: {  	s17 =	sld [smem:$0x3FFB];
	_ =	sdelay $0x3  }
0x92: {  	_ =	strace s17  }
0x93: {  	s2 =	sld [smem:$0x3FFC];
	_ =	sdelay $0x3  }
0x94: {  	_ =	strace s2  }
0x95: {  	s2 =	sld [smem:$0x3FFD];
	_ =	sdelay $0x3  }
0x96: {  	_ =	strace s2  }
0x97: {  	_ =	strace $0x8FFFFFFF  }
0x98: {  	s18 =	sld [smem:$0x3FDB];
	_ =	sdelay $0x1  }
0x99: {  	s19 =	simm.s32 $_scs_section_size  }
0x9a: {  	s4 =	simm.s32 $_size__tile_overlayer_lowered;
	s5 =	simm.s32 $_tile_overlayer_lowered  }
0x9b: {  	s22 =	simm.s32 $0x1BFF;
	s21 =	sshll.u32 s5, $0x1;
	s2 =	sadd.s32 s19, s18  }
0x9c: {  	s6 =	simm.s32 $0x0;
	s20 =	sshll.u32 s4, $0x1;
	s4 =	sadd.s32 s21, s2  }
0x9d: {  	[timem:s6], [sflag:s22] =	dma.local [hbm:s4], s20  }
0x9e: {  	_ =	swait.ge [sflag:s22], s20  }
0x9f: {  	s3 =	ssub.s32 $0x0, s20;
	[sflag:s22] =	ssyncset.done $0x0  }
0xa0: {  	[sflag:s22] =	ssyncadd.s32 s3;
	_ =	sdelay $0x1  }
0xa1: {  	s23 =	simm.s32 $0x1B8B  }
0xa2: {  	_ =	swait.ge [sflag:s23], $0x1  }
0xa3: {  	[sflag:s23] =	ssyncset.done $0x0  }
0xa4: {  	s25 =	simm.s32 $0x1B8E;
	s24 =	sld [smem:$0x3FFE];
	[sflag:s23] =	ssyncadd.s32 $0xFFFFFFFF  }
0xa5: {  	s26 =	simm.s32 $execute0_lowered;
	[smem:$0x3FD2] =	sst s25  }
0xa6: {  	s4 =	sshll.u32 s26, $0x1;
	_ =	strace $0x80000046;
	[dreg:$0x1] =	wrdreg $0xFFFFFFFF  }
0xa7: {  	s28 =	simm.s32 $_size_execute0_lowered;
	s2 =	sadd.s32 s2, s4;
	[dreg:$0x0] =	wrdreg $0x0  }
0xa8: {  	s4 =	sshll.u32 s28, $0x1;
	[dreg:$0x2] =	wrdreg s2  }
0xa9: {  	[dreg:$0x3] =	wrdreg s4  }
0xaa: {  	[dreg:$0x4] =	wrdreg $0xC0  }
0xab: {  	_ =	task [dreg:s6], $0x5FFFF  }
0xac: {  	[dreg:$0x1] =	wrdreg $0xFFFFFFFF  }
0xad: {  	[dreg:$0x0] =	wrdreg $0x60  }
0xae: {  	[dreg:$0x2] =	wrdreg s24  }
0xaf: {  	[dreg:$0x3] =	wrdreg $0x66800  }
0xb0: {  	[dreg:$0x4] =	wrdreg $0x9  }
0xb1: {  	_ =	task.clear_ibuf [dreg:s6], $0x5FFFF;
	_ =	strace $0x90000046  }
0xb2: {  	s29 =	simm.s32 $0x9;
	_ =	strace $0x80000048  }
0xb3: {  	_ =	swait.ge [sflag:s29], $0x1  }
0xb4: {  	[sflag:s29] =	ssyncadd.s32 $0xFFFFFFFF  }
0xb5: {  	_ =	strace $0x90000048  }
0xb6: {  	_ =	sfence  }
0xb7: {  	s30 =	sld [smem:$0x0];
	_ =	sdelay $0x2  }
0xb8: {  	s31 =	sshll.u32 s1, $0xD;
	s1 =	sshrl.u32 s1, $0x2  }
0xb9: {  	s3 =	sand.u32 $0x4000, s31;
	s1 =	sadd.s32 s1, s30  }
0xba: {  	s0 =	sor.u32 s3, s0;
	s1 =	sshll.u32 s1, $0x11  }
0xbb: {  	s0 =	sor.u32 s1, s0  }
0xbc: {  	s0 =	sadd.s32 $0x8F2B, s0  }
0xbd: {  	[sflag:s0] =	ssyncadd.remote.s32 $0x1  }
0xbe: {  	_ =	sfence.sel $0xFFFF  }
0xbf: {  	[dreg:$0x0] =	wrdreg $0xFFFFFFFF;
	(pc) =	sbr.abs _section_cstart, $3  }
0xc0: {  	[dreg:$0x1] =	wrdreg $0xFFFFFFFF  }
0xc1: {  	_ =	task.clear_ibuf [dreg:s6], $0x2FFFF;
	_ =	strace $0x9FFFFFFF  }
0xc2: {  	(tm) =	ssettm $0x7FFFFFFF  }
0xc3: {  	_ =	shalt  }
tec
execute0_lowered:
.L_overlay_start_1:
0x0: {  	(tag) =	ssettag $0x1  }
0x1: {  	s0 =	srdreg.scid;
	s1 =	rddreg [dreg:$0x0]  }
0x2: {  	s26 =	stileid.u32;
	s2 =	rddreg [dreg:$0x1]  }
0x3: {  	s30 =	simm.s32 $0x6480;
	s31 =	simm.s32 $0x2;
	s5 =	smul.u32 $0x3100, s26  }
0x4: {  	s0 =	sand.u32 $0x1, s0;
	s3 =	sshll.u32 s26, $0x1;
	s7 =	smul.u32 $0xC40, s26  }
0x5: {  	s4 =	sor.u32 s0, s3;
	s6 =	ssub.s32 $0x2, s0;
	s0 =	smul.u32 $0xC350, s0  }
0x6: {  	p0 =	seq.s32 s26, $0xF;
	s3 =	simm.s32 $0x0;
	s4 =	smul.u32 $0xC80, s4  }
0x7: {  	[smem:$0x7FF] =	sst s3;
	s9 =	sshrl.u32 s6, $0x1;
	s10 =	sshrl.u32 s5, $0x2  }
0x8: {  	s13 =	sadd.s32 s7, s2;
	s14 =	sadd.s32 $0x1C0, s7;
	s18 =	sadd.s32 $0x540, s7  }
0x9: {  	s20 =	sadd.s32 $0x700, s7;
	s22 =	sadd.s32 $0x8C0, s7;
	_ =	strace $0x80000047  }
0xa: {  	s6 =	ssub.s32 s6, s9;
	s12 =	sadd.s32 s7, s0;
	[dreg:$0x4] =	wrdreg s13  }
0xb: {  	s15 =	sadd.s32 s0, s14;
	s9 =	sadd.s32 $0x380, s7;
	s19 =	sadd.s32 s0, s18  }
0xc: {  	s21 =	sadd.s32 s0, s20;
	s23 =	sadd.s32 s0, s22;
	s7 =	sadd.s32 $0xA80, s7  }
0xd: {  	s8 =	sadd.s32 s4, s1;
	s1 =	sadd.s32 $0x34A00, s1;
	s4 =	sadd.s32 s10, s2  }
0xe: {  	s5 =	sshrl.u32 s12, $0x3;
	s16 =	sadd.s32 s0, s9;
	s10 =	sadd.s32 s9, s2  }
0xf: {  	s12 =	sadd.s32 s18, s2;
	s24 =	sshrl.u32 s23, $0x3;
	s25 =	sadd.s32 s0, s7  }
0x10: {  	s18 =	sadd.s32 s7, s2;
	s0 =	sshrl.u32 s0, $0x3;
	s11 =	sadd.s32 $0x1BA00, s8  }
0x11: {  	s5 =	sadd.s32 s1, s5;
	s8 =	sadd.s32 s14, s2;
	s17 =	sshrl.u32 s16, $0x3  }
0x12: {  	s14 =	sadd.s32 s20, s2;
	s16 =	sadd.s32 s22, s2;
	s20 =	sadd.s32 $0xC240, s2  }
0x13: {  	s0 =	sadd.s32 s1, s0;
	s22 =	smax.u32 s6, $0x1;
	s23 =	sadd.s32 $0x1C0, s4  }
0x14: {  	s26 =	sadd.s32 $0x700, s4;
	s28 =	sadd.s32 $0x8C0, s4;
	[dreg:$0x3] =	wrdreg s11  }
0x15: {  	s29 =	sadd.s32 $0xA80, s4;
	[dreg:$0x5] =	wrdreg s5;
	s5 =	sshrl.u32 s15, $0x3  }
0x16: {  	s6 =	simm.s32 $0x0;
	[dreg:$0x6] =	wrdreg s8;
	s5 =	sadd.s32 s1, s5  }
0x17: {  	s11 =	sadd.s32 s1, s17;
	[dreg:$0x7] =	wrdreg s5;
	s5 =	sshrl.u32 s19, $0x3  }
0x18: {  	s17 =	sadd.s32 s1, s24;
	s24 =	sadd.s32 $0x380, s4;
	s13 =	sadd.s32 s1, s5  }
0x19: {  	s5 =	sshrl.u32 s21, $0x3;
	s21 =	sadd.s32 $0x1848, s0;
	s0 =	simm.s32 $0x6400  }
0x1a: {  	s15 =	sadd.s32 s1, s5;
	s5 =	sshrl.u32 s25, $0x3;
	s25 =	sadd.s32 $0x540, s4  }
0x1b: {  	v0 =	vimm.f32 $1.000000000e+00;
	v1 =	vimm.f32 $0.0e+00;
	s19 =	sadd.s32 s1, s5;
	s1 =	simm.s32 $0x80;
	s5 =	simm.s32 $0x1  }
.LBB2_1:
0x1c: {  	[tilespmem:$0x6400] =	vst v0  }
0x1d: {  	[tilespmem:$0x6410] =	vst v0  }
0x1e: {  	[tilespmem:$0x6420] =	vst v0  }
0x1f: {  	[tilespmem:$0x6430] =	vst v0  }
0x20: {  	[tilespmem:$0x6440] =	vst v0  }
0x21: {  	[tilespmem:$0x6450] =	vst v0  }
0x22: {  	[tilespmem:$0x6460] =	vst v0  }
0x23: {  	[tilespmem:$0x6470] =	vst v0  }
0x24: {  	[tilespmem:$0x6480] =	vst v1  }
0x25: {  	[tilespmem:$0x6490] =	vst v1  }
0x26: {  	[tilespmem:$0x64A0] =	vst v1  }
0x27: {  	[tilespmem:$0x64B0] =	vst v1  }
0x28: {  	[tilespmem:$0x64C0] =	vst v1  }
0x29: {  	[tilespmem:$0x64D0] =	vst v1  }
0x2a: {  	[tilespmem:$0x64E0] =	vst v1  }
0x2b: {  	[tilespmem:$0x64F0] =	vst v1  }
0x2c: {  	[tilespmem:$0x6500] =	vst v1  }
0x2d: {  	[tilespmem:$0x6510] =	vst v1  }
0x2e: {  	[tilespmem:$0x6520] =	vst v1  }
0x2f: {  	[tilespmem:$0x6530] =	vst v1  }
0x30: {  	[tilespmem:$0x6540] =	vst v1  }
0x31: {  	[tilespmem:$0x6550] =	vst v1  }
0x32: {  	[tilespmem:$0x6560] =	vst v1  }
0x33: {  	[tilespmem:$0x6570] =	vst v1  }
0x34: {  	[tilespmem:$0x6580] =	vst v1  }
0x35: {  	[tilespmem:$0x6590] =	vst v1  }
0x36: {  	[tilespmem:$0x65A0] =	vst v1  }
0x37: {  	[tilespmem:$0x65B0] =	vst v1  }
0x38: {  	[tilespmem:$0x65C0] =	vst v1  }
0x39: {  	[tilespmem:$0x65D0] =	vst v1  }
0x3a: {  	[tilespmem:$0x65E0] =	vst v1  }
0x3b: {  	[tilespmem:$0x65F0] =	vst v1  }
0x3c: {  	[tilespmem:$0x6600] =	vst v1  }
0x3d: {  	[tilespmem:$0x6610] =	vst v1  }
0x3e: {  	[tilespmem:$0x6620] =	vst v1  }
0x3f: {  	[tilespmem:$0x6630] =	vst v1  }
0x40: {  	[spmem:s4] =	stream.linear.scatter [tilespmem:s30], [sflag:$0x2], $0x1C0, $0x38;
	[tilespmem:$0x72C0] =	vst v63  }
0x41: {  	_ =	swait.ge [sflag:s31], $0x1C0  }
0x42: {  	[sflag:s31] =	ssyncset.done $0x0  }
0x43: {  	[sflag:s31] =	ssyncadd.s32 $0xFFFFFE40  }
0x44: {  	[spmem:s23] =	stream.linear.scatter [tilespmem:s30], [sflag:$0x2], $0x1C0, $0x38;
	[tilespmem:$0x72C0] =	vst v63  }
0x45: {  	_ =	swait.ge [sflag:s31], $0x1C0  }
0x46: {  	[sflag:s31] =	ssyncset.done $0x0  }
0x47: {  	[sflag:s31] =	ssyncadd.s32 $0xFFFFFE40  }
0x48: {  	[spmem:s24] =	stream.linear.scatter [tilespmem:s30], [sflag:$0x2], $0x1C0, $0x38;
	[tilespmem:$0x72C0] =	vst v63  }
0x49: {  	_ =	swait.ge [sflag:s31], $0x1C0  }
0x4a: {  	[sflag:s31] =	ssyncset.done $0x0  }
0x4b: {  	[sflag:s31] =	ssyncadd.s32 $0xFFFFFE40  }
0x4c: {  	[spmem:s25] =	stream.linear.scatter [tilespmem:s30], [sflag:$0x2], $0x1C0, $0x38;
	[tilespmem:$0x72C0] =	vst v63  }
0x4d: {  	_ =	swait.ge [sflag:s31], $0x1C0  }
0x4e: {  	[sflag:s31] =	ssyncset.done $0x0  }
0x4f: {  	[sflag:s31] =	ssyncadd.s32 $0xFFFFFE40  }
0x50: {  	[spmem:s26] =	stream.linear.scatter [tilespmem:s30], [sflag:$0x2], $0x1C0, $0x38;
	[tilespmem:$0x72C0] =	vst v63  }
0x51: {  	_ =	swait.ge [sflag:s31], $0x1C0  }
0x52: {  	[sflag:s31] =	ssyncset.done $0x0  }
0x53: {  	[sflag:s31] =	ssyncadd.s32 $0xFFFFFE40  }
0x54: {  	[spmem:s28] =	stream.linear.scatter [tilespmem:s30], [sflag:$0x2], $0x1C0, $0x38;
	[tilespmem:$0x72C0] =	vst v63  }
0x55: {  	_ =	swait.ge [sflag:s31], $0x1C0  }
0x56: {  	[sflag:s31] =	ssyncset.done $0x0  }
0x57: {  	[sflag:s31] =	ssyncadd.s32 $0xFFFFFE40  }
0x58: {  	[spmem:s29] =	stream.linear.scatter [tilespmem:s30], [sflag:$0x2], $0x1C0, $0x38;
	[tilespmem:$0x72C0] =	vst v63  }
0x59: {  	_ =	swait.ge [sflag:s31], $0x1C0  }
0x5a: {  	[sflag:s31] =	ssyncset.done $0x0  }
0x5b: {  	[sflag:s31] =	ssyncadd.s32 $0xFFFFFE40  }
0x5c: {  	[bflag:$0x0] =	sbarrier.arrive $0xFFFF  }
0x5d: {  	s7 =	rddreg [dreg:$0x3]  }
0x5e: {  	[tilespmem:s3], [sflag:$0x2] =	stream.linear.gather [hbm4b:s7+s3], $0x6400, $0x38;
	[tilespmem:$0x72C0] =	vst v63  }
0x5f: {  	_ =	swait.ge [sflag:s31], $0x6400  }
0x60: {  	p1 =	por $0x1, $0x1;
	[sflag:s31] =	ssyncset.done $0x0  }
0x61: {  	s9 =	simm.s32 @!p1 $0x1;
	[sflag:s31] =	ssyncadd.s32 $0xFFFF9C00  }
0x62: {  	[spmem:s2] =	stream.indirect.scatter.add.f32 [tilespmem:s0], [sflag:$0x1], $0x1, s3, s1, $0xb8;
	[tilespmem:$0x72C0] =	vst v63  }
0x63: {  	_ =	swait.ge @!p1 [sflag:s9], $0x80  }
0x64: {  	s8 =	simm.s32 $0x0;
	s7 =	simm.s32 $0x1;
	[sflag:s9] =	ssyncset.done @!p1 $0x0  }
.LBB2_2:
0x65: {  	[sflag:s9] =	ssyncadd.s32 @!p1 $0xFFFFFF80  }
0x66: {  	s8 =	sadd.s32 $0x80, s8;
	s9 =	smov.u32 s7;
	s7 =	sadd.s32 $0x1, s7  }
0x67: {  	p2 =	sne.s32 s7, $0xC8  }
0x68: {  	[spmem:s2] =	stream.indirect.scatter.add.f32 [tilespmem:s0], [sflag:$0x1], $0x1, s8, s1, $0xb8;
	[tilespmem:$0x72C0] =	vst v63  }
.Ltmp0:
0x69: {  	_ = 	snop;
	(pc) =	sbr.rel @p2 .LBB2_2-.Ltmp0, $4  }
0x6a: {  	p1 =	slt.u32 s9, $0x8  }
0x6b: {  	s9 =	simm.s32 @!p1 $0x1  }
0x6c: {  	_ =	swait.ge @!p1 [sflag:s9], $0x80  }
0x6d: {  	[sflag:s9] =	ssyncset.done @!p1 $0x0  }
0x6e: {  	[sflag:s9] =	ssyncadd.s32 @!p1 $0xFFFFFF80  }
0x6f: {  	_ =	swait.ge [sflag:s5], $0x80  }
0x70: {  	[sflag:s5] =	ssyncset.done $0x0  }
0x71: {  	[sflag:s5] =	ssyncadd.s32 $0xFFFFFF80  }
0x72: {  	_ =	swait.ge [sflag:s5], $0x80  }
0x73: {  	[sflag:s5] =	ssyncset.done $0x0  }
0x74: {  	[sflag:s5] =	ssyncadd.s32 $0xFFFFFF80  }
0x75: {  	_ =	swait.ge [sflag:s5], $0x80  }
0x76: {  	[sflag:s5] =	ssyncset.done $0x0  }
0x77: {  	[sflag:s5] =	ssyncadd.s32 $0xFFFFFF80  }
0x78: {  	_ =	swait.ge [sflag:s5], $0x80  }
0x79: {  	[sflag:s5] =	ssyncset.done $0x0  }
0x7a: {  	[sflag:s5] =	ssyncadd.s32 $0xFFFFFF80  }
0x7b: {  	_ =	swait.ge [sflag:s5], $0x80  }
0x7c: {  	[sflag:s5] =	ssyncset.done $0x0  }
0x7d: {  	[sflag:s5] =	ssyncadd.s32 $0xFFFFFF80  }
0x7e: {  	_ =	swait.ge [sflag:s5], $0x80  }
0x7f: {  	[sflag:s5] =	ssyncset.done $0x0  }
0x80: {  	[sflag:s5] =	ssyncadd.s32 $0xFFFFFF80  }
0x81: {  	_ =	swait.ge [sflag:s5], $0x80  }
0x82: {  	[sflag:s5] =	ssyncset.done $0x0  }
0x83: {  	[sflag:s5] =	ssyncadd.s32 $0xFFFFFF80  }
0x84: {  	_ =	swait.ge [sflag:s5], $0x80  }
0x85: {  	[sflag:s5] =	ssyncset.done $0x0  }
0x86: {  	[sflag:s5] =	ssyncadd.s32 $0xFFFFFF80  }
0x87: {  	[bflag:$0x0] =	sbarrier.arrive $0xFFFF  }
0x88: {  	s7 =	rddreg [dreg:$0x4]  }
0x89: {  	[tilespmem:s30], [sflag:$0x2] =	stream.linear.gather [spmem:s7], $0x1C0, $0x38;
	[tilespmem:$0x72C0] =	vst v63  }
0x8a: {  	_ =	swait.ge [sflag:s31], $0x1C0  }
0x8b: {  	[sflag:s31] =	ssyncset.done $0x0  }
0x8c: {  	s9 =	rddreg [dreg:$0x5];
	[sflag:s31] =	ssyncadd.s32 $0xFFFFFE40  }
0x8d: {  	[hbm4b:s9+s3] =	stream.linear.scatter [tilespmem:s30], [sflag:$0x2], $0x1C0, $0x38;
	[tilespmem:$0x72C0] =	vst v63  }
0x8e: {  	_ =	swait.ge [sflag:s31], $0x1C0  }
0x8f: {  	[sflag:s31] =	ssyncset.done $0x0  }
0x90: {  	s8 =	rddreg [dreg:$0x6];
	[sflag:s31] =	ssyncadd.s32 $0xFFFFFE40  }
0x91: {  	[tilespmem:s30], [sflag:$0x2] =	stream.linear.gather [spmem:s8], $0x1C0, $0x38;
	[tilespmem:$0x72C0] =	vst v63  }
0x92: {  	_ =	swait.ge [sflag:s31], $0x1C0  }
0x93: {  	[sflag:s31] =	ssyncset.done $0x0  }
0x94: {  	s9 =	rddreg [dreg:$0x7];
	[sflag:s31] =	ssyncadd.s32 $0xFFFFFE40  }
0x95: {  	[hbm4b:s9+s3] =	stream.linear.scatter [tilespmem:s30], [sflag:$0x2], $0x1C0, $0x38;
	[tilespmem:$0x72C0] =	vst v63  }
0x96: {  	_ =	swait.ge [sflag:s31], $0x1C0  }
0x97: {  	[sflag:s31] =	ssyncset.done $0x0  }
0x98: {  	[sflag:s31] =	ssyncadd.s32 $0xFFFFFE40  }
0x99: {  	[tilespmem:s30], [sflag:$0x2] =	stream.linear.gather [spmem:s10], $0x1C0, $0x38;
	[tilespmem:$0x72C0] =	vst v63  }
0x9a: {  	_ =	swait.ge [sflag:s31], $0x1C0  }
0x9b: {  	[sflag:s31] =	ssyncset.done $0x0  }
0x9c: {  	[sflag:s31] =	ssyncadd.s32 $0xFFFFFE40  }
0x9d: {  	[hbm4b:s11+s3] =	stream.linear.scatter [tilespmem:s30], [sflag:$0x2], $0x1C0, $0x38;
	[tilespmem:$0x72C0] =	vst v63  }
0x9e: {  	_ =	swait.ge [sflag:s31], $0x1C0  }
0x9f: {  	[sflag:s31] =	ssyncset.done $0x0  }
0xa0: {  	[sflag:s31] =	ssyncadd.s32 $0xFFFFFE40  }
0xa1: {  	[tilespmem:s30], [sflag:$0x2] =	stream.linear.gather [spmem:s12], $0x1C0, $0x38;
	[tilespmem:$0x72C0] =	vst v63  }
0xa2: {  	_ =	swait.ge [sflag:s31], $0x1C0  }
0xa3: {  	[sflag:s31] =	ssyncset.done $0x0  }
0xa4: {  	[sflag:s31] =	ssyncadd.s32 $0xFFFFFE40  }
0xa5: {  	[hbm4b:s13+s3] =	stream.linear.scatter [tilespmem:s30], [sflag:$0x2], $0x1C0, $0x38;
	[tilespmem:$0x72C0] =	vst v63  }
0xa6: {  	_ =	swait.ge [sflag:s31], $0x1C0  }
0xa7: {  	[sflag:s31] =	ssyncset.done $0x0  }
0xa8: {  	[sflag:s31] =	ssyncadd.s32 $0xFFFFFE40  }
0xa9: {  	[tilespmem:s30], [sflag:$0x2] =	stream.linear.gather [spmem:s14], $0x1C0, $0x38;
	[tilespmem:$0x72C0] =	vst v63  }
0xaa: {  	_ =	swait.ge [sflag:s31], $0x1C0  }
0xab: {  	[sflag:s31] =	ssyncset.done $0x0  }
0xac: {  	[sflag:s31] =	ssyncadd.s32 $0xFFFFFE40  }
0xad: {  	[hbm4b:s15+s3] =	stream.linear.scatter [tilespmem:s30], [sflag:$0x2], $0x1C0, $0x38;
	[tilespmem:$0x72C0] =	vst v63  }
0xae: {  	_ =	swait.ge [sflag:s31], $0x1C0  }
0xaf: {  	[sflag:s31] =	ssyncset.done $0x0  }
0xb0: {  	[sflag:s31] =	ssyncadd.s32 $0xFFFFFE40  }
0xb1: {  	[tilespmem:s30], [sflag:$0x2] =	stream.linear.gather [spmem:s16], $0x1C0, $0x38;
	[tilespmem:$0x72C0] =	vst v63  }
0xb2: {  	_ =	swait.ge [sflag:s31], $0x1C0  }
0xb3: {  	[sflag:s31] =	ssyncset.done $0x0  }
0xb4: {  	[sflag:s31] =	ssyncadd.s32 $0xFFFFFE40  }
0xb5: {  	[hbm4b:s17+s3] =	stream.linear.scatter [tilespmem:s30], [sflag:$0x2], $0x1C0, $0x38;
	[tilespmem:$0x72C0] =	vst v63  }
0xb6: {  	_ =	swait.ge [sflag:s31], $0x1C0  }
0xb7: {  	[sflag:s31] =	ssyncset.done $0x0  }
0xb8: {  	s7 =	simm.s32 @p0 $0x6480;
	s8 =	simm.s32 @p0 $0x2;
	[sflag:s31] =	ssyncadd.s32 $0xFFFFFE40  }
0xb9: {  	[tilespmem:s7], [sflag:$0x2] =	stream.linear.gather @p0 [spmem:s20], $0x110, $0x38;
	[tilespmem:$0x72C0] =	vst v63  }
0xba: {  	_ =	swait.ge @p0 [sflag:s8], $0x110  }
0xbb: {  	[sflag:s8] =	ssyncset.done @p0 $0x0  }
0xbc: {  	s9 =	simm.s32 @p0 $0x0;
	[sflag:s8] =	ssyncadd.s32 @p0 $0xFFFFFEF0  }
0xbd: {  	[hbm4b:s21+s9] =	stream.linear.scatter @p0 [tilespmem:s7], [sflag:$0x2], $0x110, $0x38;
	[tilespmem:$0x72C0] =	vst v63  }
0xbe: {  	_ =	swait.ge @p0 [sflag:s8], $0x110  }
0xbf: {  	[sflag:s8] =	ssyncset.done @p0 $0x0  }
0xc0: {  	s7 =	simm.s32 @!p0 $0x6480;
	[sflag:s8] =	ssyncadd.s32 @p0 $0xFFFFFEF0;
	s8 =	simm.s32 @!p0 $0x2  }
0xc1: {  	[tilespmem:s7], [sflag:$0x2] =	stream.linear.gather @!p0 [spmem:s18], $0x1C0, $0x38;
	[tilespmem:$0x72C0] =	vst v63  }
0xc2: {  	s6 =	sadd.s32 $0x1, s6;
	_ =	swait.ge @!p0 [sflag:s8], $0x1C0  }
0xc3: {  	p1 =	sne.s32 s6, s22;
	[sflag:s8] =	ssyncset.done @!p0 $0x0  }
.Ltmp1:
0xc4: {  	s9 =	simm.s32 @!p0 $0x0;
	[sflag:s8] =	ssyncadd.s32 @!p0 $0xFFFFFE40;
	(pc) =	sbr.rel @p1 .LBB2_1-.Ltmp1, $4  }
0xc5: {  	[hbm4b:s19+s9] =	stream.linear.scatter @!p0 [tilespmem:s7], [sflag:$0x2], $0x1C0, $0x38;
	[tilespmem:$0x72C0] =	vst v63  }
0xc6: {  	_ =	swait.ge @!p0 [sflag:s8], $0x1C0  }
0xc7: {  	[sflag:s8] =	ssyncset.done @!p0 $0x0  }
0xc8: {  	[sflag:s8] =	ssyncadd.s32 @!p0 $0xFFFFFE40  }
0xc9: {  	_ =	sfence.sel $0x180000  }
0xca: {  	[bflag:$0x0] =	sbarrier.arrive $0xFFFF  }
0xcb: {  	_ =	strace $0x90000047  }
0xcc: {  	s0 =	stileid.u32;
	[bflag:$0x2] =	sbarrier.arrive $0xFFFF  }
0xcd: {  	p0 =	sne.s32 s0, $0x0;
	s0 =	rddreg [dreg:$0x2]  }
0xce: {  	s0 =	sadd.s32 @!p0 $0x100000, s0  }
0xcf: {  	[sflag:s0] =	ssyncadd.tile.s32 @!p0 $0x1;
	_ =	shalt  }
.Lfunc_end2:
_tile_overlayer_lowered:
.L_overlay_start_2:
0xd0: {  	(tag) =	ssettag $0x2  }
0xd1: {  	s0 =	rddreg [dreg:$0x0];
	s2 =	stileid.u32  }
0xd2: {  	s1 =	rddreg [dreg:$0x1];
	p0 =	sne.s32 s2, $0x0  }
0xd3: {  	s3 =	rddreg [dreg:$0x2];
	[bflag:$0x3] =	sbarrier.arrive $0xFFFF;
	s2 =	simm.s32 @!p0 $0x1C02  }
0xd4: {  	[timem:s3], [sflag:s2] =	dma.local @!p0 [hbm:s0], s1  }
0xd5: {  	s0 =	simm.s32 @!p0 $0x2  }
0xd6: {  	_ =	swait.ge @!p0 [sflag:s0], s1  }
0xd7: {  	s1 =	ssub.s32 @!p0 $0x0, s1;
	[sflag:s0] =	ssyncset.done @!p0 $0x0  }
0xd8: {  	[sflag:s0] =	ssyncadd.s32 @!p0 s1  }
0xd9: {  	[bflag:$0x3] =	sbarrier.arrive $0xFFFF  }
0xda: {  	_ =	shalt  }

</sc_bundles>
